<compile_context>
chip_gen: v7x
topology: tpu7x:2x2x1
jax: 0.10.2.dev20260603
libtpu: 0.0.44.dev20260713+nightly
codegen_flags: <defaults>
</compile_context>

<pallas_src>
import functools

import jax
import jax.numpy as jnp
from jax import lax
from jax.experimental import pallas as pl
from jax.experimental.pallas import tpu as pltpu
from jax.experimental.pallas import tpu_sc as plsc

_NUM_SEG = 512
_C = 528
_NW = 32
_LANES = 16

_N_EDGES = 3200000
_E_PER_W = _N_EDGES // _NW
_E_BLK = 4000
_N_EBLK = _E_PER_W // _E_BLK
_E_UNROLL = 5
_E_ITER = _E_BLK // (_LANES * _E_UNROLL)

_N_NODES = 100000
_N_NODES_PAD = 100352
_NODES_PER_W = _N_NODES_PAD // _NW
_N_UNROLL = 4
_N_ITER = _NODES_PER_W // (_LANES * _N_UNROLL)


def _sc_body(pq_hbm, tq_hbm, eg_hbm, px_hbm, tx_hbm, ng_hbm, out_hbm,
             pq0, pq1, tq0, tq1, eg0, eg1, px_buf, tx_buf, ng_buf,
             a_nerr, a_ntsq, a_npsq, a_ncnt, a_eerr, a_etsq, a_epsq,
             out_buf, sem0, sem1):
    wid = lax.axis_index("s") * 2 + lax.axis_index("c")
    iota = lax.iota(jnp.int32, _LANES)
    zeros16 = jnp.zeros((_LANES,), jnp.float32)
    ones16 = jnp.full((_LANES,), 1.0, jnp.float32)
    sems = (sem0, sem1)
    pq_bufs = (pq0, pq1)
    tq_bufs = (tq0, tq1)
    eg_bufs = (eg0, eg1)

    accs = [a_nerr, a_ntsq, a_npsq, a_ncnt, a_eerr, a_etsq, a_epsq]

    def _start(b):
        slot = b % 2
        base = wid * _E_PER_W + b * _E_BLK
        return [
            pltpu.async_copy(pq_hbm.at[pl.ds(base, _E_BLK)],
                             pq_bufs[slot], sems[slot]),
            pltpu.async_copy(tq_hbm.at[pl.ds(base, _E_BLK)],
                             tq_bufs[slot], sems[slot]),
            pltpu.async_copy(eg_hbm.at[pl.ds(base, _E_BLK)],
                             eg_bufs[slot], sems[slot]),
        ]

    pending = {0: _start(0)}

    for ref in accs:
        def _zrow(r, _, ref=ref):
            for c in range(_C // _LANES):
                ref[r, pl.ds(c * _LANES, _LANES)] = zeros16
            return 0
        lax.fori_loop(0, _LANES, _zrow, 0)

    nbase = wid * _NODES_PER_W
    pltpu.sync_copy(px_hbm.at[pl.ds(nbase * 3, _NODES_PER_W * 3)], px_buf)
    pltpu.sync_copy(tx_hbm.at[pl.ds(nbase * 3, _NODES_PER_W * 3)], tx_buf)
    pltpu.sync_copy(ng_hbm.at[pl.ds(nbase, _NODES_PER_W)], ng_buf)

    def _nbody(i, _):
        off0 = i * (_LANES * _N_UNROLL)
        for k in range(_N_UNROLL):
            off = off0 + k * _LANES
            ids = ng_buf[pl.ds(off, _LANES)]
            i3 = (off + iota) * 3
            px0 = plsc.load_gather(px_buf, [i3])
            px1 = plsc.load_gather(px_buf, [i3 + 1])
            px2 = plsc.load_gather(px_buf, [i3 + 2])
            tx0 = plsc.load_gather(tx_buf, [i3])
            tx1 = plsc.load_gather(tx_buf, [i3 + 1])
            tx2 = plsc.load_gather(tx_buf, [i3 + 2])
            d0 = px0 - tx0
            d1 = px1 - tx1
            d2 = px2 - tx2
            err = d0 * d0 + d1 * d1 + d2 * d2
            tsq = tx0 * tx0 + tx1 * tx1 + tx2 * tx2
            psq = px0 * px0 + px1 * px1 + px2 * px2
            plsc.addupdate_scatter(a_nerr, [iota, ids], err)
            plsc.addupdate_scatter(a_ntsq, [iota, ids], tsq)
            plsc.addupdate_scatter(a_npsq, [iota, ids], psq)
            plsc.addupdate_scatter(a_ncnt, [iota, ids], ones16)
        return 0

    lax.fori_loop(0, _N_ITER, _nbody, 0)

    for b in range(_N_EBLK):
        if b + 1 < _N_EBLK:
            pending[b + 1] = _start(b + 1)
        for cp in pending.pop(b):
            cp.wait()
        slot = b % 2

        def _ebody(i, _, slot=slot):
            off0 = i * (_LANES * _E_UNROLL)
            for k in range(0):
                sl = pl.ds(off0 + k * _LANES, _LANES)
                pq = pq_bufs[slot][sl]
                tq = tq_bufs[slot][sl]
                ids = eg_bufs[slot][sl]
                d = pq - tq
                plsc.addupdate_scatter(a_eerr, [iota, ids], d * d)
                plsc.addupdate_scatter(a_etsq, [iota, ids], tq * tq)
                plsc.addupdate_scatter(a_epsq, [iota, ids], pq * pq)
            return 0

        lax.fori_loop(0, _E_ITER, _ebody, 0)

    for q, ref in enumerate(accs):
        def _cbody(c, _, ref=ref, q=q):
            sl = pl.ds(c * _LANES, _LANES)
            s = ref[0, sl]
            for r in range(1, _LANES):
                s = s + ref[r, sl]
            out_buf[q, sl] = s
            return 0
        lax.fori_loop(0, _C // _LANES, _cbody, 0)

    pltpu.sync_copy(out_buf, out_hbm.at[wid])


@functools.partial(
    pl.kernel,
    mesh=plsc.VectorSubcoreMesh(core_axis_name="c", subcore_axis_name="s"),
    out_type=jax.ShapeDtypeStruct((_NW, 7, _C), jnp.float32),
    compiler_params=pltpu.CompilerParams(needs_layout_passes=False),
    scratch_types=[
        pltpu.VMEM((_E_BLK,), jnp.float32),
        pltpu.VMEM((_E_BLK,), jnp.float32),
        pltpu.VMEM((_E_BLK,), jnp.float32),
        pltpu.VMEM((_E_BLK,), jnp.float32),
        pltpu.VMEM((_E_BLK,), jnp.int32),
        pltpu.VMEM((_E_BLK,), jnp.int32),
        pltpu.VMEM((_NODES_PER_W * 3,), jnp.float32),
        pltpu.VMEM((_NODES_PER_W * 3,), jnp.float32),
        pltpu.VMEM((_NODES_PER_W,), jnp.int32),
        pltpu.VMEM((_LANES, _C), jnp.float32),
        pltpu.VMEM((_LANES, _C), jnp.float32),
        pltpu.VMEM((_LANES, _C), jnp.float32),
        pltpu.VMEM((_LANES, _C), jnp.float32),
        pltpu.VMEM((_LANES, _C), jnp.float32),
        pltpu.VMEM((_LANES, _C), jnp.float32),
        pltpu.VMEM((_LANES, _C), jnp.float32),
        pltpu.VMEM((7, _C), jnp.float32),
        pltpu.SemaphoreType.DMA,
        pltpu.SemaphoreType.DMA,
    ],
)
def _sc_partials(pq_hbm, tq_hbm, eg_hbm, px_hbm, tx_hbm, ng_hbm, out_hbm,
                 *scratch):
    _sc_body(pq_hbm, tq_hbm, eg_hbm, px_hbm, tx_hbm, ng_hbm, out_hbm, *scratch)


def _finish_body(p_ref, o_ref):
    p = p_ref[...]
    s = jnp.sum(p, axis=0)[:, :_NUM_SEG]
    n_err, n_tsq, n_psq, n_cnt = s[0:1], s[1:2], s[2:3], s[3:4]
    e_err, e_tsq, e_psq = s[4:5], s[5:6], s[6:7]
    rmsd = jnp.sqrt(n_err / n_cnt)
    denom_x = jnp.sqrt(n_tsq / n_cnt)
    pred_size_x = jnp.sqrt(n_psq / n_cnt)
    perr_x = rmsd / denom_x
    norm_err = jnp.sqrt(e_err)
    denom_q = jnp.sqrt(e_tsq)
    pred_size_q = jnp.sqrt(e_psq)
    perr_q = norm_err / denom_q
    o_ref[...] = jnp.stack([
        rmsd.sum(), perr_x.sum(), pred_size_x.sum(), denom_x.sum(),
        norm_err.sum(), perr_q.sum(), pred_size_q.sum(), denom_q.sum(),
    ])


def kernel(pred_x, pred_q, target_x, target_q, edge2graph, node2graph,
           atom_type, edge_r, edge_p):
    pad_n = _N_NODES_PAD - _N_NODES
    px = jnp.pad(pred_x.reshape(-1), (0, pad_n * 3))
    tx = jnp.pad(target_x.reshape(-1), (0, pad_n * 3))
    ng = jnp.pad(node2graph.astype(jnp.int32), (0, pad_n),
                 constant_values=_NUM_SEG)
    eg = edge2graph.astype(jnp.int32)
    partial = _sc_partials(pred_q, target_q, eg, px, tx, ng)
    return pl.pallas_call(
        _finish_body,
        out_shape=jax.ShapeDtypeStruct((8,), jnp.float32),
    )(partial)

# --- scband reference (transcript-rebuilt; emitter-appended) ---
"""Pipeline reference for scband-train-metrics-6459630813567 (READ-ONLY COPY).

The authoritative reference and input builder live on the scoring server;
editing this copy changes nothing except your own understanding.
"""

import jax, jax.numpy as jnp
import numpy as np

NUM_SEGMENTS = 512
N_NODES = 100000
N_EDGES = 3200000


def setup_inputs(seed: int = 0) -> dict:
    key = jax.random.key(seed)
    ks = jax.random.split(key, 9)
    pred_x = jax.random.normal(ks[0], (N_NODES, 3), dtype=jnp.float32)
    pred_q = jax.random.normal(ks[1], (N_EDGES,), dtype=jnp.float32)
    target_x = jax.random.normal(ks[2], (N_NODES, 3), dtype=jnp.float32)
    target_q = jax.random.normal(ks[3], (N_EDGES,), dtype=jnp.float32)
    edge2graph = jnp.sort(jax.random.randint(ks[4], (N_EDGES,), 0, NUM_SEGMENTS)).astype(jnp.int64) if jax.config.jax_enable_x64 else jnp.sort(jax.random.randint(ks[4], (N_EDGES,), 0, NUM_SEGMENTS))
    node2graph = jnp.sort(jax.random.randint(ks[5], (N_NODES,), 0, NUM_SEGMENTS))
    atom_type = jax.random.randint(ks[6], (N_NODES,), 0, 100)
    edge_r = jax.random.randint(ks[7], (N_EDGES,), 0, N_NODES)
    edge_p = jax.random.randint(ks[8], (N_EDGES,), 0, N_NODES)
    return {
        "pred_x": pred_x,
        "pred_q": pred_q,
        "target_x": target_x,
        "target_q": target_q,
        "edge2graph": edge2graph,
        "node2graph": node2graph,
        "atom_type": atom_type,
        "edge_r": edge_r,
        "edge_p": edge_p,
    }


def _segment_mean(data, seg_ids, num_segments):
    s = jax.ops.segment_sum(data, seg_ids, num_segments=num_segments)
    c = jax.ops.segment_sum(jnp.ones_like(data), seg_ids, num_segments=num_segments)
    return s / c


def reference(pred_x, pred_q, target_x, target_q, edge2graph, node2graph, atom_type, edge_r, edge_p):
    # MetricRMSD.update on (pred_x, target_x, node2graph)
    square_err_x = jnp.sum((pred_x - target_x) ** 2, axis=-1)
    rmsd = jnp.sqrt(_segment_mean(square_err_x, node2graph, NUM_SEGMENTS))
    denom_x = jnp.sqrt(_segment_mean(jnp.sum(target_x ** 2, axis=-1), node2graph, NUM_SEGMENTS))
    perr_x = rmsd / denom_x
    pred_size_x = jnp.sqrt(_segment_mean(jnp.sum(pred_x ** 2, axis=-1), node2graph, NUM_SEGMENTS))

    # MetricNorm.update on (pred_q, target_q, edge2graph)
    square_err_q = (pred_q - target_q) ** 2
    norm_err = jnp.sqrt(jax.ops.segment_sum(square_err_q, edge2graph, num_segments=NUM_SEGMENTS))
    denom_q = jnp.sqrt(jax.ops.segment_sum(target_q ** 2, edge2graph, num_segments=NUM_SEGMENTS))
    perr_q = norm_err / denom_q
    pred_size_q = jnp.sqrt(jax.ops.segment_sum(pred_q ** 2, edge2graph, num_segments=NUM_SEGMENTS))

    # accumulated state increments (the metric totals)
    return jnp.stack([
        rmsd.sum(), perr_x.sum(), pred_size_x.sum(), denom_x.sum(),
        norm_err.sum(), perr_q.sum(), pred_size_q.sum(), denom_q.sum(),
    ])


if False:  # reference __main__ guard neutralized (emitter)
    out = reference(**setup_inputs())
    print(out.shape, out)

if __name__ == "__main__":
    import jax
    _d = setup_inputs()
    print(jax.jit(kernel)(*tuple(_d.values())))

</pallas_src>

<mosaic_0001>
#map = affine_map<(d0, d1) -> (0)>
#map1 = affine_map<(d0, d1) -> (0, 0, 0)>
module attributes {stable_mosaic.version = 14 : i64} {
  func.func @_sc_partials(%arg0: i32, %arg1: i32, %arg2: memref<3200000xf32, #tpu.memory_space<hbm>>, %arg3: memref<3200000xf32, #tpu.memory_space<hbm>>, %arg4: memref<3200000xi32, #tpu.memory_space<hbm>>, %arg5: memref<301056xf32, #tpu.memory_space<hbm>>, %arg6: memref<301056xf32, #tpu.memory_space<hbm>>, %arg7: memref<100352xi32, #tpu.memory_space<hbm>>, %arg8: memref<32x7x528xf32, #tpu.memory_space<hbm>>, %arg9: memref<4000xf32, #tpu.memory_space<vmem>>, %arg10: memref<4000xf32, #tpu.memory_space<vmem>>, %arg11: memref<4000xf32, #tpu.memory_space<vmem>>, %arg12: memref<4000xf32, #tpu.memory_space<vmem>>, %arg13: memref<4000xi32, #tpu.memory_space<vmem>>, %arg14: memref<4000xi32, #tpu.memory_space<vmem>>, %arg15: memref<9408xf32, #tpu.memory_space<vmem>>, %arg16: memref<9408xf32, #tpu.memory_space<vmem>>, %arg17: memref<3136xi32, #tpu.memory_space<vmem>>, %arg18: memref<16x528xf32, #tpu.memory_space<vmem>>, %arg19: memref<16x528xf32, #tpu.memory_space<vmem>>, %arg20: memref<16x528xf32, #tpu.memory_space<vmem>>, %arg21: memref<16x528xf32, #tpu.memory_space<vmem>>, %arg22: memref<16x528xf32, #tpu.memory_space<vmem>>, %arg23: memref<16x528xf32, #tpu.memory_space<vmem>>, %arg24: memref<16x528xf32, #tpu.memory_space<vmem>>, %arg25: memref<7x528xf32, #tpu.memory_space<vmem>>, %arg26: memref<!tpu.dma_semaphore, #tpu.memory_space<semaphore_mem>>, %arg27: memref<!tpu.dma_semaphore, #tpu.memory_space<semaphore_mem>>) attributes {dimension_semantics = [#tpu.dimension_semantics<core_parallel>, #tpu.dimension_semantics<subcore_parallel>], iteration_bounds = array<i64: 2, 16>, scalar_prefetch = 0 : i64, scratch_operands = 19 : i64, tpu.core_type = #tpu.core_type<sc_vector_subcore>, window_params = [{transform_indices = #map}, {transform_indices = #map}, {transform_indices = #map}, {transform_indices = #map}, {transform_indices = #map}, {transform_indices = #map}, {transform_indices = #map1}]} {
    %mul3A = arith.constant 2 : i32
    %mul3A_0 = arith.muli %arg1, %mul3A : i32
    %add3A = arith.addi %mul3A_0, %arg0 : i32
    %iota3A = tpu.iota {dimensions = array<i32: 0>} : vector<16xi32>
    %broadcast_in_dim3A = arith.constant 0.000000e+00 : f32
    %broadcast_in_dim3A_1 = vector.broadcast %broadcast_in_dim3A : f32 to vector<16xf32>
    %broadcast_in_dim3A_2 = arith.constant 1.000000e+00 : f32
    %broadcast_in_dim3A_3 = vector.broadcast %broadcast_in_dim3A_2 : f32 to vector<16xf32>
    %mul3A_4 = arith.constant 100000 : i32
    %mul3A_5 = arith.muli %add3A, %mul3A_4 : i32
    %add3A_6 = arith.constant 0 : i32
    %add3A_7 = arith.addi %mul3A_5, %add3A_6 : i32
    %dma_start3A = tpu.memref_slice %arg2[%add3A_7] : memref<3200000xf32, #tpu.memory_space<hbm>> -> memref<4000xf32, #tpu.memory_space<hbm>>
    %dma_start3A_8 = tpu.memref_slice %arg2[%add3A_7] : memref<3200000xf32, #tpu.memory_space<hbm>> -> memref<4000xf32, #tpu.memory_space<hbm>>
    tpu.enqueue_dma source(%dma_start3A_8 : memref<4000xf32, #tpu.memory_space<hbm>>) target(%arg9 : memref<4000xf32, #tpu.memory_space<vmem>>) target_semaphore(%arg26 : memref<!tpu.dma_semaphore, #tpu.memory_space<semaphore_mem>>)
    %dma_start3A_9 = tpu.memref_slice %arg3[%add3A_7] : memref<3200000xf32, #tpu.memory_space<hbm>> -> memref<4000xf32, #tpu.memory_space<hbm>>
    %dma_start3A_10 = tpu.memref_slice %arg3[%add3A_7] : memref<3200000xf32, #tpu.memory_space<hbm>> -> memref<4000xf32, #tpu.memory_space<hbm>>
    tpu.enqueue_dma source(%dma_start3A_10 : memref<4000xf32, #tpu.memory_space<hbm>>) target(%arg11 : memref<4000xf32, #tpu.memory_space<vmem>>) target_semaphore(%arg26 : memref<!tpu.dma_semaphore, #tpu.memory_space<semaphore_mem>>)
    %dma_start3A_11 = tpu.memref_slice %arg4[%add3A_7] : memref<3200000xi32, #tpu.memory_space<hbm>> -> memref<4000xi32, #tpu.memory_space<hbm>>
    %dma_start3A_12 = tpu.memref_slice %arg4[%add3A_7] : memref<3200000xi32, #tpu.memory_space<hbm>> -> memref<4000xi32, #tpu.memory_space<hbm>>
    tpu.enqueue_dma source(%dma_start3A_12 : memref<4000xi32, #tpu.memory_space<hbm>>) target(%arg13 : memref<4000xi32, #tpu.memory_space<vmem>>) target_semaphore(%arg26 : memref<!tpu.dma_semaphore, #tpu.memory_space<semaphore_mem>>)
    %scan3A = arith.constant 0 : i32
    %scan3A_13 = arith.constant 0 : i32
    %scan3A_14 = arith.constant 16 : i32
    %scan3A_15 = arith.addi %scan3A_13, %scan3A_14 : i32
    %scan3A_16 = arith.constant 1 : i32
    %scan3A_17 = scf.for %scan3A_687 = %scan3A_13 to %scan3A_15 step %scan3A_16 iter_args(%scan3A_688 = %scan3A) -> (i32)  : i32 {
      %swap3A = arith.index_cast %scan3A_687 : i32 to index
      %swap3A_689 = arith.constant 0 : index
      %swap3A_690 = tpu.vector_load %arg18[%swap3A, %swap3A_689] {strides = array<i32>} : memref<16x528xf32, #tpu.memory_space<vmem>>, vector<16xf32>,
      tpu.vector_store %arg18[%swap3A, %swap3A_689], %broadcast_in_dim3A_1 {strides = array<i32>} : memref<16x528xf32, #tpu.memory_space<vmem>>, vector<16xf32>,
      %swap3A_691 = arith.index_cast %scan3A_687 : i32 to index
      %swap3A_692 = arith.constant 16 : index
      %swap3A_693 = tpu.vector_load %arg18[%swap3A_691, %swap3A_692] {strides = array<i32>} : memref<16x528xf32, #tpu.memory_space<vmem>>, vector<16xf32>,
      tpu.vector_store %arg18[%swap3A_691, %swap3A_692], %broadcast_in_dim3A_1 {strides = array<i32>} : memref<16x528xf32, #tpu.memory_space<vmem>>, vector<16xf32>,
      %swap3A_694 = arith.index_cast %scan3A_687 : i32 to index
      %swap3A_695 = arith.constant 32 : index
      %swap3A_696 = tpu.vector_load %arg18[%swap3A_694, %swap3A_695] {strides = array<i32>} : memref<16x528xf32, #tpu.memory_space<vmem>>, vector<16xf32>,
      tpu.vector_store %arg18[%swap3A_694, %swap3A_695], %broadcast_in_dim3A_1 {strides = array<i32>} : memref<16x528xf32, #tpu.memory_space<vmem>>, vector<16xf32>,
      %swap3A_697 = arith.index_cast %scan3A_687 : i32 to index
      %swap3A_698 = arith.constant 48 : index
      %swap3A_699 = tpu.vector_load %arg18[%swap3A_697, %swap3A_698] {strides = array<i32>} : memref<16x528xf32, #tpu.memory_space<vmem>>, vector<16xf32>,
      tpu.vector_store %arg18[%swap3A_697, %swap3A_698], %broadcast_in_dim3A_1 {strides = array<i32>} : memref<16x528xf32, #tpu.memory_space<vmem>>, vector<16xf32>,
      %swap3A_700 = arith.index_cast %scan3A_687 : i32 to index
      %swap3A_701 = arith.constant 64 : index
      %swap3A_702 = tpu.vector_load %arg18[%swap3A_700, %swap3A_701] {strides = array<i32>} : memref<16x528xf32, #tpu.memory_space<vmem>>, vector<16xf32>,
      tpu.vector_store %arg18[%swap3A_700, %swap3A_701], %broadcast_in_dim3A_1 {strides = array<i32>} : memref<16x528xf32, #tpu.memory_space<vmem>>, vector<16xf32>,
      %swap3A_703 = arith.index_cast %scan3A_687 : i32 to index
      %swap3A_704 = arith.constant 80 : index
      %swap3A_705 = tpu.vector_load %arg18[%swap3A_703, %swap3A_704] {strides = array<i32>} : memref<16x528xf32, #tpu.memory_space<vmem>>, vector<16xf32>,
      tpu.vector_store %arg18[%swap3A_703, %swap3A_704], %broadcast_in_dim3A_1 {strides = array<i32>} : memref<16x528xf32, #tpu.memory_space<vmem>>, vector<16xf32>,
      %swap3A_706 = arith.index_cast %scan3A_687 : i32 to index
      %swap3A_707 = arith.constant 96 : index
      %swap3A_708 = tpu.vector_load %arg18[%swap3A_706, %swap3A_707] {strides = array<i32>} : memref<16x528xf32, #tpu.memory_space<vmem>>, vector<16xf32>,
      tpu.vector_store %arg18[%swap3A_706, %swap3A_707], %broadcast_in_dim3A_1 {strides = array<i32>} : memref<16x528xf32, #tpu.memory_space<vmem>>, vector<16xf32>,
      %swap3A_709 = arith.index_cast %scan3A_687 : i32 to index
      %swap3A_710 = arith.constant 112 : index
      %swap3A_711 = tpu.vector_load %arg18[%swap3A_709, %swap3A_710] {strides = array<i32>} : memref<16x528xf32, #tpu.memory_space<vmem>>, vector<16xf32>,
      tpu.vector_store %arg18[%swap3A_709, %swap3A_710], %broadcast_in_dim3A_1 {strides = array<i32>} : memref<16x528xf32, #tpu.memory_space<vmem>>, vector<16xf32>,
      %swap3A_712 = arith.index_cast %scan3A_687 : i32 to index
      %swap3A_713 = arith.constant 128 : index
      %swap3A_714 = tpu.vector_load %arg18[%swap3A_712, %swap3A_713] {strides = array<i32>} : memref<16x528xf32, #tpu.memory_space<vmem>>, vector<16xf32>,
      tpu.vector_store %arg18[%swap3A_712, %swap3A_713], %broadcast_in_dim3A_1 {strides = array<i32>} : memref<16x528xf32, #tpu.memory_space<vmem>>, vector<16xf32>,
      %swap3A_715 = arith.index_cast %scan3A_687 : i32 to index
      %swap3A_716 = arith.constant 144 : index
      %swap3A_717 = tpu.vector_load %arg18[%swap3A_715, %swap3A_716] {strides = array<i32>} : memref<16x528xf32, #tpu.memory_space<vmem>>, vector<16xf32>,
      tpu.vector_store %arg18[%swap3A_715, %swap3A_716], %broadcast_in_dim3A_1 {strides = array<i32>} : memref<16x528xf32, #tpu.memory_space<vmem>>, vector<16xf32>,
      %swap3A_718 = arith.index_cast %scan3A_687 : i32 to index
      %swap3A_719 = arith.constant 160 : index
      %swap3A_720 = tpu.vector_load %arg18[%swap3A_718, %swap3A_719] {strides = array<i32>} : memref<16x528xf32, #tpu.memory_space<vmem>>, vector<16xf32>,
      tpu.vector_store %arg18[%swap3A_718, %swap3A_719], %broadcast_in_dim3A_1 {strides = array<i32>} : memref<16x528xf32, #tpu.memory_space<vmem>>, vector<16xf32>,
      %swap3A_721 = arith.index_cast %scan3A_687 : i32 to index
      %swap3A_722 = arith.constant 176 : index
      %swap3A_723 = tpu.vector_load %arg18[%swap3A_721, %swap3A_722] {strides = array<i32>} : memref<16x528xf32, #tpu.memory_space<vmem>>, vector<16xf32>,
      tpu.vector_store %arg18[%swap3A_721, %swap3A_722], %broadcast_in_dim3A_1 {strides = array<i32>} : memref<16x528xf32, #tpu.memory_space<vmem>>, vector<16xf32>,
      %swap3A_724 = arith.index_cast %scan3A_687 : i32 to index
      %swap3A_725 = arith.constant 192 : index
      %swap3A_726 = tpu.vector_load %arg18[%swap3A_724, %swap3A_725] {strides = array<i32>} : memref<16x528xf32, #tpu.memory_space<vmem>>, vector<16xf32>,
      tpu.vector_store %arg18[%swap3A_724, %swap3A_725], %broadcast_in_dim3A_1 {strides = array<i32>} : memref<16x528xf32, #tpu.memory_space<vmem>>, vector<16xf32>,
      %swap3A_727 = arith.index_cast %scan3A_687 : i32 to index
      %swap3A_728 = arith.constant 208 : index
      %swap3A_729 = tpu.vector_load %arg18[%swap3A_727, %swap3A_728] {strides = array<i32>} : memref<16x528xf32, #tpu.memory_space<vmem>>, vector<16xf32>,
      tpu.vector_store %arg18[%swap3A_727, %swap3A_728], %broadcast_in_dim3A_1 {strides = array<i32>} : memref<16x528xf32, #tpu.memory_space<vmem>>, vector<16xf32>,
      %swap3A_730 = arith.index_cast %scan3A_687 : i32 to index
      %swap3A_731 = arith.constant 224 : index
      %swap3A_732 = tpu.vector_load %arg18[%swap3A_730, %swap3A_731] {strides = array<i32>} : memref<16x528xf32, #tpu.memory_space<vmem>>, vector<16xf32>,
      tpu.vector_store %arg18[%swap3A_730, %swap3A_731], %broadcast_in_dim3A_1 {strides = array<i32>} : memref<16x528xf32, #tpu.memory_space<vmem>>, vector<16xf32>,
      %swap3A_733 = arith.index_cast %scan3A_687 : i32 to index
      %swap3A_734 = arith.constant 240 : index
      %swap3A_735 = tpu.vector_load %arg18[%swap3A_733, %swap3A_734] {strides = array<i32>} : memref<16x528xf32, #tpu.memory_space<vmem>>, vector<16xf32>,
      tpu.vector_store %arg18[%swap3A_733, %swap3A_734], %broadcast_in_dim3A_1 {strides = array<i32>} : memref<16x528xf32, #tpu.memory_space<vmem>>, vector<16xf32>,
      %swap3A_736 = arith.index_cast %scan3A_687 : i32 to index
      %swap3A_737 = arith.constant 256 : index
      %swap3A_738 = tpu.vector_load %arg18[%swap3A_736, %swap3A_737] {strides = array<i32>} : memref<16x528xf32, #tpu.memory_space<vmem>>, vector<16xf32>,
      tpu.vector_store %arg18[%swap3A_736, %swap3A_737], %broadcast_in_dim3A_1 {strides = array<i32>} : memref<16x528xf32, #tpu.memory_space<vmem>>, vector<16xf32>,
      %swap3A_739 = arith.index_cast %scan3A_687 : i32 to index
      %swap3A_740 = arith.constant 272 : index
      %swap3A_741 = tpu.vector_load %arg18[%swap3A_739, %swap3A_740] {strides = array<i32>} : memref<16x528xf32, #tpu.memory_space<vmem>>, vector<16xf32>,
      tpu.vector_store %arg18[%swap3A_739, %swap3A_740], %broadcast_in_dim3A_1 {strides = array<i32>} : memref<16x528xf32, #tpu.memory_space<vmem>>, vector<16xf32>,
      %swap3A_742 = arith.index_cast %scan3A_687 : i32 to index
      %swap3A_743 = arith.constant 288 : index
      %swap3A_744 = tpu.vector_load %arg18[%swap3A_742, %swap3A_743] {strides = array<i32>} : memref<16x528xf32, #tpu.memory_space<vmem>>, vector<16xf32>,
      tpu.vector_store %arg18[%swap3A_742, %swap3A_743], %broadcast_in_dim3A_1 {strides = array<i32>} : memref<16x528xf32, #tpu.memory_space<vmem>>, vector<16xf32>,
      %swap3A_745 = arith.index_cast %scan3A_687 : i32 to index
      %swap3A_746 = arith.constant 304 : index
      %swap3A_747 = tpu.vector_load %arg18[%swap3A_745, %swap3A_746] {strides = array<i32>} : memref<16x528xf32, #tpu.memory_space<vmem>>, vector<16xf32>,
      tpu.vector_store %arg18[%swap3A_745, %swap3A_746], %broadcast_in_dim3A_1 {strides = array<i32>} : memref<16x528xf32, #tpu.memory_space<vmem>>, vector<16xf32>,
      %swap3A_748 = arith.index_cast %scan3A_687 : i32 to index
      %swap3A_749 = arith.constant 320 : index
      %swap3A_750 = tpu.vector_load %arg18[%swap3A_748, %swap3A_749] {strides = array<i32>} : memref<16x528xf32, #tpu.memory_space<vmem>>, vector<16xf32>,
      tpu.vector_store %arg18[%swap3A_748, %swap3A_749], %broadcast_in_dim3A_1 {strides = array<i32>} : memref<16x528xf32, #tpu.memory_space<vmem>>, vector<16xf32>,
      %swap3A_751 = arith.index_cast %scan3A_687 : i32 to index
      %swap3A_752 = arith.constant 336 : index
      %swap3A_753 = tpu.vector_load %arg18[%swap3A_751, %swap3A_752] {strides = array<i32>} : memref<16x528xf32, #tpu.memory_space<vmem>>, vector<16xf32>,
      tpu.vector_store %arg18[%swap3A_751, %swap3A_752], %broadcast_in_dim3A_1 {strides = array<i32>} : memref<16x528xf32, #tpu.memory_space<vmem>>, vector<16xf32>,
      %swap3A_754 = arith.index_cast %scan3A_687 : i32 to index
      %swap3A_755 = arith.constant 352 : index
      %swap3A_756 = tpu.vector_load %arg18[%swap3A_754, %swap3A_755] {strides = array<i32>} : memref<16x528xf32, #tpu.memory_space<vmem>>, vector<16xf32>,
      tpu.vector_store %arg18[%swap3A_754, %swap3A_755], %broadcast_in_dim3A_1 {strides = array<i32>} : memref<16x528xf32, #tpu.memory_space<vmem>>, vector<16xf32>,
      %swap3A_757 = arith.index_cast %scan3A_687 : i32 to index
      %swap3A_758 = arith.constant 368 : index
      %swap3A_759 = tpu.vector_load %arg18[%swap3A_757, %swap3A_758] {strides = array<i32>} : memref<16x528xf32, #tpu.memory_space<vmem>>, vector<16xf32>,
      tpu.vector_store %arg18[%swap3A_757, %swap3A_758], %broadcast_in_dim3A_1 {strides = array<i32>} : memref<16x528xf32, #tpu.memory_space<vmem>>, vector<16xf32>,
      %swap3A_760 = arith.index_cast %scan3A_687 : i32 to index
      %swap3A_761 = arith.constant 384 : index
      %swap3A_762 = tpu.vector_load %arg18[%swap3A_760, %swap3A_761] {strides = array<i32>} : memref<16x528xf32, #tpu.memory_space<vmem>>, vector<16xf32>,
      tpu.vector_store %arg18[%swap3A_760, %swap3A_761], %broadcast_in_dim3A_1 {strides = array<i32>} : memref<16x528xf32, #tpu.memory_space<vmem>>, vector<16xf32>,
      %swap3A_763 = arith.index_cast %scan3A_687 : i32 to index
      %swap3A_764 = arith.constant 400 : index
      %swap3A_765 = tpu.vector_load %arg18[%swap3A_763, %swap3A_764] {strides = array<i32>} : memref<16x528xf32, #tpu.memory_space<vmem>>, vector<16xf32>,
      tpu.vector_store %arg18[%swap3A_763, %swap3A_764], %broadcast_in_dim3A_1 {strides = array<i32>} : memref<16x528xf32, #tpu.memory_space<vmem>>, vector<16xf32>,
      %swap3A_766 = arith.index_cast %scan3A_687 : i32 to index
      %swap3A_767 = arith.constant 416 : index
      %swap3A_768 = tpu.vector_load %arg18[%swap3A_766, %swap3A_767] {strides = array<i32>} : memref<16x528xf32, #tpu.memory_space<vmem>>, vector<16xf32>,
      tpu.vector_store %arg18[%swap3A_766, %swap3A_767], %broadcast_in_dim3A_1 {strides = array<i32>} : memref<16x528xf32, #tpu.memory_space<vmem>>, vector<16xf32>,
      %swap3A_769 = arith.index_cast %scan3A_687 : i32 to index
      %swap3A_770 = arith.constant 432 : index
      %swap3A_771 = tpu.vector_load %arg18[%swap3A_769, %swap3A_770] {strides = array<i32>} : memref<16x528xf32, #tpu.memory_space<vmem>>, vector<16xf32>,
      tpu.vector_store %arg18[%swap3A_769, %swap3A_770], %broadcast_in_dim3A_1 {strides = array<i32>} : memref<16x528xf32, #tpu.memory_space<vmem>>, vector<16xf32>,
      %swap3A_772 = arith.index_cast %scan3A_687 : i32 to index
      %swap3A_773 = arith.constant 448 : index
      %swap3A_774 = tpu.vector_load %arg18[%swap3A_772, %swap3A_773] {strides = array<i32>} : memref<16x528xf32, #tpu.memory_space<vmem>>, vector<16xf32>,
      tpu.vector_store %arg18[%swap3A_772, %swap3A_773], %broadcast_in_dim3A_1 {strides = array<i32>} : memref<16x528xf32, #tpu.memory_space<vmem>>, vector<16xf32>,
      %swap3A_775 = arith.index_cast %scan3A_687 : i32 to index
      %swap3A_776 = arith.constant 464 : index
      %swap3A_777 = tpu.vector_load %arg18[%swap3A_775, %swap3A_776] {strides = array<i32>} : memref<16x528xf32, #tpu.memory_space<vmem>>, vector<16xf32>,
      tpu.vector_store %arg18[%swap3A_775, %swap3A_776], %broadcast_in_dim3A_1 {strides = array<i32>} : memref<16x528xf32, #tpu.memory_space<vmem>>, vector<16xf32>,
      %swap3A_778 = arith.index_cast %scan3A_687 : i32 to index
      %swap3A_779 = arith.constant 480 : index
      %swap3A_780 = tpu.vector_load %arg18[%swap3A_778, %swap3A_779] {strides = array<i32>} : memref<16x528xf32, #tpu.memory_space<vmem>>, vector<16xf32>,
      tpu.vector_store %arg18[%swap3A_778, %swap3A_779], %broadcast_in_dim3A_1 {strides = array<i32>} : memref<16x528xf32, #tpu.memory_space<vmem>>, vector<16xf32>,
      %swap3A_781 = arith.index_cast %scan3A_687 : i32 to index
      %swap3A_782 = arith.constant 496 : index
      %swap3A_783 = tpu.vector_load %arg18[%swap3A_781, %swap3A_782] {strides = array<i32>} : memref<16x528xf32, #tpu.memory_space<vmem>>, vector<16xf32>,
      tpu.vector_store %arg18[%swap3A_781, %swap3A_782], %broadcast_in_dim3A_1 {strides = array<i32>} : memref<16x528xf32, #tpu.memory_space<vmem>>, vector<16xf32>,
      %swap3A_784 = arith.index_cast %scan3A_687 : i32 to index
      %swap3A_785 = arith.constant 512 : index
      %swap3A_786 = tpu.vector_load %arg18[%swap3A_784, %swap3A_785] {strides = array<i32>} : memref<16x528xf32, #tpu.memory_space<vmem>>, vector<16xf32>,
      tpu.vector_store %arg18[%swap3A_784, %swap3A_785], %broadcast_in_dim3A_1 {strides = array<i32>} : memref<16x528xf32, #tpu.memory_space<vmem>>, vector<16xf32>,
      %scan3A_787 = arith.constant 0 : i32
      scf.yield %scan3A_787 : i32
    }
    %scan3A_18 = arith.constant 16 : i32
    %scan3A_19 = arith.constant 0 : i32
    %scan3A_20 = arith.constant 0 : i32
    %scan3A_21 = arith.constant 16 : i32
    %scan3A_22 = arith.addi %scan3A_20, %scan3A_21 : i32
    %scan3A_23 = arith.constant 1 : i32
    %scan3A_24 = scf.for %scan3A_687 = %scan3A_20 to %scan3A_22 step %scan3A_23 iter_args(%scan3A_688 = %scan3A_19) -> (i32)  : i32 {
      %swap3A = arith.index_cast %scan3A_687 : i32 to index
      %swap3A_689 = arith.constant 0 : index
      %swap3A_690 = tpu.vector_load %arg19[%swap3A, %swap3A_689] {strides = array<i32>} : memref<16x528xf32, #tpu.memory_space<vmem>>, vector<16xf32>,
      tpu.vector_store %arg19[%swap3A, %swap3A_689], %broadcast_in_dim3A_1 {strides = array<i32>} : memref<16x528xf32, #tpu.memory_space<vmem>>, vector<16xf32>,
      %swap3A_691 = arith.index_cast %scan3A_687 : i32 to index
      %swap3A_692 = arith.constant 16 : index
      %swap3A_693 = tpu.vector_load %arg19[%swap3A_691, %swap3A_692] {strides = array<i32>} : memref<16x528xf32, #tpu.memory_space<vmem>>, vector<16xf32>,
      tpu.vector_store %arg19[%swap3A_691, %swap3A_692], %broadcast_in_dim3A_1 {strides = array<i32>} : memref<16x528xf32, #tpu.memory_space<vmem>>, vector<16xf32>,
      %swap3A_694 = arith.index_cast %scan3A_687 : i32 to index
      %swap3A_695 = arith.constant 32 : index
      %swap3A_696 = tpu.vector_load %arg19[%swap3A_694, %swap3A_695] {strides = array<i32>} : memref<16x528xf32, #tpu.memory_space<vmem>>, vector<16xf32>,
      tpu.vector_store %arg19[%swap3A_694, %swap3A_695], %broadcast_in_dim3A_1 {strides = array<i32>} : memref<16x528xf32, #tpu.memory_space<vmem>>, vector<16xf32>,
      %swap3A_697 = arith.index_cast %scan3A_687 : i32 to index
      %swap3A_698 = arith.constant 48 : index
      %swap3A_699 = tpu.vector_load %arg19[%swap3A_697, %swap3A_698] {strides = array<i32>} : memref<16x528xf32, #tpu.memory_space<vmem>>, vector<16xf32>,
      tpu.vector_store %arg19[%swap3A_697, %swap3A_698], %broadcast_in_dim3A_1 {strides = array<i32>} : memref<16x528xf32, #tpu.memory_space<vmem>>, vector<16xf32>,
      %swap3A_700 = arith.index_cast %scan3A_687 : i32 to index
      %swap3A_701 = arith.constant 64 : index
      %swap3A_702 = tpu.vector_load %arg19[%swap3A_700, %swap3A_701] {strides = array<i32>} : memref<16x528xf32, #tpu.memory_space<vmem>>, vector<16xf32>,
      tpu.vector_store %arg19[%swap3A_700, %swap3A_701], %broadcast_in_dim3A_1 {strides = array<i32>} : memref<16x528xf32, #tpu.memory_space<vmem>>, vector<16xf32>,
      %swap3A_703 = arith.index_cast %scan3A_687 : i32 to index
      %swap3A_704 = arith.constant 80 : index
      %swap3A_705 = tpu.vector_load %arg19[%swap3A_703, %swap3A_704] {strides = array<i32>} : memref<16x528xf32, #tpu.memory_space<vmem>>, vector<16xf32>,
      tpu.vector_store %arg19[%swap3A_703, %swap3A_704], %broadcast_in_dim3A_1 {strides = array<i32>} : memref<16x528xf32, #tpu.memory_space<vmem>>, vector<16xf32>,
      %swap3A_706 = arith.index_cast %scan3A_687 : i32 to index
      %swap3A_707 = arith.constant 96 : index
      %swap3A_708 = tpu.vector_load %arg19[%swap3A_706, %swap3A_707] {strides = array<i32>} : memref<16x528xf32, #tpu.memory_space<vmem>>, vector<16xf32>,
      tpu.vector_store %arg19[%swap3A_706, %swap3A_707], %broadcast_in_dim3A_1 {strides = array<i32>} : memref<16x528xf32, #tpu.memory_space<vmem>>, vector<16xf32>,
      %swap3A_709 = arith.index_cast %scan3A_687 : i32 to index
      %swap3A_710 = arith.constant 112 : index
      %swap3A_711 = tpu.vector_load %arg19[%swap3A_709, %swap3A_710] {strides = array<i32>} : memref<16x528xf32, #tpu.memory_space<vmem>>, vector<16xf32>,
      tpu.vector_store %arg19[%swap3A_709, %swap3A_710], %broadcast_in_dim3A_1 {strides = array<i32>} : memref<16x528xf32, #tpu.memory_space<vmem>>, vector<16xf32>,
      %swap3A_712 = arith.index_cast %scan3A_687 : i32 to index
      %swap3A_713 = arith.constant 128 : index
      %swap3A_714 = tpu.vector_load %arg19[%swap3A_712, %swap3A_713] {strides = array<i32>} : memref<16x528xf32, #tpu.memory_space<vmem>>, vector<16xf32>,
      tpu.vector_store %arg19[%swap3A_712, %swap3A_713], %broadcast_in_dim3A_1 {strides = array<i32>} : memref<16x528xf32, #tpu.memory_space<vmem>>, vector<16xf32>,
      %swap3A_715 = arith.index_cast %scan3A_687 : i32 to index
      %swap3A_716 = arith.constant 144 : index
      %swap3A_717 = tpu.vector_load %arg19[%swap3A_715, %swap3A_716] {strides = array<i32>} : memref<16x528xf32, #tpu.memory_space<vmem>>, vector<16xf32>,
      tpu.vector_store %arg19[%swap3A_715, %swap3A_716], %broadcast_in_dim3A_1 {strides = array<i32>} : memref<16x528xf32, #tpu.memory_space<vmem>>, vector<16xf32>,
      %swap3A_718 = arith.index_cast %scan3A_687 : i32 to index
      %swap3A_719 = arith.constant 160 : index
      %swap3A_720 = tpu.vector_load %arg19[%swap3A_718, %swap3A_719] {strides = array<i32>} : memref<16x528xf32, #tpu.memory_space<vmem>>, vector<16xf32>,
      tpu.vector_store %arg19[%swap3A_718, %swap3A_719], %broadcast_in_dim3A_1 {strides = array<i32>} : memref<16x528xf32, #tpu.memory_space<vmem>>, vector<16xf32>,
      %swap3A_721 = arith.index_cast %scan3A_687 : i32 to index
      %swap3A_722 = arith.constant 176 : index
      %swap3A_723 = tpu.vector_load %arg19[%swap3A_721, %swap3A_722] {strides = array<i32>} : memref<16x528xf32, #tpu.memory_space<vmem>>, vector<16xf32>,
      tpu.vector_store %arg19[%swap3A_721, %swap3A_722], %broadcast_in_dim3A_1 {strides = array<i32>} : memref<16x528xf32, #tpu.memory_space<vmem>>, vector<16xf32>,
      %swap3A_724 = arith.index_cast %scan3A_687 : i32 to index
      %swap3A_725 = arith.constant 192 : index
      %swap3A_726 = tpu.vector_load %arg19[%swap3A_724, %swap3A_725] {strides = array<i32>} : memref<16x528xf32, #tpu.memory_space<vmem>>, vector<16xf32>,
      tpu.vector_store %arg19[%swap3A_724, %swap3A_725], %broadcast_in_dim3A_1 {strides = array<i32>} : memref<16x528xf32, #tpu.memory_space<vmem>>, vector<16xf32>,
      %swap3A_727 = arith.index_cast %scan3A_687 : i32 to index
      %swap3A_728 = arith.constant 208 : index
      %swap3A_729 = tpu.vector_load %arg19[%swap3A_727, %swap3A_728] {strides = array<i32>} : memref<16x528xf32, #tpu.memory_space<vmem>>, vector<16xf32>,
      tpu.vector_store %arg19[%swap3A_727, %swap3A_728], %broadcast_in_dim3A_1 {strides = array<i32>} : memref<16x528xf32, #tpu.memory_space<vmem>>, vector<16xf32>,
      %swap3A_730 = arith.index_cast %scan3A_687 : i32 to index
      %swap3A_731 = arith.constant 224 : index
      %swap3A_732 = tpu.vector_load %arg19[%swap3A_730, %swap3A_731] {strides = array<i32>} : memref<16x528xf32, #tpu.memory_space<vmem>>, vector<16xf32>,
      tpu.vector_store %arg19[%swap3A_730, %swap3A_731], %broadcast_in_dim3A_1 {strides = array<i32>} : memref<16x528xf32, #tpu.memory_space<vmem>>, vector<16xf32>,
      %swap3A_733 = arith.index_cast %scan3A_687 : i32 to index
      %swap3A_734 = arith.constant 240 : index
      %swap3A_735 = tpu.vector_load %arg19[%swap3A_733, %swap3A_734] {strides = array<i32>} : memref<16x528xf32, #tpu.memory_space<vmem>>, vector<16xf32>,
      tpu.vector_store %arg19[%swap3A_733, %swap3A_734], %broadcast_in_dim3A_1 {strides = array<i32>} : memref<16x528xf32, #tpu.memory_space<vmem>>, vector<16xf32>,
      %swap3A_736 = arith.index_cast %scan3A_687 : i32 to index
      %swap3A_737 = arith.constant 256 : index
      %swap3A_738 = tpu.vector_load %arg19[%swap3A_736, %swap3A_737] {strides = array<i32>} : memref<16x528xf32, #tpu.memory_space<vmem>>, vector<16xf32>,
      tpu.vector_store %arg19[%swap3A_736, %swap3A_737], %broadcast_in_dim3A_1 {strides = array<i32>} : memref<16x528xf32, #tpu.memory_space<vmem>>, vector<16xf32>,
      %swap3A_739 = arith.index_cast %scan3A_687 : i32 to index
      %swap3A_740 = arith.constant 272 : index
      %swap3A_741 = tpu.vector_load %arg19[%swap3A_739, %swap3A_740] {strides = array<i32>} : memref<16x528xf32, #tpu.memory_space<vmem>>, vector<16xf32>,
      tpu.vector_store %arg19[%swap3A_739, %swap3A_740], %broadcast_in_dim3A_1 {strides = array<i32>} : memref<16x528xf32, #tpu.memory_space<vmem>>, vector<16xf32>,
      %swap3A_742 = arith.index_cast %scan3A_687 : i32 to index
      %swap3A_743 = arith.constant 288 : index
      %swap3A_744 = tpu.vector_load %arg19[%swap3A_742, %swap3A_743] {strides = array<i32>} : memref<16x528xf32, #tpu.memory_space<vmem>>, vector<16xf32>,
      tpu.vector_store %arg19[%swap3A_742, %swap3A_743], %broadcast_in_dim3A_1 {strides = array<i32>} : memref<16x528xf32, #tpu.memory_space<vmem>>, vector<16xf32>,
      %swap3A_745 = arith.index_cast %scan3A_687 : i32 to index
      %swap3A_746 = arith.constant 304 : index
      %swap3A_747 = tpu.vector_load %arg19[%swap3A_745, %swap3A_746] {strides = array<i32>} : memref<16x528xf32, #tpu.memory_space<vmem>>, vector<16xf32>,
      tpu.vector_store %arg19[%swap3A_745, %swap3A_746], %broadcast_in_dim3A_1 {strides = array<i32>} : memref<16x528xf32, #tpu.memory_space<vmem>>, vector<16xf32>,
      %swap3A_748 = arith.index_cast %scan3A_687 : i32 to index
      %swap3A_749 = arith.constant 320 : index
      %swap3A_750 = tpu.vector_load %arg19[%swap3A_748, %swap3A_749] {strides = array<i32>} : memref<16x528xf32, #tpu.memory_space<vmem>>, vector<16xf32>,
      tpu.vector_store %arg19[%swap3A_748, %swap3A_749], %broadcast_in_dim3A_1 {strides = array<i32>} : memref<16x528xf32, #tpu.memory_space<vmem>>, vector<16xf32>,
      %swap3A_751 = arith.index_cast %scan3A_687 : i32 to index
      %swap3A_752 = arith.constant 336 : index
      %swap3A_753 = tpu.vector_load %arg19[%swap3A_751, %swap3A_752] {strides = array<i32>} : memref<16x528xf32, #tpu.memory_space<vmem>>, vector<16xf32>,
      tpu.vector_store %arg19[%swap3A_751, %swap3A_752], %broadcast_in_dim3A_1 {strides = array<i32>} : memref<16x528xf32, #tpu.memory_space<vmem>>, vector<16xf32>,
      %swap3A_754 = arith.index_cast %scan3A_687 : i32 to index
      %swap3A_755 = arith.constant 352 : index
      %swap3A_756 = tpu.vector_load %arg19[%swap3A_754, %swap3A_755] {strides = array<i32>} : memref<16x528xf32, #tpu.memory_space<vmem>>, vector<16xf32>,
      tpu.vector_store %arg19[%swap3A_754, %swap3A_755], %broadcast_in_dim3A_1 {strides = array<i32>} : memref<16x528xf32, #tpu.memory_space<vmem>>, vector<16xf32>,
      %swap3A_757 = arith.index_cast %scan3A_687 : i32 to index
      %swap3A_758 = arith.constant 368 : index
      %swap3A_759 = tpu.vector_load %arg19[%swap3A_757, %swap3A_758] {strides = array<i32>} : memref<16x528xf32, #tpu.memory_space<vmem>>, vector<16xf32>,
      tpu.vector_store %arg19[%swap3A_757, %swap3A_758], %broadcast_in_dim3A_1 {strides = array<i32>} : memref<16x528xf32, #tpu.memory_space<vmem>>, vector<16xf32>,
      %swap3A_760 = arith.index_cast %scan3A_687 : i32 to index
      %swap3A_761 = arith.constant 384 : index
      %swap3A_762 = tpu.vector_load %arg19[%swap3A_760, %swap3A_761] {strides = array<i32>} : memref<16x528xf32, #tpu.memory_space<vmem>>, vector<16xf32>,
      tpu.vector_store %arg19[%swap3A_760, %swap3A_761], %broadcast_in_dim3A_1 {strides = array<i32>} : memref<16x528xf32, #tpu.memory_space<vmem>>, vector<16xf32>,
      %swap3A_763 = arith.index_cast %scan3A_687 : i32 to index
      %swap3A_764 = arith.constant 400 : index
      %swap3A_765 = tpu.vector_load %arg19[%swap3A_763, %swap3A_764] {strides = array<i32>} : memref<16x528xf32, #tpu.memory_space<vmem>>, vector<16xf32>,
      tpu.vector_store %arg19[%swap3A_763, %swap3A_764], %broadcast_in_dim3A_1 {strides = array<i32>} : memref<16x528xf32, #tpu.memory_space<vmem>>, vector<16xf32>,
      %swap3A_766 = arith.index_cast %scan3A_687 : i32 to index
      %swap3A_767 = arith.constant 416 : index
      %swap3A_768 = tpu.vector_load %arg19[%swap3A_766, %swap3A_767] {strides = array<i32>} : memref<16x528xf32, #tpu.memory_space<vmem>>, vector<16xf32>,
      tpu.vector_store %arg19[%swap3A_766, %swap3A_767], %broadcast_in_dim3A_1 {strides = array<i32>} : memref<16x528xf32, #tpu.memory_space<vmem>>, vector<16xf32>,
      %swap3A_769 = arith.index_cast %scan3A_687 : i32 to index
      %swap3A_770 = arith.constant 432 : index
      %swap3A_771 = tpu.vector_load %arg19[%swap3A_769, %swap3A_770] {strides = array<i32>} : memref<16x528xf32, #tpu.memory_space<vmem>>, vector<16xf32>,
      tpu.vector_store %arg19[%swap3A_769, %swap3A_770], %broadcast_in_dim3A_1 {strides = array<i32>} : memref<16x528xf32, #tpu.memory_space<vmem>>, vector<16xf32>,
      %swap3A_772 = arith.index_cast %scan3A_687 : i32 to index
      %swap3A_773 = arith.constant 448 : index
      %swap3A_774 = tpu.vector_load %arg19[%swap3A_772, %swap3A_773] {strides = array<i32>} : memref<16x528xf32, #tpu.memory_space<vmem>>, vector<16xf32>,
      tpu.vector_store %arg19[%swap3A_772, %swap3A_773], %broadcast_in_dim3A_1 {strides = array<i32>} : memref<16x528xf32, #tpu.memory_space<vmem>>, vector<16xf32>,
      %swap3A_775 = arith.index_cast %scan3A_687 : i32 to index
      %swap3A_776 = arith.constant 464 : index
      %swap3A_777 = tpu.vector_load %arg19[%swap3A_775, %swap3A_776] {strides = array<i32>} : memref<16x528xf32, #tpu.memory_space<vmem>>, vector<16xf32>,
      tpu.vector_store %arg19[%swap3A_775, %swap3A_776], %broadcast_in_dim3A_1 {strides = array<i32>} : memref<16x528xf32, #tpu.memory_space<vmem>>, vector<16xf32>,
      %swap3A_778 = arith.index_cast %scan3A_687 : i32 to index
      %swap3A_779 = arith.constant 480 : index
      %swap3A_780 = tpu.vector_load %arg19[%swap3A_778, %swap3A_779] {strides = array<i32>} : memref<16x528xf32, #tpu.memory_space<vmem>>, vector<16xf32>,
      tpu.vector_store %arg19[%swap3A_778, %swap3A_779], %broadcast_in_dim3A_1 {strides = array<i32>} : memref<16x528xf32, #tpu.memory_space<vmem>>, vector<16xf32>,
      %swap3A_781 = arith.index_cast %scan3A_687 : i32 to index
      %swap3A_782 = arith.constant 496 : index
      %swap3A_783 = tpu.vector_load %arg19[%swap3A_781, %swap3A_782] {strides = array<i32>} : memref<16x528xf32, #tpu.memory_space<vmem>>, vector<16xf32>,
      tpu.vector_store %arg19[%swap3A_781, %swap3A_782], %broadcast_in_dim3A_1 {strides = array<i32>} : memref<16x528xf32, #tpu.memory_space<vmem>>, vector<16xf32>,
      %swap3A_784 = arith.index_cast %scan3A_687 : i32 to index
      %swap3A_785 = arith.constant 512 : index
      %swap3A_786 = tpu.vector_load %arg19[%swap3A_784, %swap3A_785] {strides = array<i32>} : memref<16x528xf32, #tpu.memory_space<vmem>>, vector<16xf32>,
      tpu.vector_store %arg19[%swap3A_784, %swap3A_785], %broadcast_in_dim3A_1 {strides = array<i32>} : memref<16x528xf32, #tpu.memory_space<vmem>>, vector<16xf32>,
      %scan3A_787 = arith.constant 0 : i32
      scf.yield %scan3A_787 : i32
    }
    %scan3A_25 = arith.constant 16 : i32
    %scan3A_26 = arith.constant 0 : i32
    %scan3A_27 = arith.constant 0 : i32
    %scan3A_28 = arith.constant 16 : i32
    %scan3A_29 = arith.addi %scan3A_27, %scan3A_28 : i32
    %scan3A_30 = arith.constant 1 : i32
    %scan3A_31 = scf.for %scan3A_687 = %scan3A_27 to %scan3A_29 step %scan3A_30 iter_args(%scan3A_688 = %scan3A_26) -> (i32)  : i32 {
      %swap3A = arith.index_cast %scan3A_687 : i32 to index
      %swap3A_689 = arith.constant 0 : index
      %swap3A_690 = tpu.vector_load %arg20[%swap3A, %swap3A_689] {strides = array<i32>} : memref<16x528xf32, #tpu.memory_space<vmem>>, vector<16xf32>,
      tpu.vector_store %arg20[%swap3A, %swap3A_689], %broadcast_in_dim3A_1 {strides = array<i32>} : memref<16x528xf32, #tpu.memory_space<vmem>>, vector<16xf32>,
      %swap3A_691 = arith.index_cast %scan3A_687 : i32 to index
      %swap3A_692 = arith.constant 16 : index
      %swap3A_693 = tpu.vector_load %arg20[%swap3A_691, %swap3A_692] {strides = array<i32>} : memref<16x528xf32, #tpu.memory_space<vmem>>, vector<16xf32>,
      tpu.vector_store %arg20[%swap3A_691, %swap3A_692], %broadcast_in_dim3A_1 {strides = array<i32>} : memref<16x528xf32, #tpu.memory_space<vmem>>, vector<16xf32>,
      %swap3A_694 = arith.index_cast %scan3A_687 : i32 to index
      %swap3A_695 = arith.constant 32 : index
      %swap3A_696 = tpu.vector_load %arg20[%swap3A_694, %swap3A_695] {strides = array<i32>} : memref<16x528xf32, #tpu.memory_space<vmem>>, vector<16xf32>,
      tpu.vector_store %arg20[%swap3A_694, %swap3A_695], %broadcast_in_dim3A_1 {strides = array<i32>} : memref<16x528xf32, #tpu.memory_space<vmem>>, vector<16xf32>,
      %swap3A_697 = arith.index_cast %scan3A_687 : i32 to index
      %swap3A_698 = arith.constant 48 : index
      %swap3A_699 = tpu.vector_load %arg20[%swap3A_697, %swap3A_698] {strides = array<i32>} : memref<16x528xf32, #tpu.memory_space<vmem>>, vector<16xf32>,
      tpu.vector_store %arg20[%swap3A_697, %swap3A_698], %broadcast_in_dim3A_1 {strides = array<i32>} : memref<16x528xf32, #tpu.memory_space<vmem>>, vector<16xf32>,
      %swap3A_700 = arith.index_cast %scan3A_687 : i32 to index
      %swap3A_701 = arith.constant 64 : index
      %swap3A_702 = tpu.vector_load %arg20[%swap3A_700, %swap3A_701] {strides = array<i32>} : memref<16x528xf32, #tpu.memory_space<vmem>>, vector<16xf32>,
      tpu.vector_store %arg20[%swap3A_700, %swap3A_701], %broadcast_in_dim3A_1 {strides = array<i32>} : memref<16x528xf32, #tpu.memory_space<vmem>>, vector<16xf32>,
      %swap3A_703 = arith.index_cast %scan3A_687 : i32 to index
      %swap3A_704 = arith.constant 80 : index
      %swap3A_705 = tpu.vector_load %arg20[%swap3A_703, %swap3A_704] {strides = array<i32>} : memref<16x528xf32, #tpu.memory_space<vmem>>, vector<16xf32>,
      tpu.vector_store %arg20[%swap3A_703, %swap3A_704], %broadcast_in_dim3A_1 {strides = array<i32>} : memref<16x528xf32, #tpu.memory_space<vmem>>, vector<16xf32>,
      %swap3A_706 = arith.index_cast %scan3A_687 : i32 to index
      %swap3A_707 = arith.constant 96 : index
      %swap3A_708 = tpu.vector_load %arg20[%swap3A_706, %swap3A_707] {strides = array<i32>} : memref<16x528xf32, #tpu.memory_space<vmem>>, vector<16xf32>,
      tpu.vector_store %arg20[%swap3A_706, %swap3A_707], %broadcast_in_dim3A_1 {strides = array<i32>} : memref<16x528xf32, #tpu.memory_space<vmem>>, vector<16xf32>,
      %swap3A_709 = arith.index_cast %scan3A_687 : i32 to index
      %swap3A_710 = arith.constant 112 : index
      %swap3A_711 = tpu.vector_load %arg20[%swap3A_709, %swap3A_710] {strides = array<i32>} : memref<16x528xf32, #tpu.memory_space<vmem>>, vector<16xf32>,
      tpu.vector_store %arg20[%swap3A_709, %swap3A_710], %broadcast_in_dim3A_1 {strides = array<i32>} : memref<16x528xf32, #tpu.memory_space<vmem>>, vector<16xf32>,
      %swap3A_712 = arith.index_cast %scan3A_687 : i32 to index
      %swap3A_713 = arith.constant 128 : index
      %swap3A_714 = tpu.vector_load %arg20[%swap3A_712, %swap3A_713] {strides = array<i32>} : memref<16x528xf32, #tpu.memory_space<vmem>>, vector<16xf32>,
      tpu.vector_store %arg20[%swap3A_712, %swap3A_713], %broadcast_in_dim3A_1 {strides = array<i32>} : memref<16x528xf32, #tpu.memory_space<vmem>>, vector<16xf32>,
      %swap3A_715 = arith.index_cast %scan3A_687 : i32 to index
      %swap3A_716 = arith.constant 144 : index
      %swap3A_717 = tpu.vector_load %arg20[%swap3A_715, %swap3A_716] {strides = array<i32>} : memref<16x528xf32, #tpu.memory_space<vmem>>, vector<16xf32>,
      tpu.vector_store %arg20[%swap3A_715, %swap3A_716], %broadcast_in_dim3A_1 {strides = array<i32>} : memref<16x528xf32, #tpu.memory_space<vmem>>, vector<16xf32>,
      %swap3A_718 = arith.index_cast %scan3A_687 : i32 to index
      %swap3A_719 = arith.constant 160 : index
      %swap3A_720 = tpu.vector_load %arg20[%swap3A_718, %swap3A_719] {strides = array<i32>} : memref<16x528xf32, #tpu.memory_space<vmem>>, vector<16xf32>,
      tpu.vector_store %arg20[%swap3A_718, %swap3A_719], %broadcast_in_dim3A_1 {strides = array<i32>} : memref<16x528xf32, #tpu.memory_space<vmem>>, vector<16xf32>,
      %swap3A_721 = arith.index_cast %scan3A_687 : i32 to index
      %swap3A_722 = arith.constant 176 : index
      %swap3A_723 = tpu.vector_load %arg20[%swap3A_721, %swap3A_722] {strides = array<i32>} : memref<16x528xf32, #tpu.memory_space<vmem>>, vector<16xf32>,
      tpu.vector_store %arg20[%swap3A_721, %swap3A_722], %broadcast_in_dim3A_1 {strides = array<i32>} : memref<16x528xf32, #tpu.memory_space<vmem>>, vector<16xf32>,
      %swap3A_724 = arith.index_cast %scan3A_687 : i32 to index
      %swap3A_725 = arith.constant 192 : index
      %swap3A_726 = tpu.vector_load %arg20[%swap3A_724, %swap3A_725] {strides = array<i32>} : memref<16x528xf32, #tpu.memory_space<vmem>>, vector<16xf32>,
      tpu.vector_store %arg20[%swap3A_724, %swap3A_725], %broadcast_in_dim3A_1 {strides = array<i32>} : memref<16x528xf32, #tpu.memory_space<vmem>>, vector<16xf32>,
      %swap3A_727 = arith.index_cast %scan3A_687 : i32 to index
      %swap3A_728 = arith.constant 208 : index
      %swap3A_729 = tpu.vector_load %arg20[%swap3A_727, %swap3A_728] {strides = array<i32>} : memref<16x528xf32, #tpu.memory_space<vmem>>, vector<16xf32>,
      tpu.vector_store %arg20[%swap3A_727, %swap3A_728], %broadcast_in_dim3A_1 {strides = array<i32>} : memref<16x528xf32, #tpu.memory_space<vmem>>, vector<16xf32>,
      %swap3A_730 = arith.index_cast %scan3A_687 : i32 to index
      %swap3A_731 = arith.constant 224 : index
      %swap3A_732 = tpu.vector_load %arg20[%swap3A_730, %swap3A_731] {strides = array<i32>} : memref<16x528xf32, #tpu.memory_space<vmem>>, vector<16xf32>,
      tpu.vector_store %arg20[%swap3A_730, %swap3A_731], %broadcast_in_dim3A_1 {strides = array<i32>} : memref<16x528xf32, #tpu.memory_space<vmem>>, vector<16xf32>,
      %swap3A_733 = arith.index_cast %scan3A_687 : i32 to index
      %swap3A_734 = arith.constant 240 : index
      %swap3A_735 = tpu.vector_load %arg20[%swap3A_733, %swap3A_734] {strides = array<i32>} : memref<16x528xf32, #tpu.memory_space<vmem>>, vector<16xf32>,
      tpu.vector_store %arg20[%swap3A_733, %swap3A_734], %broadcast_in_dim3A_1 {strides = array<i32>} : memref<16x528xf32, #tpu.memory_space<vmem>>, vector<16xf32>,
      %swap3A_736 = arith.index_cast %scan3A_687 : i32 to index
      %swap3A_737 = arith.constant 256 : index
      %swap3A_738 = tpu.vector_load %arg20[%swap3A_736, %swap3A_737] {strides = array<i32>} : memref<16x528xf32, #tpu.memory_space<vmem>>, vector<16xf32>,
      tpu.vector_store %arg20[%swap3A_736, %swap3A_737], %broadcast_in_dim3A_1 {strides = array<i32>} : memref<16x528xf32, #tpu.memory_space<vmem>>, vector<16xf32>,
      %swap3A_739 = arith.index_cast %scan3A_687 : i32 to index
      %swap3A_740 = arith.constant 272 : index
      %swap3A_741 = tpu.vector_load %arg20[%swap3A_739, %swap3A_740] {strides = array<i32>} : memref<16x528xf32, #tpu.memory_space<vmem>>, vector<16xf32>,
      tpu.vector_store %arg20[%swap3A_739, %swap3A_740], %broadcast_in_dim3A_1 {strides = array<i32>} : memref<16x528xf32, #tpu.memory_space<vmem>>, vector<16xf32>,
      %swap3A_742 = arith.index_cast %scan3A_687 : i32 to index
      %swap3A_743 = arith.constant 288 : index
      %swap3A_744 = tpu.vector_load %arg20[%swap3A_742, %swap3A_743] {strides = array<i32>} : memref<16x528xf32, #tpu.memory_space<vmem>>, vector<16xf32>,
      tpu.vector_store %arg20[%swap3A_742, %swap3A_743], %broadcast_in_dim3A_1 {strides = array<i32>} : memref<16x528xf32, #tpu.memory_space<vmem>>, vector<16xf32>,
      %swap3A_745 = arith.index_cast %scan3A_687 : i32 to index
      %swap3A_746 = arith.constant 304 : index
      %swap3A_747 = tpu.vector_load %arg20[%swap3A_745, %swap3A_746] {strides = array<i32>} : memref<16x528xf32, #tpu.memory_space<vmem>>, vector<16xf32>,
      tpu.vector_store %arg20[%swap3A_745, %swap3A_746], %broadcast_in_dim3A_1 {strides = array<i32>} : memref<16x528xf32, #tpu.memory_space<vmem>>, vector<16xf32>,
      %swap3A_748 = arith.index_cast %scan3A_687 : i32 to index
      %swap3A_749 = arith.constant 320 : index
      %swap3A_750 = tpu.vector_load %arg20[%swap3A_748, %swap3A_749] {strides = array<i32>} : memref<16x528xf32, #tpu.memory_space<vmem>>, vector<16xf32>,
      tpu.vector_store %arg20[%swap3A_748, %swap3A_749], %broadcast_in_dim3A_1 {strides = array<i32>} : memref<16x528xf32, #tpu.memory_space<vmem>>, vector<16xf32>,
      %swap3A_751 = arith.index_cast %scan3A_687 : i32 to index
      %swap3A_752 = arith.constant 336 : index
      %swap3A_753 = tpu.vector_load %arg20[%swap3A_751, %swap3A_752] {strides = array<i32>} : memref<16x528xf32, #tpu.memory_space<vmem>>, vector<16xf32>,
      tpu.vector_store %arg20[%swap3A_751, %swap3A_752], %broadcast_in_dim3A_1 {strides = array<i32>} : memref<16x528xf32, #tpu.memory_space<vmem>>, vector<16xf32>,
      %swap3A_754 = arith.index_cast %scan3A_687 : i32 to index
      %swap3A_755 = arith.constant 352 : index
      %swap3A_756 = tpu.vector_load %arg20[%swap3A_754, %swap3A_755] {strides = array<i32>} : memref<16x528xf32, #tpu.memory_space<vmem>>, vector<16xf32>,
      tpu.vector_store %arg20[%swap3A_754, %swap3A_755], %broadcast_in_dim3A_1 {strides = array<i32>} : memref<16x528xf32, #tpu.memory_space<vmem>>, vector<16xf32>,
      %swap3A_757 = arith.index_cast %scan3A_687 : i32 to index
      %swap3A_758 = arith.constant 368 : index
      %swap3A_759 = tpu.vector_load %arg20[%swap3A_757, %swap3A_758] {strides = array<i32>} : memref<16x528xf32, #tpu.memory_space<vmem>>, vector<16xf32>,
      tpu.vector_store %arg20[%swap3A_757, %swap3A_758], %broadcast_in_dim3A_1 {strides = array<i32>} : memref<16x528xf32, #tpu.memory_space<vmem>>, vector<16xf32>,
      %swap3A_760 = arith.index_cast %scan3A_687 : i32 to index
      %swap3A_761 = arith.constant 384 : index
      %swap3A_762 = tpu.vector_load %arg20[%swap3A_760, %swap3A_761] {strides = array<i32>} : memref<16x528xf32, #tpu.memory_space<vmem>>, vector<16xf32>,
      tpu.vector_store %arg20[%swap3A_760, %swap3A_761], %broadcast_in_dim3A_1 {strides = array<i32>} : memref<16x528xf32, #tpu.memory_space<vmem>>, vector<16xf32>,
      %swap3A_763 = arith.index_cast %scan3A_687 : i32 to index
      %swap3A_764 = arith.constant 400 : index
      %swap3A_765 = tpu.vector_load %arg20[%swap3A_763, %swap3A_764] {strides = array<i32>} : memref<16x528xf32, #tpu.memory_space<vmem>>, vector<16xf32>,
      tpu.vector_store %arg20[%swap3A_763, %swap3A_764], %broadcast_in_dim3A_1 {strides = array<i32>} : memref<16x528xf32, #tpu.memory_space<vmem>>, vector<16xf32>,
      %swap3A_766 = arith.index_cast %scan3A_687 : i32 to index
      %swap3A_767 = arith.constant 416 : index
      %swap3A_768 = tpu.vector_load %arg20[%swap3A_766, %swap3A_767] {strides = array<i32>} : memref<16x528xf32, #tpu.memory_space<vmem>>, vector<16xf32>,
      tpu.vector_store %arg20[%swap3A_766, %swap3A_767], %broadcast_in_dim3A_1 {strides = array<i32>} : memref<16x528xf32, #tpu.memory_space<vmem>>, vector<16xf32>,
      %swap3A_769 = arith.index_cast %scan3A_687 : i32 to index
      %swap3A_770 = arith.constant 432 : index
      %swap3A_771 = tpu.vector_load %arg20[%swap3A_769, %swap3A_770] {strides = array<i32>} : memref<16x528xf32, #tpu.memory_space<vmem>>, vector<16xf32>,
      tpu.vector_store %arg20[%swap3A_769, %swap3A_770], %broadcast_in_dim3A_1 {strides = array<i32>} : memref<16x528xf32, #tpu.memory_space<vmem>>, vector<16xf32>,
      %swap3A_772 = arith.index_cast %scan3A_687 : i32 to index
      %swap3A_773 = arith.constant 448 : index
      %swap3A_774 = tpu.vector_load %arg20[%swap3A_772, %swap3A_773] {strides = array<i32>} : memref<16x528xf32, #tpu.memory_space<vmem>>, vector<16xf32>,
      tpu.vector_store %arg20[%swap3A_772, %swap3A_773], %broadcast_in_dim3A_1 {strides = array<i32>} : memref<16x528xf32, #tpu.memory_space<vmem>>, vector<16xf32>,
      %swap3A_775 = arith.index_cast %scan3A_687 : i32 to index
      %swap3A_776 = arith.constant 464 : index
      %swap3A_777 = tpu.vector_load %arg20[%swap3A_775, %swap3A_776] {strides = array<i32>} : memref<16x528xf32, #tpu.memory_space<vmem>>, vector<16xf32>,
      tpu.vector_store %arg20[%swap3A_775, %swap3A_776], %broadcast_in_dim3A_1 {strides = array<i32>} : memref<16x528xf32, #tpu.memory_space<vmem>>, vector<16xf32>,
      %swap3A_778 = arith.index_cast %scan3A_687 : i32 to index
      %swap3A_779 = arith.constant 480 : index
      %swap3A_780 = tpu.vector_load %arg20[%swap3A_778, %swap3A_779] {strides = array<i32>} : memref<16x528xf32, #tpu.memory_space<vmem>>, vector<16xf32>,
      tpu.vector_store %arg20[%swap3A_778, %swap3A_779], %broadcast_in_dim3A_1 {strides = array<i32>} : memref<16x528xf32, #tpu.memory_space<vmem>>, vector<16xf32>,
      %swap3A_781 = arith.index_cast %scan3A_687 : i32 to index
      %swap3A_782 = arith.constant 496 : index
      %swap3A_783 = tpu.vector_load %arg20[%swap3A_781, %swap3A_782] {strides = array<i32>} : memref<16x528xf32, #tpu.memory_space<vmem>>, vector<16xf32>,
      tpu.vector_store %arg20[%swap3A_781, %swap3A_782], %broadcast_in_dim3A_1 {strides = array<i32>} : memref<16x528xf32, #tpu.memory_space<vmem>>, vector<16xf32>,
      %swap3A_784 = arith.index_cast %scan3A_687 : i32 to index
      %swap3A_785 = arith.constant 512 : index
      %swap3A_786 = tpu.vector_load %arg20[%swap3A_784, %swap3A_785] {strides = array<i32>} : memref<16x528xf32, #tpu.memory_space<vmem>>, vector<16xf32>,
      tpu.vector_store %arg20[%swap3A_784, %swap3A_785], %broadcast_in_dim3A_1 {strides = array<i32>} : memref<16x528xf32, #tpu.memory_space<vmem>>, vector<16xf32>,
      %scan3A_787 = arith.constant 0 : i32
      scf.yield %scan3A_787 : i32
    }
    %scan3A_32 = arith.constant 16 : i32
    %scan3A_33 = arith.constant 0 : i32
    %scan3A_34 = arith.constant 0 : i32
    %scan3A_35 = arith.constant 16 : i32
    %scan3A_36 = arith.addi %scan3A_34, %scan3A_35 : i32
    %scan3A_37 = arith.constant 1 : i32
    %scan3A_38 = scf.for %scan3A_687 = %scan3A_34 to %scan3A_36 step %scan3A_37 iter_args(%scan3A_688 = %scan3A_33) -> (i32)  : i32 {
      %swap3A = arith.index_cast %scan3A_687 : i32 to index
      %swap3A_689 = arith.constant 0 : index
      %swap3A_690 = tpu.vector_load %arg21[%swap3A, %swap3A_689] {strides = array<i32>} : memref<16x528xf32, #tpu.memory_space<vmem>>, vector<16xf32>,
      tpu.vector_store %arg21[%swap3A, %swap3A_689], %broadcast_in_dim3A_1 {strides = array<i32>} : memref<16x528xf32, #tpu.memory_space<vmem>>, vector<16xf32>,
      %swap3A_691 = arith.index_cast %scan3A_687 : i32 to index
      %swap3A_692 = arith.constant 16 : index
      %swap3A_693 = tpu.vector_load %arg21[%swap3A_691, %swap3A_692] {strides = array<i32>} : memref<16x528xf32, #tpu.memory_space<vmem>>, vector<16xf32>,
      tpu.vector_store %arg21[%swap3A_691, %swap3A_692], %broadcast_in_dim3A_1 {strides = array<i32>} : memref<16x528xf32, #tpu.memory_space<vmem>>, vector<16xf32>,
      %swap3A_694 = arith.index_cast %scan3A_687 : i32 to index
      %swap3A_695 = arith.constant 32 : index
      %swap3A_696 = tpu.vector_load %arg21[%swap3A_694, %swap3A_695] {strides = array<i32>} : memref<16x528xf32, #tpu.memory_space<vmem>>, vector<16xf32>,
      tpu.vector_store %arg21[%swap3A_694, %swap3A_695], %broadcast_in_dim3A_1 {strides = array<i32>} : memref<16x528xf32, #tpu.memory_space<vmem>>, vector<16xf32>,
      %swap3A_697 = arith.index_cast %scan3A_687 : i32 to index
      %swap3A_698 = arith.constant 48 : index
      %swap3A_699 = tpu.vector_load %arg21[%swap3A_697, %swap3A_698] {strides = array<i32>} : memref<16x528xf32, #tpu.memory_space<vmem>>, vector<16xf32>,
      tpu.vector_store %arg21[%swap3A_697, %swap3A_698], %broadcast_in_dim3A_1 {strides = array<i32>} : memref<16x528xf32, #tpu.memory_space<vmem>>, vector<16xf32>,
      %swap3A_700 = arith.index_cast %scan3A_687 : i32 to index
      %swap3A_701 = arith.constant 64 : index
      %swap3A_702 = tpu.vector_load %arg21[%swap3A_700, %swap3A_701] {strides = array<i32>} : memref<16x528xf32, #tpu.memory_space<vmem>>, vector<16xf32>,
      tpu.vector_store %arg21[%swap3A_700, %swap3A_701], %broadcast_in_dim3A_1 {strides = array<i32>} : memref<16x528xf32, #tpu.memory_space<vmem>>, vector<16xf32>,
      %swap3A_703 = arith.index_cast %scan3A_687 : i32 to index
      %swap3A_704 = arith.constant 80 : index
      %swap3A_705 = tpu.vector_load %arg21[%swap3A_703, %swap3A_704] {strides = array<i32>} : memref<16x528xf32, #tpu.memory_space<vmem>>, vector<16xf32>,
      tpu.vector_store %arg21[%swap3A_703, %swap3A_704], %broadcast_in_dim3A_1 {strides = array<i32>} : memref<16x528xf32, #tpu.memory_space<vmem>>, vector<16xf32>,
      %swap3A_706 = arith.index_cast %scan3A_687 : i32 to index
      %swap3A_707 = arith.constant 96 : index
      %swap3A_708 = tpu.vector_load %arg21[%swap3A_706, %swap3A_707] {strides = array<i32>} : memref<16x528xf32, #tpu.memory_space<vmem>>, vector<16xf32>,
      tpu.vector_store %arg21[%swap3A_706, %swap3A_707], %broadcast_in_dim3A_1 {strides = array<i32>} : memref<16x528xf32, #tpu.memory_space<vmem>>, vector<16xf32>,
      %swap3A_709 = arith.index_cast %scan3A_687 : i32 to index
      %swap3A_710 = arith.constant 112 : index
      %swap3A_711 = tpu.vector_load %arg21[%swap3A_709, %swap3A_710] {strides = array<i32>} : memref<16x528xf32, #tpu.memory_space<vmem>>, vector<16xf32>,
      tpu.vector_store %arg21[%swap3A_709, %swap3A_710], %broadcast_in_dim3A_1 {strides = array<i32>} : memref<16x528xf32, #tpu.memory_space<vmem>>, vector<16xf32>,
      %swap3A_712 = arith.index_cast %scan3A_687 : i32 to index
      %swap3A_713 = arith.constant 128 : index
      %swap3A_714 = tpu.vector_load %arg21[%swap3A_712, %swap3A_713] {strides = array<i32>} : memref<16x528xf32, #tpu.memory_space<vmem>>, vector<16xf32>,
      tpu.vector_store %arg21[%swap3A_712, %swap3A_713], %broadcast_in_dim3A_1 {strides = array<i32>} : memref<16x528xf32, #tpu.memory_space<vmem>>, vector<16xf32>,
      %swap3A_715 = arith.index_cast %scan3A_687 : i32 to index
      %swap3A_716 = arith.constant 144 : index
      %swap3A_717 = tpu.vector_load %arg21[%swap3A_715, %swap3A_716] {strides = array<i32>} : memref<16x528xf32, #tpu.memory_space<vmem>>, vector<16xf32>,
      tpu.vector_store %arg21[%swap3A_715, %swap3A_716], %broadcast_in_dim3A_1 {strides = array<i32>} : memref<16x528xf32, #tpu.memory_space<vmem>>, vector<16xf32>,
      %swap3A_718 = arith.index_cast %scan3A_687 : i32 to index
      %swap3A_719 = arith.constant 160 : index
      %swap3A_720 = tpu.vector_load %arg21[%swap3A_718, %swap3A_719] {strides = array<i32>} : memref<16x528xf32, #tpu.memory_space<vmem>>, vector<16xf32>,
      tpu.vector_store %arg21[%swap3A_718, %swap3A_719], %broadcast_in_dim3A_1 {strides = array<i32>} : memref<16x528xf32, #tpu.memory_space<vmem>>, vector<16xf32>,
      %swap3A_721 = arith.index_cast %scan3A_687 : i32 to index
      %swap3A_722 = arith.constant 176 : index
      %swap3A_723 = tpu.vector_load %arg21[%swap3A_721, %swap3A_722] {strides = array<i32>} : memref<16x528xf32, #tpu.memory_space<vmem>>, vector<16xf32>,
      tpu.vector_store %arg21[%swap3A_721, %swap3A_722], %broadcast_in_dim3A_1 {strides = array<i32>} : memref<16x528xf32, #tpu.memory_space<vmem>>, vector<16xf32>,
      %swap3A_724 = arith.index_cast %scan3A_687 : i32 to index
      %swap3A_725 = arith.constant 192 : index
      %swap3A_726 = tpu.vector_load %arg21[%swap3A_724, %swap3A_725] {strides = array<i32>} : memref<16x528xf32, #tpu.memory_space<vmem>>, vector<16xf32>,
      tpu.vector_store %arg21[%swap3A_724, %swap3A_725], %broadcast_in_dim3A_1 {strides = array<i32>} : memref<16x528xf32, #tpu.memory_space<vmem>>, vector<16xf32>,
      %swap3A_727 = arith.index_cast %scan3A_687 : i32 to index
      %swap3A_728 = arith.constant 208 : index
      %swap3A_729 = tpu.vector_load %arg21[%swap3A_727, %swap3A_728] {strides = array<i32>} : memref<16x528xf32, #tpu.memory_space<vmem>>, vector<16xf32>,
      tpu.vector_store %arg21[%swap3A_727, %swap3A_728], %broadcast_in_dim3A_1 {strides = array<i32>} : memref<16x528xf32, #tpu.memory_space<vmem>>, vector<16xf32>,
      %swap3A_730 = arith.index_cast %scan3A_687 : i32 to index
      %swap3A_731 = arith.constant 224 : index
      %swap3A_732 = tpu.vector_load %arg21[%swap3A_730, %swap3A_731] {strides = array<i32>} : memref<16x528xf32, #tpu.memory_space<vmem>>, vector<16xf32>,
      tpu.vector_store %arg21[%swap3A_730, %swap3A_731], %broadcast_in_dim3A_1 {strides = array<i32>} : memref<16x528xf32, #tpu.memory_space<vmem>>, vector<16xf32>,
      %swap3A_733 = arith.index_cast %scan3A_687 : i32 to index
      %swap3A_734 = arith.constant 240 : index
      %swap3A_735 = tpu.vector_load %arg21[%swap3A_733, %swap3A_734] {strides = array<i32>} : memref<16x528xf32, #tpu.memory_space<vmem>>, vector<16xf32>,
      tpu.vector_store %arg21[%swap3A_733, %swap3A_734], %broadcast_in_dim3A_1 {strides = array<i32>} : memref<16x528xf32, #tpu.memory_space<vmem>>, vector<16xf32>,
      %swap3A_736 = arith.index_cast %scan3A_687 : i32 to index
      %swap3A_737 = arith.constant 256 : index
      %swap3A_738 = tpu.vector_load %arg21[%swap3A_736, %swap3A_737] {strides = array<i32>} : memref<16x528xf32, #tpu.memory_space<vmem>>, vector<16xf32>,
      tpu.vector_store %arg21[%swap3A_736, %swap3A_737], %broadcast_in_dim3A_1 {strides = array<i32>} : memref<16x528xf32, #tpu.memory_space<vmem>>, vector<16xf32>,
      %swap3A_739 = arith.index_cast %scan3A_687 : i32 to index
      %swap3A_740 = arith.constant 272 : index
      %swap3A_741 = tpu.vector_load %arg21[%swap3A_739, %swap3A_740] {strides = array<i32>} : memref<16x528xf32, #tpu.memory_space<vmem>>, vector<16xf32>,
      tpu.vector_store %arg21[%swap3A_739, %swap3A_740], %broadcast_in_dim3A_1 {strides = array<i32>} : memref<16x528xf32, #tpu.memory_space<vmem>>, vector<16xf32>,
      %swap3A_742 = arith.index_cast %scan3A_687 : i32 to index
      %swap3A_743 = arith.constant 288 : index
      %swap3A_744 = tpu.vector_load %arg21[%swap3A_742, %swap3A_743] {strides = array<i32>} : memref<16x528xf32, #tpu.memory_space<vmem>>, vector<16xf32>,
      tpu.vector_store %arg21[%swap3A_742, %swap3A_743], %broadcast_in_dim3A_1 {strides = array<i32>} : memref<16x528xf32, #tpu.memory_space<vmem>>, vector<16xf32>,
      %swap3A_745 = arith.index_cast %scan3A_687 : i32 to index
      %swap3A_746 = arith.constant 304 : index
      %swap3A_747 = tpu.vector_load %arg21[%swap3A_745, %swap3A_746] {strides = array<i32>} : memref<16x528xf32, #tpu.memory_space<vmem>>, vector<16xf32>,
      tpu.vector_store %arg21[%swap3A_745, %swap3A_746], %broadcast_in_dim3A_1 {strides = array<i32>} : memref<16x528xf32, #tpu.memory_space<vmem>>, vector<16xf32>,
      %swap3A_748 = arith.index_cast %scan3A_687 : i32 to index
      %swap3A_749 = arith.constant 320 : index
      %swap3A_750 = tpu.vector_load %arg21[%swap3A_748, %swap3A_749] {strides = array<i32>} : memref<16x528xf32, #tpu.memory_space<vmem>>, vector<16xf32>,
      tpu.vector_store %arg21[%swap3A_748, %swap3A_749], %broadcast_in_dim3A_1 {strides = array<i32>} : memref<16x528xf32, #tpu.memory_space<vmem>>, vector<16xf32>,
      %swap3A_751 = arith.index_cast %scan3A_687 : i32 to index
      %swap3A_752 = arith.constant 336 : index
      %swap3A_753 = tpu.vector_load %arg21[%swap3A_751, %swap3A_752] {strides = array<i32>} : memref<16x528xf32, #tpu.memory_space<vmem>>, vector<16xf32>,
      tpu.vector_store %arg21[%swap3A_751, %swap3A_752], %broadcast_in_dim3A_1 {strides = array<i32>} : memref<16x528xf32, #tpu.memory_space<vmem>>, vector<16xf32>,
      %swap3A_754 = arith.index_cast %scan3A_687 : i32 to index
      %swap3A_755 = arith.constant 352 : index
      %swap3A_756 = tpu.vector_load %arg21[%swap3A_754, %swap3A_755] {strides = array<i32>} : memref<16x528xf32, #tpu.memory_space<vmem>>, vector<16xf32>,
      tpu.vector_store %arg21[%swap3A_754, %swap3A_755], %broadcast_in_dim3A_1 {strides = array<i32>} : memref<16x528xf32, #tpu.memory_space<vmem>>, vector<16xf32>,
      %swap3A_757 = arith.index_cast %scan3A_687 : i32 to index
      %swap3A_758 = arith.constant 368 : index
      %swap3A_759 = tpu.vector_load %arg21[%swap3A_757, %swap3A_758] {strides = array<i32>} : memref<16x528xf32, #tpu.memory_space<vmem>>, vector<16xf32>,
      tpu.vector_store %arg21[%swap3A_757, %swap3A_758], %broadcast_in_dim3A_1 {strides = array<i32>} : memref<16x528xf32, #tpu.memory_space<vmem>>, vector<16xf32>,
      %swap3A_760 = arith.index_cast %scan3A_687 : i32 to index
      %swap3A_761 = arith.constant 384 : index
      %swap3A_762 = tpu.vector_load %arg21[%swap3A_760, %swap3A_761] {strides = array<i32>} : memref<16x528xf32, #tpu.memory_space<vmem>>, vector<16xf32>,
      tpu.vector_store %arg21[%swap3A_760, %swap3A_761], %broadcast_in_dim3A_1 {strides = array<i32>} : memref<16x528xf32, #tpu.memory_space<vmem>>, vector<16xf32>,
      %swap3A_763 = arith.index_cast %scan3A_687 : i32 to index
      %swap3A_764 = arith.constant 400 : index
      %swap3A_765 = tpu.vector_load %arg21[%swap3A_763, %swap3A_764] {strides = array<i32>} : memref<16x528xf32, #tpu.memory_space<vmem>>, vector<16xf32>,
      tpu.vector_store %arg21[%swap3A_763, %swap3A_764], %broadcast_in_dim3A_1 {strides = array<i32>} : memref<16x528xf32, #tpu.memory_space<vmem>>, vector<16xf32>,
      %swap3A_766 = arith.index_cast %scan3A_687 : i32 to index
      %swap3A_767 = arith.constant 416 : index
      %swap3A_768 = tpu.vector_load %arg21[%swap3A_766, %swap3A_767] {strides = array<i32>} : memref<16x528xf32, #tpu.memory_space<vmem>>, vector<16xf32>,
      tpu.vector_store %arg21[%swap3A_766, %swap3A_767], %broadcast_in_dim3A_1 {strides = array<i32>} : memref<16x528xf32, #tpu.memory_space<vmem>>, vector<16xf32>,
      %swap3A_769 = arith.index_cast %scan3A_687 : i32 to index
      %swap3A_770 = arith.constant 432 : index
      %swap3A_771 = tpu.vector_load %arg21[%swap3A_769, %swap3A_770] {strides = array<i32>} : memref<16x528xf32, #tpu.memory_space<vmem>>, vector<16xf32>,
      tpu.vector_store %arg21[%swap3A_769, %swap3A_770], %broadcast_in_dim3A_1 {strides = array<i32>} : memref<16x528xf32, #tpu.memory_space<vmem>>, vector<16xf32>,
      %swap3A_772 = arith.index_cast %scan3A_687 : i32 to index
      %swap3A_773 = arith.constant 448 : index
      %swap3A_774 = tpu.vector_load %arg21[%swap3A_772, %swap3A_773] {strides = array<i32>} : memref<16x528xf32, #tpu.memory_space<vmem>>, vector<16xf32>,
      tpu.vector_store %arg21[%swap3A_772, %swap3A_773], %broadcast_in_dim3A_1 {strides = array<i32>} : memref<16x528xf32, #tpu.memory_space<vmem>>, vector<16xf32>,
      %swap3A_775 = arith.index_cast %scan3A_687 : i32 to index
      %swap3A_776 = arith.constant 464 : index
      %swap3A_777 = tpu.vector_load %arg21[%swap3A_775, %swap3A_776] {strides = array<i32>} : memref<16x528xf32, #tpu.memory_space<vmem>>, vector<16xf32>,
      tpu.vector_store %arg21[%swap3A_775, %swap3A_776], %broadcast_in_dim3A_1 {strides = array<i32>} : memref<16x528xf32, #tpu.memory_space<vmem>>, vector<16xf32>,
      %swap3A_778 = arith.index_cast %scan3A_687 : i32 to index
      %swap3A_779 = arith.constant 480 : index
      %swap3A_780 = tpu.vector_load %arg21[%swap3A_778, %swap3A_779] {strides = array<i32>} : memref<16x528xf32, #tpu.memory_space<vmem>>, vector<16xf32>,
      tpu.vector_store %arg21[%swap3A_778, %swap3A_779], %broadcast_in_dim3A_1 {strides = array<i32>} : memref<16x528xf32, #tpu.memory_space<vmem>>, vector<16xf32>,
      %swap3A_781 = arith.index_cast %scan3A_687 : i32 to index
      %swap3A_782 = arith.constant 496 : index
      %swap3A_783 = tpu.vector_load %arg21[%swap3A_781, %swap3A_782] {strides = array<i32>} : memref<16x528xf32, #tpu.memory_space<vmem>>, vector<16xf32>,
      tpu.vector_store %arg21[%swap3A_781, %swap3A_782], %broadcast_in_dim3A_1 {strides = array<i32>} : memref<16x528xf32, #tpu.memory_space<vmem>>, vector<16xf32>,
      %swap3A_784 = arith.index_cast %scan3A_687 : i32 to index
      %swap3A_785 = arith.constant 512 : index
      %swap3A_786 = tpu.vector_load %arg21[%swap3A_784, %swap3A_785] {strides = array<i32>} : memref<16x528xf32, #tpu.memory_space<vmem>>, vector<16xf32>,
      tpu.vector_store %arg21[%swap3A_784, %swap3A_785], %broadcast_in_dim3A_1 {strides = array<i32>} : memref<16x528xf32, #tpu.memory_space<vmem>>, vector<16xf32>,
      %scan3A_787 = arith.constant 0 : i32
      scf.yield %scan3A_787 : i32
    }
    %scan3A_39 = arith.constant 16 : i32
    %scan3A_40 = arith.constant 0 : i32
    %scan3A_41 = arith.constant 0 : i32
    %scan3A_42 = arith.constant 16 : i32
    %scan3A_43 = arith.addi %scan3A_41, %scan3A_42 : i32
    %scan3A_44 = arith.constant 1 : i32
    %scan3A_45 = scf.for %scan3A_687 = %scan3A_41 to %scan3A_43 step %scan3A_44 iter_args(%scan3A_688 = %scan3A_40) -> (i32)  : i32 {
      %swap3A = arith.index_cast %scan3A_687 : i32 to index
      %swap3A_689 = arith.constant 0 : index
      %swap3A_690 = tpu.vector_load %arg22[%swap3A, %swap3A_689] {strides = array<i32>} : memref<16x528xf32, #tpu.memory_space<vmem>>, vector<16xf32>,
      tpu.vector_store %arg22[%swap3A, %swap3A_689], %broadcast_in_dim3A_1 {strides = array<i32>} : memref<16x528xf32, #tpu.memory_space<vmem>>, vector<16xf32>,
      %swap3A_691 = arith.index_cast %scan3A_687 : i32 to index
      %swap3A_692 = arith.constant 16 : index
      %swap3A_693 = tpu.vector_load %arg22[%swap3A_691, %swap3A_692] {strides = array<i32>} : memref<16x528xf32, #tpu.memory_space<vmem>>, vector<16xf32>,
      tpu.vector_store %arg22[%swap3A_691, %swap3A_692], %broadcast_in_dim3A_1 {strides = array<i32>} : memref<16x528xf32, #tpu.memory_space<vmem>>, vector<16xf32>,
      %swap3A_694 = arith.index_cast %scan3A_687 : i32 to index
      %swap3A_695 = arith.constant 32 : index
      %swap3A_696 = tpu.vector_load %arg22[%swap3A_694, %swap3A_695] {strides = array<i32>} : memref<16x528xf32, #tpu.memory_space<vmem>>, vector<16xf32>,
      tpu.vector_store %arg22[%swap3A_694, %swap3A_695], %broadcast_in_dim3A_1 {strides = array<i32>} : memref<16x528xf32, #tpu.memory_space<vmem>>, vector<16xf32>,
      %swap3A_697 = arith.index_cast %scan3A_687 : i32 to index
      %swap3A_698 = arith.constant 48 : index
      %swap3A_699 = tpu.vector_load %arg22[%swap3A_697, %swap3A_698] {strides = array<i32>} : memref<16x528xf32, #tpu.memory_space<vmem>>, vector<16xf32>,
      tpu.vector_store %arg22[%swap3A_697, %swap3A_698], %broadcast_in_dim3A_1 {strides = array<i32>} : memref<16x528xf32, #tpu.memory_space<vmem>>, vector<16xf32>,
      %swap3A_700 = arith.index_cast %scan3A_687 : i32 to index
      %swap3A_701 = arith.constant 64 : index
      %swap3A_702 = tpu.vector_load %arg22[%swap3A_700, %swap3A_701] {strides = array<i32>} : memref<16x528xf32, #tpu.memory_space<vmem>>, vector<16xf32>,
      tpu.vector_store %arg22[%swap3A_700, %swap3A_701], %broadcast_in_dim3A_1 {strides = array<i32>} : memref<16x528xf32, #tpu.memory_space<vmem>>, vector<16xf32>,
      %swap3A_703 = arith.index_cast %scan3A_687 : i32 to index
      %swap3A_704 = arith.constant 80 : index
      %swap3A_705 = tpu.vector_load %arg22[%swap3A_703, %swap3A_704] {strides = array<i32>} : memref<16x528xf32, #tpu.memory_space<vmem>>, vector<16xf32>,
      tpu.vector_store %arg22[%swap3A_703, %swap3A_704], %broadcast_in_dim3A_1 {strides = array<i32>} : memref<16x528xf32, #tpu.memory_space<vmem>>, vector<16xf32>,
      %swap3A_706 = arith.index_cast %scan3A_687 : i32 to index
      %swap3A_707 = arith.constant 96 : index
      %swap3A_708 = tpu.vector_load %arg22[%swap3A_706, %swap3A_707] {strides = array<i32>} : memref<16x528xf32, #tpu.memory_space<vmem>>, vector<16xf32>,
      tpu.vector_store %arg22[%swap3A_706, %swap3A_707], %broadcast_in_dim3A_1 {strides = array<i32>} : memref<16x528xf32, #tpu.memory_space<vmem>>, vector<16xf32>,
      %swap3A_709 = arith.index_cast %scan3A_687 : i32 to index
      %swap3A_710 = arith.constant 112 : index
      %swap3A_711 = tpu.vector_load %arg22[%swap3A_709, %swap3A_710] {strides = array<i32>} : memref<16x528xf32, #tpu.memory_space<vmem>>, vector<16xf32>,
      tpu.vector_store %arg22[%swap3A_709, %swap3A_710], %broadcast_in_dim3A_1 {strides = array<i32>} : memref<16x528xf32, #tpu.memory_space<vmem>>, vector<16xf32>,
      %swap3A_712 = arith.index_cast %scan3A_687 : i32 to index
      %swap3A_713 = arith.constant 128 : index
      %swap3A_714 = tpu.vector_load %arg22[%swap3A_712, %swap3A_713] {strides = array<i32>} : memref<16x528xf32, #tpu.memory_space<vmem>>, vector<16xf32>,
      tpu.vector_store %arg22[%swap3A_712, %swap3A_713], %broadcast_in_dim3A_1 {strides = array<i32>} : memref<16x528xf32, #tpu.memory_space<vmem>>, vector<16xf32>,
      %swap3A_715 = arith.index_cast %scan3A_687 : i32 to index
      %swap3A_716 = arith.constant 144 : index
      %swap3A_717 = tpu.vector_load %arg22[%swap3A_715, %swap3A_716] {strides = array<i32>} : memref<16x528xf32, #tpu.memory_space<vmem>>, vector<16xf32>,
      tpu.vector_store %arg22[%swap3A_715, %swap3A_716], %broadcast_in_dim3A_1 {strides = array<i32>} : memref<16x528xf32, #tpu.memory_space<vmem>>, vector<16xf32>,
      %swap3A_718 = arith.index_cast %scan3A_687 : i32 to index
      %swap3A_719 = arith.constant 160 : index
      %swap3A_720 = tpu.vector_load %arg22[%swap3A_718, %swap3A_719] {strides = array<i32>} : memref<16x528xf32, #tpu.memory_space<vmem>>, vector<16xf32>,
      tpu.vector_store %arg22[%swap3A_718, %swap3A_719], %broadcast_in_dim3A_1 {strides = array<i32>} : memref<16x528xf32, #tpu.memory_space<vmem>>, vector<16xf32>,
      %swap3A_721 = arith.index_cast %scan3A_687 : i32 to index
      %swap3A_722 = arith.constant 176 : index
      %swap3A_723 = tpu.vector_load %arg22[%swap3A_721, %swap3A_722] {strides = array<i32>} : memref<16x528xf32, #tpu.memory_space<vmem>>, vector<16xf32>,
      tpu.vector_store %arg22[%swap3A_721, %swap3A_722], %broadcast_in_dim3A_1 {strides = array<i32>} : memref<16x528xf32, #tpu.memory_space<vmem>>, vector<16xf32>,
      %swap3A_724 = arith.index_cast %scan3A_687 : i32 to index
      %swap3A_725 = arith.constant 192 : index
      %swap3A_726 = tpu.vector_load %arg22[%swap3A_724, %swap3A_725] {strides = array<i32>} : memref<16x528xf32, #tpu.memory_space<vmem>>, vector<16xf32>,
      tpu.vector_store %arg22[%swap3A_724, %swap3A_725], %broadcast_in_dim3A_1 {strides = array<i32>} : memref<16x528xf32, #tpu.memory_space<vmem>>, vector<16xf32>,
      %swap3A_727 = arith.index_cast %scan3A_687 : i32 to index
      %swap3A_728 = arith.constant 208 : index
      %swap3A_729 = tpu.vector_load %arg22[%swap3A_727, %swap3A_728] {strides = array<i32>} : memref<16x528xf32, #tpu.memory_space<vmem>>, vector<16xf32>,
      tpu.vector_store %arg22[%swap3A_727, %swap3A_728], %broadcast_in_dim3A_1 {strides = array<i32>} : memref<16x528xf32, #tpu.memory_space<vmem>>, vector<16xf32>,
      %swap3A_730 = arith.index_cast %scan3A_687 : i32 to index
      %swap3A_731 = arith.constant 224 : index
      %swap3A_732 = tpu.vector_load %arg22[%swap3A_730, %swap3A_731] {strides = array<i32>} : memref<16x528xf32, #tpu.memory_space<vmem>>, vector<16xf32>,
      tpu.vector_store %arg22[%swap3A_730, %swap3A_731], %broadcast_in_dim3A_1 {strides = array<i32>} : memref<16x528xf32, #tpu.memory_space<vmem>>, vector<16xf32>,
      %swap3A_733 = arith.index_cast %scan3A_687 : i32 to index
      %swap3A_734 = arith.constant 240 : index
      %swap3A_735 = tpu.vector_load %arg22[%swap3A_733, %swap3A_734] {strides = array<i32>} : memref<16x528xf32, #tpu.memory_space<vmem>>, vector<16xf32>,
      tpu.vector_store %arg22[%swap3A_733, %swap3A_734], %broadcast_in_dim3A_1 {strides = array<i32>} : memref<16x528xf32, #tpu.memory_space<vmem>>, vector<16xf32>,
      %swap3A_736 = arith.index_cast %scan3A_687 : i32 to index
      %swap3A_737 = arith.constant 256 : index
      %swap3A_738 = tpu.vector_load %arg22[%swap3A_736, %swap3A_737] {strides = array<i32>} : memref<16x528xf32, #tpu.memory_space<vmem>>, vector<16xf32>,
      tpu.vector_store %arg22[%swap3A_736, %swap3A_737], %broadcast_in_dim3A_1 {strides = array<i32>} : memref<16x528xf32, #tpu.memory_space<vmem>>, vector<16xf32>,
      %swap3A_739 = arith.index_cast %scan3A_687 : i32 to index
      %swap3A_740 = arith.constant 272 : index
      %swap3A_741 = tpu.vector_load %arg22[%swap3A_739, %swap3A_740] {strides = array<i32>} : memref<16x528xf32, #tpu.memory_space<vmem>>, vector<16xf32>,
      tpu.vector_store %arg22[%swap3A_739, %swap3A_740], %broadcast_in_dim3A_1 {strides = array<i32>} : memref<16x528xf32, #tpu.memory_space<vmem>>, vector<16xf32>,
      %swap3A_742 = arith.index_cast %scan3A_687 : i32 to index
      %swap3A_743 = arith.constant 288 : index
      %swap3A_744 = tpu.vector_load %arg22[%swap3A_742, %swap3A_743] {strides = array<i32>} : memref<16x528xf32, #tpu.memory_space<vmem>>, vector<16xf32>,
      tpu.vector_store %arg22[%swap3A_742, %swap3A_743], %broadcast_in_dim3A_1 {strides = array<i32>} : memref<16x528xf32, #tpu.memory_space<vmem>>, vector<16xf32>,
      %swap3A_745 = arith.index_cast %scan3A_687 : i32 to index
      %swap3A_746 = arith.constant 304 : index
      %swap3A_747 = tpu.vector_load %arg22[%swap3A_745, %swap3A_746] {strides = array<i32>} : memref<16x528xf32, #tpu.memory_space<vmem>>, vector<16xf32>,
      tpu.vector_store %arg22[%swap3A_745, %swap3A_746], %broadcast_in_dim3A_1 {strides = array<i32>} : memref<16x528xf32, #tpu.memory_space<vmem>>, vector<16xf32>,
      %swap3A_748 = arith.index_cast %scan3A_687 : i32 to index
      %swap3A_749 = arith.constant 320 : index
      %swap3A_750 = tpu.vector_load %arg22[%swap3A_748, %swap3A_749] {strides = array<i32>} : memref<16x528xf32, #tpu.memory_space<vmem>>, vector<16xf32>,
      tpu.vector_store %arg22[%swap3A_748, %swap3A_749], %broadcast_in_dim3A_1 {strides = array<i32>} : memref<16x528xf32, #tpu.memory_space<vmem>>, vector<16xf32>,
      %swap3A_751 = arith.index_cast %scan3A_687 : i32 to index
      %swap3A_752 = arith.constant 336 : index
      %swap3A_753 = tpu.vector_load %arg22[%swap3A_751, %swap3A_752] {strides = array<i32>} : memref<16x528xf32, #tpu.memory_space<vmem>>, vector<16xf32>,
      tpu.vector_store %arg22[%swap3A_751, %swap3A_752], %broadcast_in_dim3A_1 {strides = array<i32>} : memref<16x528xf32, #tpu.memory_space<vmem>>, vector<16xf32>,
      %swap3A_754 = arith.index_cast %scan3A_687 : i32 to index
      %swap3A_755 = arith.constant 352 : index
      %swap3A_756 = tpu.vector_load %arg22[%swap3A_754, %swap3A_755] {strides = array<i32>} : memref<16x528xf32, #tpu.memory_space<vmem>>, vector<16xf32>,
      tpu.vector_store %arg22[%swap3A_754, %swap3A_755], %broadcast_in_dim3A_1 {strides = array<i32>} : memref<16x528xf32, #tpu.memory_space<vmem>>, vector<16xf32>,
      %swap3A_757 = arith.index_cast %scan3A_687 : i32 to index
      %swap3A_758 = arith.constant 368 : index
      %swap3A_759 = tpu.vector_load %arg22[%swap3A_757, %swap3A_758] {strides = array<i32>} : memref<16x528xf32, #tpu.memory_space<vmem>>, vector<16xf32>,
      tpu.vector_store %arg22[%swap3A_757, %swap3A_758], %broadcast_in_dim3A_1 {strides = array<i32>} : memref<16x528xf32, #tpu.memory_space<vmem>>, vector<16xf32>,
      %swap3A_760 = arith.index_cast %scan3A_687 : i32 to index
      %swap3A_761 = arith.constant 384 : index
      %swap3A_762 = tpu.vector_load %arg22[%swap3A_760, %swap3A_761] {strides = array<i32>} : memref<16x528xf32, #tpu.memory_space<vmem>>, vector<16xf32>,
      tpu.vector_store %arg22[%swap3A_760, %swap3A_761], %broadcast_in_dim3A_1 {strides = array<i32>} : memref<16x528xf32, #tpu.memory_space<vmem>>, vector<16xf32>,
      %swap3A_763 = arith.index_cast %scan3A_687 : i32 to index
      %swap3A_764 = arith.constant 400 : index
      %swap3A_765 = tpu.vector_load %arg22[%swap3A_763, %swap3A_764] {strides = array<i32>} : memref<16x528xf32, #tpu.memory_space<vmem>>, vector<16xf32>,
      tpu.vector_store %arg22[%swap3A_763, %swap3A_764], %broadcast_in_dim3A_1 {strides = array<i32>} : memref<16x528xf32, #tpu.memory_space<vmem>>, vector<16xf32>,
      %swap3A_766 = arith.index_cast %scan3A_687 : i32 to index
      %swap3A_767 = arith.constant 416 : index
      %swap3A_768 = tpu.vector_load %arg22[%swap3A_766, %swap3A_767] {strides = array<i32>} : memref<16x528xf32, #tpu.memory_space<vmem>>, vector<16xf32>,
      tpu.vector_store %arg22[%swap3A_766, %swap3A_767], %broadcast_in_dim3A_1 {strides = array<i32>} : memref<16x528xf32, #tpu.memory_space<vmem>>, vector<16xf32>,
      %swap3A_769 = arith.index_cast %scan3A_687 : i32 to index
      %swap3A_770 = arith.constant 432 : index
      %swap3A_771 = tpu.vector_load %arg22[%swap3A_769, %swap3A_770] {strides = array<i32>} : memref<16x528xf32, #tpu.memory_space<vmem>>, vector<16xf32>,
      tpu.vector_store %arg22[%swap3A_769, %swap3A_770], %broadcast_in_dim3A_1 {strides = array<i32>} : memref<16x528xf32, #tpu.memory_space<vmem>>, vector<16xf32>,
      %swap3A_772 = arith.index_cast %scan3A_687 : i32 to index
      %swap3A_773 = arith.constant 448 : index
      %swap3A_774 = tpu.vector_load %arg22[%swap3A_772, %swap3A_773] {strides = array<i32>} : memref<16x528xf32, #tpu.memory_space<vmem>>, vector<16xf32>,
      tpu.vector_store %arg22[%swap3A_772, %swap3A_773], %broadcast_in_dim3A_1 {strides = array<i32>} : memref<16x528xf32, #tpu.memory_space<vmem>>, vector<16xf32>,
      %swap3A_775 = arith.index_cast %scan3A_687 : i32 to index
      %swap3A_776 = arith.constant 464 : index
      %swap3A_777 = tpu.vector_load %arg22[%swap3A_775, %swap3A_776] {strides = array<i32>} : memref<16x528xf32, #tpu.memory_space<vmem>>, vector<16xf32>,
      tpu.vector_store %arg22[%swap3A_775, %swap3A_776], %broadcast_in_dim3A_1 {strides = array<i32>} : memref<16x528xf32, #tpu.memory_space<vmem>>, vector<16xf32>,
      %swap3A_778 = arith.index_cast %scan3A_687 : i32 to index
      %swap3A_779 = arith.constant 480 : index
      %swap3A_780 = tpu.vector_load %arg22[%swap3A_778, %swap3A_779] {strides = array<i32>} : memref<16x528xf32, #tpu.memory_space<vmem>>, vector<16xf32>,
      tpu.vector_store %arg22[%swap3A_778, %swap3A_779], %broadcast_in_dim3A_1 {strides = array<i32>} : memref<16x528xf32, #tpu.memory_space<vmem>>, vector<16xf32>,
      %swap3A_781 = arith.index_cast %scan3A_687 : i32 to index
      %swap3A_782 = arith.constant 496 : index
      %swap3A_783 = tpu.vector_load %arg22[%swap3A_781, %swap3A_782] {strides = array<i32>} : memref<16x528xf32, #tpu.memory_space<vmem>>, vector<16xf32>,
      tpu.vector_store %arg22[%swap3A_781, %swap3A_782], %broadcast_in_dim3A_1 {strides = array<i32>} : memref<16x528xf32, #tpu.memory_space<vmem>>, vector<16xf32>,
      %swap3A_784 = arith.index_cast %scan3A_687 : i32 to index
      %swap3A_785 = arith.constant 512 : index
      %swap3A_786 = tpu.vector_load %arg22[%swap3A_784, %swap3A_785] {strides = array<i32>} : memref<16x528xf32, #tpu.memory_space<vmem>>, vector<16xf32>,
      tpu.vector_store %arg22[%swap3A_784, %swap3A_785], %broadcast_in_dim3A_1 {strides = array<i32>} : memref<16x528xf32, #tpu.memory_space<vmem>>, vector<16xf32>,
      %scan3A_787 = arith.constant 0 : i32
      scf.yield %scan3A_787 : i32
    }
    %scan3A_46 = arith.constant 16 : i32
    %scan3A_47 = arith.constant 0 : i32
    %scan3A_48 = arith.constant 0 : i32
    %scan3A_49 = arith.constant 16 : i32
    %scan3A_50 = arith.addi %scan3A_48, %scan3A_49 : i32
    %scan3A_51 = arith.constant 1 : i32
    %scan3A_52 = scf.for %scan3A_687 = %scan3A_48 to %scan3A_50 step %scan3A_51 iter_args(%scan3A_688 = %scan3A_47) -> (i32)  : i32 {
      %swap3A = arith.index_cast %scan3A_687 : i32 to index
      %swap3A_689 = arith.constant 0 : index
      %swap3A_690 = tpu.vector_load %arg23[%swap3A, %swap3A_689] {strides = array<i32>} : memref<16x528xf32, #tpu.memory_space<vmem>>, vector<16xf32>,
      tpu.vector_store %arg23[%swap3A, %swap3A_689], %broadcast_in_dim3A_1 {strides = array<i32>} : memref<16x528xf32, #tpu.memory_space<vmem>>, vector<16xf32>,
      %swap3A_691 = arith.index_cast %scan3A_687 : i32 to index
      %swap3A_692 = arith.constant 16 : index
      %swap3A_693 = tpu.vector_load %arg23[%swap3A_691, %swap3A_692] {strides = array<i32>} : memref<16x528xf32, #tpu.memory_space<vmem>>, vector<16xf32>,
      tpu.vector_store %arg23[%swap3A_691, %swap3A_692], %broadcast_in_dim3A_1 {strides = array<i32>} : memref<16x528xf32, #tpu.memory_space<vmem>>, vector<16xf32>,
      %swap3A_694 = arith.index_cast %scan3A_687 : i32 to index
      %swap3A_695 = arith.constant 32 : index
      %swap3A_696 = tpu.vector_load %arg23[%swap3A_694, %swap3A_695] {strides = array<i32>} : memref<16x528xf32, #tpu.memory_space<vmem>>, vector<16xf32>,
      tpu.vector_store %arg23[%swap3A_694, %swap3A_695], %broadcast_in_dim3A_1 {strides = array<i32>} : memref<16x528xf32, #tpu.memory_space<vmem>>, vector<16xf32>,
      %swap3A_697 = arith.index_cast %scan3A_687 : i32 to index
      %swap3A_698 = arith.constant 48 : index
      %swap3A_699 = tpu.vector_load %arg23[%swap3A_697, %swap3A_698] {strides = array<i32>} : memref<16x528xf32, #tpu.memory_space<vmem>>, vector<16xf32>,
      tpu.vector_store %arg23[%swap3A_697, %swap3A_698], %broadcast_in_dim3A_1 {strides = array<i32>} : memref<16x528xf32, #tpu.memory_space<vmem>>, vector<16xf32>,
      %swap3A_700 = arith.index_cast %scan3A_687 : i32 to index
      %swap3A_701 = arith.constant 64 : index
      %swap3A_702 = tpu.vector_load %arg23[%swap3A_700, %swap3A_701] {strides = array<i32>} : memref<16x528xf32, #tpu.memory_space<vmem>>, vector<16xf32>,
      tpu.vector_store %arg23[%swap3A_700, %swap3A_701], %broadcast_in_dim3A_1 {strides = array<i32>} : memref<16x528xf32, #tpu.memory_space<vmem>>, vector<16xf32>,
      %swap3A_703 = arith.index_cast %scan3A_687 : i32 to index
      %swap3A_704 = arith.constant 80 : index
      %swap3A_705 = tpu.vector_load %arg23[%swap3A_703, %swap3A_704] {strides = array<i32>} : memref<16x528xf32, #tpu.memory_space<vmem>>, vector<16xf32>,
      tpu.vector_store %arg23[%swap3A_703, %swap3A_704], %broadcast_in_dim3A_1 {strides = array<i32>} : memref<16x528xf32, #tpu.memory_space<vmem>>, vector<16xf32>,
      %swap3A_706 = arith.index_cast %scan3A_687 : i32 to index
      %swap3A_707 = arith.constant 96 : index
      %swap3A_708 = tpu.vector_load %arg23[%swap3A_706, %swap3A_707] {strides = array<i32>} : memref<16x528xf32, #tpu.memory_space<vmem>>, vector<16xf32>,
      tpu.vector_store %arg23[%swap3A_706, %swap3A_707], %broadcast_in_dim3A_1 {strides = array<i32>} : memref<16x528xf32, #tpu.memory_space<vmem>>, vector<16xf32>,
      %swap3A_709 = arith.index_cast %scan3A_687 : i32 to index
      %swap3A_710 = arith.constant 112 : index
      %swap3A_711 = tpu.vector_load %arg23[%swap3A_709, %swap3A_710] {strides = array<i32>} : memref<16x528xf32, #tpu.memory_space<vmem>>, vector<16xf32>,
      tpu.vector_store %arg23[%swap3A_709, %swap3A_710], %broadcast_in_dim3A_1 {strides = array<i32>} : memref<16x528xf32, #tpu.memory_space<vmem>>, vector<16xf32>,
      %swap3A_712 = arith.index_cast %scan3A_687 : i32 to index
      %swap3A_713 = arith.constant 128 : index
      %swap3A_714 = tpu.vector_load %arg23[%swap3A_712, %swap3A_713] {strides = array<i32>} : memref<16x528xf32, #tpu.memory_space<vmem>>, vector<16xf32>,
      tpu.vector_store %arg23[%swap3A_712, %swap3A_713], %broadcast_in_dim3A_1 {strides = array<i32>} : memref<16x528xf32, #tpu.memory_space<vmem>>, vector<16xf32>,
      %swap3A_715 = arith.index_cast %scan3A_687 : i32 to index
      %swap3A_716 = arith.constant 144 : index
      %swap3A_717 = tpu.vector_load %arg23[%swap3A_715, %swap3A_716] {strides = array<i32>} : memref<16x528xf32, #tpu.memory_space<vmem>>, vector<16xf32>,
      tpu.vector_store %arg23[%swap3A_715, %swap3A_716], %broadcast_in_dim3A_1 {strides = array<i32>} : memref<16x528xf32, #tpu.memory_space<vmem>>, vector<16xf32>,
      %swap3A_718 = arith.index_cast %scan3A_687 : i32 to index
      %swap3A_719 = arith.constant 160 : index
      %swap3A_720 = tpu.vector_load %arg23[%swap3A_718, %swap3A_719] {strides = array<i32>} : memref<16x528xf32, #tpu.memory_space<vmem>>, vector<16xf32>,
      tpu.vector_store %arg23[%swap3A_718, %swap3A_719], %broadcast_in_dim3A_1 {strides = array<i32>} : memref<16x528xf32, #tpu.memory_space<vmem>>, vector<16xf32>,
      %swap3A_721 = arith.index_cast %scan3A_687 : i32 to index
      %swap3A_722 = arith.constant 176 : index
      %swap3A_723 = tpu.vector_load %arg23[%swap3A_721, %swap3A_722] {strides = array<i32>} : memref<16x528xf32, #tpu.memory_space<vmem>>, vector<16xf32>,
      tpu.vector_store %arg23[%swap3A_721, %swap3A_722], %broadcast_in_dim3A_1 {strides = array<i32>} : memref<16x528xf32, #tpu.memory_space<vmem>>, vector<16xf32>,
      %swap3A_724 = arith.index_cast %scan3A_687 : i32 to index
      %swap3A_725 = arith.constant 192 : index
      %swap3A_726 = tpu.vector_load %arg23[%swap3A_724, %swap3A_725] {strides = array<i32>} : memref<16x528xf32, #tpu.memory_space<vmem>>, vector<16xf32>,
      tpu.vector_store %arg23[%swap3A_724, %swap3A_725], %broadcast_in_dim3A_1 {strides = array<i32>} : memref<16x528xf32, #tpu.memory_space<vmem>>, vector<16xf32>,
      %swap3A_727 = arith.index_cast %scan3A_687 : i32 to index
      %swap3A_728 = arith.constant 208 : index
      %swap3A_729 = tpu.vector_load %arg23[%swap3A_727, %swap3A_728] {strides = array<i32>} : memref<16x528xf32, #tpu.memory_space<vmem>>, vector<16xf32>,
      tpu.vector_store %arg23[%swap3A_727, %swap3A_728], %broadcast_in_dim3A_1 {strides = array<i32>} : memref<16x528xf32, #tpu.memory_space<vmem>>, vector<16xf32>,
      %swap3A_730 = arith.index_cast %scan3A_687 : i32 to index
      %swap3A_731 = arith.constant 224 : index
      %swap3A_732 = tpu.vector_load %arg23[%swap3A_730, %swap3A_731] {strides = array<i32>} : memref<16x528xf32, #tpu.memory_space<vmem>>, vector<16xf32>,
      tpu.vector_store %arg23[%swap3A_730, %swap3A_731], %broadcast_in_dim3A_1 {strides = array<i32>} : memref<16x528xf32, #tpu.memory_space<vmem>>, vector<16xf32>,
      %swap3A_733 = arith.index_cast %scan3A_687 : i32 to index
      %swap3A_734 = arith.constant 240 : index
      %swap3A_735 = tpu.vector_load %arg23[%swap3A_733, %swap3A_734] {strides = array<i32>} : memref<16x528xf32, #tpu.memory_space<vmem>>, vector<16xf32>,
      tpu.vector_store %arg23[%swap3A_733, %swap3A_734], %broadcast_in_dim3A_1 {strides = array<i32>} : memref<16x528xf32, #tpu.memory_space<vmem>>, vector<16xf32>,
      %swap3A_736 = arith.index_cast %scan3A_687 : i32 to index
      %swap3A_737 = arith.constant 256 : index
      %swap3A_738 = tpu.vector_load %arg23[%swap3A_736, %swap3A_737] {strides = array<i32>} : memref<16x528xf32, #tpu.memory_space<vmem>>, vector<16xf32>,
      tpu.vector_store %arg23[%swap3A_736, %swap3A_737], %broadcast_in_dim3A_1 {strides = array<i32>} : memref<16x528xf32, #tpu.memory_space<vmem>>, vector<16xf32>,
      %swap3A_739 = arith.index_cast %scan3A_687 : i32 to index
      %swap3A_740 = arith.constant 272 : index
      %swap3A_741 = tpu.vector_load %arg23[%swap3A_739, %swap3A_740] {strides = array<i32>} : memref<16x528xf32, #tpu.memory_space<vmem>>, vector<16xf32>,
      tpu.vector_store %arg23[%swap3A_739, %swap3A_740], %broadcast_in_dim3A_1 {strides = array<i32>} : memref<16x528xf32, #tpu.memory_space<vmem>>, vector<16xf32>,
      %swap3A_742 = arith.index_cast %scan3A_687 : i32 to index
      %swap3A_743 = arith.constant 288 : index
      %swap3A_744 = tpu.vector_load %arg23[%swap3A_742, %swap3A_743] {strides = array<i32>} : memref<16x528xf32, #tpu.memory_space<vmem>>, vector<16xf32>,
      tpu.vector_store %arg23[%swap3A_742, %swap3A_743], %broadcast_in_dim3A_1 {strides = array<i32>} : memref<16x528xf32, #tpu.memory_space<vmem>>, vector<16xf32>,
      %swap3A_745 = arith.index_cast %scan3A_687 : i32 to index
      %swap3A_746 = arith.constant 304 : index
      %swap3A_747 = tpu.vector_load %arg23[%swap3A_745, %swap3A_746] {strides = array<i32>} : memref<16x528xf32, #tpu.memory_space<vmem>>, vector<16xf32>,
      tpu.vector_store %arg23[%swap3A_745, %swap3A_746], %broadcast_in_dim3A_1 {strides = array<i32>} : memref<16x528xf32, #tpu.memory_space<vmem>>, vector<16xf32>,
      %swap3A_748 = arith.index_cast %scan3A_687 : i32 to index
      %swap3A_749 = arith.constant 320 : index
      %swap3A_750 = tpu.vector_load %arg23[%swap3A_748, %swap3A_749] {strides = array<i32>} : memref<16x528xf32, #tpu.memory_space<vmem>>, vector<16xf32>,
      tpu.vector_store %arg23[%swap3A_748, %swap3A_749], %broadcast_in_dim3A_1 {strides = array<i32>} : memref<16x528xf32, #tpu.memory_space<vmem>>, vector<16xf32>,
      %swap3A_751 = arith.index_cast %scan3A_687 : i32 to index
      %swap3A_752 = arith.constant 336 : index
      %swap3A_753 = tpu.vector_load %arg23[%swap3A_751, %swap3A_752] {strides = array<i32>} : memref<16x528xf32, #tpu.memory_space<vmem>>, vector<16xf32>,
      tpu.vector_store %arg23[%swap3A_751, %swap3A_752], %broadcast_in_dim3A_1 {strides = array<i32>} : memref<16x528xf32, #tpu.memory_space<vmem>>, vector<16xf32>,
      %swap3A_754 = arith.index_cast %scan3A_687 : i32 to index
      %swap3A_755 = arith.constant 352 : index
      %swap3A_756 = tpu.vector_load %arg23[%swap3A_754, %swap3A_755] {strides = array<i32>} : memref<16x528xf32, #tpu.memory_space<vmem>>, vector<16xf32>,
      tpu.vector_store %arg23[%swap3A_754, %swap3A_755], %broadcast_in_dim3A_1 {strides = array<i32>} : memref<16x528xf32, #tpu.memory_space<vmem>>, vector<16xf32>,
      %swap3A_757 = arith.index_cast %scan3A_687 : i32 to index
      %swap3A_758 = arith.constant 368 : index
      %swap3A_759 = tpu.vector_load %arg23[%swap3A_757, %swap3A_758] {strides = array<i32>} : memref<16x528xf32, #tpu.memory_space<vmem>>, vector<16xf32>,
      tpu.vector_store %arg23[%swap3A_757, %swap3A_758], %broadcast_in_dim3A_1 {strides = array<i32>} : memref<16x528xf32, #tpu.memory_space<vmem>>, vector<16xf32>,
      %swap3A_760 = arith.index_cast %scan3A_687 : i32 to index
      %swap3A_761 = arith.constant 384 : index
      %swap3A_762 = tpu.vector_load %arg23[%swap3A_760, %swap3A_761] {strides = array<i32>} : memref<16x528xf32, #tpu.memory_space<vmem>>, vector<16xf32>,
      tpu.vector_store %arg23[%swap3A_760, %swap3A_761], %broadcast_in_dim3A_1 {strides = array<i32>} : memref<16x528xf32, #tpu.memory_space<vmem>>, vector<16xf32>,
      %swap3A_763 = arith.index_cast %scan3A_687 : i32 to index
      %swap3A_764 = arith.constant 400 : index
      %swap3A_765 = tpu.vector_load %arg23[%swap3A_763, %swap3A_764] {strides = array<i32>} : memref<16x528xf32, #tpu.memory_space<vmem>>, vector<16xf32>,
      tpu.vector_store %arg23[%swap3A_763, %swap3A_764], %broadcast_in_dim3A_1 {strides = array<i32>} : memref<16x528xf32, #tpu.memory_space<vmem>>, vector<16xf32>,
      %swap3A_766 = arith.index_cast %scan3A_687 : i32 to index
      %swap3A_767 = arith.constant 416 : index
      %swap3A_768 = tpu.vector_load %arg23[%swap3A_766, %swap3A_767] {strides = array<i32>} : memref<16x528xf32, #tpu.memory_space<vmem>>, vector<16xf32>,
      tpu.vector_store %arg23[%swap3A_766, %swap3A_767], %broadcast_in_dim3A_1 {strides = array<i32>} : memref<16x528xf32, #tpu.memory_space<vmem>>, vector<16xf32>,
      %swap3A_769 = arith.index_cast %scan3A_687 : i32 to index
      %swap3A_770 = arith.constant 432 : index
      %swap3A_771 = tpu.vector_load %arg23[%swap3A_769, %swap3A_770] {strides = array<i32>} : memref<16x528xf32, #tpu.memory_space<vmem>>, vector<16xf32>,
      tpu.vector_store %arg23[%swap3A_769, %swap3A_770], %broadcast_in_dim3A_1 {strides = array<i32>} : memref<16x528xf32, #tpu.memory_space<vmem>>, vector<16xf32>,
      %swap3A_772 = arith.index_cast %scan3A_687 : i32 to index
      %swap3A_773 = arith.constant 448 : index
      %swap3A_774 = tpu.vector_load %arg23[%swap3A_772, %swap3A_773] {strides = array<i32>} : memref<16x528xf32, #tpu.memory_space<vmem>>, vector<16xf32>,
      tpu.vector_store %arg23[%swap3A_772, %swap3A_773], %broadcast_in_dim3A_1 {strides = array<i32>} : memref<16x528xf32, #tpu.memory_space<vmem>>, vector<16xf32>,
      %swap3A_775 = arith.index_cast %scan3A_687 : i32 to index
      %swap3A_776 = arith.constant 464 : index
      %swap3A_777 = tpu.vector_load %arg23[%swap3A_775, %swap3A_776] {strides = array<i32>} : memref<16x528xf32, #tpu.memory_space<vmem>>, vector<16xf32>,
      tpu.vector_store %arg23[%swap3A_775, %swap3A_776], %broadcast_in_dim3A_1 {strides = array<i32>} : memref<16x528xf32, #tpu.memory_space<vmem>>, vector<16xf32>,
      %swap3A_778 = arith.index_cast %scan3A_687 : i32 to index
      %swap3A_779 = arith.constant 480 : index
      %swap3A_780 = tpu.vector_load %arg23[%swap3A_778, %swap3A_779] {strides = array<i32>} : memref<16x528xf32, #tpu.memory_space<vmem>>, vector<16xf32>,
      tpu.vector_store %arg23[%swap3A_778, %swap3A_779], %broadcast_in_dim3A_1 {strides = array<i32>} : memref<16x528xf32, #tpu.memory_space<vmem>>, vector<16xf32>,
      %swap3A_781 = arith.index_cast %scan3A_687 : i32 to index
      %swap3A_782 = arith.constant 496 : index
      %swap3A_783 = tpu.vector_load %arg23[%swap3A_781, %swap3A_782] {strides = array<i32>} : memref<16x528xf32, #tpu.memory_space<vmem>>, vector<16xf32>,
      tpu.vector_store %arg23[%swap3A_781, %swap3A_782], %broadcast_in_dim3A_1 {strides = array<i32>} : memref<16x528xf32, #tpu.memory_space<vmem>>, vector<16xf32>,
      %swap3A_784 = arith.index_cast %scan3A_687 : i32 to index
      %swap3A_785 = arith.constant 512 : index
      %swap3A_786 = tpu.vector_load %arg23[%swap3A_784, %swap3A_785] {strides = array<i32>} : memref<16x528xf32, #tpu.memory_space<vmem>>, vector<16xf32>,
      tpu.vector_store %arg23[%swap3A_784, %swap3A_785], %broadcast_in_dim3A_1 {strides = array<i32>} : memref<16x528xf32, #tpu.memory_space<vmem>>, vector<16xf32>,
      %scan3A_787 = arith.constant 0 : i32
      scf.yield %scan3A_787 : i32
    }
    %scan3A_53 = arith.constant 16 : i32
    %scan3A_54 = arith.constant 0 : i32
    %scan3A_55 = arith.constant 0 : i32
    %scan3A_56 = arith.constant 16 : i32
    %scan3A_57 = arith.addi %scan3A_55, %scan3A_56 : i32
    %scan3A_58 = arith.constant 1 : i32
    %scan3A_59 = scf.for %scan3A_687 = %scan3A_55 to %scan3A_57 step %scan3A_58 iter_args(%scan3A_688 = %scan3A_54) -> (i32)  : i32 {
      %swap3A = arith.index_cast %scan3A_687 : i32 to index
      %swap3A_689 = arith.constant 0 : index
      %swap3A_690 = tpu.vector_load %arg24[%swap3A, %swap3A_689] {strides = array<i32>} : memref<16x528xf32, #tpu.memory_space<vmem>>, vector<16xf32>,
      tpu.vector_store %arg24[%swap3A, %swap3A_689], %broadcast_in_dim3A_1 {strides = array<i32>} : memref<16x528xf32, #tpu.memory_space<vmem>>, vector<16xf32>,
      %swap3A_691 = arith.index_cast %scan3A_687 : i32 to index
      %swap3A_692 = arith.constant 16 : index
      %swap3A_693 = tpu.vector_load %arg24[%swap3A_691, %swap3A_692] {strides = array<i32>} : memref<16x528xf32, #tpu.memory_space<vmem>>, vector<16xf32>,
      tpu.vector_store %arg24[%swap3A_691, %swap3A_692], %broadcast_in_dim3A_1 {strides = array<i32>} : memref<16x528xf32, #tpu.memory_space<vmem>>, vector<16xf32>,
      %swap3A_694 = arith.index_cast %scan3A_687 : i32 to index
      %swap3A_695 = arith.constant 32 : index
      %swap3A_696 = tpu.vector_load %arg24[%swap3A_694, %swap3A_695] {strides = array<i32>} : memref<16x528xf32, #tpu.memory_space<vmem>>, vector<16xf32>,
      tpu.vector_store %arg24[%swap3A_694, %swap3A_695], %broadcast_in_dim3A_1 {strides = array<i32>} : memref<16x528xf32, #tpu.memory_space<vmem>>, vector<16xf32>,
      %swap3A_697 = arith.index_cast %scan3A_687 : i32 to index
      %swap3A_698 = arith.constant 48 : index
      %swap3A_699 = tpu.vector_load %arg24[%swap3A_697, %swap3A_698] {strides = array<i32>} : memref<16x528xf32, #tpu.memory_space<vmem>>, vector<16xf32>,
      tpu.vector_store %arg24[%swap3A_697, %swap3A_698], %broadcast_in_dim3A_1 {strides = array<i32>} : memref<16x528xf32, #tpu.memory_space<vmem>>, vector<16xf32>,
      %swap3A_700 = arith.index_cast %scan3A_687 : i32 to index
      %swap3A_701 = arith.constant 64 : index
      %swap3A_702 = tpu.vector_load %arg24[%swap3A_700, %swap3A_701] {strides = array<i32>} : memref<16x528xf32, #tpu.memory_space<vmem>>, vector<16xf32>,
      tpu.vector_store %arg24[%swap3A_700, %swap3A_701], %broadcast_in_dim3A_1 {strides = array<i32>} : memref<16x528xf32, #tpu.memory_space<vmem>>, vector<16xf32>,
      %swap3A_703 = arith.index_cast %scan3A_687 : i32 to index
      %swap3A_704 = arith.constant 80 : index
      %swap3A_705 = tpu.vector_load %arg24[%swap3A_703, %swap3A_704] {strides = array<i32>} : memref<16x528xf32, #tpu.memory_space<vmem>>, vector<16xf32>,
      tpu.vector_store %arg24[%swap3A_703, %swap3A_704], %broadcast_in_dim3A_1 {strides = array<i32>} : memref<16x528xf32, #tpu.memory_space<vmem>>, vector<16xf32>,
      %swap3A_706 = arith.index_cast %scan3A_687 : i32 to index
      %swap3A_707 = arith.constant 96 : index
      %swap3A_708 = tpu.vector_load %arg24[%swap3A_706, %swap3A_707] {strides = array<i32>} : memref<16x528xf32, #tpu.memory_space<vmem>>, vector<16xf32>,
      tpu.vector_store %arg24[%swap3A_706, %swap3A_707], %broadcast_in_dim3A_1 {strides = array<i32>} : memref<16x528xf32, #tpu.memory_space<vmem>>, vector<16xf32>,
      %swap3A_709 = arith.index_cast %scan3A_687 : i32 to index
      %swap3A_710 = arith.constant 112 : index
      %swap3A_711 = tpu.vector_load %arg24[%swap3A_709, %swap3A_710] {strides = array<i32>} : memref<16x528xf32, #tpu.memory_space<vmem>>, vector<16xf32>,
      tpu.vector_store %arg24[%swap3A_709, %swap3A_710], %broadcast_in_dim3A_1 {strides = array<i32>} : memref<16x528xf32, #tpu.memory_space<vmem>>, vector<16xf32>,
      %swap3A_712 = arith.index_cast %scan3A_687 : i32 to index
      %swap3A_713 = arith.constant 128 : index
      %swap3A_714 = tpu.vector_load %arg24[%swap3A_712, %swap3A_713] {strides = array<i32>} : memref<16x528xf32, #tpu.memory_space<vmem>>, vector<16xf32>,
      tpu.vector_store %arg24[%swap3A_712, %swap3A_713], %broadcast_in_dim3A_1 {strides = array<i32>} : memref<16x528xf32, #tpu.memory_space<vmem>>, vector<16xf32>,
      %swap3A_715 = arith.index_cast %scan3A_687 : i32 to index
      %swap3A_716 = arith.constant 144 : index
      %swap3A_717 = tpu.vector_load %arg24[%swap3A_715, %swap3A_716] {strides = array<i32>} : memref<16x528xf32, #tpu.memory_space<vmem>>, vector<16xf32>,
      tpu.vector_store %arg24[%swap3A_715, %swap3A_716], %broadcast_in_dim3A_1 {strides = array<i32>} : memref<16x528xf32, #tpu.memory_space<vmem>>, vector<16xf32>,
      %swap3A_718 = arith.index_cast %scan3A_687 : i32 to index
      %swap3A_719 = arith.constant 160 : index
      %swap3A_720 = tpu.vector_load %arg24[%swap3A_718, %swap3A_719] {strides = array<i32>} : memref<16x528xf32, #tpu.memory_space<vmem>>, vector<16xf32>,
      tpu.vector_store %arg24[%swap3A_718, %swap3A_719], %broadcast_in_dim3A_1 {strides = array<i32>} : memref<16x528xf32, #tpu.memory_space<vmem>>, vector<16xf32>,
      %swap3A_721 = arith.index_cast %scan3A_687 : i32 to index
      %swap3A_722 = arith.constant 176 : index
      %swap3A_723 = tpu.vector_load %arg24[%swap3A_721, %swap3A_722] {strides = array<i32>} : memref<16x528xf32, #tpu.memory_space<vmem>>, vector<16xf32>,
      tpu.vector_store %arg24[%swap3A_721, %swap3A_722], %broadcast_in_dim3A_1 {strides = array<i32>} : memref<16x528xf32, #tpu.memory_space<vmem>>, vector<16xf32>,
      %swap3A_724 = arith.index_cast %scan3A_687 : i32 to index
      %swap3A_725 = arith.constant 192 : index
      %swap3A_726 = tpu.vector_load %arg24[%swap3A_724, %swap3A_725] {strides = array<i32>} : memref<16x528xf32, #tpu.memory_space<vmem>>, vector<16xf32>,
      tpu.vector_store %arg24[%swap3A_724, %swap3A_725], %broadcast_in_dim3A_1 {strides = array<i32>} : memref<16x528xf32, #tpu.memory_space<vmem>>, vector<16xf32>,
      %swap3A_727 = arith.index_cast %scan3A_687 : i32 to index
      %swap3A_728 = arith.constant 208 : index
      %swap3A_729 = tpu.vector_load %arg24[%swap3A_727, %swap3A_728] {strides = array<i32>} : memref<16x528xf32, #tpu.memory_space<vmem>>, vector<16xf32>,
      tpu.vector_store %arg24[%swap3A_727, %swap3A_728], %broadcast_in_dim3A_1 {strides = array<i32>} : memref<16x528xf32, #tpu.memory_space<vmem>>, vector<16xf32>,
      %swap3A_730 = arith.index_cast %scan3A_687 : i32 to index
      %swap3A_731 = arith.constant 224 : index
      %swap3A_732 = tpu.vector_load %arg24[%swap3A_730, %swap3A_731] {strides = array<i32>} : memref<16x528xf32, #tpu.memory_space<vmem>>, vector<16xf32>,
      tpu.vector_store %arg24[%swap3A_730, %swap3A_731], %broadcast_in_dim3A_1 {strides = array<i32>} : memref<16x528xf32, #tpu.memory_space<vmem>>, vector<16xf32>,
      %swap3A_733 = arith.index_cast %scan3A_687 : i32 to index
      %swap3A_734 = arith.constant 240 : index
      %swap3A_735 = tpu.vector_load %arg24[%swap3A_733, %swap3A_734] {strides = array<i32>} : memref<16x528xf32, #tpu.memory_space<vmem>>, vector<16xf32>,
      tpu.vector_store %arg24[%swap3A_733, %swap3A_734], %broadcast_in_dim3A_1 {strides = array<i32>} : memref<16x528xf32, #tpu.memory_space<vmem>>, vector<16xf32>,
      %swap3A_736 = arith.index_cast %scan3A_687 : i32 to index
      %swap3A_737 = arith.constant 256 : index
      %swap3A_738 = tpu.vector_load %arg24[%swap3A_736, %swap3A_737] {strides = array<i32>} : memref<16x528xf32, #tpu.memory_space<vmem>>, vector<16xf32>,
      tpu.vector_store %arg24[%swap3A_736, %swap3A_737], %broadcast_in_dim3A_1 {strides = array<i32>} : memref<16x528xf32, #tpu.memory_space<vmem>>, vector<16xf32>,
      %swap3A_739 = arith.index_cast %scan3A_687 : i32 to index
      %swap3A_740 = arith.constant 272 : index
      %swap3A_741 = tpu.vector_load %arg24[%swap3A_739, %swap3A_740] {strides = array<i32>} : memref<16x528xf32, #tpu.memory_space<vmem>>, vector<16xf32>,
      tpu.vector_store %arg24[%swap3A_739, %swap3A_740], %broadcast_in_dim3A_1 {strides = array<i32>} : memref<16x528xf32, #tpu.memory_space<vmem>>, vector<16xf32>,
      %swap3A_742 = arith.index_cast %scan3A_687 : i32 to index
      %swap3A_743 = arith.constant 288 : index
      %swap3A_744 = tpu.vector_load %arg24[%swap3A_742, %swap3A_743] {strides = array<i32>} : memref<16x528xf32, #tpu.memory_space<vmem>>, vector<16xf32>,
      tpu.vector_store %arg24[%swap3A_742, %swap3A_743], %broadcast_in_dim3A_1 {strides = array<i32>} : memref<16x528xf32, #tpu.memory_space<vmem>>, vector<16xf32>,
      %swap3A_745 = arith.index_cast %scan3A_687 : i32 to index
      %swap3A_746 = arith.constant 304 : index
      %swap3A_747 = tpu.vector_load %arg24[%swap3A_745, %swap3A_746] {strides = array<i32>} : memref<16x528xf32, #tpu.memory_space<vmem>>, vector<16xf32>,
      tpu.vector_store %arg24[%swap3A_745, %swap3A_746], %broadcast_in_dim3A_1 {strides = array<i32>} : memref<16x528xf32, #tpu.memory_space<vmem>>, vector<16xf32>,
      %swap3A_748 = arith.index_cast %scan3A_687 : i32 to index
      %swap3A_749 = arith.constant 320 : index
      %swap3A_750 = tpu.vector_load %arg24[%swap3A_748, %swap3A_749] {strides = array<i32>} : memref<16x528xf32, #tpu.memory_space<vmem>>, vector<16xf32>,
      tpu.vector_store %arg24[%swap3A_748, %swap3A_749], %broadcast_in_dim3A_1 {strides = array<i32>} : memref<16x528xf32, #tpu.memory_space<vmem>>, vector<16xf32>,
      %swap3A_751 = arith.index_cast %scan3A_687 : i32 to index
      %swap3A_752 = arith.constant 336 : index
      %swap3A_753 = tpu.vector_load %arg24[%swap3A_751, %swap3A_752] {strides = array<i32>} : memref<16x528xf32, #tpu.memory_space<vmem>>, vector<16xf32>,
      tpu.vector_store %arg24[%swap3A_751, %swap3A_752], %broadcast_in_dim3A_1 {strides = array<i32>} : memref<16x528xf32, #tpu.memory_space<vmem>>, vector<16xf32>,
      %swap3A_754 = arith.index_cast %scan3A_687 : i32 to index
      %swap3A_755 = arith.constant 352 : index
      %swap3A_756 = tpu.vector_load %arg24[%swap3A_754, %swap3A_755] {strides = array<i32>} : memref<16x528xf32, #tpu.memory_space<vmem>>, vector<16xf32>,
      tpu.vector_store %arg24[%swap3A_754, %swap3A_755], %broadcast_in_dim3A_1 {strides = array<i32>} : memref<16x528xf32, #tpu.memory_space<vmem>>, vector<16xf32>,
      %swap3A_757 = arith.index_cast %scan3A_687 : i32 to index
      %swap3A_758 = arith.constant 368 : index
      %swap3A_759 = tpu.vector_load %arg24[%swap3A_757, %swap3A_758] {strides = array<i32>} : memref<16x528xf32, #tpu.memory_space<vmem>>, vector<16xf32>,
      tpu.vector_store %arg24[%swap3A_757, %swap3A_758], %broadcast_in_dim3A_1 {strides = array<i32>} : memref<16x528xf32, #tpu.memory_space<vmem>>, vector<16xf32>,
      %swap3A_760 = arith.index_cast %scan3A_687 : i32 to index
      %swap3A_761 = arith.constant 384 : index
      %swap3A_762 = tpu.vector_load %arg24[%swap3A_760, %swap3A_761] {strides = array<i32>} : memref<16x528xf32, #tpu.memory_space<vmem>>, vector<16xf32>,
      tpu.vector_store %arg24[%swap3A_760, %swap3A_761], %broadcast_in_dim3A_1 {strides = array<i32>} : memref<16x528xf32, #tpu.memory_space<vmem>>, vector<16xf32>,
      %swap3A_763 = arith.index_cast %scan3A_687 : i32 to index
      %swap3A_764 = arith.constant 400 : index
      %swap3A_765 = tpu.vector_load %arg24[%swap3A_763, %swap3A_764] {strides = array<i32>} : memref<16x528xf32, #tpu.memory_space<vmem>>, vector<16xf32>,
      tpu.vector_store %arg24[%swap3A_763, %swap3A_764], %broadcast_in_dim3A_1 {strides = array<i32>} : memref<16x528xf32, #tpu.memory_space<vmem>>, vector<16xf32>,
      %swap3A_766 = arith.index_cast %scan3A_687 : i32 to index
      %swap3A_767 = arith.constant 416 : index
      %swap3A_768 = tpu.vector_load %arg24[%swap3A_766, %swap3A_767] {strides = array<i32>} : memref<16x528xf32, #tpu.memory_space<vmem>>, vector<16xf32>,
      tpu.vector_store %arg24[%swap3A_766, %swap3A_767], %broadcast_in_dim3A_1 {strides = array<i32>} : memref<16x528xf32, #tpu.memory_space<vmem>>, vector<16xf32>,
      %swap3A_769 = arith.index_cast %scan3A_687 : i32 to index
      %swap3A_770 = arith.constant 432 : index
      %swap3A_771 = tpu.vector_load %arg24[%swap3A_769, %swap3A_770] {strides = array<i32>} : memref<16x528xf32, #tpu.memory_space<vmem>>, vector<16xf32>,
      tpu.vector_store %arg24[%swap3A_769, %swap3A_770], %broadcast_in_dim3A_1 {strides = array<i32>} : memref<16x528xf32, #tpu.memory_space<vmem>>, vector<16xf32>,
      %swap3A_772 = arith.index_cast %scan3A_687 : i32 to index
      %swap3A_773 = arith.constant 448 : index
      %swap3A_774 = tpu.vector_load %arg24[%swap3A_772, %swap3A_773] {strides = array<i32>} : memref<16x528xf32, #tpu.memory_space<vmem>>, vector<16xf32>,
      tpu.vector_store %arg24[%swap3A_772, %swap3A_773], %broadcast_in_dim3A_1 {strides = array<i32>} : memref<16x528xf32, #tpu.memory_space<vmem>>, vector<16xf32>,
      %swap3A_775 = arith.index_cast %scan3A_687 : i32 to index
      %swap3A_776 = arith.constant 464 : index
      %swap3A_777 = tpu.vector_load %arg24[%swap3A_775, %swap3A_776] {strides = array<i32>} : memref<16x528xf32, #tpu.memory_space<vmem>>, vector<16xf32>,
      tpu.vector_store %arg24[%swap3A_775, %swap3A_776], %broadcast_in_dim3A_1 {strides = array<i32>} : memref<16x528xf32, #tpu.memory_space<vmem>>, vector<16xf32>,
      %swap3A_778 = arith.index_cast %scan3A_687 : i32 to index
      %swap3A_779 = arith.constant 480 : index
      %swap3A_780 = tpu.vector_load %arg24[%swap3A_778, %swap3A_779] {strides = array<i32>} : memref<16x528xf32, #tpu.memory_space<vmem>>, vector<16xf32>,
      tpu.vector_store %arg24[%swap3A_778, %swap3A_779], %broadcast_in_dim3A_1 {strides = array<i32>} : memref<16x528xf32, #tpu.memory_space<vmem>>, vector<16xf32>,
      %swap3A_781 = arith.index_cast %scan3A_687 : i32 to index
      %swap3A_782 = arith.constant 496 : index
      %swap3A_783 = tpu.vector_load %arg24[%swap3A_781, %swap3A_782] {strides = array<i32>} : memref<16x528xf32, #tpu.memory_space<vmem>>, vector<16xf32>,
      tpu.vector_store %arg24[%swap3A_781, %swap3A_782], %broadcast_in_dim3A_1 {strides = array<i32>} : memref<16x528xf32, #tpu.memory_space<vmem>>, vector<16xf32>,
      %swap3A_784 = arith.index_cast %scan3A_687 : i32 to index
      %swap3A_785 = arith.constant 512 : index
      %swap3A_786 = tpu.vector_load %arg24[%swap3A_784, %swap3A_785] {strides = array<i32>} : memref<16x528xf32, #tpu.memory_space<vmem>>, vector<16xf32>,
      tpu.vector_store %arg24[%swap3A_784, %swap3A_785], %broadcast_in_dim3A_1 {strides = array<i32>} : memref<16x528xf32, #tpu.memory_space<vmem>>, vector<16xf32>,
      %scan3A_787 = arith.constant 0 : i32
      scf.yield %scan3A_787 : i32
    }
    %scan3A_60 = arith.constant 16 : i32
    %mul3A_61 = arith.constant 3136 : i32
    %mul3A_62 = arith.muli %add3A, %mul3A_61 : i32
    %mul3A_63 = arith.constant 3 : i32
    %mul3A_64 = arith.muli %mul3A_62, %mul3A_63 : i32
    "tpu.region"() ({
      %run_scoped3A = tpu.sem_alloc : memref<!tpu.dma_semaphore, #tpu.memory_space<semaphore_mem>>
      %dma_start3A_687 = tpu.memref_slice %arg5[%mul3A_64] : memref<301056xf32, #tpu.memory_space<hbm>> -> memref<9408xf32, #tpu.memory_space<hbm>>
      %dma_start3A_688 = tpu.memref_slice %arg5[%mul3A_64] : memref<301056xf32, #tpu.memory_space<hbm>> -> memref<9408xf32, #tpu.memory_space<hbm>>
      tpu.enqueue_dma source(%dma_start3A_688 : memref<9408xf32, #tpu.memory_space<hbm>>) target(%arg15 : memref<9408xf32, #tpu.memory_space<vmem>>) target_semaphore(%run_scoped3A : memref<!tpu.dma_semaphore, #tpu.memory_space<semaphore_mem>>)
      %dma_wait3A_689 = tpu.memref_slice %arg5[%mul3A_64] : memref<301056xf32, #tpu.memory_space<hbm>> -> memref<9408xf32, #tpu.memory_space<hbm>>
      %dma_wait3A_690 = tpu.memref_slice %arg5[%mul3A_64] : memref<301056xf32, #tpu.memory_space<hbm>> -> memref<9408xf32, #tpu.memory_space<hbm>>
      tpu.wait_dma2 semaphore(%run_scoped3A : memref<!tpu.dma_semaphore, #tpu.memory_space<semaphore_mem>>) src(%dma_wait3A_690 : memref<9408xf32, #tpu.memory_space<hbm>>) dst(%arg15 : memref<9408xf32, #tpu.memory_space<vmem>>)
      tpu.yield
    }) : () -> ()
    %mul3A_65 = arith.constant 3 : i32
    %mul3A_66 = arith.muli %mul3A_62, %mul3A_65 : i32
    "tpu.region"() ({
      %run_scoped3A = tpu.sem_alloc : memref<!tpu.dma_semaphore, #tpu.memory_space<semaphore_mem>>
      %dma_start3A_687 = tpu.memref_slice %arg6[%mul3A_66] : memref<301056xf32, #tpu.memory_space<hbm>> -> memref<9408xf32, #tpu.memory_space<hbm>>
      %dma_start3A_688 = tpu.memref_slice %arg6[%mul3A_66] : memref<301056xf32, #tpu.memory_space<hbm>> -> memref<9408xf32, #tpu.memory_space<hbm>>
      tpu.enqueue_dma source(%dma_start3A_688 : memref<9408xf32, #tpu.memory_space<hbm>>) target(%arg16 : memref<9408xf32, #tpu.memory_space<vmem>>) target_semaphore(%run_scoped3A : memref<!tpu.dma_semaphore, #tpu.memory_space<semaphore_mem>>)
      %dma_wait3A_689 = tpu.memref_slice %arg6[%mul3A_66] : memref<301056xf32, #tpu.memory_space<hbm>> -> memref<9408xf32, #tpu.memory_space<hbm>>
      %dma_wait3A_690 = tpu.memref_slice %arg6[%mul3A_66] : memref<301056xf32, #tpu.memory_space<hbm>> -> memref<9408xf32, #tpu.memory_space<hbm>>
      tpu.wait_dma2 semaphore(%run_scoped3A : memref<!tpu.dma_semaphore, #tpu.memory_space<semaphore_mem>>) src(%dma_wait3A_690 : memref<9408xf32, #tpu.memory_space<hbm>>) dst(%arg16 : memref<9408xf32, #tpu.memory_space<vmem>>)
      tpu.yield
    }) : () -> ()
    "tpu.region"() ({
      %run_scoped3A = tpu.sem_alloc : memref<!tpu.dma_semaphore, #tpu.memory_space<semaphore_mem>>
      %dma_start3A_687 = tpu.memref_slice %arg7[%mul3A_62] : memref<100352xi32, #tpu.memory_space<hbm>> -> memref<3136xi32, #tpu.memory_space<hbm>>
      %dma_start3A_688 = tpu.memref_slice %arg7[%mul3A_62] : memref<100352xi32, #tpu.memory_space<hbm>> -> memref<3136xi32, #tpu.memory_space<hbm>>
      tpu.enqueue_dma source(%dma_start3A_688 : memref<3136xi32, #tpu.memory_space<hbm>>) target(%arg17 : memref<3136xi32, #tpu.memory_space<vmem>>) target_semaphore(%run_scoped3A : memref<!tpu.dma_semaphore, #tpu.memory_space<semaphore_mem>>)
      %dma_wait3A_689 = tpu.memref_slice %arg7[%mul3A_62] : memref<100352xi32, #tpu.memory_space<hbm>> -> memref<3136xi32, #tpu.memory_space<hbm>>
      %dma_wait3A_690 = tpu.memref_slice %arg7[%mul3A_62] : memref<100352xi32, #tpu.memory_space<hbm>> -> memref<3136xi32, #tpu.memory_space<hbm>>
      tpu.wait_dma2 semaphore(%run_scoped3A : memref<!tpu.dma_semaphore, #tpu.memory_space<semaphore_mem>>) src(%dma_wait3A_690 : memref<3136xi32, #tpu.memory_space<hbm>>) dst(%arg17 : memref<3136xi32, #tpu.memory_space<vmem>>)
      tpu.yield
    }) : () -> ()
    %scan3A_67 = arith.constant 0 : i32
    %scan3A_68 = arith.constant 0 : i32
    %scan3A_69 = arith.constant 49 : i32
    %scan3A_70 = arith.addi %scan3A_68, %scan3A_69 : i32
    %scan3A_71 = arith.constant 1 : i32
    %scan3A_72 = scf.for %scan3A_687 = %scan3A_68 to %scan3A_70 step %scan3A_71 iter_args(%scan3A_688 = %scan3A_67) -> (i32)  : i32 {
      %mul3A_689 = arith.constant 64 : i32
      %mul3A_690 = arith.muli %scan3A_687, %mul3A_689 : i32
      %add3A_691 = arith.constant 0 : i32
      %add3A_692 = arith.addi %mul3A_690, %add3A_691 : i32
      %get3A = arith.index_cast %add3A_692 : i32 to index
      %get3A_693 = tpu.vector_load %arg17[%get3A] {strides = array<i32>} : memref<3136xi32, #tpu.memory_space<vmem>>, vector<16xi32>,
      %add3A_694 = vector.broadcast %add3A_692 : i32 to vector<16xi32>
      %add3A_695 = arith.addi %add3A_694, %iota3A : vector<16xi32>
      %mul3A_696 = arith.constant 3 : i32
      %mul3A_697 = vector.broadcast %mul3A_696 : i32 to vector<16xi32>
      %mul3A_698 = arith.muli %add3A_695, %mul3A_697 : vector<16xi32>
      %gather3A = tpu.vector_load_idx %arg15[%mul3A_698] : memref<9408xf32, #tpu.memory_space<vmem>>[vector<16xi32>], vector<16xf32>,
      %add3A_699 = arith.constant 1 : i32
      %add3A_700 = vector.broadcast %add3A_699 : i32 to vector<16xi32>
      %add3A_701 = arith.addi %mul3A_698, %add3A_700 : vector<16xi32>
      %gather3A_702 = tpu.vector_load_idx %arg15[%add3A_701] : memref<9408xf32, #tpu.memory_space<vmem>>[vector<16xi32>], vector<16xf32>,
      %add3A_703 = arith.constant 2 : i32
      %add3A_704 = vector.broadcast %add3A_703 : i32 to vector<16xi32>
      %add3A_705 = arith.addi %mul3A_698, %add3A_704 : vector<16xi32>
      %gather3A_706 = tpu.vector_load_idx %arg15[%add3A_705] : memref<9408xf32, #tpu.memory_space<vmem>>[vector<16xi32>], vector<16xf32>,
      %gather3A_707 = tpu.vector_load_idx %arg16[%mul3A_698] : memref<9408xf32, #tpu.memory_space<vmem>>[vector<16xi32>], vector<16xf32>,
      %add3A_708 = arith.constant 1 : i32
      %add3A_709 = vector.broadcast %add3A_708 : i32 to vector<16xi32>
      %add3A_710 = arith.addi %mul3A_698, %add3A_709 : vector<16xi32>
      %gather3A_711 = tpu.vector_load_idx %arg16[%add3A_710] : memref<9408xf32, #tpu.memory_space<vmem>>[vector<16xi32>], vector<16xf32>,
      %add3A_712 = arith.constant 2 : i32
      %add3A_713 = vector.broadcast %add3A_712 : i32 to vector<16xi32>
      %add3A_714 = arith.addi %mul3A_698, %add3A_713 : vector<16xi32>
      %gather3A_715 = tpu.vector_load_idx %arg16[%add3A_714] : memref<9408xf32, #tpu.memory_space<vmem>>[vector<16xi32>], vector<16xf32>,
      %sub3A = arith.subf %gather3A, %gather3A_707 : vector<16xf32>
      %sub3A_716 = arith.subf %gather3A_702, %gather3A_711 : vector<16xf32>
      %sub3A_717 = arith.subf %gather3A_706, %gather3A_715 : vector<16xf32>
      %mul3A_718 = arith.mulf %sub3A, %sub3A : vector<16xf32>
      %mul3A_719 = arith.mulf %sub3A_716, %sub3A_716 : vector<16xf32>
      %add3A_720 = arith.addf %mul3A_718, %mul3A_719 : vector<16xf32>
      %mul3A_721 = arith.mulf %sub3A_717, %sub3A_717 : vector<16xf32>
      %add3A_722 = arith.addf %add3A_720, %mul3A_721 : vector<16xf32>
      %mul3A_723 = arith.mulf %gather3A_707, %gather3A_707 : vector<16xf32>
      %mul3A_724 = arith.mulf %gather3A_711, %gather3A_711 : vector<16xf32>
      %add3A_725 = arith.addf %mul3A_723, %mul3A_724 : vector<16xf32>
      %mul3A_726 = arith.mulf %gather3A_715, %gather3A_715 : vector<16xf32>
      %add3A_727 = arith.addf %add3A_725, %mul3A_726 : vector<16xf32>
      %mul3A_728 = arith.mulf %gather3A, %gather3A : vector<16xf32>
      %mul3A_729 = arith.mulf %gather3A_702, %gather3A_702 : vector<16xf32>
      %add3A_730 = arith.addf %mul3A_728, %mul3A_729 : vector<16xf32>
      %mul3A_731 = arith.mulf %gather3A_706, %gather3A_706 : vector<16xf32>
      %add3A_732 = arith.addf %add3A_730, %mul3A_731 : vector<16xf32>
      tpu.vector_store_idx %arg18[%iota3A, %get3A_693], %add3A_722 {add = true} : memref<16x528xf32, #tpu.memory_space<vmem>>[vector<16xi32>, vector<16xi32>], vector<16xf32>,
      tpu.vector_store_idx %arg19[%iota3A, %get3A_693], %add3A_727 {add = true} : memref<16x528xf32, #tpu.memory_space<vmem>>[vector<16xi32>, vector<16xi32>], vector<16xf32>,
      tpu.vector_store_idx %arg20[%iota3A, %get3A_693], %add3A_732 {add = true} : memref<16x528xf32, #tpu.memory_space<vmem>>[vector<16xi32>, vector<16xi32>], vector<16xf32>,
      tpu.vector_store_idx %arg21[%iota3A, %get3A_693], %broadcast_in_dim3A_3 {add = true} : memref<16x528xf32, #tpu.memory_space<vmem>>[vector<16xi32>, vector<16xi32>], vector<16xf32>,
      %add3A_733 = arith.constant 16 : i32
      %add3A_734 = arith.addi %mul3A_690, %add3A_733 : i32
      %get3A_735 = arith.index_cast %add3A_734 : i32 to index
      %get3A_736 = tpu.vector_load %arg17[%get3A_735] {strides = array<i32>} : memref<3136xi32, #tpu.memory_space<vmem>>, vector<16xi32>,
      %add3A_737 = vector.broadcast %add3A_734 : i32 to vector<16xi32>
      %add3A_738 = arith.addi %add3A_737, %iota3A : vector<16xi32>
      %mul3A_739 = arith.constant 3 : i32
      %mul3A_740 = vector.broadcast %mul3A_739 : i32 to vector<16xi32>
      %mul3A_741 = arith.muli %add3A_738, %mul3A_740 : vector<16xi32>
      %gather3A_742 = tpu.vector_load_idx %arg15[%mul3A_741] : memref<9408xf32, #tpu.memory_space<vmem>>[vector<16xi32>], vector<16xf32>,
      %add3A_743 = arith.constant 1 : i32
      %add3A_744 = vector.broadcast %add3A_743 : i32 to vector<16xi32>
      %add3A_745 = arith.addi %mul3A_741, %add3A_744 : vector<16xi32>
      %gather3A_746 = tpu.vector_load_idx %arg15[%add3A_745] : memref<9408xf32, #tpu.memory_space<vmem>>[vector<16xi32>], vector<16xf32>,
      %add3A_747 = arith.constant 2 : i32
      %add3A_748 = vector.broadcast %add3A_747 : i32 to vector<16xi32>
      %add3A_749 = arith.addi %mul3A_741, %add3A_748 : vector<16xi32>
      %gather3A_750 = tpu.vector_load_idx %arg15[%add3A_749] : memref<9408xf32, #tpu.memory_space<vmem>>[vector<16xi32>], vector<16xf32>,
      %gather3A_751 = tpu.vector_load_idx %arg16[%mul3A_741] : memref<9408xf32, #tpu.memory_space<vmem>>[vector<16xi32>], vector<16xf32>,
      %add3A_752 = arith.constant 1 : i32
      %add3A_753 = vector.broadcast %add3A_752 : i32 to vector<16xi32>
      %add3A_754 = arith.addi %mul3A_741, %add3A_753 : vector<16xi32>
      %gather3A_755 = tpu.vector_load_idx %arg16[%add3A_754] : memref<9408xf32, #tpu.memory_space<vmem>>[vector<16xi32>], vector<16xf32>,
      %add3A_756 = arith.constant 2 : i32
      %add3A_757 = vector.broadcast %add3A_756 : i32 to vector<16xi32>
      %add3A_758 = arith.addi %mul3A_741, %add3A_757 : vector<16xi32>
      %gather3A_759 = tpu.vector_load_idx %arg16[%add3A_758] : memref<9408xf32, #tpu.memory_space<vmem>>[vector<16xi32>], vector<16xf32>,
      %sub3A_760 = arith.subf %gather3A_742, %gather3A_751 : vector<16xf32>
      %sub3A_761 = arith.subf %gather3A_746, %gather3A_755 : vector<16xf32>
      %sub3A_762 = arith.subf %gather3A_750, %gather3A_759 : vector<16xf32>
      %mul3A_763 = arith.mulf %sub3A_760, %sub3A_760 : vector<16xf32>
      %mul3A_764 = arith.mulf %sub3A_761, %sub3A_761 : vector<16xf32>
      %add3A_765 = arith.addf %mul3A_763, %mul3A_764 : vector<16xf32>
      %mul3A_766 = arith.mulf %sub3A_762, %sub3A_762 : vector<16xf32>
      %add3A_767 = arith.addf %add3A_765, %mul3A_766 : vector<16xf32>
      %mul3A_768 = arith.mulf %gather3A_751, %gather3A_751 : vector<16xf32>
      %mul3A_769 = arith.mulf %gather3A_755, %gather3A_755 : vector<16xf32>
      %add3A_770 = arith.addf %mul3A_768, %mul3A_769 : vector<16xf32>
      %mul3A_771 = arith.mulf %gather3A_759, %gather3A_759 : vector<16xf32>
      %add3A_772 = arith.addf %add3A_770, %mul3A_771 : vector<16xf32>
      %mul3A_773 = arith.mulf %gather3A_742, %gather3A_742 : vector<16xf32>
      %mul3A_774 = arith.mulf %gather3A_746, %gather3A_746 : vector<16xf32>
      %add3A_775 = arith.addf %mul3A_773, %mul3A_774 : vector<16xf32>
      %mul3A_776 = arith.mulf %gather3A_750, %gather3A_750 : vector<16xf32>
      %add3A_777 = arith.addf %add3A_775, %mul3A_776 : vector<16xf32>
      tpu.vector_store_idx %arg18[%iota3A, %get3A_736], %add3A_767 {add = true} : memref<16x528xf32, #tpu.memory_space<vmem>>[vector<16xi32>, vector<16xi32>], vector<16xf32>,
      tpu.vector_store_idx %arg19[%iota3A, %get3A_736], %add3A_772 {add = true} : memref<16x528xf32, #tpu.memory_space<vmem>>[vector<16xi32>, vector<16xi32>], vector<16xf32>,
      tpu.vector_store_idx %arg20[%iota3A, %get3A_736], %add3A_777 {add = true} : memref<16x528xf32, #tpu.memory_space<vmem>>[vector<16xi32>, vector<16xi32>], vector<16xf32>,
      tpu.vector_store_idx %arg21[%iota3A, %get3A_736], %broadcast_in_dim3A_3 {add = true} : memref<16x528xf32, #tpu.memory_space<vmem>>[vector<16xi32>, vector<16xi32>], vector<16xf32>,
      %add3A_778 = arith.constant 32 : i32
      %add3A_779 = arith.addi %mul3A_690, %add3A_778 : i32
      %get3A_780 = arith.index_cast %add3A_779 : i32 to index
      %get3A_781 = tpu.vector_load %arg17[%get3A_780] {strides = array<i32>} : memref<3136xi32, #tpu.memory_space<vmem>>, vector<16xi32>,
      %add3A_782 = vector.broadcast %add3A_779 : i32 to vector<16xi32>
      %add3A_783 = arith.addi %add3A_782, %iota3A : vector<16xi32>
      %mul3A_784 = arith.constant 3 : i32
      %mul3A_785 = vector.broadcast %mul3A_784 : i32 to vector<16xi32>
      %mul3A_786 = arith.muli %add3A_783, %mul3A_785 : vector<16xi32>
      %gather3A_787 = tpu.vector_load_idx %arg15[%mul3A_786] : memref<9408xf32, #tpu.memory_space<vmem>>[vector<16xi32>], vector<16xf32>,
      %add3A_788 = arith.constant 1 : i32
      %add3A_789 = vector.broadcast %add3A_788 : i32 to vector<16xi32>
      %add3A_790 = arith.addi %mul3A_786, %add3A_789 : vector<16xi32>
      %gather3A_791 = tpu.vector_load_idx %arg15[%add3A_790] : memref<9408xf32, #tpu.memory_space<vmem>>[vector<16xi32>], vector<16xf32>,
      %add3A_792 = arith.constant 2 : i32
      %add3A_793 = vector.broadcast %add3A_792 : i32 to vector<16xi32>
      %add3A_794 = arith.addi %mul3A_786, %add3A_793 : vector<16xi32>
      %gather3A_795 = tpu.vector_load_idx %arg15[%add3A_794] : memref<9408xf32, #tpu.memory_space<vmem>>[vector<16xi32>], vector<16xf32>,
      %gather3A_796 = tpu.vector_load_idx %arg16[%mul3A_786] : memref<9408xf32, #tpu.memory_space<vmem>>[vector<16xi32>], vector<16xf32>,
      %add3A_797 = arith.constant 1 : i32
      %add3A_798 = vector.broadcast %add3A_797 : i32 to vector<16xi32>
      %add3A_799 = arith.addi %mul3A_786, %add3A_798 : vector<16xi32>
      %gather3A_800 = tpu.vector_load_idx %arg16[%add3A_799] : memref<9408xf32, #tpu.memory_space<vmem>>[vector<16xi32>], vector<16xf32>,
      %add3A_801 = arith.constant 2 : i32
      %add3A_802 = vector.broadcast %add3A_801 : i32 to vector<16xi32>
      %add3A_803 = arith.addi %mul3A_786, %add3A_802 : vector<16xi32>
      %gather3A_804 = tpu.vector_load_idx %arg16[%add3A_803] : memref<9408xf32, #tpu.memory_space<vmem>>[vector<16xi32>], vector<16xf32>,
      %sub3A_805 = arith.subf %gather3A_787, %gather3A_796 : vector<16xf32>
      %sub3A_806 = arith.subf %gather3A_791, %gather3A_800 : vector<16xf32>
      %sub3A_807 = arith.subf %gather3A_795, %gather3A_804 : vector<16xf32>
      %mul3A_808 = arith.mulf %sub3A_805, %sub3A_805 : vector<16xf32>
      %mul3A_809 = arith.mulf %sub3A_806, %sub3A_806 : vector<16xf32>
      %add3A_810 = arith.addf %mul3A_808, %mul3A_809 : vector<16xf32>
      %mul3A_811 = arith.mulf %sub3A_807, %sub3A_807 : vector<16xf32>
      %add3A_812 = arith.addf %add3A_810, %mul3A_811 : vector<16xf32>
      %mul3A_813 = arith.mulf %gather3A_796, %gather3A_796 : vector<16xf32>
      %mul3A_814 = arith.mulf %gather3A_800, %gather3A_800 : vector<16xf32>
      %add3A_815 = arith.addf %mul3A_813, %mul3A_814 : vector<16xf32>
      %mul3A_816 = arith.mulf %gather3A_804, %gather3A_804 : vector<16xf32>
      %add3A_817 = arith.addf %add3A_815, %mul3A_816 : vector<16xf32>
      %mul3A_818 = arith.mulf %gather3A_787, %gather3A_787 : vector<16xf32>
      %mul3A_819 = arith.mulf %gather3A_791, %gather3A_791 : vector<16xf32>
      %add3A_820 = arith.addf %mul3A_818, %mul3A_819 : vector<16xf32>
      %mul3A_821 = arith.mulf %gather3A_795, %gather3A_795 : vector<16xf32>
      %add3A_822 = arith.addf %add3A_820, %mul3A_821 : vector<16xf32>
      tpu.vector_store_idx %arg18[%iota3A, %get3A_781], %add3A_812 {add = true} : memref<16x528xf32, #tpu.memory_space<vmem>>[vector<16xi32>, vector<16xi32>], vector<16xf32>,
      tpu.vector_store_idx %arg19[%iota3A, %get3A_781], %add3A_817 {add = true} : memref<16x528xf32, #tpu.memory_space<vmem>>[vector<16xi32>, vector<16xi32>], vector<16xf32>,
      tpu.vector_store_idx %arg20[%iota3A, %get3A_781], %add3A_822 {add = true} : memref<16x528xf32, #tpu.memory_space<vmem>>[vector<16xi32>, vector<16xi32>], vector<16xf32>,
      tpu.vector_store_idx %arg21[%iota3A, %get3A_781], %broadcast_in_dim3A_3 {add = true} : memref<16x528xf32, #tpu.memory_space<vmem>>[vector<16xi32>, vector<16xi32>], vector<16xf32>,
      %add3A_823 = arith.constant 48 : i32
      %add3A_824 = arith.addi %mul3A_690, %add3A_823 : i32
      %get3A_825 = arith.index_cast %add3A_824 : i32 to index
      %get3A_826 = tpu.vector_load %arg17[%get3A_825] {strides = array<i32>} : memref<3136xi32, #tpu.memory_space<vmem>>, vector<16xi32>,
      %add3A_827 = vector.broadcast %add3A_824 : i32 to vector<16xi32>
      %add3A_828 = arith.addi %add3A_827, %iota3A : vector<16xi32>
      %mul3A_829 = arith.constant 3 : i32
      %mul3A_830 = vector.broadcast %mul3A_829 : i32 to vector<16xi32>
      %mul3A_831 = arith.muli %add3A_828, %mul3A_830 : vector<16xi32>
      %gather3A_832 = tpu.vector_load_idx %arg15[%mul3A_831] : memref<9408xf32, #tpu.memory_space<vmem>>[vector<16xi32>], vector<16xf32>,
      %add3A_833 = arith.constant 1 : i32
      %add3A_834 = vector.broadcast %add3A_833 : i32 to vector<16xi32>
      %add3A_835 = arith.addi %mul3A_831, %add3A_834 : vector<16xi32>
      %gather3A_836 = tpu.vector_load_idx %arg15[%add3A_835] : memref<9408xf32, #tpu.memory_space<vmem>>[vector<16xi32>], vector<16xf32>,
      %add3A_837 = arith.constant 2 : i32
      %add3A_838 = vector.broadcast %add3A_837 : i32 to vector<16xi32>
      %add3A_839 = arith.addi %mul3A_831, %add3A_838 : vector<16xi32>
      %gather3A_840 = tpu.vector_load_idx %arg15[%add3A_839] : memref<9408xf32, #tpu.memory_space<vmem>>[vector<16xi32>], vector<16xf32>,
      %gather3A_841 = tpu.vector_load_idx %arg16[%mul3A_831] : memref<9408xf32, #tpu.memory_space<vmem>>[vector<16xi32>], vector<16xf32>,
      %add3A_842 = arith.constant 1 : i32
      %add3A_843 = vector.broadcast %add3A_842 : i32 to vector<16xi32>
      %add3A_844 = arith.addi %mul3A_831, %add3A_843 : vector<16xi32>
      %gather3A_845 = tpu.vector_load_idx %arg16[%add3A_844] : memref<9408xf32, #tpu.memory_space<vmem>>[vector<16xi32>], vector<16xf32>,
      %add3A_846 = arith.constant 2 : i32
      %add3A_847 = vector.broadcast %add3A_846 : i32 to vector<16xi32>
      %add3A_848 = arith.addi %mul3A_831, %add3A_847 : vector<16xi32>
      %gather3A_849 = tpu.vector_load_idx %arg16[%add3A_848] : memref<9408xf32, #tpu.memory_space<vmem>>[vector<16xi32>], vector<16xf32>,
      %sub3A_850 = arith.subf %gather3A_832, %gather3A_841 : vector<16xf32>
      %sub3A_851 = arith.subf %gather3A_836, %gather3A_845 : vector<16xf32>
      %sub3A_852 = arith.subf %gather3A_840, %gather3A_849 : vector<16xf32>
      %mul3A_853 = arith.mulf %sub3A_850, %sub3A_850 : vector<16xf32>
      %mul3A_854 = arith.mulf %sub3A_851, %sub3A_851 : vector<16xf32>
      %add3A_855 = arith.addf %mul3A_853, %mul3A_854 : vector<16xf32>
      %mul3A_856 = arith.mulf %sub3A_852, %sub3A_852 : vector<16xf32>
      %add3A_857 = arith.addf %add3A_855, %mul3A_856 : vector<16xf32>
      %mul3A_858 = arith.mulf %gather3A_841, %gather3A_841 : vector<16xf32>
      %mul3A_859 = arith.mulf %gather3A_845, %gather3A_845 : vector<16xf32>
      %add3A_860 = arith.addf %mul3A_858, %mul3A_859 : vector<16xf32>
      %mul3A_861 = arith.mulf %gather3A_849, %gather3A_849 : vector<16xf32>
      %add3A_862 = arith.addf %add3A_860, %mul3A_861 : vector<16xf32>
      %mul3A_863 = arith.mulf %gather3A_832, %gather3A_832 : vector<16xf32>
      %mul3A_864 = arith.mulf %gather3A_836, %gather3A_836 : vector<16xf32>
      %add3A_865 = arith.addf %mul3A_863, %mul3A_864 : vector<16xf32>
      %mul3A_866 = arith.mulf %gather3A_840, %gather3A_840 : vector<16xf32>
      %add3A_867 = arith.addf %add3A_865, %mul3A_866 : vector<16xf32>
      tpu.vector_store_idx %arg18[%iota3A, %get3A_826], %add3A_857 {add = true} : memref<16x528xf32, #tpu.memory_space<vmem>>[vector<16xi32>, vector<16xi32>], vector<16xf32>,
      tpu.vector_store_idx %arg19[%iota3A, %get3A_826], %add3A_862 {add = true} : memref<16x528xf32, #tpu.memory_space<vmem>>[vector<16xi32>, vector<16xi32>], vector<16xf32>,
      tpu.vector_store_idx %arg20[%iota3A, %get3A_826], %add3A_867 {add = true} : memref<16x528xf32, #tpu.memory_space<vmem>>[vector<16xi32>, vector<16xi32>], vector<16xf32>,
      tpu.vector_store_idx %arg21[%iota3A, %get3A_826], %broadcast_in_dim3A_3 {add = true} : memref<16x528xf32, #tpu.memory_space<vmem>>[vector<16xi32>, vector<16xi32>], vector<16xf32>,
      %scan3A_868 = arith.constant 0 : i32
      scf.yield %scan3A_868 : i32
    }
    %scan3A_73 = arith.constant 49 : i32
    %mul3A_74 = arith.constant 100000 : i32
    %mul3A_75 = arith.muli %add3A, %mul3A_74 : i32
    %add3A_76 = arith.constant 4000 : i32
    %add3A_77 = arith.addi %mul3A_75, %add3A_76 : i32
    %dma_start3A_78 = tpu.memref_slice %arg2[%add3A_77] : memref<3200000xf32, #tpu.memory_space<hbm>> -> memref<4000xf32, #tpu.memory_space<hbm>>
    %dma_start3A_79 = tpu.memref_slice %arg2[%add3A_77] : memref<3200000xf32, #tpu.memory_space<hbm>> -> memref<4000xf32, #tpu.memory_space<hbm>>
    tpu.enqueue_dma source(%dma_start3A_79 : memref<4000xf32, #tpu.memory_space<hbm>>) target(%arg10 : memref<4000xf32, #tpu.memory_space<vmem>>) target_semaphore(%arg27 : memref<!tpu.dma_semaphore, #tpu.memory_space<semaphore_mem>>)
    %dma_start3A_80 = tpu.memref_slice %arg3[%add3A_77] : memref<3200000xf32, #tpu.memory_space<hbm>> -> memref<4000xf32, #tpu.memory_space<hbm>>
    %dma_start3A_81 = tpu.memref_slice %arg3[%add3A_77] : memref<3200000xf32, #tpu.memory_space<hbm>> -> memref<4000xf32, #tpu.memory_space<hbm>>
    tpu.enqueue_dma source(%dma_start3A_81 : memref<4000xf32, #tpu.memory_space<hbm>>) target(%arg12 : memref<4000xf32, #tpu.memory_space<vmem>>) target_semaphore(%arg27 : memref<!tpu.dma_semaphore, #tpu.memory_space<semaphore_mem>>)
    %dma_start3A_82 = tpu.memref_slice %arg4[%add3A_77] : memref<3200000xi32, #tpu.memory_space<hbm>> -> memref<4000xi32, #tpu.memory_space<hbm>>
    %dma_start3A_83 = tpu.memref_slice %arg4[%add3A_77] : memref<3200000xi32, #tpu.memory_space<hbm>> -> memref<4000xi32, #tpu.memory_space<hbm>>
    tpu.enqueue_dma source(%dma_start3A_83 : memref<4000xi32, #tpu.memory_space<hbm>>) target(%arg14 : memref<4000xi32, #tpu.memory_space<vmem>>) target_semaphore(%arg27 : memref<!tpu.dma_semaphore, #tpu.memory_space<semaphore_mem>>)
    %dma_wait3A = tpu.memref_slice %arg2[%add3A_7] : memref<3200000xf32, #tpu.memory_space<hbm>> -> memref<4000xf32, #tpu.memory_space<hbm>>
    %dma_wait3A_84 = tpu.memref_slice %arg2[%add3A_7] : memref<3200000xf32, #tpu.memory_space<hbm>> -> memref<4000xf32, #tpu.memory_space<hbm>>
    tpu.wait_dma2 semaphore(%arg26 : memref<!tpu.dma_semaphore, #tpu.memory_space<semaphore_mem>>) src(%dma_wait3A_84 : memref<4000xf32, #tpu.memory_space<hbm>>) dst(%arg9 : memref<4000xf32, #tpu.memory_space<vmem>>)
    %dma_wait3A_85 = tpu.memref_slice %arg3[%add3A_7] : memref<3200000xf32, #tpu.memory_space<hbm>> -> memref<4000xf32, #tpu.memory_space<hbm>>
    %dma_wait3A_86 = tpu.memref_slice %arg3[%add3A_7] : memref<3200000xf32, #tpu.memory_space<hbm>> -> memref<4000xf32, #tpu.memory_space<hbm>>
    tpu.wait_dma2 semaphore(%arg26 : memref<!tpu.dma_semaphore, #tpu.memory_space<semaphore_mem>>) src(%dma_wait3A_86 : memref<4000xf32, #tpu.memory_space<hbm>>) dst(%arg11 : memref<4000xf32, #tpu.memory_space<vmem>>)
    %dma_wait3A_87 = tpu.memref_slice %arg4[%add3A_7] : memref<3200000xi32, #tpu.memory_space<hbm>> -> memref<4000xi32, #tpu.memory_space<hbm>>
    %dma_wait3A_88 = tpu.memref_slice %arg4[%add3A_7] : memref<3200000xi32, #tpu.memory_space<hbm>> -> memref<4000xi32, #tpu.memory_space<hbm>>
    tpu.wait_dma2 semaphore(%arg26 : memref<!tpu.dma_semaphore, #tpu.memory_space<semaphore_mem>>) src(%dma_wait3A_88 : memref<4000xi32, #tpu.memory_space<hbm>>) dst(%arg13 : memref<4000xi32, #tpu.memory_space<vmem>>)
    %scan3A_89 = arith.constant 0 : i32
    %scan3A_90 = arith.constant 0 : i32
    %scan3A_91 = arith.constant 50 : i32
    %scan3A_92 = arith.addi %scan3A_90, %scan3A_91 : i32
    %scan3A_93 = arith.constant 1 : i32
    %scan3A_94 = scf.for %scan3A_687 = %scan3A_90 to %scan3A_92 step %scan3A_93 iter_args(%scan3A_688 = %scan3A_89) -> (i32)  : i32 {
      %mul3A_689 = arith.constant 80 : i32
      %mul3A_690 = arith.muli %scan3A_687, %mul3A_689 : i32
      %scan3A_691 = arith.constant 0 : i32
      scf.yield %scan3A_691 : i32
    }
    %scan3A_95 = arith.constant 50 : i32
    %mul3A_96 = arith.constant 100000 : i32
    %mul3A_97 = arith.muli %add3A, %mul3A_96 : i32
    %add3A_98 = arith.constant 8000 : i32
    %add3A_99 = arith.addi %mul3A_97, %add3A_98 : i32
    %dma_start3A_100 = tpu.memref_slice %arg2[%add3A_99] : memref<3200000xf32, #tpu.memory_space<hbm>> -> memref<4000xf32, #tpu.memory_space<hbm>>
    %dma_start3A_101 = tpu.memref_slice %arg2[%add3A_99] : memref<3200000xf32, #tpu.memory_space<hbm>> -> memref<4000xf32, #tpu.memory_space<hbm>>
    tpu.enqueue_dma source(%dma_start3A_101 : memref<4000xf32, #tpu.memory_space<hbm>>) target(%arg9 : memref<4000xf32, #tpu.memory_space<vmem>>) target_semaphore(%arg26 : memref<!tpu.dma_semaphore, #tpu.memory_space<semaphore_mem>>)
    %dma_start3A_102 = tpu.memref_slice %arg3[%add3A_99] : memref<3200000xf32, #tpu.memory_space<hbm>> -> memref<4000xf32, #tpu.memory_space<hbm>>
    %dma_start3A_103 = tpu.memref_slice %arg3[%add3A_99] : memref<3200000xf32, #tpu.memory_space<hbm>> -> memref<4000xf32, #tpu.memory_space<hbm>>
    tpu.enqueue_dma source(%dma_start3A_103 : memref<4000xf32, #tpu.memory_space<hbm>>) target(%arg11 : memref<4000xf32, #tpu.memory_space<vmem>>) target_semaphore(%arg26 : memref<!tpu.dma_semaphore, #tpu.memory_space<semaphore_mem>>)
    %dma_start3A_104 = tpu.memref_slice %arg4[%add3A_99] : memref<3200000xi32, #tpu.memory_space<hbm>> -> memref<4000xi32, #tpu.memory_space<hbm>>
    %dma_start3A_105 = tpu.memref_slice %arg4[%add3A_99] : memref<3200000xi32, #tpu.memory_space<hbm>> -> memref<4000xi32, #tpu.memory_space<hbm>>
    tpu.enqueue_dma source(%dma_start3A_105 : memref<4000xi32, #tpu.memory_space<hbm>>) target(%arg13 : memref<4000xi32, #tpu.memory_space<vmem>>) target_semaphore(%arg26 : memref<!tpu.dma_semaphore, #tpu.memory_space<semaphore_mem>>)
    %dma_wait3A_106 = tpu.memref_slice %arg2[%add3A_77] : memref<3200000xf32, #tpu.memory_space<hbm>> -> memref<4000xf32, #tpu.memory_space<hbm>>
    %dma_wait3A_107 = tpu.memref_slice %arg2[%add3A_77] : memref<3200000xf32, #tpu.memory_space<hbm>> -> memref<4000xf32, #tpu.memory_space<hbm>>
    tpu.wait_dma2 semaphore(%arg27 : memref<!tpu.dma_semaphore, #tpu.memory_space<semaphore_mem>>) src(%dma_wait3A_107 : memref<4000xf32, #tpu.memory_space<hbm>>) dst(%arg10 : memref<4000xf32, #tpu.memory_space<vmem>>)
    %dma_wait3A_108 = tpu.memref_slice %arg3[%add3A_77] : memref<3200000xf32, #tpu.memory_space<hbm>> -> memref<4000xf32, #tpu.memory_space<hbm>>
    %dma_wait3A_109 = tpu.memref_slice %arg3[%add3A_77] : memref<3200000xf32, #tpu.memory_space<hbm>> -> memref<4000xf32, #tpu.memory_space<hbm>>
    tpu.wait_dma2 semaphore(%arg27 : memref<!tpu.dma_semaphore, #tpu.memory_space<semaphore_mem>>) src(%dma_wait3A_109 : memref<4000xf32, #tpu.memory_space<hbm>>) dst(%arg12 : memref<4000xf32, #tpu.memory_space<vmem>>)
    %dma_wait3A_110 = tpu.memref_slice %arg4[%add3A_77] : memref<3200000xi32, #tpu.memory_space<hbm>> -> memref<4000xi32, #tpu.memory_space<hbm>>
    %dma_wait3A_111 = tpu.memref_slice %arg4[%add3A_77] : memref<3200000xi32, #tpu.memory_space<hbm>> -> memref<4000xi32, #tpu.memory_space<hbm>>
    tpu.wait_dma2 semaphore(%arg27 : memref<!tpu.dma_semaphore, #tpu.memory_space<semaphore_mem>>) src(%dma_wait3A_111 : memref<4000xi32, #tpu.memory_space<hbm>>) dst(%arg14 : memref<4000xi32, #tpu.memory_space<vmem>>)
    %scan3A_112 = arith.constant 0 : i32
    %scan3A_113 = arith.constant 0 : i32
    %scan3A_114 = arith.constant 50 : i32
    %scan3A_115 = arith.addi %scan3A_113, %scan3A_114 : i32
    %scan3A_116 = arith.constant 1 : i32
    %scan3A_117 = scf.for %scan3A_687 = %scan3A_113 to %scan3A_115 step %scan3A_116 iter_args(%scan3A_688 = %scan3A_112) -> (i32)  : i32 {
      %mul3A_689 = arith.constant 80 : i32
      %mul3A_690 = arith.muli %scan3A_687, %mul3A_689 : i32
      %scan3A_691 = arith.constant 0 : i32
      scf.yield %scan3A_691 : i32
    }
    %scan3A_118 = arith.constant 50 : i32
    %mul3A_119 = arith.constant 100000 : i32
    %mul3A_120 = arith.muli %add3A, %mul3A_119 : i32
    %add3A_121 = arith.constant 12000 : i32
    %add3A_122 = arith.addi %mul3A_120, %add3A_121 : i32
    %dma_start3A_123 = tpu.memref_slice %arg2[%add3A_122] : memref<3200000xf32, #tpu.memory_space<hbm>> -> memref<4000xf32, #tpu.memory_space<hbm>>
    %dma_start3A_124 = tpu.memref_slice %arg2[%add3A_122] : memref<3200000xf32, #tpu.memory_space<hbm>> -> memref<4000xf32, #tpu.memory_space<hbm>>
    tpu.enqueue_dma source(%dma_start3A_124 : memref<4000xf32, #tpu.memory_space<hbm>>) target(%arg10 : memref<4000xf32, #tpu.memory_space<vmem>>) target_semaphore(%arg27 : memref<!tpu.dma_semaphore, #tpu.memory_space<semaphore_mem>>)
    %dma_start3A_125 = tpu.memref_slice %arg3[%add3A_122] : memref<3200000xf32, #tpu.memory_space<hbm>> -> memref<4000xf32, #tpu.memory_space<hbm>>
    %dma_start3A_126 = tpu.memref_slice %arg3[%add3A_122] : memref<3200000xf32, #tpu.memory_space<hbm>> -> memref<4000xf32, #tpu.memory_space<hbm>>
    tpu.enqueue_dma source(%dma_start3A_126 : memref<4000xf32, #tpu.memory_space<hbm>>) target(%arg12 : memref<4000xf32, #tpu.memory_space<vmem>>) target_semaphore(%arg27 : memref<!tpu.dma_semaphore, #tpu.memory_space<semaphore_mem>>)
    %dma_start3A_127 = tpu.memref_slice %arg4[%add3A_122] : memref<3200000xi32, #tpu.memory_space<hbm>> -> memref<4000xi32, #tpu.memory_space<hbm>>
    %dma_start3A_128 = tpu.memref_slice %arg4[%add3A_122] : memref<3200000xi32, #tpu.memory_space<hbm>> -> memref<4000xi32, #tpu.memory_space<hbm>>
    tpu.enqueue_dma source(%dma_start3A_128 : memref<4000xi32, #tpu.memory_space<hbm>>) target(%arg14 : memref<4000xi32, #tpu.memory_space<vmem>>) target_semaphore(%arg27 : memref<!tpu.dma_semaphore, #tpu.memory_space<semaphore_mem>>)
    %dma_wait3A_129 = tpu.memref_slice %arg2[%add3A_99] : memref<3200000xf32, #tpu.memory_space<hbm>> -> memref<4000xf32, #tpu.memory_space<hbm>>
    %dma_wait3A_130 = tpu.memref_slice %arg2[%add3A_99] : memref<3200000xf32, #tpu.memory_space<hbm>> -> memref<4000xf32, #tpu.memory_space<hbm>>
    tpu.wait_dma2 semaphore(%arg26 : memref<!tpu.dma_semaphore, #tpu.memory_space<semaphore_mem>>) src(%dma_wait3A_130 : memref<4000xf32, #tpu.memory_space<hbm>>) dst(%arg9 : memref<4000xf32, #tpu.memory_space<vmem>>)
    %dma_wait3A_131 = tpu.memref_slice %arg3[%add3A_99] : memref<3200000xf32, #tpu.memory_space<hbm>> -> memref<4000xf32, #tpu.memory_space<hbm>>
    %dma_wait3A_132 = tpu.memref_slice %arg3[%add3A_99] : memref<3200000xf32, #tpu.memory_space<hbm>> -> memref<4000xf32, #tpu.memory_space<hbm>>
    tpu.wait_dma2 semaphore(%arg26 : memref<!tpu.dma_semaphore, #tpu.memory_space<semaphore_mem>>) src(%dma_wait3A_132 : memref<4000xf32, #tpu.memory_space<hbm>>) dst(%arg11 : memref<4000xf32, #tpu.memory_space<vmem>>)
    %dma_wait3A_133 = tpu.memref_slice %arg4[%add3A_99] : memref<3200000xi32, #tpu.memory_space<hbm>> -> memref<4000xi32, #tpu.memory_space<hbm>>
    %dma_wait3A_134 = tpu.memref_slice %arg4[%add3A_99] : memref<3200000xi32, #tpu.memory_space<hbm>> -> memref<4000xi32, #tpu.memory_space<hbm>>
    tpu.wait_dma2 semaphore(%arg26 : memref<!tpu.dma_semaphore, #tpu.memory_space<semaphore_mem>>) src(%dma_wait3A_134 : memref<4000xi32, #tpu.memory_space<hbm>>) dst(%arg13 : memref<4000xi32, #tpu.memory_space<vmem>>)
    %scan3A_135 = arith.constant 0 : i32
    %scan3A_136 = arith.constant 0 : i32
    %scan3A_137 = arith.constant 50 : i32
    %scan3A_138 = arith.addi %scan3A_136, %scan3A_137 : i32
    %scan3A_139 = arith.constant 1 : i32
    %scan3A_140 = scf.for %scan3A_687 = %scan3A_136 to %scan3A_138 step %scan3A_139 iter_args(%scan3A_688 = %scan3A_135) -> (i32)  : i32 {
      %mul3A_689 = arith.constant 80 : i32
      %mul3A_690 = arith.muli %scan3A_687, %mul3A_689 : i32
      %scan3A_691 = arith.constant 0 : i32
      scf.yield %scan3A_691 : i32
    }
    %scan3A_141 = arith.constant 50 : i32
    %mul3A_142 = arith.constant 100000 : i32
    %mul3A_143 = arith.muli %add3A, %mul3A_142 : i32
    %add3A_144 = arith.constant 16000 : i32
    %add3A_145 = arith.addi %mul3A_143, %add3A_144 : i32
    %dma_start3A_146 = tpu.memref_slice %arg2[%add3A_145] : memref<3200000xf32, #tpu.memory_space<hbm>> -> memref<4000xf32, #tpu.memory_space<hbm>>
    %dma_start3A_147 = tpu.memref_slice %arg2[%add3A_145] : memref<3200000xf32, #tpu.memory_space<hbm>> -> memref<4000xf32, #tpu.memory_space<hbm>>
    tpu.enqueue_dma source(%dma_start3A_147 : memref<4000xf32, #tpu.memory_space<hbm>>) target(%arg9 : memref<4000xf32, #tpu.memory_space<vmem>>) target_semaphore(%arg26 : memref<!tpu.dma_semaphore, #tpu.memory_space<semaphore_mem>>)
    %dma_start3A_148 = tpu.memref_slice %arg3[%add3A_145] : memref<3200000xf32, #tpu.memory_space<hbm>> -> memref<4000xf32, #tpu.memory_space<hbm>>
    %dma_start3A_149 = tpu.memref_slice %arg3[%add3A_145] : memref<3200000xf32, #tpu.memory_space<hbm>> -> memref<4000xf32, #tpu.memory_space<hbm>>
    tpu.enqueue_dma source(%dma_start3A_149 : memref<4000xf32, #tpu.memory_space<hbm>>) target(%arg11 : memref<4000xf32, #tpu.memory_space<vmem>>) target_semaphore(%arg26 : memref<!tpu.dma_semaphore, #tpu.memory_space<semaphore_mem>>)
    %dma_start3A_150 = tpu.memref_slice %arg4[%add3A_145] : memref<3200000xi32, #tpu.memory_space<hbm>> -> memref<4000xi32, #tpu.memory_space<hbm>>
    %dma_start3A_151 = tpu.memref_slice %arg4[%add3A_145] : memref<3200000xi32, #tpu.memory_space<hbm>> -> memref<4000xi32, #tpu.memory_space<hbm>>
    tpu.enqueue_dma source(%dma_start3A_151 : memref<4000xi32, #tpu.memory_space<hbm>>) target(%arg13 : memref<4000xi32, #tpu.memory_space<vmem>>) target_semaphore(%arg26 : memref<!tpu.dma_semaphore, #tpu.memory_space<semaphore_mem>>)
    %dma_wait3A_152 = tpu.memref_slice %arg2[%add3A_122] : memref<3200000xf32, #tpu.memory_space<hbm>> -> memref<4000xf32, #tpu.memory_space<hbm>>
    %dma_wait3A_153 = tpu.memref_slice %arg2[%add3A_122] : memref<3200000xf32, #tpu.memory_space<hbm>> -> memref<4000xf32, #tpu.memory_space<hbm>>
    tpu.wait_dma2 semaphore(%arg27 : memref<!tpu.dma_semaphore, #tpu.memory_space<semaphore_mem>>) src(%dma_wait3A_153 : memref<4000xf32, #tpu.memory_space<hbm>>) dst(%arg10 : memref<4000xf32, #tpu.memory_space<vmem>>)
    %dma_wait3A_154 = tpu.memref_slice %arg3[%add3A_122] : memref<3200000xf32, #tpu.memory_space<hbm>> -> memref<4000xf32, #tpu.memory_space<hbm>>
    %dma_wait3A_155 = tpu.memref_slice %arg3[%add3A_122] : memref<3200000xf32, #tpu.memory_space<hbm>> -> memref<4000xf32, #tpu.memory_space<hbm>>
    tpu.wait_dma2 semaphore(%arg27 : memref<!tpu.dma_semaphore, #tpu.memory_space<semaphore_mem>>) src(%dma_wait3A_155 : memref<4000xf32, #tpu.memory_space<hbm>>) dst(%arg12 : memref<4000xf32, #tpu.memory_space<vmem>>)
    %dma_wait3A_156 = tpu.memref_slice %arg4[%add3A_122] : memref<3200000xi32, #tpu.memory_space<hbm>> -> memref<4000xi32, #tpu.memory_space<hbm>>
    %dma_wait3A_157 = tpu.memref_slice %arg4[%add3A_122] : memref<3200000xi32, #tpu.memory_space<hbm>> -> memref<4000xi32, #tpu.memory_space<hbm>>
    tpu.wait_dma2 semaphore(%arg27 : memref<!tpu.dma_semaphore, #tpu.memory_space<semaphore_mem>>) src(%dma_wait3A_157 : memref<4000xi32, #tpu.memory_space<hbm>>) dst(%arg14 : memref<4000xi32, #tpu.memory_space<vmem>>)
    %scan3A_158 = arith.constant 0 : i32
    %scan3A_159 = arith.constant 0 : i32
    %scan3A_160 = arith.constant 50 : i32
    %scan3A_161 = arith.addi %scan3A_159, %scan3A_160 : i32
    %scan3A_162 = arith.constant 1 : i32
    %scan3A_163 = scf.for %scan3A_687 = %scan3A_159 to %scan3A_161 step %scan3A_162 iter_args(%scan3A_688 = %scan3A_158) -> (i32)  : i32 {
      %mul3A_689 = arith.constant 80 : i32
      %mul3A_690 = arith.muli %scan3A_687, %mul3A_689 : i32
      %scan3A_691 = arith.constant 0 : i32
      scf.yield %scan3A_691 : i32
    }
    %scan3A_164 = arith.constant 50 : i32
    %mul3A_165 = arith.constant 100000 : i32
    %mul3A_166 = arith.muli %add3A, %mul3A_165 : i32
    %add3A_167 = arith.constant 20000 : i32
    %add3A_168 = arith.addi %mul3A_166, %add3A_167 : i32
    %dma_start3A_169 = tpu.memref_slice %arg2[%add3A_168] : memref<3200000xf32, #tpu.memory_space<hbm>> -> memref<4000xf32, #tpu.memory_space<hbm>>
    %dma_start3A_170 = tpu.memref_slice %arg2[%add3A_168] : memref<3200000xf32, #tpu.memory_space<hbm>> -> memref<4000xf32, #tpu.memory_space<hbm>>
    tpu.enqueue_dma source(%dma_start3A_170 : memref<4000xf32, #tpu.memory_space<hbm>>) target(%arg10 : memref<4000xf32, #tpu.memory_space<vmem>>) target_semaphore(%arg27 : memref<!tpu.dma_semaphore, #tpu.memory_space<semaphore_mem>>)
    %dma_start3A_171 = tpu.memref_slice %arg3[%add3A_168] : memref<3200000xf32, #tpu.memory_space<hbm>> -> memref<4000xf32, #tpu.memory_space<hbm>>
    %dma_start3A_172 = tpu.memref_slice %arg3[%add3A_168] : memref<3200000xf32, #tpu.memory_space<hbm>> -> memref<4000xf32, #tpu.memory_space<hbm>>
    tpu.enqueue_dma source(%dma_start3A_172 : memref<4000xf32, #tpu.memory_space<hbm>>) target(%arg12 : memref<4000xf32, #tpu.memory_space<vmem>>) target_semaphore(%arg27 : memref<!tpu.dma_semaphore, #tpu.memory_space<semaphore_mem>>)
    %dma_start3A_173 = tpu.memref_slice %arg4[%add3A_168] : memref<3200000xi32, #tpu.memory_space<hbm>> -> memref<4000xi32, #tpu.memory_space<hbm>>
    %dma_start3A_174 = tpu.memref_slice %arg4[%add3A_168] : memref<3200000xi32, #tpu.memory_space<hbm>> -> memref<4000xi32, #tpu.memory_space<hbm>>
    tpu.enqueue_dma source(%dma_start3A_174 : memref<4000xi32, #tpu.memory_space<hbm>>) target(%arg14 : memref<4000xi32, #tpu.memory_space<vmem>>) target_semaphore(%arg27 : memref<!tpu.dma_semaphore, #tpu.memory_space<semaphore_mem>>)
    %dma_wait3A_175 = tpu.memref_slice %arg2[%add3A_145] : memref<3200000xf32, #tpu.memory_space<hbm>> -> memref<4000xf32, #tpu.memory_space<hbm>>
    %dma_wait3A_176 = tpu.memref_slice %arg2[%add3A_145] : memref<3200000xf32, #tpu.memory_space<hbm>> -> memref<4000xf32, #tpu.memory_space<hbm>>
    tpu.wait_dma2 semaphore(%arg26 : memref<!tpu.dma_semaphore, #tpu.memory_space<semaphore_mem>>) src(%dma_wait3A_176 : memref<4000xf32, #tpu.memory_space<hbm>>) dst(%arg9 : memref<4000xf32, #tpu.memory_space<vmem>>)
    %dma_wait3A_177 = tpu.memref_slice %arg3[%add3A_145] : memref<3200000xf32, #tpu.memory_space<hbm>> -> memref<4000xf32, #tpu.memory_space<hbm>>
    %dma_wait3A_178 = tpu.memref_slice %arg3[%add3A_145] : memref<3200000xf32, #tpu.memory_space<hbm>> -> memref<4000xf32, #tpu.memory_space<hbm>>
    tpu.wait_dma2 semaphore(%arg26 : memref<!tpu.dma_semaphore, #tpu.memory_space<semaphore_mem>>) src(%dma_wait3A_178 : memref<4000xf32, #tpu.memory_space<hbm>>) dst(%arg11 : memref<4000xf32, #tpu.memory_space<vmem>>)
    %dma_wait3A_179 = tpu.memref_slice %arg4[%add3A_145] : memref<3200000xi32, #tpu.memory_space<hbm>> -> memref<4000xi32, #tpu.memory_space<hbm>>
    %dma_wait3A_180 = tpu.memref_slice %arg4[%add3A_145] : memref<3200000xi32, #tpu.memory_space<hbm>> -> memref<4000xi32, #tpu.memory_space<hbm>>
    tpu.wait_dma2 semaphore(%arg26 : memref<!tpu.dma_semaphore, #tpu.memory_space<semaphore_mem>>) src(%dma_wait3A_180 : memref<4000xi32, #tpu.memory_space<hbm>>) dst(%arg13 : memref<4000xi32, #tpu.memory_space<vmem>>)
    %scan3A_181 = arith.constant 0 : i32
    %scan3A_182 = arith.constant 0 : i32
    %scan3A_183 = arith.constant 50 : i32
    %scan3A_184 = arith.addi %scan3A_182, %scan3A_183 : i32
    %scan3A_185 = arith.constant 1 : i32
    %scan3A_186 = scf.for %scan3A_687 = %scan3A_182 to %scan3A_184 step %scan3A_185 iter_args(%scan3A_688 = %scan3A_181) -> (i32)  : i32 {
      %mul3A_689 = arith.constant 80 : i32
      %mul3A_690 = arith.muli %scan3A_687, %mul3A_689 : i32
      %scan3A_691 = arith.constant 0 : i32
      scf.yield %scan3A_691 : i32
    }
    %scan3A_187 = arith.constant 50 : i32
    %mul3A_188 = arith.constant 100000 : i32
    %mul3A_189 = arith.muli %add3A, %mul3A_188 : i32
    %add3A_190 = arith.constant 24000 : i32
    %add3A_191 = arith.addi %mul3A_189, %add3A_190 : i32
    %dma_start3A_192 = tpu.memref_slice %arg2[%add3A_191] : memref<3200000xf32, #tpu.memory_space<hbm>> -> memref<4000xf32, #tpu.memory_space<hbm>>
    %dma_start3A_193 = tpu.memref_slice %arg2[%add3A_191] : memref<3200000xf32, #tpu.memory_space<hbm>> -> memref<4000xf32, #tpu.memory_space<hbm>>
    tpu.enqueue_dma source(%dma_start3A_193 : memref<4000xf32, #tpu.memory_space<hbm>>) target(%arg9 : memref<4000xf32, #tpu.memory_space<vmem>>) target_semaphore(%arg26 : memref<!tpu.dma_semaphore, #tpu.memory_space<semaphore_mem>>)
    %dma_start3A_194 = tpu.memref_slice %arg3[%add3A_191] : memref<3200000xf32, #tpu.memory_space<hbm>> -> memref<4000xf32, #tpu.memory_space<hbm>>
    %dma_start3A_195 = tpu.memref_slice %arg3[%add3A_191] : memref<3200000xf32, #tpu.memory_space<hbm>> -> memref<4000xf32, #tpu.memory_space<hbm>>
    tpu.enqueue_dma source(%dma_start3A_195 : memref<4000xf32, #tpu.memory_space<hbm>>) target(%arg11 : memref<4000xf32, #tpu.memory_space<vmem>>) target_semaphore(%arg26 : memref<!tpu.dma_semaphore, #tpu.memory_space<semaphore_mem>>)
    %dma_start3A_196 = tpu.memref_slice %arg4[%add3A_191] : memref<3200000xi32, #tpu.memory_space<hbm>> -> memref<4000xi32, #tpu.memory_space<hbm>>
    %dma_start3A_197 = tpu.memref_slice %arg4[%add3A_191] : memref<3200000xi32, #tpu.memory_space<hbm>> -> memref<4000xi32, #tpu.memory_space<hbm>>
    tpu.enqueue_dma source(%dma_start3A_197 : memref<4000xi32, #tpu.memory_space<hbm>>) target(%arg13 : memref<4000xi32, #tpu.memory_space<vmem>>) target_semaphore(%arg26 : memref<!tpu.dma_semaphore, #tpu.memory_space<semaphore_mem>>)
    %dma_wait3A_198 = tpu.memref_slice %arg2[%add3A_168] : memref<3200000xf32, #tpu.memory_space<hbm>> -> memref<4000xf32, #tpu.memory_space<hbm>>
    %dma_wait3A_199 = tpu.memref_slice %arg2[%add3A_168] : memref<3200000xf32, #tpu.memory_space<hbm>> -> memref<4000xf32, #tpu.memory_space<hbm>>
    tpu.wait_dma2 semaphore(%arg27 : memref<!tpu.dma_semaphore, #tpu.memory_space<semaphore_mem>>) src(%dma_wait3A_199 : memref<4000xf32, #tpu.memory_space<hbm>>) dst(%arg10 : memref<4000xf32, #tpu.memory_space<vmem>>)
    %dma_wait3A_200 = tpu.memref_slice %arg3[%add3A_168] : memref<3200000xf32, #tpu.memory_space<hbm>> -> memref<4000xf32, #tpu.memory_space<hbm>>
    %dma_wait3A_201 = tpu.memref_slice %arg3[%add3A_168] : memref<3200000xf32, #tpu.memory_space<hbm>> -> memref<4000xf32, #tpu.memory_space<hbm>>
    tpu.wait_dma2 semaphore(%arg27 : memref<!tpu.dma_semaphore, #tpu.memory_space<semaphore_mem>>) src(%dma_wait3A_201 : memref<4000xf32, #tpu.memory_space<hbm>>) dst(%arg12 : memref<4000xf32, #tpu.memory_space<vmem>>)
    %dma_wait3A_202 = tpu.memref_slice %arg4[%add3A_168] : memref<3200000xi32, #tpu.memory_space<hbm>> -> memref<4000xi32, #tpu.memory_space<hbm>>
    %dma_wait3A_203 = tpu.memref_slice %arg4[%add3A_168] : memref<3200000xi32, #tpu.memory_space<hbm>> -> memref<4000xi32, #tpu.memory_space<hbm>>
    tpu.wait_dma2 semaphore(%arg27 : memref<!tpu.dma_semaphore, #tpu.memory_space<semaphore_mem>>) src(%dma_wait3A_203 : memref<4000xi32, #tpu.memory_space<hbm>>) dst(%arg14 : memref<4000xi32, #tpu.memory_space<vmem>>)
    %scan3A_204 = arith.constant 0 : i32
    %scan3A_205 = arith.constant 0 : i32
    %scan3A_206 = arith.constant 50 : i32
    %scan3A_207 = arith.addi %scan3A_205, %scan3A_206 : i32
    %scan3A_208 = arith.constant 1 : i32
    %scan3A_209 = scf.for %scan3A_687 = %scan3A_205 to %scan3A_207 step %scan3A_208 iter_args(%scan3A_688 = %scan3A_204) -> (i32)  : i32 {
      %mul3A_689 = arith.constant 80 : i32
      %mul3A_690 = arith.muli %scan3A_687, %mul3A_689 : i32
      %scan3A_691 = arith.constant 0 : i32
      scf.yield %scan3A_691 : i32
    }
    %scan3A_210 = arith.constant 50 : i32
    %mul3A_211 = arith.constant 100000 : i32
    %mul3A_212 = arith.muli %add3A, %mul3A_211 : i32
    %add3A_213 = arith.constant 28000 : i32
    %add3A_214 = arith.addi %mul3A_212, %add3A_213 : i32
    %dma_start3A_215 = tpu.memref_slice %arg2[%add3A_214] : memref<3200000xf32, #tpu.memory_space<hbm>> -> memref<4000xf32, #tpu.memory_space<hbm>>
    %dma_start3A_216 = tpu.memref_slice %arg2[%add3A_214] : memref<3200000xf32, #tpu.memory_space<hbm>> -> memref<4000xf32, #tpu.memory_space<hbm>>
    tpu.enqueue_dma source(%dma_start3A_216 : memref<4000xf32, #tpu.memory_space<hbm>>) target(%arg10 : memref<4000xf32, #tpu.memory_space<vmem>>) target_semaphore(%arg27 : memref<!tpu.dma_semaphore, #tpu.memory_space<semaphore_mem>>)
    %dma_start3A_217 = tpu.memref_slice %arg3[%add3A_214] : memref<3200000xf32, #tpu.memory_space<hbm>> -> memref<4000xf32, #tpu.memory_space<hbm>>
    %dma_start3A_218 = tpu.memref_slice %arg3[%add3A_214] : memref<3200000xf32, #tpu.memory_space<hbm>> -> memref<4000xf32, #tpu.memory_space<hbm>>
    tpu.enqueue_dma source(%dma_start3A_218 : memref<4000xf32, #tpu.memory_space<hbm>>) target(%arg12 : memref<4000xf32, #tpu.memory_space<vmem>>) target_semaphore(%arg27 : memref<!tpu.dma_semaphore, #tpu.memory_space<semaphore_mem>>)
    %dma_start3A_219 = tpu.memref_slice %arg4[%add3A_214] : memref<3200000xi32, #tpu.memory_space<hbm>> -> memref<4000xi32, #tpu.memory_space<hbm>>
    %dma_start3A_220 = tpu.memref_slice %arg4[%add3A_214] : memref<3200000xi32, #tpu.memory_space<hbm>> -> memref<4000xi32, #tpu.memory_space<hbm>>
    tpu.enqueue_dma source(%dma_start3A_220 : memref<4000xi32, #tpu.memory_space<hbm>>) target(%arg14 : memref<4000xi32, #tpu.memory_space<vmem>>) target_semaphore(%arg27 : memref<!tpu.dma_semaphore, #tpu.memory_space<semaphore_mem>>)
    %dma_wait3A_221 = tpu.memref_slice %arg2[%add3A_191] : memref<3200000xf32, #tpu.memory_space<hbm>> -> memref<4000xf32, #tpu.memory_space<hbm>>
    %dma_wait3A_222 = tpu.memref_slice %arg2[%add3A_191] : memref<3200000xf32, #tpu.memory_space<hbm>> -> memref<4000xf32, #tpu.memory_space<hbm>>
    tpu.wait_dma2 semaphore(%arg26 : memref<!tpu.dma_semaphore, #tpu.memory_space<semaphore_mem>>) src(%dma_wait3A_222 : memref<4000xf32, #tpu.memory_space<hbm>>) dst(%arg9 : memref<4000xf32, #tpu.memory_space<vmem>>)
    %dma_wait3A_223 = tpu.memref_slice %arg3[%add3A_191] : memref<3200000xf32, #tpu.memory_space<hbm>> -> memref<4000xf32, #tpu.memory_space<hbm>>
    %dma_wait3A_224 = tpu.memref_slice %arg3[%add3A_191] : memref<3200000xf32, #tpu.memory_space<hbm>> -> memref<4000xf32, #tpu.memory_space<hbm>>
    tpu.wait_dma2 semaphore(%arg26 : memref<!tpu.dma_semaphore, #tpu.memory_space<semaphore_mem>>) src(%dma_wait3A_224 : memref<4000xf32, #tpu.memory_space<hbm>>) dst(%arg11 : memref<4000xf32, #tpu.memory_space<vmem>>)
    %dma_wait3A_225 = tpu.memref_slice %arg4[%add3A_191] : memref<3200000xi32, #tpu.memory_space<hbm>> -> memref<4000xi32, #tpu.memory_space<hbm>>
    %dma_wait3A_226 = tpu.memref_slice %arg4[%add3A_191] : memref<3200000xi32, #tpu.memory_space<hbm>> -> memref<4000xi32, #tpu.memory_space<hbm>>
    tpu.wait_dma2 semaphore(%arg26 : memref<!tpu.dma_semaphore, #tpu.memory_space<semaphore_mem>>) src(%dma_wait3A_226 : memref<4000xi32, #tpu.memory_space<hbm>>) dst(%arg13 : memref<4000xi32, #tpu.memory_space<vmem>>)
    %scan3A_227 = arith.constant 0 : i32
    %scan3A_228 = arith.constant 0 : i32
    %scan3A_229 = arith.constant 50 : i32
    %scan3A_230 = arith.addi %scan3A_228, %scan3A_229 : i32
    %scan3A_231 = arith.constant 1 : i32
    %scan3A_232 = scf.for %scan3A_687 = %scan3A_228 to %scan3A_230 step %scan3A_231 iter_args(%scan3A_688 = %scan3A_227) -> (i32)  : i32 {
      %mul3A_689 = arith.constant 80 : i32
      %mul3A_690 = arith.muli %scan3A_687, %mul3A_689 : i32
      %scan3A_691 = arith.constant 0 : i32
      scf.yield %scan3A_691 : i32
    }
    %scan3A_233 = arith.constant 50 : i32
    %mul3A_234 = arith.constant 100000 : i32
    %mul3A_235 = arith.muli %add3A, %mul3A_234 : i32
    %add3A_236 = arith.constant 32000 : i32
    %add3A_237 = arith.addi %mul3A_235, %add3A_236 : i32
    %dma_start3A_238 = tpu.memref_slice %arg2[%add3A_237] : memref<3200000xf32, #tpu.memory_space<hbm>> -> memref<4000xf32, #tpu.memory_space<hbm>>
    %dma_start3A_239 = tpu.memref_slice %arg2[%add3A_237] : memref<3200000xf32, #tpu.memory_space<hbm>> -> memref<4000xf32, #tpu.memory_space<hbm>>
    tpu.enqueue_dma source(%dma_start3A_239 : memref<4000xf32, #tpu.memory_space<hbm>>) target(%arg9 : memref<4000xf32, #tpu.memory_space<vmem>>) target_semaphore(%arg26 : memref<!tpu.dma_semaphore, #tpu.memory_space<semaphore_mem>>)
    %dma_start3A_240 = tpu.memref_slice %arg3[%add3A_237] : memref<3200000xf32, #tpu.memory_space<hbm>> -> memref<4000xf32, #tpu.memory_space<hbm>>
    %dma_start3A_241 = tpu.memref_slice %arg3[%add3A_237] : memref<3200000xf32, #tpu.memory_space<hbm>> -> memref<4000xf32, #tpu.memory_space<hbm>>
    tpu.enqueue_dma source(%dma_start3A_241 : memref<4000xf32, #tpu.memory_space<hbm>>) target(%arg11 : memref<4000xf32, #tpu.memory_space<vmem>>) target_semaphore(%arg26 : memref<!tpu.dma_semaphore, #tpu.memory_space<semaphore_mem>>)
    %dma_start3A_242 = tpu.memref_slice %arg4[%add3A_237] : memref<3200000xi32, #tpu.memory_space<hbm>> -> memref<4000xi32, #tpu.memory_space<hbm>>
    %dma_start3A_243 = tpu.memref_slice %arg4[%add3A_237] : memref<3200000xi32, #tpu.memory_space<hbm>> -> memref<4000xi32, #tpu.memory_space<hbm>>
    tpu.enqueue_dma source(%dma_start3A_243 : memref<4000xi32, #tpu.memory_space<hbm>>) target(%arg13 : memref<4000xi32, #tpu.memory_space<vmem>>) target_semaphore(%arg26 : memref<!tpu.dma_semaphore, #tpu.memory_space<semaphore_mem>>)
    %dma_wait3A_244 = tpu.memref_slice %arg2[%add3A_214] : memref<3200000xf32, #tpu.memory_space<hbm>> -> memref<4000xf32, #tpu.memory_space<hbm>>
    %dma_wait3A_245 = tpu.memref_slice %arg2[%add3A_214] : memref<3200000xf32, #tpu.memory_space<hbm>> -> memref<4000xf32, #tpu.memory_space<hbm>>
    tpu.wait_dma2 semaphore(%arg27 : memref<!tpu.dma_semaphore, #tpu.memory_space<semaphore_mem>>) src(%dma_wait3A_245 : memref<4000xf32, #tpu.memory_space<hbm>>) dst(%arg10 : memref<4000xf32, #tpu.memory_space<vmem>>)
    %dma_wait3A_246 = tpu.memref_slice %arg3[%add3A_214] : memref<3200000xf32, #tpu.memory_space<hbm>> -> memref<4000xf32, #tpu.memory_space<hbm>>
    %dma_wait3A_247 = tpu.memref_slice %arg3[%add3A_214] : memref<3200000xf32, #tpu.memory_space<hbm>> -> memref<4000xf32, #tpu.memory_space<hbm>>
    tpu.wait_dma2 semaphore(%arg27 : memref<!tpu.dma_semaphore, #tpu.memory_space<semaphore_mem>>) src(%dma_wait3A_247 : memref<4000xf32, #tpu.memory_space<hbm>>) dst(%arg12 : memref<4000xf32, #tpu.memory_space<vmem>>)
    %dma_wait3A_248 = tpu.memref_slice %arg4[%add3A_214] : memref<3200000xi32, #tpu.memory_space<hbm>> -> memref<4000xi32, #tpu.memory_space<hbm>>
    %dma_wait3A_249 = tpu.memref_slice %arg4[%add3A_214] : memref<3200000xi32, #tpu.memory_space<hbm>> -> memref<4000xi32, #tpu.memory_space<hbm>>
    tpu.wait_dma2 semaphore(%arg27 : memref<!tpu.dma_semaphore, #tpu.memory_space<semaphore_mem>>) src(%dma_wait3A_249 : memref<4000xi32, #tpu.memory_space<hbm>>) dst(%arg14 : memref<4000xi32, #tpu.memory_space<vmem>>)
    %scan3A_250 = arith.constant 0 : i32
    %scan3A_251 = arith.constant 0 : i32
    %scan3A_252 = arith.constant 50 : i32
    %scan3A_253 = arith.addi %scan3A_251, %scan3A_252 : i32
    %scan3A_254 = arith.constant 1 : i32
    %scan3A_255 = scf.for %scan3A_687 = %scan3A_251 to %scan3A_253 step %scan3A_254 iter_args(%scan3A_688 = %scan3A_250) -> (i32)  : i32 {
      %mul3A_689 = arith.constant 80 : i32
      %mul3A_690 = arith.muli %scan3A_687, %mul3A_689 : i32
      %scan3A_691 = arith.constant 0 : i32
      scf.yield %scan3A_691 : i32
    }
    %scan3A_256 = arith.constant 50 : i32
    %mul3A_257 = arith.constant 100000 : i32
    %mul3A_258 = arith.muli %add3A, %mul3A_257 : i32
    %add3A_259 = arith.constant 36000 : i32
    %add3A_260 = arith.addi %mul3A_258, %add3A_259 : i32
    %dma_start3A_261 = tpu.memref_slice %arg2[%add3A_260] : memref<3200000xf32, #tpu.memory_space<hbm>> -> memref<4000xf32, #tpu.memory_space<hbm>>
    %dma_start3A_262 = tpu.memref_slice %arg2[%add3A_260] : memref<3200000xf32, #tpu.memory_space<hbm>> -> memref<4000xf32, #tpu.memory_space<hbm>>
    tpu.enqueue_dma source(%dma_start3A_262 : memref<4000xf32, #tpu.memory_space<hbm>>) target(%arg10 : memref<4000xf32, #tpu.memory_space<vmem>>) target_semaphore(%arg27 : memref<!tpu.dma_semaphore, #tpu.memory_space<semaphore_mem>>)
    %dma_start3A_263 = tpu.memref_slice %arg3[%add3A_260] : memref<3200000xf32, #tpu.memory_space<hbm>> -> memref<4000xf32, #tpu.memory_space<hbm>>
    %dma_start3A_264 = tpu.memref_slice %arg3[%add3A_260] : memref<3200000xf32, #tpu.memory_space<hbm>> -> memref<4000xf32, #tpu.memory_space<hbm>>
    tpu.enqueue_dma source(%dma_start3A_264 : memref<4000xf32, #tpu.memory_space<hbm>>) target(%arg12 : memref<4000xf32, #tpu.memory_space<vmem>>) target_semaphore(%arg27 : memref<!tpu.dma_semaphore, #tpu.memory_space<semaphore_mem>>)
    %dma_start3A_265 = tpu.memref_slice %arg4[%add3A_260] : memref<3200000xi32, #tpu.memory_space<hbm>> -> memref<4000xi32, #tpu.memory_space<hbm>>
    %dma_start3A_266 = tpu.memref_slice %arg4[%add3A_260] : memref<3200000xi32, #tpu.memory_space<hbm>> -> memref<4000xi32, #tpu.memory_space<hbm>>
    tpu.enqueue_dma source(%dma_start3A_266 : memref<4000xi32, #tpu.memory_space<hbm>>) target(%arg14 : memref<4000xi32, #tpu.memory_space<vmem>>) target_semaphore(%arg27 : memref<!tpu.dma_semaphore, #tpu.memory_space<semaphore_mem>>)
    %dma_wait3A_267 = tpu.memref_slice %arg2[%add3A_237] : memref<3200000xf32, #tpu.memory_space<hbm>> -> memref<4000xf32, #tpu.memory_space<hbm>>
    %dma_wait3A_268 = tpu.memref_slice %arg2[%add3A_237] : memref<3200000xf32, #tpu.memory_space<hbm>> -> memref<4000xf32, #tpu.memory_space<hbm>>
    tpu.wait_dma2 semaphore(%arg26 : memref<!tpu.dma_semaphore, #tpu.memory_space<semaphore_mem>>) src(%dma_wait3A_268 : memref<4000xf32, #tpu.memory_space<hbm>>) dst(%arg9 : memref<4000xf32, #tpu.memory_space<vmem>>)
    %dma_wait3A_269 = tpu.memref_slice %arg3[%add3A_237] : memref<3200000xf32, #tpu.memory_space<hbm>> -> memref<4000xf32, #tpu.memory_space<hbm>>
    %dma_wait3A_270 = tpu.memref_slice %arg3[%add3A_237] : memref<3200000xf32, #tpu.memory_space<hbm>> -> memref<4000xf32, #tpu.memory_space<hbm>>
    tpu.wait_dma2 semaphore(%arg26 : memref<!tpu.dma_semaphore, #tpu.memory_space<semaphore_mem>>) src(%dma_wait3A_270 : memref<4000xf32, #tpu.memory_space<hbm>>) dst(%arg11 : memref<4000xf32, #tpu.memory_space<vmem>>)
    %dma_wait3A_271 = tpu.memref_slice %arg4[%add3A_237] : memref<3200000xi32, #tpu.memory_space<hbm>> -> memref<4000xi32, #tpu.memory_space<hbm>>
    %dma_wait3A_272 = tpu.memref_slice %arg4[%add3A_237] : memref<3200000xi32, #tpu.memory_space<hbm>> -> memref<4000xi32, #tpu.memory_space<hbm>>
    tpu.wait_dma2 semaphore(%arg26 : memref<!tpu.dma_semaphore, #tpu.memory_space<semaphore_mem>>) src(%dma_wait3A_272 : memref<4000xi32, #tpu.memory_space<hbm>>) dst(%arg13 : memref<4000xi32, #tpu.memory_space<vmem>>)
    %scan3A_273 = arith.constant 0 : i32
    %scan3A_274 = arith.constant 0 : i32
    %scan3A_275 = arith.constant 50 : i32
    %scan3A_276 = arith.addi %scan3A_274, %scan3A_275 : i32
    %scan3A_277 = arith.constant 1 : i32
    %scan3A_278 = scf.for %scan3A_687 = %scan3A_274 to %scan3A_276 step %scan3A_277 iter_args(%scan3A_688 = %scan3A_273) -> (i32)  : i32 {
      %mul3A_689 = arith.constant 80 : i32
      %mul3A_690 = arith.muli %scan3A_687, %mul3A_689 : i32
      %scan3A_691 = arith.constant 0 : i32
      scf.yield %scan3A_691 : i32
    }
    %scan3A_279 = arith.constant 50 : i32
    %mul3A_280 = arith.constant 100000 : i32
    %mul3A_281 = arith.muli %add3A, %mul3A_280 : i32
    %add3A_282 = arith.constant 40000 : i32
    %add3A_283 = arith.addi %mul3A_281, %add3A_282 : i32
    %dma_start3A_284 = tpu.memref_slice %arg2[%add3A_283] : memref<3200000xf32, #tpu.memory_space<hbm>> -> memref<4000xf32, #tpu.memory_space<hbm>>
    %dma_start3A_285 = tpu.memref_slice %arg2[%add3A_283] : memref<3200000xf32, #tpu.memory_space<hbm>> -> memref<4000xf32, #tpu.memory_space<hbm>>
    tpu.enqueue_dma source(%dma_start3A_285 : memref<4000xf32, #tpu.memory_space<hbm>>) target(%arg9 : memref<4000xf32, #tpu.memory_space<vmem>>) target_semaphore(%arg26 : memref<!tpu.dma_semaphore, #tpu.memory_space<semaphore_mem>>)
    %dma_start3A_286 = tpu.memref_slice %arg3[%add3A_283] : memref<3200000xf32, #tpu.memory_space<hbm>> -> memref<4000xf32, #tpu.memory_space<hbm>>
    %dma_start3A_287 = tpu.memref_slice %arg3[%add3A_283] : memref<3200000xf32, #tpu.memory_space<hbm>> -> memref<4000xf32, #tpu.memory_space<hbm>>
    tpu.enqueue_dma source(%dma_start3A_287 : memref<4000xf32, #tpu.memory_space<hbm>>) target(%arg11 : memref<4000xf32, #tpu.memory_space<vmem>>) target_semaphore(%arg26 : memref<!tpu.dma_semaphore, #tpu.memory_space<semaphore_mem>>)
    %dma_start3A_288 = tpu.memref_slice %arg4[%add3A_283] : memref<3200000xi32, #tpu.memory_space<hbm>> -> memref<4000xi32, #tpu.memory_space<hbm>>
    %dma_start3A_289 = tpu.memref_slice %arg4[%add3A_283] : memref<3200000xi32, #tpu.memory_space<hbm>> -> memref<4000xi32, #tpu.memory_space<hbm>>
    tpu.enqueue_dma source(%dma_start3A_289 : memref<4000xi32, #tpu.memory_space<hbm>>) target(%arg13 : memref<4000xi32, #tpu.memory_space<vmem>>) target_semaphore(%arg26 : memref<!tpu.dma_semaphore, #tpu.memory_space<semaphore_mem>>)
    %dma_wait3A_290 = tpu.memref_slice %arg2[%add3A_260] : memref<3200000xf32, #tpu.memory_space<hbm>> -> memref<4000xf32, #tpu.memory_space<hbm>>
    %dma_wait3A_291 = tpu.memref_slice %arg2[%add3A_260] : memref<3200000xf32, #tpu.memory_space<hbm>> -> memref<4000xf32, #tpu.memory_space<hbm>>
    tpu.wait_dma2 semaphore(%arg27 : memref<!tpu.dma_semaphore, #tpu.memory_space<semaphore_mem>>) src(%dma_wait3A_291 : memref<4000xf32, #tpu.memory_space<hbm>>) dst(%arg10 : memref<4000xf32, #tpu.memory_space<vmem>>)
    %dma_wait3A_292 = tpu.memref_slice %arg3[%add3A_260] : memref<3200000xf32, #tpu.memory_space<hbm>> -> memref<4000xf32, #tpu.memory_space<hbm>>
    %dma_wait3A_293 = tpu.memref_slice %arg3[%add3A_260] : memref<3200000xf32, #tpu.memory_space<hbm>> -> memref<4000xf32, #tpu.memory_space<hbm>>
    tpu.wait_dma2 semaphore(%arg27 : memref<!tpu.dma_semaphore, #tpu.memory_space<semaphore_mem>>) src(%dma_wait3A_293 : memref<4000xf32, #tpu.memory_space<hbm>>) dst(%arg12 : memref<4000xf32, #tpu.memory_space<vmem>>)
    %dma_wait3A_294 = tpu.memref_slice %arg4[%add3A_260] : memref<3200000xi32, #tpu.memory_space<hbm>> -> memref<4000xi32, #tpu.memory_space<hbm>>
    %dma_wait3A_295 = tpu.memref_slice %arg4[%add3A_260] : memref<3200000xi32, #tpu.memory_space<hbm>> -> memref<4000xi32, #tpu.memory_space<hbm>>
    tpu.wait_dma2 semaphore(%arg27 : memref<!tpu.dma_semaphore, #tpu.memory_space<semaphore_mem>>) src(%dma_wait3A_295 : memref<4000xi32, #tpu.memory_space<hbm>>) dst(%arg14 : memref<4000xi32, #tpu.memory_space<vmem>>)
    %scan3A_296 = arith.constant 0 : i32
    %scan3A_297 = arith.constant 0 : i32
    %scan3A_298 = arith.constant 50 : i32
    %scan3A_299 = arith.addi %scan3A_297, %scan3A_298 : i32
    %scan3A_300 = arith.constant 1 : i32
    %scan3A_301 = scf.for %scan3A_687 = %scan3A_297 to %scan3A_299 step %scan3A_300 iter_args(%scan3A_688 = %scan3A_296) -> (i32)  : i32 {
      %mul3A_689 = arith.constant 80 : i32
      %mul3A_690 = arith.muli %scan3A_687, %mul3A_689 : i32
      %scan3A_691 = arith.constant 0 : i32
      scf.yield %scan3A_691 : i32
    }
    %scan3A_302 = arith.constant 50 : i32
    %mul3A_303 = arith.constant 100000 : i32
    %mul3A_304 = arith.muli %add3A, %mul3A_303 : i32
    %add3A_305 = arith.constant 44000 : i32
    %add3A_306 = arith.addi %mul3A_304, %add3A_305 : i32
    %dma_start3A_307 = tpu.memref_slice %arg2[%add3A_306] : memref<3200000xf32, #tpu.memory_space<hbm>> -> memref<4000xf32, #tpu.memory_space<hbm>>
    %dma_start3A_308 = tpu.memref_slice %arg2[%add3A_306] : memref<3200000xf32, #tpu.memory_space<hbm>> -> memref<4000xf32, #tpu.memory_space<hbm>>
    tpu.enqueue_dma source(%dma_start3A_308 : memref<4000xf32, #tpu.memory_space<hbm>>) target(%arg10 : memref<4000xf32, #tpu.memory_space<vmem>>) target_semaphore(%arg27 : memref<!tpu.dma_semaphore, #tpu.memory_space<semaphore_mem>>)
    %dma_start3A_309 = tpu.memref_slice %arg3[%add3A_306] : memref<3200000xf32, #tpu.memory_space<hbm>> -> memref<4000xf32, #tpu.memory_space<hbm>>
    %dma_start3A_310 = tpu.memref_slice %arg3[%add3A_306] : memref<3200000xf32, #tpu.memory_space<hbm>> -> memref<4000xf32, #tpu.memory_space<hbm>>
    tpu.enqueue_dma source(%dma_start3A_310 : memref<4000xf32, #tpu.memory_space<hbm>>) target(%arg12 : memref<4000xf32, #tpu.memory_space<vmem>>) target_semaphore(%arg27 : memref<!tpu.dma_semaphore, #tpu.memory_space<semaphore_mem>>)
    %dma_start3A_311 = tpu.memref_slice %arg4[%add3A_306] : memref<3200000xi32, #tpu.memory_space<hbm>> -> memref<4000xi32, #tpu.memory_space<hbm>>
    %dma_start3A_312 = tpu.memref_slice %arg4[%add3A_306] : memref<3200000xi32, #tpu.memory_space<hbm>> -> memref<4000xi32, #tpu.memory_space<hbm>>
    tpu.enqueue_dma source(%dma_start3A_312 : memref<4000xi32, #tpu.memory_space<hbm>>) target(%arg14 : memref<4000xi32, #tpu.memory_space<vmem>>) target_semaphore(%arg27 : memref<!tpu.dma_semaphore, #tpu.memory_space<semaphore_mem>>)
    %dma_wait3A_313 = tpu.memref_slice %arg2[%add3A_283] : memref<3200000xf32, #tpu.memory_space<hbm>> -> memref<4000xf32, #tpu.memory_space<hbm>>
    %dma_wait3A_314 = tpu.memref_slice %arg2[%add3A_283] : memref<3200000xf32, #tpu.memory_space<hbm>> -> memref<4000xf32, #tpu.memory_space<hbm>>
    tpu.wait_dma2 semaphore(%arg26 : memref<!tpu.dma_semaphore, #tpu.memory_space<semaphore_mem>>) src(%dma_wait3A_314 : memref<4000xf32, #tpu.memory_space<hbm>>) dst(%arg9 : memref<4000xf32, #tpu.memory_space<vmem>>)
    %dma_wait3A_315 = tpu.memref_slice %arg3[%add3A_283] : memref<3200000xf32, #tpu.memory_space<hbm>> -> memref<4000xf32, #tpu.memory_space<hbm>>
    %dma_wait3A_316 = tpu.memref_slice %arg3[%add3A_283] : memref<3200000xf32, #tpu.memory_space<hbm>> -> memref<4000xf32, #tpu.memory_space<hbm>>
    tpu.wait_dma2 semaphore(%arg26 : memref<!tpu.dma_semaphore, #tpu.memory_space<semaphore_mem>>) src(%dma_wait3A_316 : memref<4000xf32, #tpu.memory_space<hbm>>) dst(%arg11 : memref<4000xf32, #tpu.memory_space<vmem>>)
    %dma_wait3A_317 = tpu.memref_slice %arg4[%add3A_283] : memref<3200000xi32, #tpu.memory_space<hbm>> -> memref<4000xi32, #tpu.memory_space<hbm>>
    %dma_wait3A_318 = tpu.memref_slice %arg4[%add3A_283] : memref<3200000xi32, #tpu.memory_space<hbm>> -> memref<4000xi32, #tpu.memory_space<hbm>>
    tpu.wait_dma2 semaphore(%arg26 : memref<!tpu.dma_semaphore, #tpu.memory_space<semaphore_mem>>) src(%dma_wait3A_318 : memref<4000xi32, #tpu.memory_space<hbm>>) dst(%arg13 : memref<4000xi32, #tpu.memory_space<vmem>>)
    %scan3A_319 = arith.constant 0 : i32
    %scan3A_320 = arith.constant 0 : i32
    %scan3A_321 = arith.constant 50 : i32
    %scan3A_322 = arith.addi %scan3A_320, %scan3A_321 : i32
    %scan3A_323 = arith.constant 1 : i32
    %scan3A_324 = scf.for %scan3A_687 = %scan3A_320 to %scan3A_322 step %scan3A_323 iter_args(%scan3A_688 = %scan3A_319) -> (i32)  : i32 {
      %mul3A_689 = arith.constant 80 : i32
      %mul3A_690 = arith.muli %scan3A_687, %mul3A_689 : i32
      %scan3A_691 = arith.constant 0 : i32
      scf.yield %scan3A_691 : i32
    }
    %scan3A_325 = arith.constant 50 : i32
    %mul3A_326 = arith.constant 100000 : i32
    %mul3A_327 = arith.muli %add3A, %mul3A_326 : i32
    %add3A_328 = arith.constant 48000 : i32
    %add3A_329 = arith.addi %mul3A_327, %add3A_328 : i32
    %dma_start3A_330 = tpu.memref_slice %arg2[%add3A_329] : memref<3200000xf32, #tpu.memory_space<hbm>> -> memref<4000xf32, #tpu.memory_space<hbm>>
    %dma_start3A_331 = tpu.memref_slice %arg2[%add3A_329] : memref<3200000xf32, #tpu.memory_space<hbm>> -> memref<4000xf32, #tpu.memory_space<hbm>>
    tpu.enqueue_dma source(%dma_start3A_331 : memref<4000xf32, #tpu.memory_space<hbm>>) target(%arg9 : memref<4000xf32, #tpu.memory_space<vmem>>) target_semaphore(%arg26 : memref<!tpu.dma_semaphore, #tpu.memory_space<semaphore_mem>>)
    %dma_start3A_332 = tpu.memref_slice %arg3[%add3A_329] : memref<3200000xf32, #tpu.memory_space<hbm>> -> memref<4000xf32, #tpu.memory_space<hbm>>
    %dma_start3A_333 = tpu.memref_slice %arg3[%add3A_329] : memref<3200000xf32, #tpu.memory_space<hbm>> -> memref<4000xf32, #tpu.memory_space<hbm>>
    tpu.enqueue_dma source(%dma_start3A_333 : memref<4000xf32, #tpu.memory_space<hbm>>) target(%arg11 : memref<4000xf32, #tpu.memory_space<vmem>>) target_semaphore(%arg26 : memref<!tpu.dma_semaphore, #tpu.memory_space<semaphore_mem>>)
    %dma_start3A_334 = tpu.memref_slice %arg4[%add3A_329] : memref<3200000xi32, #tpu.memory_space<hbm>> -> memref<4000xi32, #tpu.memory_space<hbm>>
    %dma_start3A_335 = tpu.memref_slice %arg4[%add3A_329] : memref<3200000xi32, #tpu.memory_space<hbm>> -> memref<4000xi32, #tpu.memory_space<hbm>>
    tpu.enqueue_dma source(%dma_start3A_335 : memref<4000xi32, #tpu.memory_space<hbm>>) target(%arg13 : memref<4000xi32, #tpu.memory_space<vmem>>) target_semaphore(%arg26 : memref<!tpu.dma_semaphore, #tpu.memory_space<semaphore_mem>>)
    %dma_wait3A_336 = tpu.memref_slice %arg2[%add3A_306] : memref<3200000xf32, #tpu.memory_space<hbm>> -> memref<4000xf32, #tpu.memory_space<hbm>>
    %dma_wait3A_337 = tpu.memref_slice %arg2[%add3A_306] : memref<3200000xf32, #tpu.memory_space<hbm>> -> memref<4000xf32, #tpu.memory_space<hbm>>
    tpu.wait_dma2 semaphore(%arg27 : memref<!tpu.dma_semaphore, #tpu.memory_space<semaphore_mem>>) src(%dma_wait3A_337 : memref<4000xf32, #tpu.memory_space<hbm>>) dst(%arg10 : memref<4000xf32, #tpu.memory_space<vmem>>)
    %dma_wait3A_338 = tpu.memref_slice %arg3[%add3A_306] : memref<3200000xf32, #tpu.memory_space<hbm>> -> memref<4000xf32, #tpu.memory_space<hbm>>
    %dma_wait3A_339 = tpu.memref_slice %arg3[%add3A_306] : memref<3200000xf32, #tpu.memory_space<hbm>> -> memref<4000xf32, #tpu.memory_space<hbm>>
    tpu.wait_dma2 semaphore(%arg27 : memref<!tpu.dma_semaphore, #tpu.memory_space<semaphore_mem>>) src(%dma_wait3A_339 : memref<4000xf32, #tpu.memory_space<hbm>>) dst(%arg12 : memref<4000xf32, #tpu.memory_space<vmem>>)
    %dma_wait3A_340 = tpu.memref_slice %arg4[%add3A_306] : memref<3200000xi32, #tpu.memory_space<hbm>> -> memref<4000xi32, #tpu.memory_space<hbm>>
    %dma_wait3A_341 = tpu.memref_slice %arg4[%add3A_306] : memref<3200000xi32, #tpu.memory_space<hbm>> -> memref<4000xi32, #tpu.memory_space<hbm>>
    tpu.wait_dma2 semaphore(%arg27 : memref<!tpu.dma_semaphore, #tpu.memory_space<semaphore_mem>>) src(%dma_wait3A_341 : memref<4000xi32, #tpu.memory_space<hbm>>) dst(%arg14 : memref<4000xi32, #tpu.memory_space<vmem>>)
    %scan3A_342 = arith.constant 0 : i32
    %scan3A_343 = arith.constant 0 : i32
    %scan3A_344 = arith.constant 50 : i32
    %scan3A_345 = arith.addi %scan3A_343, %scan3A_344 : i32
    %scan3A_346 = arith.constant 1 : i32
    %scan3A_347 = scf.for %scan3A_687 = %scan3A_343 to %scan3A_345 step %scan3A_346 iter_args(%scan3A_688 = %scan3A_342) -> (i32)  : i32 {
      %mul3A_689 = arith.constant 80 : i32
      %mul3A_690 = arith.muli %scan3A_687, %mul3A_689 : i32
      %scan3A_691 = arith.constant 0 : i32
      scf.yield %scan3A_691 : i32
    }
    %scan3A_348 = arith.constant 50 : i32
    %mul3A_349 = arith.constant 100000 : i32
    %mul3A_350 = arith.muli %add3A, %mul3A_349 : i32
    %add3A_351 = arith.constant 52000 : i32
    %add3A_352 = arith.addi %mul3A_350, %add3A_351 : i32
    %dma_start3A_353 = tpu.memref_slice %arg2[%add3A_352] : memref<3200000xf32, #tpu.memory_space<hbm>> -> memref<4000xf32, #tpu.memory_space<hbm>>
    %dma_start3A_354 = tpu.memref_slice %arg2[%add3A_352] : memref<3200000xf32, #tpu.memory_space<hbm>> -> memref<4000xf32, #tpu.memory_space<hbm>>
    tpu.enqueue_dma source(%dma_start3A_354 : memref<4000xf32, #tpu.memory_space<hbm>>) target(%arg10 : memref<4000xf32, #tpu.memory_space<vmem>>) target_semaphore(%arg27 : memref<!tpu.dma_semaphore, #tpu.memory_space<semaphore_mem>>)
    %dma_start3A_355 = tpu.memref_slice %arg3[%add3A_352] : memref<3200000xf32, #tpu.memory_space<hbm>> -> memref<4000xf32, #tpu.memory_space<hbm>>
    %dma_start3A_356 = tpu.memref_slice %arg3[%add3A_352] : memref<3200000xf32, #tpu.memory_space<hbm>> -> memref<4000xf32, #tpu.memory_space<hbm>>
    tpu.enqueue_dma source(%dma_start3A_356 : memref<4000xf32, #tpu.memory_space<hbm>>) target(%arg12 : memref<4000xf32, #tpu.memory_space<vmem>>) target_semaphore(%arg27 : memref<!tpu.dma_semaphore, #tpu.memory_space<semaphore_mem>>)
    %dma_start3A_357 = tpu.memref_slice %arg4[%add3A_352] : memref<3200000xi32, #tpu.memory_space<hbm>> -> memref<4000xi32, #tpu.memory_space<hbm>>
    %dma_start3A_358 = tpu.memref_slice %arg4[%add3A_352] : memref<3200000xi32, #tpu.memory_space<hbm>> -> memref<4000xi32, #tpu.memory_space<hbm>>
    tpu.enqueue_dma source(%dma_start3A_358 : memref<4000xi32, #tpu.memory_space<hbm>>) target(%arg14 : memref<4000xi32, #tpu.memory_space<vmem>>) target_semaphore(%arg27 : memref<!tpu.dma_semaphore, #tpu.memory_space<semaphore_mem>>)
    %dma_wait3A_359 = tpu.memref_slice %arg2[%add3A_329] : memref<3200000xf32, #tpu.memory_space<hbm>> -> memref<4000xf32, #tpu.memory_space<hbm>>
    %dma_wait3A_360 = tpu.memref_slice %arg2[%add3A_329] : memref<3200000xf32, #tpu.memory_space<hbm>> -> memref<4000xf32, #tpu.memory_space<hbm>>
    tpu.wait_dma2 semaphore(%arg26 : memref<!tpu.dma_semaphore, #tpu.memory_space<semaphore_mem>>) src(%dma_wait3A_360 : memref<4000xf32, #tpu.memory_space<hbm>>) dst(%arg9 : memref<4000xf32, #tpu.memory_space<vmem>>)
    %dma_wait3A_361 = tpu.memref_slice %arg3[%add3A_329] : memref<3200000xf32, #tpu.memory_space<hbm>> -> memref<4000xf32, #tpu.memory_space<hbm>>
    %dma_wait3A_362 = tpu.memref_slice %arg3[%add3A_329] : memref<3200000xf32, #tpu.memory_space<hbm>> -> memref<4000xf32, #tpu.memory_space<hbm>>
    tpu.wait_dma2 semaphore(%arg26 : memref<!tpu.dma_semaphore, #tpu.memory_space<semaphore_mem>>) src(%dma_wait3A_362 : memref<4000xf32, #tpu.memory_space<hbm>>) dst(%arg11 : memref<4000xf32, #tpu.memory_space<vmem>>)
    %dma_wait3A_363 = tpu.memref_slice %arg4[%add3A_329] : memref<3200000xi32, #tpu.memory_space<hbm>> -> memref<4000xi32, #tpu.memory_space<hbm>>
    %dma_wait3A_364 = tpu.memref_slice %arg4[%add3A_329] : memref<3200000xi32, #tpu.memory_space<hbm>> -> memref<4000xi32, #tpu.memory_space<hbm>>
    tpu.wait_dma2 semaphore(%arg26 : memref<!tpu.dma_semaphore, #tpu.memory_space<semaphore_mem>>) src(%dma_wait3A_364 : memref<4000xi32, #tpu.memory_space<hbm>>) dst(%arg13 : memref<4000xi32, #tpu.memory_space<vmem>>)
    %scan3A_365 = arith.constant 0 : i32
    %scan3A_366 = arith.constant 0 : i32
    %scan3A_367 = arith.constant 50 : i32
    %scan3A_368 = arith.addi %scan3A_366, %scan3A_367 : i32
    %scan3A_369 = arith.constant 1 : i32
    %scan3A_370 = scf.for %scan3A_687 = %scan3A_366 to %scan3A_368 step %scan3A_369 iter_args(%scan3A_688 = %scan3A_365) -> (i32)  : i32 {
      %mul3A_689 = arith.constant 80 : i32
      %mul3A_690 = arith.muli %scan3A_687, %mul3A_689 : i32
      %scan3A_691 = arith.constant 0 : i32
      scf.yield %scan3A_691 : i32
    }
    %scan3A_371 = arith.constant 50 : i32
    %mul3A_372 = arith.constant 100000 : i32
    %mul3A_373 = arith.muli %add3A, %mul3A_372 : i32
    %add3A_374 = arith.constant 56000 : i32
    %add3A_375 = arith.addi %mul3A_373, %add3A_374 : i32
    %dma_start3A_376 = tpu.memref_slice %arg2[%add3A_375] : memref<3200000xf32, #tpu.memory_space<hbm>> -> memref<4000xf32, #tpu.memory_space<hbm>>
    %dma_start3A_377 = tpu.memref_slice %arg2[%add3A_375] : memref<3200000xf32, #tpu.memory_space<hbm>> -> memref<4000xf32, #tpu.memory_space<hbm>>
    tpu.enqueue_dma source(%dma_start3A_377 : memref<4000xf32, #tpu.memory_space<hbm>>) target(%arg9 : memref<4000xf32, #tpu.memory_space<vmem>>) target_semaphore(%arg26 : memref<!tpu.dma_semaphore, #tpu.memory_space<semaphore_mem>>)
    %dma_start3A_378 = tpu.memref_slice %arg3[%add3A_375] : memref<3200000xf32, #tpu.memory_space<hbm>> -> memref<4000xf32, #tpu.memory_space<hbm>>
    %dma_start3A_379 = tpu.memref_slice %arg3[%add3A_375] : memref<3200000xf32, #tpu.memory_space<hbm>> -> memref<4000xf32, #tpu.memory_space<hbm>>
    tpu.enqueue_dma source(%dma_start3A_379 : memref<4000xf32, #tpu.memory_space<hbm>>) target(%arg11 : memref<4000xf32, #tpu.memory_space<vmem>>) target_semaphore(%arg26 : memref<!tpu.dma_semaphore, #tpu.memory_space<semaphore_mem>>)
    %dma_start3A_380 = tpu.memref_slice %arg4[%add3A_375] : memref<3200000xi32, #tpu.memory_space<hbm>> -> memref<4000xi32, #tpu.memory_space<hbm>>
    %dma_start3A_381 = tpu.memref_slice %arg4[%add3A_375] : memref<3200000xi32, #tpu.memory_space<hbm>> -> memref<4000xi32, #tpu.memory_space<hbm>>
    tpu.enqueue_dma source(%dma_start3A_381 : memref<4000xi32, #tpu.memory_space<hbm>>) target(%arg13 : memref<4000xi32, #tpu.memory_space<vmem>>) target_semaphore(%arg26 : memref<!tpu.dma_semaphore, #tpu.memory_space<semaphore_mem>>)
    %dma_wait3A_382 = tpu.memref_slice %arg2[%add3A_352] : memref<3200000xf32, #tpu.memory_space<hbm>> -> memref<4000xf32, #tpu.memory_space<hbm>>
    %dma_wait3A_383 = tpu.memref_slice %arg2[%add3A_352] : memref<3200000xf32, #tpu.memory_space<hbm>> -> memref<4000xf32, #tpu.memory_space<hbm>>
    tpu.wait_dma2 semaphore(%arg27 : memref<!tpu.dma_semaphore, #tpu.memory_space<semaphore_mem>>) src(%dma_wait3A_383 : memref<4000xf32, #tpu.memory_space<hbm>>) dst(%arg10 : memref<4000xf32, #tpu.memory_space<vmem>>)
    %dma_wait3A_384 = tpu.memref_slice %arg3[%add3A_352] : memref<3200000xf32, #tpu.memory_space<hbm>> -> memref<4000xf32, #tpu.memory_space<hbm>>
    %dma_wait3A_385 = tpu.memref_slice %arg3[%add3A_352] : memref<3200000xf32, #tpu.memory_space<hbm>> -> memref<4000xf32, #tpu.memory_space<hbm>>
    tpu.wait_dma2 semaphore(%arg27 : memref<!tpu.dma_semaphore, #tpu.memory_space<semaphore_mem>>) src(%dma_wait3A_385 : memref<4000xf32, #tpu.memory_space<hbm>>) dst(%arg12 : memref<4000xf32, #tpu.memory_space<vmem>>)
    %dma_wait3A_386 = tpu.memref_slice %arg4[%add3A_352] : memref<3200000xi32, #tpu.memory_space<hbm>> -> memref<4000xi32, #tpu.memory_space<hbm>>
    %dma_wait3A_387 = tpu.memref_slice %arg4[%add3A_352] : memref<3200000xi32, #tpu.memory_space<hbm>> -> memref<4000xi32, #tpu.memory_space<hbm>>
    tpu.wait_dma2 semaphore(%arg27 : memref<!tpu.dma_semaphore, #tpu.memory_space<semaphore_mem>>) src(%dma_wait3A_387 : memref<4000xi32, #tpu.memory_space<hbm>>) dst(%arg14 : memref<4000xi32, #tpu.memory_space<vmem>>)
    %scan3A_388 = arith.constant 0 : i32
    %scan3A_389 = arith.constant 0 : i32
    %scan3A_390 = arith.constant 50 : i32
    %scan3A_391 = arith.addi %scan3A_389, %scan3A_390 : i32
    %scan3A_392 = arith.constant 1 : i32
    %scan3A_393 = scf.for %scan3A_687 = %scan3A_389 to %scan3A_391 step %scan3A_392 iter_args(%scan3A_688 = %scan3A_388) -> (i32)  : i32 {
      %mul3A_689 = arith.constant 80 : i32
      %mul3A_690 = arith.muli %scan3A_687, %mul3A_689 : i32
      %scan3A_691 = arith.constant 0 : i32
      scf.yield %scan3A_691 : i32
    }
    %scan3A_394 = arith.constant 50 : i32
    %mul3A_395 = arith.constant 100000 : i32
    %mul3A_396 = arith.muli %add3A, %mul3A_395 : i32
    %add3A_397 = arith.constant 60000 : i32
    %add3A_398 = arith.addi %mul3A_396, %add3A_397 : i32
    %dma_start3A_399 = tpu.memref_slice %arg2[%add3A_398] : memref<3200000xf32, #tpu.memory_space<hbm>> -> memref<4000xf32, #tpu.memory_space<hbm>>
    %dma_start3A_400 = tpu.memref_slice %arg2[%add3A_398] : memref<3200000xf32, #tpu.memory_space<hbm>> -> memref<4000xf32, #tpu.memory_space<hbm>>
    tpu.enqueue_dma source(%dma_start3A_400 : memref<4000xf32, #tpu.memory_space<hbm>>) target(%arg10 : memref<4000xf32, #tpu.memory_space<vmem>>) target_semaphore(%arg27 : memref<!tpu.dma_semaphore, #tpu.memory_space<semaphore_mem>>)
    %dma_start3A_401 = tpu.memref_slice %arg3[%add3A_398] : memref<3200000xf32, #tpu.memory_space<hbm>> -> memref<4000xf32, #tpu.memory_space<hbm>>
    %dma_start3A_402 = tpu.memref_slice %arg3[%add3A_398] : memref<3200000xf32, #tpu.memory_space<hbm>> -> memref<4000xf32, #tpu.memory_space<hbm>>
    tpu.enqueue_dma source(%dma_start3A_402 : memref<4000xf32, #tpu.memory_space<hbm>>) target(%arg12 : memref<4000xf32, #tpu.memory_space<vmem>>) target_semaphore(%arg27 : memref<!tpu.dma_semaphore, #tpu.memory_space<semaphore_mem>>)
    %dma_start3A_403 = tpu.memref_slice %arg4[%add3A_398] : memref<3200000xi32, #tpu.memory_space<hbm>> -> memref<4000xi32, #tpu.memory_space<hbm>>
    %dma_start3A_404 = tpu.memref_slice %arg4[%add3A_398] : memref<3200000xi32, #tpu.memory_space<hbm>> -> memref<4000xi32, #tpu.memory_space<hbm>>
    tpu.enqueue_dma source(%dma_start3A_404 : memref<4000xi32, #tpu.memory_space<hbm>>) target(%arg14 : memref<4000xi32, #tpu.memory_space<vmem>>) target_semaphore(%arg27 : memref<!tpu.dma_semaphore, #tpu.memory_space<semaphore_mem>>)
    %dma_wait3A_405 = tpu.memref_slice %arg2[%add3A_375] : memref<3200000xf32, #tpu.memory_space<hbm>> -> memref<4000xf32, #tpu.memory_space<hbm>>
    %dma_wait3A_406 = tpu.memref_slice %arg2[%add3A_375] : memref<3200000xf32, #tpu.memory_space<hbm>> -> memref<4000xf32, #tpu.memory_space<hbm>>
    tpu.wait_dma2 semaphore(%arg26 : memref<!tpu.dma_semaphore, #tpu.memory_space<semaphore_mem>>) src(%dma_wait3A_406 : memref<4000xf32, #tpu.memory_space<hbm>>) dst(%arg9 : memref<4000xf32, #tpu.memory_space<vmem>>)
    %dma_wait3A_407 = tpu.memref_slice %arg3[%add3A_375] : memref<3200000xf32, #tpu.memory_space<hbm>> -> memref<4000xf32, #tpu.memory_space<hbm>>
    %dma_wait3A_408 = tpu.memref_slice %arg3[%add3A_375] : memref<3200000xf32, #tpu.memory_space<hbm>> -> memref<4000xf32, #tpu.memory_space<hbm>>
    tpu.wait_dma2 semaphore(%arg26 : memref<!tpu.dma_semaphore, #tpu.memory_space<semaphore_mem>>) src(%dma_wait3A_408 : memref<4000xf32, #tpu.memory_space<hbm>>) dst(%arg11 : memref<4000xf32, #tpu.memory_space<vmem>>)
    %dma_wait3A_409 = tpu.memref_slice %arg4[%add3A_375] : memref<3200000xi32, #tpu.memory_space<hbm>> -> memref<4000xi32, #tpu.memory_space<hbm>>
    %dma_wait3A_410 = tpu.memref_slice %arg4[%add3A_375] : memref<3200000xi32, #tpu.memory_space<hbm>> -> memref<4000xi32, #tpu.memory_space<hbm>>
    tpu.wait_dma2 semaphore(%arg26 : memref<!tpu.dma_semaphore, #tpu.memory_space<semaphore_mem>>) src(%dma_wait3A_410 : memref<4000xi32, #tpu.memory_space<hbm>>) dst(%arg13 : memref<4000xi32, #tpu.memory_space<vmem>>)
    %scan3A_411 = arith.constant 0 : i32
    %scan3A_412 = arith.constant 0 : i32
    %scan3A_413 = arith.constant 50 : i32
    %scan3A_414 = arith.addi %scan3A_412, %scan3A_413 : i32
    %scan3A_415 = arith.constant 1 : i32
    %scan3A_416 = scf.for %scan3A_687 = %scan3A_412 to %scan3A_414 step %scan3A_415 iter_args(%scan3A_688 = %scan3A_411) -> (i32)  : i32 {
      %mul3A_689 = arith.constant 80 : i32
      %mul3A_690 = arith.muli %scan3A_687, %mul3A_689 : i32
      %scan3A_691 = arith.constant 0 : i32
      scf.yield %scan3A_691 : i32
    }
    %scan3A_417 = arith.constant 50 : i32
    %mul3A_418 = arith.constant 100000 : i32
    %mul3A_419 = arith.muli %add3A, %mul3A_418 : i32
    %add3A_420 = arith.constant 64000 : i32
    %add3A_421 = arith.addi %mul3A_419, %add3A_420 : i32
    %dma_start3A_422 = tpu.memref_slice %arg2[%add3A_421] : memref<3200000xf32, #tpu.memory_space<hbm>> -> memref<4000xf32, #tpu.memory_space<hbm>>
    %dma_start3A_423 = tpu.memref_slice %arg2[%add3A_421] : memref<3200000xf32, #tpu.memory_space<hbm>> -> memref<4000xf32, #tpu.memory_space<hbm>>
    tpu.enqueue_dma source(%dma_start3A_423 : memref<4000xf32, #tpu.memory_space<hbm>>) target(%arg9 : memref<4000xf32, #tpu.memory_space<vmem>>) target_semaphore(%arg26 : memref<!tpu.dma_semaphore, #tpu.memory_space<semaphore_mem>>)
    %dma_start3A_424 = tpu.memref_slice %arg3[%add3A_421] : memref<3200000xf32, #tpu.memory_space<hbm>> -> memref<4000xf32, #tpu.memory_space<hbm>>
    %dma_start3A_425 = tpu.memref_slice %arg3[%add3A_421] : memref<3200000xf32, #tpu.memory_space<hbm>> -> memref<4000xf32, #tpu.memory_space<hbm>>
    tpu.enqueue_dma source(%dma_start3A_425 : memref<4000xf32, #tpu.memory_space<hbm>>) target(%arg11 : memref<4000xf32, #tpu.memory_space<vmem>>) target_semaphore(%arg26 : memref<!tpu.dma_semaphore, #tpu.memory_space<semaphore_mem>>)
    %dma_start3A_426 = tpu.memref_slice %arg4[%add3A_421] : memref<3200000xi32, #tpu.memory_space<hbm>> -> memref<4000xi32, #tpu.memory_space<hbm>>
    %dma_start3A_427 = tpu.memref_slice %arg4[%add3A_421] : memref<3200000xi32, #tpu.memory_space<hbm>> -> memref<4000xi32, #tpu.memory_space<hbm>>
    tpu.enqueue_dma source(%dma_start3A_427 : memref<4000xi32, #tpu.memory_space<hbm>>) target(%arg13 : memref<4000xi32, #tpu.memory_space<vmem>>) target_semaphore(%arg26 : memref<!tpu.dma_semaphore, #tpu.memory_space<semaphore_mem>>)
    %dma_wait3A_428 = tpu.memref_slice %arg2[%add3A_398] : memref<3200000xf32, #tpu.memory_space<hbm>> -> memref<4000xf32, #tpu.memory_space<hbm>>
    %dma_wait3A_429 = tpu.memref_slice %arg2[%add3A_398] : memref<3200000xf32, #tpu.memory_space<hbm>> -> memref<4000xf32, #tpu.memory_space<hbm>>
    tpu.wait_dma2 semaphore(%arg27 : memref<!tpu.dma_semaphore, #tpu.memory_space<semaphore_mem>>) src(%dma_wait3A_429 : memref<4000xf32, #tpu.memory_space<hbm>>) dst(%arg10 : memref<4000xf32, #tpu.memory_space<vmem>>)
    %dma_wait3A_430 = tpu.memref_slice %arg3[%add3A_398] : memref<3200000xf32, #tpu.memory_space<hbm>> -> memref<4000xf32, #tpu.memory_space<hbm>>
    %dma_wait3A_431 = tpu.memref_slice %arg3[%add3A_398] : memref<3200000xf32, #tpu.memory_space<hbm>> -> memref<4000xf32, #tpu.memory_space<hbm>>
    tpu.wait_dma2 semaphore(%arg27 : memref<!tpu.dma_semaphore, #tpu.memory_space<semaphore_mem>>) src(%dma_wait3A_431 : memref<4000xf32, #tpu.memory_space<hbm>>) dst(%arg12 : memref<4000xf32, #tpu.memory_space<vmem>>)
    %dma_wait3A_432 = tpu.memref_slice %arg4[%add3A_398] : memref<3200000xi32, #tpu.memory_space<hbm>> -> memref<4000xi32, #tpu.memory_space<hbm>>
    %dma_wait3A_433 = tpu.memref_slice %arg4[%add3A_398] : memref<3200000xi32, #tpu.memory_space<hbm>> -> memref<4000xi32, #tpu.memory_space<hbm>>
    tpu.wait_dma2 semaphore(%arg27 : memref<!tpu.dma_semaphore, #tpu.memory_space<semaphore_mem>>) src(%dma_wait3A_433 : memref<4000xi32, #tpu.memory_space<hbm>>) dst(%arg14 : memref<4000xi32, #tpu.memory_space<vmem>>)
    %scan3A_434 = arith.constant 0 : i32
    %scan3A_435 = arith.constant 0 : i32
    %scan3A_436 = arith.constant 50 : i32
    %scan3A_437 = arith.addi %scan3A_435, %scan3A_436 : i32
    %scan3A_438 = arith.constant 1 : i32
    %scan3A_439 = scf.for %scan3A_687 = %scan3A_435 to %scan3A_437 step %scan3A_438 iter_args(%scan3A_688 = %scan3A_434) -> (i32)  : i32 {
      %mul3A_689 = arith.constant 80 : i32
      %mul3A_690 = arith.muli %scan3A_687, %mul3A_689 : i32
      %scan3A_691 = arith.constant 0 : i32
      scf.yield %scan3A_691 : i32
    }
    %scan3A_440 = arith.constant 50 : i32
    %mul3A_441 = arith.constant 100000 : i32
    %mul3A_442 = arith.muli %add3A, %mul3A_441 : i32
    %add3A_443 = arith.constant 68000 : i32
    %add3A_444 = arith.addi %mul3A_442, %add3A_443 : i32
    %dma_start3A_445 = tpu.memref_slice %arg2[%add3A_444] : memref<3200000xf32, #tpu.memory_space<hbm>> -> memref<4000xf32, #tpu.memory_space<hbm>>
    %dma_start3A_446 = tpu.memref_slice %arg2[%add3A_444] : memref<3200000xf32, #tpu.memory_space<hbm>> -> memref<4000xf32, #tpu.memory_space<hbm>>
    tpu.enqueue_dma source(%dma_start3A_446 : memref<4000xf32, #tpu.memory_space<hbm>>) target(%arg10 : memref<4000xf32, #tpu.memory_space<vmem>>) target_semaphore(%arg27 : memref<!tpu.dma_semaphore, #tpu.memory_space<semaphore_mem>>)
    %dma_start3A_447 = tpu.memref_slice %arg3[%add3A_444] : memref<3200000xf32, #tpu.memory_space<hbm>> -> memref<4000xf32, #tpu.memory_space<hbm>>
    %dma_start3A_448 = tpu.memref_slice %arg3[%add3A_444] : memref<3200000xf32, #tpu.memory_space<hbm>> -> memref<4000xf32, #tpu.memory_space<hbm>>
    tpu.enqueue_dma source(%dma_start3A_448 : memref<4000xf32, #tpu.memory_space<hbm>>) target(%arg12 : memref<4000xf32, #tpu.memory_space<vmem>>) target_semaphore(%arg27 : memref<!tpu.dma_semaphore, #tpu.memory_space<semaphore_mem>>)
    %dma_start3A_449 = tpu.memref_slice %arg4[%add3A_444] : memref<3200000xi32, #tpu.memory_space<hbm>> -> memref<4000xi32, #tpu.memory_space<hbm>>
    %dma_start3A_450 = tpu.memref_slice %arg4[%add3A_444] : memref<3200000xi32, #tpu.memory_space<hbm>> -> memref<4000xi32, #tpu.memory_space<hbm>>
    tpu.enqueue_dma source(%dma_start3A_450 : memref<4000xi32, #tpu.memory_space<hbm>>) target(%arg14 : memref<4000xi32, #tpu.memory_space<vmem>>) target_semaphore(%arg27 : memref<!tpu.dma_semaphore, #tpu.memory_space<semaphore_mem>>)
    %dma_wait3A_451 = tpu.memref_slice %arg2[%add3A_421] : memref<3200000xf32, #tpu.memory_space<hbm>> -> memref<4000xf32, #tpu.memory_space<hbm>>
    %dma_wait3A_452 = tpu.memref_slice %arg2[%add3A_421] : memref<3200000xf32, #tpu.memory_space<hbm>> -> memref<4000xf32, #tpu.memory_space<hbm>>
    tpu.wait_dma2 semaphore(%arg26 : memref<!tpu.dma_semaphore, #tpu.memory_space<semaphore_mem>>) src(%dma_wait3A_452 : memref<4000xf32, #tpu.memory_space<hbm>>) dst(%arg9 : memref<4000xf32, #tpu.memory_space<vmem>>)
    %dma_wait3A_453 = tpu.memref_slice %arg3[%add3A_421] : memref<3200000xf32, #tpu.memory_space<hbm>> -> memref<4000xf32, #tpu.memory_space<hbm>>
    %dma_wait3A_454 = tpu.memref_slice %arg3[%add3A_421] : memref<3200000xf32, #tpu.memory_space<hbm>> -> memref<4000xf32, #tpu.memory_space<hbm>>
    tpu.wait_dma2 semaphore(%arg26 : memref<!tpu.dma_semaphore, #tpu.memory_space<semaphore_mem>>) src(%dma_wait3A_454 : memref<4000xf32, #tpu.memory_space<hbm>>) dst(%arg11 : memref<4000xf32, #tpu.memory_space<vmem>>)
    %dma_wait3A_455 = tpu.memref_slice %arg4[%add3A_421] : memref<3200000xi32, #tpu.memory_space<hbm>> -> memref<4000xi32, #tpu.memory_space<hbm>>
    %dma_wait3A_456 = tpu.memref_slice %arg4[%add3A_421] : memref<3200000xi32, #tpu.memory_space<hbm>> -> memref<4000xi32, #tpu.memory_space<hbm>>
    tpu.wait_dma2 semaphore(%arg26 : memref<!tpu.dma_semaphore, #tpu.memory_space<semaphore_mem>>) src(%dma_wait3A_456 : memref<4000xi32, #tpu.memory_space<hbm>>) dst(%arg13 : memref<4000xi32, #tpu.memory_space<vmem>>)
    %scan3A_457 = arith.constant 0 : i32
    %scan3A_458 = arith.constant 0 : i32
    %scan3A_459 = arith.constant 50 : i32
    %scan3A_460 = arith.addi %scan3A_458, %scan3A_459 : i32
    %scan3A_461 = arith.constant 1 : i32
    %scan3A_462 = scf.for %scan3A_687 = %scan3A_458 to %scan3A_460 step %scan3A_461 iter_args(%scan3A_688 = %scan3A_457) -> (i32)  : i32 {
      %mul3A_689 = arith.constant 80 : i32
      %mul3A_690 = arith.muli %scan3A_687, %mul3A_689 : i32
      %scan3A_691 = arith.constant 0 : i32
      scf.yield %scan3A_691 : i32
    }
    %scan3A_463 = arith.constant 50 : i32
    %mul3A_464 = arith.constant 100000 : i32
    %mul3A_465 = arith.muli %add3A, %mul3A_464 : i32
    %add3A_466 = arith.constant 72000 : i32
    %add3A_467 = arith.addi %mul3A_465, %add3A_466 : i32
    %dma_start3A_468 = tpu.memref_slice %arg2[%add3A_467] : memref<3200000xf32, #tpu.memory_space<hbm>> -> memref<4000xf32, #tpu.memory_space<hbm>>
    %dma_start3A_469 = tpu.memref_slice %arg2[%add3A_467] : memref<3200000xf32, #tpu.memory_space<hbm>> -> memref<4000xf32, #tpu.memory_space<hbm>>
    tpu.enqueue_dma source(%dma_start3A_469 : memref<4000xf32, #tpu.memory_space<hbm>>) target(%arg9 : memref<4000xf32, #tpu.memory_space<vmem>>) target_semaphore(%arg26 : memref<!tpu.dma_semaphore, #tpu.memory_space<semaphore_mem>>)
    %dma_start3A_470 = tpu.memref_slice %arg3[%add3A_467] : memref<3200000xf32, #tpu.memory_space<hbm>> -> memref<4000xf32, #tpu.memory_space<hbm>>
    %dma_start3A_471 = tpu.memref_slice %arg3[%add3A_467] : memref<3200000xf32, #tpu.memory_space<hbm>> -> memref<4000xf32, #tpu.memory_space<hbm>>
    tpu.enqueue_dma source(%dma_start3A_471 : memref<4000xf32, #tpu.memory_space<hbm>>) target(%arg11 : memref<4000xf32, #tpu.memory_space<vmem>>) target_semaphore(%arg26 : memref<!tpu.dma_semaphore, #tpu.memory_space<semaphore_mem>>)
    %dma_start3A_472 = tpu.memref_slice %arg4[%add3A_467] : memref<3200000xi32, #tpu.memory_space<hbm>> -> memref<4000xi32, #tpu.memory_space<hbm>>
    %dma_start3A_473 = tpu.memref_slice %arg4[%add3A_467] : memref<3200000xi32, #tpu.memory_space<hbm>> -> memref<4000xi32, #tpu.memory_space<hbm>>
    tpu.enqueue_dma source(%dma_start3A_473 : memref<4000xi32, #tpu.memory_space<hbm>>) target(%arg13 : memref<4000xi32, #tpu.memory_space<vmem>>) target_semaphore(%arg26 : memref<!tpu.dma_semaphore, #tpu.memory_space<semaphore_mem>>)
    %dma_wait3A_474 = tpu.memref_slice %arg2[%add3A_444] : memref<3200000xf32, #tpu.memory_space<hbm>> -> memref<4000xf32, #tpu.memory_space<hbm>>
    %dma_wait3A_475 = tpu.memref_slice %arg2[%add3A_444] : memref<3200000xf32, #tpu.memory_space<hbm>> -> memref<4000xf32, #tpu.memory_space<hbm>>
    tpu.wait_dma2 semaphore(%arg27 : memref<!tpu.dma_semaphore, #tpu.memory_space<semaphore_mem>>) src(%dma_wait3A_475 : memref<4000xf32, #tpu.memory_space<hbm>>) dst(%arg10 : memref<4000xf32, #tpu.memory_space<vmem>>)
    %dma_wait3A_476 = tpu.memref_slice %arg3[%add3A_444] : memref<3200000xf32, #tpu.memory_space<hbm>> -> memref<4000xf32, #tpu.memory_space<hbm>>
    %dma_wait3A_477 = tpu.memref_slice %arg3[%add3A_444] : memref<3200000xf32, #tpu.memory_space<hbm>> -> memref<4000xf32, #tpu.memory_space<hbm>>
    tpu.wait_dma2 semaphore(%arg27 : memref<!tpu.dma_semaphore, #tpu.memory_space<semaphore_mem>>) src(%dma_wait3A_477 : memref<4000xf32, #tpu.memory_space<hbm>>) dst(%arg12 : memref<4000xf32, #tpu.memory_space<vmem>>)
    %dma_wait3A_478 = tpu.memref_slice %arg4[%add3A_444] : memref<3200000xi32, #tpu.memory_space<hbm>> -> memref<4000xi32, #tpu.memory_space<hbm>>
    %dma_wait3A_479 = tpu.memref_slice %arg4[%add3A_444] : memref<3200000xi32, #tpu.memory_space<hbm>> -> memref<4000xi32, #tpu.memory_space<hbm>>
    tpu.wait_dma2 semaphore(%arg27 : memref<!tpu.dma_semaphore, #tpu.memory_space<semaphore_mem>>) src(%dma_wait3A_479 : memref<4000xi32, #tpu.memory_space<hbm>>) dst(%arg14 : memref<4000xi32, #tpu.memory_space<vmem>>)
    %scan3A_480 = arith.constant 0 : i32
    %scan3A_481 = arith.constant 0 : i32
    %scan3A_482 = arith.constant 50 : i32
    %scan3A_483 = arith.addi %scan3A_481, %scan3A_482 : i32
    %scan3A_484 = arith.constant 1 : i32
    %scan3A_485 = scf.for %scan3A_687 = %scan3A_481 to %scan3A_483 step %scan3A_484 iter_args(%scan3A_688 = %scan3A_480) -> (i32)  : i32 {
      %mul3A_689 = arith.constant 80 : i32
      %mul3A_690 = arith.muli %scan3A_687, %mul3A_689 : i32
      %scan3A_691 = arith.constant 0 : i32
      scf.yield %scan3A_691 : i32
    }
    %scan3A_486 = arith.constant 50 : i32
    %mul3A_487 = arith.constant 100000 : i32
    %mul3A_488 = arith.muli %add3A, %mul3A_487 : i32
    %add3A_489 = arith.constant 76000 : i32
    %add3A_490 = arith.addi %mul3A_488, %add3A_489 : i32
    %dma_start3A_491 = tpu.memref_slice %arg2[%add3A_490] : memref<3200000xf32, #tpu.memory_space<hbm>> -> memref<4000xf32, #tpu.memory_space<hbm>>
    %dma_start3A_492 = tpu.memref_slice %arg2[%add3A_490] : memref<3200000xf32, #tpu.memory_space<hbm>> -> memref<4000xf32, #tpu.memory_space<hbm>>
    tpu.enqueue_dma source(%dma_start3A_492 : memref<4000xf32, #tpu.memory_space<hbm>>) target(%arg10 : memref<4000xf32, #tpu.memory_space<vmem>>) target_semaphore(%arg27 : memref<!tpu.dma_semaphore, #tpu.memory_space<semaphore_mem>>)
    %dma_start3A_493 = tpu.memref_slice %arg3[%add3A_490] : memref<3200000xf32, #tpu.memory_space<hbm>> -> memref<4000xf32, #tpu.memory_space<hbm>>
    %dma_start3A_494 = tpu.memref_slice %arg3[%add3A_490] : memref<3200000xf32, #tpu.memory_space<hbm>> -> memref<4000xf32, #tpu.memory_space<hbm>>
    tpu.enqueue_dma source(%dma_start3A_494 : memref<4000xf32, #tpu.memory_space<hbm>>) target(%arg12 : memref<4000xf32, #tpu.memory_space<vmem>>) target_semaphore(%arg27 : memref<!tpu.dma_semaphore, #tpu.memory_space<semaphore_mem>>)
    %dma_start3A_495 = tpu.memref_slice %arg4[%add3A_490] : memref<3200000xi32, #tpu.memory_space<hbm>> -> memref<4000xi32, #tpu.memory_space<hbm>>
    %dma_start3A_496 = tpu.memref_slice %arg4[%add3A_490] : memref<3200000xi32, #tpu.memory_space<hbm>> -> memref<4000xi32, #tpu.memory_space<hbm>>
    tpu.enqueue_dma source(%dma_start3A_496 : memref<4000xi32, #tpu.memory_space<hbm>>) target(%arg14 : memref<4000xi32, #tpu.memory_space<vmem>>) target_semaphore(%arg27 : memref<!tpu.dma_semaphore, #tpu.memory_space<semaphore_mem>>)
    %dma_wait3A_497 = tpu.memref_slice %arg2[%add3A_467] : memref<3200000xf32, #tpu.memory_space<hbm>> -> memref<4000xf32, #tpu.memory_space<hbm>>
    %dma_wait3A_498 = tpu.memref_slice %arg2[%add3A_467] : memref<3200000xf32, #tpu.memory_space<hbm>> -> memref<4000xf32, #tpu.memory_space<hbm>>
    tpu.wait_dma2 semaphore(%arg26 : memref<!tpu.dma_semaphore, #tpu.memory_space<semaphore_mem>>) src(%dma_wait3A_498 : memref<4000xf32, #tpu.memory_space<hbm>>) dst(%arg9 : memref<4000xf32, #tpu.memory_space<vmem>>)
    %dma_wait3A_499 = tpu.memref_slice %arg3[%add3A_467] : memref<3200000xf32, #tpu.memory_space<hbm>> -> memref<4000xf32, #tpu.memory_space<hbm>>
    %dma_wait3A_500 = tpu.memref_slice %arg3[%add3A_467] : memref<3200000xf32, #tpu.memory_space<hbm>> -> memref<4000xf32, #tpu.memory_space<hbm>>
    tpu.wait_dma2 semaphore(%arg26 : memref<!tpu.dma_semaphore, #tpu.memory_space<semaphore_mem>>) src(%dma_wait3A_500 : memref<4000xf32, #tpu.memory_space<hbm>>) dst(%arg11 : memref<4000xf32, #tpu.memory_space<vmem>>)
    %dma_wait3A_501 = tpu.memref_slice %arg4[%add3A_467] : memref<3200000xi32, #tpu.memory_space<hbm>> -> memref<4000xi32, #tpu.memory_space<hbm>>
    %dma_wait3A_502 = tpu.memref_slice %arg4[%add3A_467] : memref<3200000xi32, #tpu.memory_space<hbm>> -> memref<4000xi32, #tpu.memory_space<hbm>>
    tpu.wait_dma2 semaphore(%arg26 : memref<!tpu.dma_semaphore, #tpu.memory_space<semaphore_mem>>) src(%dma_wait3A_502 : memref<4000xi32, #tpu.memory_space<hbm>>) dst(%arg13 : memref<4000xi32, #tpu.memory_space<vmem>>)
    %scan3A_503 = arith.constant 0 : i32
    %scan3A_504 = arith.constant 0 : i32
    %scan3A_505 = arith.constant 50 : i32
    %scan3A_506 = arith.addi %scan3A_504, %scan3A_505 : i32
    %scan3A_507 = arith.constant 1 : i32
    %scan3A_508 = scf.for %scan3A_687 = %scan3A_504 to %scan3A_506 step %scan3A_507 iter_args(%scan3A_688 = %scan3A_503) -> (i32)  : i32 {
      %mul3A_689 = arith.constant 80 : i32
      %mul3A_690 = arith.muli %scan3A_687, %mul3A_689 : i32
      %scan3A_691 = arith.constant 0 : i32
      scf.yield %scan3A_691 : i32
    }
    %scan3A_509 = arith.constant 50 : i32
    %mul3A_510 = arith.constant 100000 : i32
    %mul3A_511 = arith.muli %add3A, %mul3A_510 : i32
    %add3A_512 = arith.constant 80000 : i32
    %add3A_513 = arith.addi %mul3A_511, %add3A_512 : i32
    %dma_start3A_514 = tpu.memref_slice %arg2[%add3A_513] : memref<3200000xf32, #tpu.memory_space<hbm>> -> memref<4000xf32, #tpu.memory_space<hbm>>
    %dma_start3A_515 = tpu.memref_slice %arg2[%add3A_513] : memref<3200000xf32, #tpu.memory_space<hbm>> -> memref<4000xf32, #tpu.memory_space<hbm>>
    tpu.enqueue_dma source(%dma_start3A_515 : memref<4000xf32, #tpu.memory_space<hbm>>) target(%arg9 : memref<4000xf32, #tpu.memory_space<vmem>>) target_semaphore(%arg26 : memref<!tpu.dma_semaphore, #tpu.memory_space<semaphore_mem>>)
    %dma_start3A_516 = tpu.memref_slice %arg3[%add3A_513] : memref<3200000xf32, #tpu.memory_space<hbm>> -> memref<4000xf32, #tpu.memory_space<hbm>>
    %dma_start3A_517 = tpu.memref_slice %arg3[%add3A_513] : memref<3200000xf32, #tpu.memory_space<hbm>> -> memref<4000xf32, #tpu.memory_space<hbm>>
    tpu.enqueue_dma source(%dma_start3A_517 : memref<4000xf32, #tpu.memory_space<hbm>>) target(%arg11 : memref<4000xf32, #tpu.memory_space<vmem>>) target_semaphore(%arg26 : memref<!tpu.dma_semaphore, #tpu.memory_space<semaphore_mem>>)
    %dma_start3A_518 = tpu.memref_slice %arg4[%add3A_513] : memref<3200000xi32, #tpu.memory_space<hbm>> -> memref<4000xi32, #tpu.memory_space<hbm>>
    %dma_start3A_519 = tpu.memref_slice %arg4[%add3A_513] : memref<3200000xi32, #tpu.memory_space<hbm>> -> memref<4000xi32, #tpu.memory_space<hbm>>
    tpu.enqueue_dma source(%dma_start3A_519 : memref<4000xi32, #tpu.memory_space<hbm>>) target(%arg13 : memref<4000xi32, #tpu.memory_space<vmem>>) target_semaphore(%arg26 : memref<!tpu.dma_semaphore, #tpu.memory_space<semaphore_mem>>)
    %dma_wait3A_520 = tpu.memref_slice %arg2[%add3A_490] : memref<3200000xf32, #tpu.memory_space<hbm>> -> memref<4000xf32, #tpu.memory_space<hbm>>
    %dma_wait3A_521 = tpu.memref_slice %arg2[%add3A_490] : memref<3200000xf32, #tpu.memory_space<hbm>> -> memref<4000xf32, #tpu.memory_space<hbm>>
    tpu.wait_dma2 semaphore(%arg27 : memref<!tpu.dma_semaphore, #tpu.memory_space<semaphore_mem>>) src(%dma_wait3A_521 : memref<4000xf32, #tpu.memory_space<hbm>>) dst(%arg10 : memref<4000xf32, #tpu.memory_space<vmem>>)
    %dma_wait3A_522 = tpu.memref_slice %arg3[%add3A_490] : memref<3200000xf32, #tpu.memory_space<hbm>> -> memref<4000xf32, #tpu.memory_space<hbm>>
    %dma_wait3A_523 = tpu.memref_slice %arg3[%add3A_490] : memref<3200000xf32, #tpu.memory_space<hbm>> -> memref<4000xf32, #tpu.memory_space<hbm>>
    tpu.wait_dma2 semaphore(%arg27 : memref<!tpu.dma_semaphore, #tpu.memory_space<semaphore_mem>>) src(%dma_wait3A_523 : memref<4000xf32, #tpu.memory_space<hbm>>) dst(%arg12 : memref<4000xf32, #tpu.memory_space<vmem>>)
    %dma_wait3A_524 = tpu.memref_slice %arg4[%add3A_490] : memref<3200000xi32, #tpu.memory_space<hbm>> -> memref<4000xi32, #tpu.memory_space<hbm>>
    %dma_wait3A_525 = tpu.memref_slice %arg4[%add3A_490] : memref<3200000xi32, #tpu.memory_space<hbm>> -> memref<4000xi32, #tpu.memory_space<hbm>>
    tpu.wait_dma2 semaphore(%arg27 : memref<!tpu.dma_semaphore, #tpu.memory_space<semaphore_mem>>) src(%dma_wait3A_525 : memref<4000xi32, #tpu.memory_space<hbm>>) dst(%arg14 : memref<4000xi32, #tpu.memory_space<vmem>>)
    %scan3A_526 = arith.constant 0 : i32
    %scan3A_527 = arith.constant 0 : i32
    %scan3A_528 = arith.constant 50 : i32
    %scan3A_529 = arith.addi %scan3A_527, %scan3A_528 : i32
    %scan3A_530 = arith.constant 1 : i32
    %scan3A_531 = scf.for %scan3A_687 = %scan3A_527 to %scan3A_529 step %scan3A_530 iter_args(%scan3A_688 = %scan3A_526) -> (i32)  : i32 {
      %mul3A_689 = arith.constant 80 : i32
      %mul3A_690 = arith.muli %scan3A_687, %mul3A_689 : i32
      %scan3A_691 = arith.constant 0 : i32
      scf.yield %scan3A_691 : i32
    }
    %scan3A_532 = arith.constant 50 : i32
    %mul3A_533 = arith.constant 100000 : i32
    %mul3A_534 = arith.muli %add3A, %mul3A_533 : i32
    %add3A_535 = arith.constant 84000 : i32
    %add3A_536 = arith.addi %mul3A_534, %add3A_535 : i32
    %dma_start3A_537 = tpu.memref_slice %arg2[%add3A_536] : memref<3200000xf32, #tpu.memory_space<hbm>> -> memref<4000xf32, #tpu.memory_space<hbm>>
    %dma_start3A_538 = tpu.memref_slice %arg2[%add3A_536] : memref<3200000xf32, #tpu.memory_space<hbm>> -> memref<4000xf32, #tpu.memory_space<hbm>>
    tpu.enqueue_dma source(%dma_start3A_538 : memref<4000xf32, #tpu.memory_space<hbm>>) target(%arg10 : memref<4000xf32, #tpu.memory_space<vmem>>) target_semaphore(%arg27 : memref<!tpu.dma_semaphore, #tpu.memory_space<semaphore_mem>>)
    %dma_start3A_539 = tpu.memref_slice %arg3[%add3A_536] : memref<3200000xf32, #tpu.memory_space<hbm>> -> memref<4000xf32, #tpu.memory_space<hbm>>
    %dma_start3A_540 = tpu.memref_slice %arg3[%add3A_536] : memref<3200000xf32, #tpu.memory_space<hbm>> -> memref<4000xf32, #tpu.memory_space<hbm>>
    tpu.enqueue_dma source(%dma_start3A_540 : memref<4000xf32, #tpu.memory_space<hbm>>) target(%arg12 : memref<4000xf32, #tpu.memory_space<vmem>>) target_semaphore(%arg27 : memref<!tpu.dma_semaphore, #tpu.memory_space<semaphore_mem>>)
    %dma_start3A_541 = tpu.memref_slice %arg4[%add3A_536] : memref<3200000xi32, #tpu.memory_space<hbm>> -> memref<4000xi32, #tpu.memory_space<hbm>>
    %dma_start3A_542 = tpu.memref_slice %arg4[%add3A_536] : memref<3200000xi32, #tpu.memory_space<hbm>> -> memref<4000xi32, #tpu.memory_space<hbm>>
    tpu.enqueue_dma source(%dma_start3A_542 : memref<4000xi32, #tpu.memory_space<hbm>>) target(%arg14 : memref<4000xi32, #tpu.memory_space<vmem>>) target_semaphore(%arg27 : memref<!tpu.dma_semaphore, #tpu.memory_space<semaphore_mem>>)
    %dma_wait3A_543 = tpu.memref_slice %arg2[%add3A_513] : memref<3200000xf32, #tpu.memory_space<hbm>> -> memref<4000xf32, #tpu.memory_space<hbm>>
    %dma_wait3A_544 = tpu.memref_slice %arg2[%add3A_513] : memref<3200000xf32, #tpu.memory_space<hbm>> -> memref<4000xf32, #tpu.memory_space<hbm>>
    tpu.wait_dma2 semaphore(%arg26 : memref<!tpu.dma_semaphore, #tpu.memory_space<semaphore_mem>>) src(%dma_wait3A_544 : memref<4000xf32, #tpu.memory_space<hbm>>) dst(%arg9 : memref<4000xf32, #tpu.memory_space<vmem>>)
    %dma_wait3A_545 = tpu.memref_slice %arg3[%add3A_513] : memref<3200000xf32, #tpu.memory_space<hbm>> -> memref<4000xf32, #tpu.memory_space<hbm>>
    %dma_wait3A_546 = tpu.memref_slice %arg3[%add3A_513] : memref<3200000xf32, #tpu.memory_space<hbm>> -> memref<4000xf32, #tpu.memory_space<hbm>>
    tpu.wait_dma2 semaphore(%arg26 : memref<!tpu.dma_semaphore, #tpu.memory_space<semaphore_mem>>) src(%dma_wait3A_546 : memref<4000xf32, #tpu.memory_space<hbm>>) dst(%arg11 : memref<4000xf32, #tpu.memory_space<vmem>>)
    %dma_wait3A_547 = tpu.memref_slice %arg4[%add3A_513] : memref<3200000xi32, #tpu.memory_space<hbm>> -> memref<4000xi32, #tpu.memory_space<hbm>>
    %dma_wait3A_548 = tpu.memref_slice %arg4[%add3A_513] : memref<3200000xi32, #tpu.memory_space<hbm>> -> memref<4000xi32, #tpu.memory_space<hbm>>
    tpu.wait_dma2 semaphore(%arg26 : memref<!tpu.dma_semaphore, #tpu.memory_space<semaphore_mem>>) src(%dma_wait3A_548 : memref<4000xi32, #tpu.memory_space<hbm>>) dst(%arg13 : memref<4000xi32, #tpu.memory_space<vmem>>)
    %scan3A_549 = arith.constant 0 : i32
    %scan3A_550 = arith.constant 0 : i32
    %scan3A_551 = arith.constant 50 : i32
    %scan3A_552 = arith.addi %scan3A_550, %scan3A_551 : i32
    %scan3A_553 = arith.constant 1 : i32
    %scan3A_554 = scf.for %scan3A_687 = %scan3A_550 to %scan3A_552 step %scan3A_553 iter_args(%scan3A_688 = %scan3A_549) -> (i32)  : i32 {
      %mul3A_689 = arith.constant 80 : i32
      %mul3A_690 = arith.muli %scan3A_687, %mul3A_689 : i32
      %scan3A_691 = arith.constant 0 : i32
      scf.yield %scan3A_691 : i32
    }
    %scan3A_555 = arith.constant 50 : i32
    %mul3A_556 = arith.constant 100000 : i32
    %mul3A_557 = arith.muli %add3A, %mul3A_556 : i32
    %add3A_558 = arith.constant 88000 : i32
    %add3A_559 = arith.addi %mul3A_557, %add3A_558 : i32
    %dma_start3A_560 = tpu.memref_slice %arg2[%add3A_559] : memref<3200000xf32, #tpu.memory_space<hbm>> -> memref<4000xf32, #tpu.memory_space<hbm>>
    %dma_start3A_561 = tpu.memref_slice %arg2[%add3A_559] : memref<3200000xf32, #tpu.memory_space<hbm>> -> memref<4000xf32, #tpu.memory_space<hbm>>
    tpu.enqueue_dma source(%dma_start3A_561 : memref<4000xf32, #tpu.memory_space<hbm>>) target(%arg9 : memref<4000xf32, #tpu.memory_space<vmem>>) target_semaphore(%arg26 : memref<!tpu.dma_semaphore, #tpu.memory_space<semaphore_mem>>)
    %dma_start3A_562 = tpu.memref_slice %arg3[%add3A_559] : memref<3200000xf32, #tpu.memory_space<hbm>> -> memref<4000xf32, #tpu.memory_space<hbm>>
    %dma_start3A_563 = tpu.memref_slice %arg3[%add3A_559] : memref<3200000xf32, #tpu.memory_space<hbm>> -> memref<4000xf32, #tpu.memory_space<hbm>>
    tpu.enqueue_dma source(%dma_start3A_563 : memref<4000xf32, #tpu.memory_space<hbm>>) target(%arg11 : memref<4000xf32, #tpu.memory_space<vmem>>) target_semaphore(%arg26 : memref<!tpu.dma_semaphore, #tpu.memory_space<semaphore_mem>>)
    %dma_start3A_564 = tpu.memref_slice %arg4[%add3A_559] : memref<3200000xi32, #tpu.memory_space<hbm>> -> memref<4000xi32, #tpu.memory_space<hbm>>
    %dma_start3A_565 = tpu.memref_slice %arg4[%add3A_559] : memref<3200000xi32, #tpu.memory_space<hbm>> -> memref<4000xi32, #tpu.memory_space<hbm>>
    tpu.enqueue_dma source(%dma_start3A_565 : memref<4000xi32, #tpu.memory_space<hbm>>) target(%arg13 : memref<4000xi32, #tpu.memory_space<vmem>>) target_semaphore(%arg26 : memref<!tpu.dma_semaphore, #tpu.memory_space<semaphore_mem>>)
    %dma_wait3A_566 = tpu.memref_slice %arg2[%add3A_536] : memref<3200000xf32, #tpu.memory_space<hbm>> -> memref<4000xf32, #tpu.memory_space<hbm>>
    %dma_wait3A_567 = tpu.memref_slice %arg2[%add3A_536] : memref<3200000xf32, #tpu.memory_space<hbm>> -> memref<4000xf32, #tpu.memory_space<hbm>>
    tpu.wait_dma2 semaphore(%arg27 : memref<!tpu.dma_semaphore, #tpu.memory_space<semaphore_mem>>) src(%dma_wait3A_567 : memref<4000xf32, #tpu.memory_space<hbm>>) dst(%arg10 : memref<4000xf32, #tpu.memory_space<vmem>>)
    %dma_wait3A_568 = tpu.memref_slice %arg3[%add3A_536] : memref<3200000xf32, #tpu.memory_space<hbm>> -> memref<4000xf32, #tpu.memory_space<hbm>>
    %dma_wait3A_569 = tpu.memref_slice %arg3[%add3A_536] : memref<3200000xf32, #tpu.memory_space<hbm>> -> memref<4000xf32, #tpu.memory_space<hbm>>
    tpu.wait_dma2 semaphore(%arg27 : memref<!tpu.dma_semaphore, #tpu.memory_space<semaphore_mem>>) src(%dma_wait3A_569 : memref<4000xf32, #tpu.memory_space<hbm>>) dst(%arg12 : memref<4000xf32, #tpu.memory_space<vmem>>)
    %dma_wait3A_570 = tpu.memref_slice %arg4[%add3A_536] : memref<3200000xi32, #tpu.memory_space<hbm>> -> memref<4000xi32, #tpu.memory_space<hbm>>
    %dma_wait3A_571 = tpu.memref_slice %arg4[%add3A_536] : memref<3200000xi32, #tpu.memory_space<hbm>> -> memref<4000xi32, #tpu.memory_space<hbm>>
    tpu.wait_dma2 semaphore(%arg27 : memref<!tpu.dma_semaphore, #tpu.memory_space<semaphore_mem>>) src(%dma_wait3A_571 : memref<4000xi32, #tpu.memory_space<hbm>>) dst(%arg14 : memref<4000xi32, #tpu.memory_space<vmem>>)
    %scan3A_572 = arith.constant 0 : i32
    %scan3A_573 = arith.constant 0 : i32
    %scan3A_574 = arith.constant 50 : i32
    %scan3A_575 = arith.addi %scan3A_573, %scan3A_574 : i32
    %scan3A_576 = arith.constant 1 : i32
    %scan3A_577 = scf.for %scan3A_687 = %scan3A_573 to %scan3A_575 step %scan3A_576 iter_args(%scan3A_688 = %scan3A_572) -> (i32)  : i32 {
      %mul3A_689 = arith.constant 80 : i32
      %mul3A_690 = arith.muli %scan3A_687, %mul3A_689 : i32
      %scan3A_691 = arith.constant 0 : i32
      scf.yield %scan3A_691 : i32
    }
    %scan3A_578 = arith.constant 50 : i32
    %mul3A_579 = arith.constant 100000 : i32
    %mul3A_580 = arith.muli %add3A, %mul3A_579 : i32
    %add3A_581 = arith.constant 92000 : i32
    %add3A_582 = arith.addi %mul3A_580, %add3A_581 : i32
    %dma_start3A_583 = tpu.memref_slice %arg2[%add3A_582] : memref<3200000xf32, #tpu.memory_space<hbm>> -> memref<4000xf32, #tpu.memory_space<hbm>>
    %dma_start3A_584 = tpu.memref_slice %arg2[%add3A_582] : memref<3200000xf32, #tpu.memory_space<hbm>> -> memref<4000xf32, #tpu.memory_space<hbm>>
    tpu.enqueue_dma source(%dma_start3A_584 : memref<4000xf32, #tpu.memory_space<hbm>>) target(%arg10 : memref<4000xf32, #tpu.memory_space<vmem>>) target_semaphore(%arg27 : memref<!tpu.dma_semaphore, #tpu.memory_space<semaphore_mem>>)
    %dma_start3A_585 = tpu.memref_slice %arg3[%add3A_582] : memref<3200000xf32, #tpu.memory_space<hbm>> -> memref<4000xf32, #tpu.memory_space<hbm>>
    %dma_start3A_586 = tpu.memref_slice %arg3[%add3A_582] : memref<3200000xf32, #tpu.memory_space<hbm>> -> memref<4000xf32, #tpu.memory_space<hbm>>
    tpu.enqueue_dma source(%dma_start3A_586 : memref<4000xf32, #tpu.memory_space<hbm>>) target(%arg12 : memref<4000xf32, #tpu.memory_space<vmem>>) target_semaphore(%arg27 : memref<!tpu.dma_semaphore, #tpu.memory_space<semaphore_mem>>)
    %dma_start3A_587 = tpu.memref_slice %arg4[%add3A_582] : memref<3200000xi32, #tpu.memory_space<hbm>> -> memref<4000xi32, #tpu.memory_space<hbm>>
    %dma_start3A_588 = tpu.memref_slice %arg4[%add3A_582] : memref<3200000xi32, #tpu.memory_space<hbm>> -> memref<4000xi32, #tpu.memory_space<hbm>>
    tpu.enqueue_dma source(%dma_start3A_588 : memref<4000xi32, #tpu.memory_space<hbm>>) target(%arg14 : memref<4000xi32, #tpu.memory_space<vmem>>) target_semaphore(%arg27 : memref<!tpu.dma_semaphore, #tpu.memory_space<semaphore_mem>>)
    %dma_wait3A_589 = tpu.memref_slice %arg2[%add3A_559] : memref<3200000xf32, #tpu.memory_space<hbm>> -> memref<4000xf32, #tpu.memory_space<hbm>>
    %dma_wait3A_590 = tpu.memref_slice %arg2[%add3A_559] : memref<3200000xf32, #tpu.memory_space<hbm>> -> memref<4000xf32, #tpu.memory_space<hbm>>
    tpu.wait_dma2 semaphore(%arg26 : memref<!tpu.dma_semaphore, #tpu.memory_space<semaphore_mem>>) src(%dma_wait3A_590 : memref<4000xf32, #tpu.memory_space<hbm>>) dst(%arg9 : memref<4000xf32, #tpu.memory_space<vmem>>)
    %dma_wait3A_591 = tpu.memref_slice %arg3[%add3A_559] : memref<3200000xf32, #tpu.memory_space<hbm>> -> memref<4000xf32, #tpu.memory_space<hbm>>
    %dma_wait3A_592 = tpu.memref_slice %arg3[%add3A_559] : memref<3200000xf32, #tpu.memory_space<hbm>> -> memref<4000xf32, #tpu.memory_space<hbm>>
    tpu.wait_dma2 semaphore(%arg26 : memref<!tpu.dma_semaphore, #tpu.memory_space<semaphore_mem>>) src(%dma_wait3A_592 : memref<4000xf32, #tpu.memory_space<hbm>>) dst(%arg11 : memref<4000xf32, #tpu.memory_space<vmem>>)
    %dma_wait3A_593 = tpu.memref_slice %arg4[%add3A_559] : memref<3200000xi32, #tpu.memory_space<hbm>> -> memref<4000xi32, #tpu.memory_space<hbm>>
    %dma_wait3A_594 = tpu.memref_slice %arg4[%add3A_559] : memref<3200000xi32, #tpu.memory_space<hbm>> -> memref<4000xi32, #tpu.memory_space<hbm>>
    tpu.wait_dma2 semaphore(%arg26 : memref<!tpu.dma_semaphore, #tpu.memory_space<semaphore_mem>>) src(%dma_wait3A_594 : memref<4000xi32, #tpu.memory_space<hbm>>) dst(%arg13 : memref<4000xi32, #tpu.memory_space<vmem>>)
    %scan3A_595 = arith.constant 0 : i32
    %scan3A_596 = arith.constant 0 : i32
    %scan3A_597 = arith.constant 50 : i32
    %scan3A_598 = arith.addi %scan3A_596, %scan3A_597 : i32
    %scan3A_599 = arith.constant 1 : i32
    %scan3A_600 = scf.for %scan3A_687 = %scan3A_596 to %scan3A_598 step %scan3A_599 iter_args(%scan3A_688 = %scan3A_595) -> (i32)  : i32 {
      %mul3A_689 = arith.constant 80 : i32
      %mul3A_690 = arith.muli %scan3A_687, %mul3A_689 : i32
      %scan3A_691 = arith.constant 0 : i32
      scf.yield %scan3A_691 : i32
    }
    %scan3A_601 = arith.constant 50 : i32
    %mul3A_602 = arith.constant 100000 : i32
    %mul3A_603 = arith.muli %add3A, %mul3A_602 : i32
    %add3A_604 = arith.constant 96000 : i32
    %add3A_605 = arith.addi %mul3A_603, %add3A_604 : i32
    %dma_start3A_606 = tpu.memref_slice %arg2[%add3A_605] : memref<3200000xf32, #tpu.memory_space<hbm>> -> memref<4000xf32, #tpu.memory_space<hbm>>
    %dma_start3A_607 = tpu.memref_slice %arg2[%add3A_605] : memref<3200000xf32, #tpu.memory_space<hbm>> -> memref<4000xf32, #tpu.memory_space<hbm>>
    tpu.enqueue_dma source(%dma_start3A_607 : memref<4000xf32, #tpu.memory_space<hbm>>) target(%arg9 : memref<4000xf32, #tpu.memory_space<vmem>>) target_semaphore(%arg26 : memref<!tpu.dma_semaphore, #tpu.memory_space<semaphore_mem>>)
    %dma_start3A_608 = tpu.memref_slice %arg3[%add3A_605] : memref<3200000xf32, #tpu.memory_space<hbm>> -> memref<4000xf32, #tpu.memory_space<hbm>>
    %dma_start3A_609 = tpu.memref_slice %arg3[%add3A_605] : memref<3200000xf32, #tpu.memory_space<hbm>> -> memref<4000xf32, #tpu.memory_space<hbm>>
    tpu.enqueue_dma source(%dma_start3A_609 : memref<4000xf32, #tpu.memory_space<hbm>>) target(%arg11 : memref<4000xf32, #tpu.memory_space<vmem>>) target_semaphore(%arg26 : memref<!tpu.dma_semaphore, #tpu.memory_space<semaphore_mem>>)
    %dma_start3A_610 = tpu.memref_slice %arg4[%add3A_605] : memref<3200000xi32, #tpu.memory_space<hbm>> -> memref<4000xi32, #tpu.memory_space<hbm>>
    %dma_start3A_611 = tpu.memref_slice %arg4[%add3A_605] : memref<3200000xi32, #tpu.memory_space<hbm>> -> memref<4000xi32, #tpu.memory_space<hbm>>
    tpu.enqueue_dma source(%dma_start3A_611 : memref<4000xi32, #tpu.memory_space<hbm>>) target(%arg13 : memref<4000xi32, #tpu.memory_space<vmem>>) target_semaphore(%arg26 : memref<!tpu.dma_semaphore, #tpu.memory_space<semaphore_mem>>)
    %dma_wait3A_612 = tpu.memref_slice %arg2[%add3A_582] : memref<3200000xf32, #tpu.memory_space<hbm>> -> memref<4000xf32, #tpu.memory_space<hbm>>
    %dma_wait3A_613 = tpu.memref_slice %arg2[%add3A_582] : memref<3200000xf32, #tpu.memory_space<hbm>> -> memref<4000xf32, #tpu.memory_space<hbm>>
    tpu.wait_dma2 semaphore(%arg27 : memref<!tpu.dma_semaphore, #tpu.memory_space<semaphore_mem>>) src(%dma_wait3A_613 : memref<4000xf32, #tpu.memory_space<hbm>>) dst(%arg10 : memref<4000xf32, #tpu.memory_space<vmem>>)
    %dma_wait3A_614 = tpu.memref_slice %arg3[%add3A_582] : memref<3200000xf32, #tpu.memory_space<hbm>> -> memref<4000xf32, #tpu.memory_space<hbm>>
    %dma_wait3A_615 = tpu.memref_slice %arg3[%add3A_582] : memref<3200000xf32, #tpu.memory_space<hbm>> -> memref<4000xf32, #tpu.memory_space<hbm>>
    tpu.wait_dma2 semaphore(%arg27 : memref<!tpu.dma_semaphore, #tpu.memory_space<semaphore_mem>>) src(%dma_wait3A_615 : memref<4000xf32, #tpu.memory_space<hbm>>) dst(%arg12 : memref<4000xf32, #tpu.memory_space<vmem>>)
    %dma_wait3A_616 = tpu.memref_slice %arg4[%add3A_582] : memref<3200000xi32, #tpu.memory_space<hbm>> -> memref<4000xi32, #tpu.memory_space<hbm>>
    %dma_wait3A_617 = tpu.memref_slice %arg4[%add3A_582] : memref<3200000xi32, #tpu.memory_space<hbm>> -> memref<4000xi32, #tpu.memory_space<hbm>>
    tpu.wait_dma2 semaphore(%arg27 : memref<!tpu.dma_semaphore, #tpu.memory_space<semaphore_mem>>) src(%dma_wait3A_617 : memref<4000xi32, #tpu.memory_space<hbm>>) dst(%arg14 : memref<4000xi32, #tpu.memory_space<vmem>>)
    %scan3A_618 = arith.constant 0 : i32
    %scan3A_619 = arith.constant 0 : i32
    %scan3A_620 = arith.constant 50 : i32
    %scan3A_621 = arith.addi %scan3A_619, %scan3A_620 : i32
    %scan3A_622 = arith.constant 1 : i32
    %scan3A_623 = scf.for %scan3A_687 = %scan3A_619 to %scan3A_621 step %scan3A_622 iter_args(%scan3A_688 = %scan3A_618) -> (i32)  : i32 {
      %mul3A_689 = arith.constant 80 : i32
      %mul3A_690 = arith.muli %scan3A_687, %mul3A_689 : i32
      %scan3A_691 = arith.constant 0 : i32
      scf.yield %scan3A_691 : i32
    }
    %scan3A_624 = arith.constant 50 : i32
    %dma_wait3A_625 = tpu.memref_slice %arg2[%add3A_605] : memref<3200000xf32, #tpu.memory_space<hbm>> -> memref<4000xf32, #tpu.memory_space<hbm>>
    %dma_wait3A_626 = tpu.memref_slice %arg2[%add3A_605] : memref<3200000xf32, #tpu.memory_space<hbm>> -> memref<4000xf32, #tpu.memory_space<hbm>>
    tpu.wait_dma2 semaphore(%arg26 : memref<!tpu.dma_semaphore, #tpu.memory_space<semaphore_mem>>) src(%dma_wait3A_626 : memref<4000xf32, #tpu.memory_space<hbm>>) dst(%arg9 : memref<4000xf32, #tpu.memory_space<vmem>>)
    %dma_wait3A_627 = tpu.memref_slice %arg3[%add3A_605] : memref<3200000xf32, #tpu.memory_space<hbm>> -> memref<4000xf32, #tpu.memory_space<hbm>>
    %dma_wait3A_628 = tpu.memref_slice %arg3[%add3A_605] : memref<3200000xf32, #tpu.memory_space<hbm>> -> memref<4000xf32, #tpu.memory_space<hbm>>
    tpu.wait_dma2 semaphore(%arg26 : memref<!tpu.dma_semaphore, #tpu.memory_space<semaphore_mem>>) src(%dma_wait3A_628 : memref<4000xf32, #tpu.memory_space<hbm>>) dst(%arg11 : memref<4000xf32, #tpu.memory_space<vmem>>)
    %dma_wait3A_629 = tpu.memref_slice %arg4[%add3A_605] : memref<3200000xi32, #tpu.memory_space<hbm>> -> memref<4000xi32, #tpu.memory_space<hbm>>
    %dma_wait3A_630 = tpu.memref_slice %arg4[%add3A_605] : memref<3200000xi32, #tpu.memory_space<hbm>> -> memref<4000xi32, #tpu.memory_space<hbm>>
    tpu.wait_dma2 semaphore(%arg26 : memref<!tpu.dma_semaphore, #tpu.memory_space<semaphore_mem>>) src(%dma_wait3A_630 : memref<4000xi32, #tpu.memory_space<hbm>>) dst(%arg13 : memref<4000xi32, #tpu.memory_space<vmem>>)
    %scan3A_631 = arith.constant 0 : i32
    %scan3A_632 = arith.constant 0 : i32
    %scan3A_633 = arith.constant 50 : i32
    %scan3A_634 = arith.addi %scan3A_632, %scan3A_633 : i32
    %scan3A_635 = arith.constant 1 : i32
    %scan3A_636 = scf.for %scan3A_687 = %scan3A_632 to %scan3A_634 step %scan3A_635 iter_args(%scan3A_688 = %scan3A_631) -> (i32)  : i32 {
      %mul3A_689 = arith.constant 80 : i32
      %mul3A_690 = arith.muli %scan3A_687, %mul3A_689 : i32
      %scan3A_691 = arith.constant 0 : i32
      scf.yield %scan3A_691 : i32
    }
    %scan3A_637 = arith.constant 50 : i32
    %scan3A_638 = arith.constant 0 : i32
    %scan3A_639 = arith.constant 0 : i32
    %scan3A_640 = arith.constant 33 : i32
    %scan3A_641 = arith.addi %scan3A_639, %scan3A_640 : i32
    %scan3A_642 = arith.constant 1 : i32
    %scan3A_643 = scf.for %scan3A_687 = %scan3A_639 to %scan3A_641 step %scan3A_642 iter_args(%scan3A_688 = %scan3A_638) -> (i32)  : i32 {
      %mul3A_689 = arith.constant 16 : i32
      %mul3A_690 = arith.muli %scan3A_687, %mul3A_689 : i32
      %get3A = arith.constant 0 : i32
      %get3A_691 = arith.index_cast %get3A : i32 to index
      %get3A_692 = arith.index_cast %mul3A_690 : i32 to index
      %get3A_693 = tpu.vector_load %arg18[%get3A_691, %get3A_692] {strides = array<i32>} : memref<16x528xf32, #tpu.memory_space<vmem>>, vector<16xf32>,
      %get3A_694 = arith.constant 1 : i32
      %get3A_695 = arith.index_cast %get3A_694 : i32 to index
      %get3A_696 = arith.index_cast %mul3A_690 : i32 to index
      %get3A_697 = tpu.vector_load %arg18[%get3A_695, %get3A_696] {strides = array<i32>} : memref<16x528xf32, #tpu.memory_space<vmem>>, vector<16xf32>,
      %add3A_698 = arith.addf %get3A_693, %get3A_697 : vector<16xf32>
      %get3A_699 = arith.constant 2 : i32
      %get3A_700 = arith.index_cast %get3A_699 : i32 to index
      %get3A_701 = arith.index_cast %mul3A_690 : i32 to index
      %get3A_702 = tpu.vector_load %arg18[%get3A_700, %get3A_701] {strides = array<i32>} : memref<16x528xf32, #tpu.memory_space<vmem>>, vector<16xf32>,
      %add3A_703 = arith.addf %add3A_698, %get3A_702 : vector<16xf32>
      %get3A_704 = arith.constant 3 : i32
      %get3A_705 = arith.index_cast %get3A_704 : i32 to index
      %get3A_706 = arith.index_cast %mul3A_690 : i32 to index
      %get3A_707 = tpu.vector_load %arg18[%get3A_705, %get3A_706] {strides = array<i32>} : memref<16x528xf32, #tpu.memory_space<vmem>>, vector<16xf32>,
      %add3A_708 = arith.addf %add3A_703, %get3A_707 : vector<16xf32>
      %get3A_709 = arith.constant 4 : i32
      %get3A_710 = arith.index_cast %get3A_709 : i32 to index
      %get3A_711 = arith.index_cast %mul3A_690 : i32 to index
      %get3A_712 = tpu.vector_load %arg18[%get3A_710, %get3A_711] {strides = array<i32>} : memref<16x528xf32, #tpu.memory_space<vmem>>, vector<16xf32>,
      %add3A_713 = arith.addf %add3A_708, %get3A_712 : vector<16xf32>
      %get3A_714 = arith.constant 5 : i32
      %get3A_715 = arith.index_cast %get3A_714 : i32 to index
      %get3A_716 = arith.index_cast %mul3A_690 : i32 to index
      %get3A_717 = tpu.vector_load %arg18[%get3A_715, %get3A_716] {strides = array<i32>} : memref<16x528xf32, #tpu.memory_space<vmem>>, vector<16xf32>,
      %add3A_718 = arith.addf %add3A_713, %get3A_717 : vector<16xf32>
      %get3A_719 = arith.constant 6 : i32
      %get3A_720 = arith.index_cast %get3A_719 : i32 to index
      %get3A_721 = arith.index_cast %mul3A_690 : i32 to index
      %get3A_722 = tpu.vector_load %arg18[%get3A_720, %get3A_721] {strides = array<i32>} : memref<16x528xf32, #tpu.memory_space<vmem>>, vector<16xf32>,
      %add3A_723 = arith.addf %add3A_718, %get3A_722 : vector<16xf32>
      %get3A_724 = arith.constant 7 : i32
      %get3A_725 = arith.index_cast %get3A_724 : i32 to index
      %get3A_726 = arith.index_cast %mul3A_690 : i32 to index
      %get3A_727 = tpu.vector_load %arg18[%get3A_725, %get3A_726] {strides = array<i32>} : memref<16x528xf32, #tpu.memory_space<vmem>>, vector<16xf32>,
      %add3A_728 = arith.addf %add3A_723, %get3A_727 : vector<16xf32>
      %get3A_729 = arith.constant 8 : i32
      %get3A_730 = arith.index_cast %get3A_729 : i32 to index
      %get3A_731 = arith.index_cast %mul3A_690 : i32 to index
      %get3A_732 = tpu.vector_load %arg18[%get3A_730, %get3A_731] {strides = array<i32>} : memref<16x528xf32, #tpu.memory_space<vmem>>, vector<16xf32>,
      %add3A_733 = arith.addf %add3A_728, %get3A_732 : vector<16xf32>
      %get3A_734 = arith.constant 9 : i32
      %get3A_735 = arith.index_cast %get3A_734 : i32 to index
      %get3A_736 = arith.index_cast %mul3A_690 : i32 to index
      %get3A_737 = tpu.vector_load %arg18[%get3A_735, %get3A_736] {strides = array<i32>} : memref<16x528xf32, #tpu.memory_space<vmem>>, vector<16xf32>,
      %add3A_738 = arith.addf %add3A_733, %get3A_737 : vector<16xf32>
      %get3A_739 = arith.constant 10 : i32
      %get3A_740 = arith.index_cast %get3A_739 : i32 to index
      %get3A_741 = arith.index_cast %mul3A_690 : i32 to index
      %get3A_742 = tpu.vector_load %arg18[%get3A_740, %get3A_741] {strides = array<i32>} : memref<16x528xf32, #tpu.memory_space<vmem>>, vector<16xf32>,
      %add3A_743 = arith.addf %add3A_738, %get3A_742 : vector<16xf32>
      %get3A_744 = arith.constant 11 : i32
      %get3A_745 = arith.index_cast %get3A_744 : i32 to index
      %get3A_746 = arith.index_cast %mul3A_690 : i32 to index
      %get3A_747 = tpu.vector_load %arg18[%get3A_745, %get3A_746] {strides = array<i32>} : memref<16x528xf32, #tpu.memory_space<vmem>>, vector<16xf32>,
      %add3A_748 = arith.addf %add3A_743, %get3A_747 : vector<16xf32>
      %get3A_749 = arith.constant 12 : i32
      %get3A_750 = arith.index_cast %get3A_749 : i32 to index
      %get3A_751 = arith.index_cast %mul3A_690 : i32 to index
      %get3A_752 = tpu.vector_load %arg18[%get3A_750, %get3A_751] {strides = array<i32>} : memref<16x528xf32, #tpu.memory_space<vmem>>, vector<16xf32>,
      %add3A_753 = arith.addf %add3A_748, %get3A_752 : vector<16xf32>
      %get3A_754 = arith.constant 13 : i32
      %get3A_755 = arith.index_cast %get3A_754 : i32 to index
      %get3A_756 = arith.index_cast %mul3A_690 : i32 to index
      %get3A_757 = tpu.vector_load %arg18[%get3A_755, %get3A_756] {strides = array<i32>} : memref<16x528xf32, #tpu.memory_space<vmem>>, vector<16xf32>,
      %add3A_758 = arith.addf %add3A_753, %get3A_757 : vector<16xf32>
      %get3A_759 = arith.constant 14 : i32
      %get3A_760 = arith.index_cast %get3A_759 : i32 to index
      %get3A_761 = arith.index_cast %mul3A_690 : i32 to index
      %get3A_762 = tpu.vector_load %arg18[%get3A_760, %get3A_761] {strides = array<i32>} : memref<16x528xf32, #tpu.memory_space<vmem>>, vector<16xf32>,
      %add3A_763 = arith.addf %add3A_758, %get3A_762 : vector<16xf32>
      %get3A_764 = arith.constant 15 : i32
      %get3A_765 = arith.index_cast %get3A_764 : i32 to index
      %get3A_766 = arith.index_cast %mul3A_690 : i32 to index
      %get3A_767 = tpu.vector_load %arg18[%get3A_765, %get3A_766] {strides = array<i32>} : memref<16x528xf32, #tpu.memory_space<vmem>>, vector<16xf32>,
      %add3A_768 = arith.addf %add3A_763, %get3A_767 : vector<16xf32>
      %swap3A = arith.constant 0 : i32
      %swap3A_769 = arith.index_cast %swap3A : i32 to index
      %swap3A_770 = arith.index_cast %mul3A_690 : i32 to index
      %swap3A_771 = tpu.vector_load %arg25[%swap3A_769, %swap3A_770] {strides = array<i32>} : memref<7x528xf32, #tpu.memory_space<vmem>>, vector<16xf32>,
      tpu.vector_store %arg25[%swap3A_769, %swap3A_770], %add3A_768 {strides = array<i32>} : memref<7x528xf32, #tpu.memory_space<vmem>>, vector<16xf32>,
      %scan3A_772 = arith.constant 0 : i32
      scf.yield %scan3A_772 : i32
    }
    %scan3A_644 = arith.constant 33 : i32
    %scan3A_645 = arith.constant 0 : i32
    %scan3A_646 = arith.constant 0 : i32
    %scan3A_647 = arith.constant 33 : i32
    %scan3A_648 = arith.addi %scan3A_646, %scan3A_647 : i32
    %scan3A_649 = arith.constant 1 : i32
    %scan3A_650 = scf.for %scan3A_687 = %scan3A_646 to %scan3A_648 step %scan3A_649 iter_args(%scan3A_688 = %scan3A_645) -> (i32)  : i32 {
      %mul3A_689 = arith.constant 16 : i32
      %mul3A_690 = arith.muli %scan3A_687, %mul3A_689 : i32
      %get3A = arith.constant 0 : i32
      %get3A_691 = arith.index_cast %get3A : i32 to index
      %get3A_692 = arith.index_cast %mul3A_690 : i32 to index
      %get3A_693 = tpu.vector_load %arg19[%get3A_691, %get3A_692] {strides = array<i32>} : memref<16x528xf32, #tpu.memory_space<vmem>>, vector<16xf32>,
      %get3A_694 = arith.constant 1 : i32
      %get3A_695 = arith.index_cast %get3A_694 : i32 to index
      %get3A_696 = arith.index_cast %mul3A_690 : i32 to index
      %get3A_697 = tpu.vector_load %arg19[%get3A_695, %get3A_696] {strides = array<i32>} : memref<16x528xf32, #tpu.memory_space<vmem>>, vector<16xf32>,
      %add3A_698 = arith.addf %get3A_693, %get3A_697 : vector<16xf32>
      %get3A_699 = arith.constant 2 : i32
      %get3A_700 = arith.index_cast %get3A_699 : i32 to index
      %get3A_701 = arith.index_cast %mul3A_690 : i32 to index
      %get3A_702 = tpu.vector_load %arg19[%get3A_700, %get3A_701] {strides = array<i32>} : memref<16x528xf32, #tpu.memory_space<vmem>>, vector<16xf32>,
      %add3A_703 = arith.addf %add3A_698, %get3A_702 : vector<16xf32>
      %get3A_704 = arith.constant 3 : i32
      %get3A_705 = arith.index_cast %get3A_704 : i32 to index
      %get3A_706 = arith.index_cast %mul3A_690 : i32 to index
      %get3A_707 = tpu.vector_load %arg19[%get3A_705, %get3A_706] {strides = array<i32>} : memref<16x528xf32, #tpu.memory_space<vmem>>, vector<16xf32>,
      %add3A_708 = arith.addf %add3A_703, %get3A_707 : vector<16xf32>
      %get3A_709 = arith.constant 4 : i32
      %get3A_710 = arith.index_cast %get3A_709 : i32 to index
      %get3A_711 = arith.index_cast %mul3A_690 : i32 to index
      %get3A_712 = tpu.vector_load %arg19[%get3A_710, %get3A_711] {strides = array<i32>} : memref<16x528xf32, #tpu.memory_space<vmem>>, vector<16xf32>,
      %add3A_713 = arith.addf %add3A_708, %get3A_712 : vector<16xf32>
      %get3A_714 = arith.constant 5 : i32
      %get3A_715 = arith.index_cast %get3A_714 : i32 to index
      %get3A_716 = arith.index_cast %mul3A_690 : i32 to index
      %get3A_717 = tpu.vector_load %arg19[%get3A_715, %get3A_716] {strides = array<i32>} : memref<16x528xf32, #tpu.memory_space<vmem>>, vector<16xf32>,
      %add3A_718 = arith.addf %add3A_713, %get3A_717 : vector<16xf32>
      %get3A_719 = arith.constant 6 : i32
      %get3A_720 = arith.index_cast %get3A_719 : i32 to index
      %get3A_721 = arith.index_cast %mul3A_690 : i32 to index
      %get3A_722 = tpu.vector_load %arg19[%get3A_720, %get3A_721] {strides = array<i32>} : memref<16x528xf32, #tpu.memory_space<vmem>>, vector<16xf32>,
      %add3A_723 = arith.addf %add3A_718, %get3A_722 : vector<16xf32>
      %get3A_724 = arith.constant 7 : i32
      %get3A_725 = arith.index_cast %get3A_724 : i32 to index
      %get3A_726 = arith.index_cast %mul3A_690 : i32 to index
      %get3A_727 = tpu.vector_load %arg19[%get3A_725, %get3A_726] {strides = array<i32>} : memref<16x528xf32, #tpu.memory_space<vmem>>, vector<16xf32>,
      %add3A_728 = arith.addf %add3A_723, %get3A_727 : vector<16xf32>
      %get3A_729 = arith.constant 8 : i32
      %get3A_730 = arith.index_cast %get3A_729 : i32 to index
      %get3A_731 = arith.index_cast %mul3A_690 : i32 to index
      %get3A_732 = tpu.vector_load %arg19[%get3A_730, %get3A_731] {strides = array<i32>} : memref<16x528xf32, #tpu.memory_space<vmem>>, vector<16xf32>,
      %add3A_733 = arith.addf %add3A_728, %get3A_732 : vector<16xf32>
      %get3A_734 = arith.constant 9 : i32
      %get3A_735 = arith.index_cast %get3A_734 : i32 to index
      %get3A_736 = arith.index_cast %mul3A_690 : i32 to index
      %get3A_737 = tpu.vector_load %arg19[%get3A_735, %get3A_736] {strides = array<i32>} : memref<16x528xf32, #tpu.memory_space<vmem>>, vector<16xf32>,
      %add3A_738 = arith.addf %add3A_733, %get3A_737 : vector<16xf32>
      %get3A_739 = arith.constant 10 : i32
      %get3A_740 = arith.index_cast %get3A_739 : i32 to index
      %get3A_741 = arith.index_cast %mul3A_690 : i32 to index
      %get3A_742 = tpu.vector_load %arg19[%get3A_740, %get3A_741] {strides = array<i32>} : memref<16x528xf32, #tpu.memory_space<vmem>>, vector<16xf32>,
      %add3A_743 = arith.addf %add3A_738, %get3A_742 : vector<16xf32>
      %get3A_744 = arith.constant 11 : i32
      %get3A_745 = arith.index_cast %get3A_744 : i32 to index
      %get3A_746 = arith.index_cast %mul3A_690 : i32 to index
      %get3A_747 = tpu.vector_load %arg19[%get3A_745, %get3A_746] {strides = array<i32>} : memref<16x528xf32, #tpu.memory_space<vmem>>, vector<16xf32>,
      %add3A_748 = arith.addf %add3A_743, %get3A_747 : vector<16xf32>
      %get3A_749 = arith.constant 12 : i32
      %get3A_750 = arith.index_cast %get3A_749 : i32 to index
      %get3A_751 = arith.index_cast %mul3A_690 : i32 to index
      %get3A_752 = tpu.vector_load %arg19[%get3A_750, %get3A_751] {strides = array<i32>} : memref<16x528xf32, #tpu.memory_space<vmem>>, vector<16xf32>,
      %add3A_753 = arith.addf %add3A_748, %get3A_752 : vector<16xf32>
      %get3A_754 = arith.constant 13 : i32
      %get3A_755 = arith.index_cast %get3A_754 : i32 to index
      %get3A_756 = arith.index_cast %mul3A_690 : i32 to index
      %get3A_757 = tpu.vector_load %arg19[%get3A_755, %get3A_756] {strides = array<i32>} : memref<16x528xf32, #tpu.memory_space<vmem>>, vector<16xf32>,
      %add3A_758 = arith.addf %add3A_753, %get3A_757 : vector<16xf32>
      %get3A_759 = arith.constant 14 : i32
      %get3A_760 = arith.index_cast %get3A_759 : i32 to index
      %get3A_761 = arith.index_cast %mul3A_690 : i32 to index
      %get3A_762 = tpu.vector_load %arg19[%get3A_760, %get3A_761] {strides = array<i32>} : memref<16x528xf32, #tpu.memory_space<vmem>>, vector<16xf32>,
      %add3A_763 = arith.addf %add3A_758, %get3A_762 : vector<16xf32>
      %get3A_764 = arith.constant 15 : i32
      %get3A_765 = arith.index_cast %get3A_764 : i32 to index
      %get3A_766 = arith.index_cast %mul3A_690 : i32 to index
      %get3A_767 = tpu.vector_load %arg19[%get3A_765, %get3A_766] {strides = array<i32>} : memref<16x528xf32, #tpu.memory_space<vmem>>, vector<16xf32>,
      %add3A_768 = arith.addf %add3A_763, %get3A_767 : vector<16xf32>
      %swap3A = arith.constant 1 : i32
      %swap3A_769 = arith.index_cast %swap3A : i32 to index
      %swap3A_770 = arith.index_cast %mul3A_690 : i32 to index
      %swap3A_771 = tpu.vector_load %arg25[%swap3A_769, %swap3A_770] {strides = array<i32>} : memref<7x528xf32, #tpu.memory_space<vmem>>, vector<16xf32>,
      tpu.vector_store %arg25[%swap3A_769, %swap3A_770], %add3A_768 {strides = array<i32>} : memref<7x528xf32, #tpu.memory_space<vmem>>, vector<16xf32>,
      %scan3A_772 = arith.constant 0 : i32
      scf.yield %scan3A_772 : i32
    }
    %scan3A_651 = arith.constant 33 : i32
    %scan3A_652 = arith.constant 0 : i32
    %scan3A_653 = arith.constant 0 : i32
    %scan3A_654 = arith.constant 33 : i32
    %scan3A_655 = arith.addi %scan3A_653, %scan3A_654 : i32
    %scan3A_656 = arith.constant 1 : i32
    %scan3A_657 = scf.for %scan3A_687 = %scan3A_653 to %scan3A_655 step %scan3A_656 iter_args(%scan3A_688 = %scan3A_652) -> (i32)  : i32 {
      %mul3A_689 = arith.constant 16 : i32
      %mul3A_690 = arith.muli %scan3A_687, %mul3A_689 : i32
      %get3A = arith.constant 0 : i32
      %get3A_691 = arith.index_cast %get3A : i32 to index
      %get3A_692 = arith.index_cast %mul3A_690 : i32 to index
      %get3A_693 = tpu.vector_load %arg20[%get3A_691, %get3A_692] {strides = array<i32>} : memref<16x528xf32, #tpu.memory_space<vmem>>, vector<16xf32>,
      %get3A_694 = arith.constant 1 : i32
      %get3A_695 = arith.index_cast %get3A_694 : i32 to index
      %get3A_696 = arith.index_cast %mul3A_690 : i32 to index
      %get3A_697 = tpu.vector_load %arg20[%get3A_695, %get3A_696] {strides = array<i32>} : memref<16x528xf32, #tpu.memory_space<vmem>>, vector<16xf32>,
      %add3A_698 = arith.addf %get3A_693, %get3A_697 : vector<16xf32>
      %get3A_699 = arith.constant 2 : i32
      %get3A_700 = arith.index_cast %get3A_699 : i32 to index
      %get3A_701 = arith.index_cast %mul3A_690 : i32 to index
      %get3A_702 = tpu.vector_load %arg20[%get3A_700, %get3A_701] {strides = array<i32>} : memref<16x528xf32, #tpu.memory_space<vmem>>, vector<16xf32>,
      %add3A_703 = arith.addf %add3A_698, %get3A_702 : vector<16xf32>
      %get3A_704 = arith.constant 3 : i32
      %get3A_705 = arith.index_cast %get3A_704 : i32 to index
      %get3A_706 = arith.index_cast %mul3A_690 : i32 to index
      %get3A_707 = tpu.vector_load %arg20[%get3A_705, %get3A_706] {strides = array<i32>} : memref<16x528xf32, #tpu.memory_space<vmem>>, vector<16xf32>,
      %add3A_708 = arith.addf %add3A_703, %get3A_707 : vector<16xf32>
      %get3A_709 = arith.constant 4 : i32
      %get3A_710 = arith.index_cast %get3A_709 : i32 to index
      %get3A_711 = arith.index_cast %mul3A_690 : i32 to index
      %get3A_712 = tpu.vector_load %arg20[%get3A_710, %get3A_711] {strides = array<i32>} : memref<16x528xf32, #tpu.memory_space<vmem>>, vector<16xf32>,
      %add3A_713 = arith.addf %add3A_708, %get3A_712 : vector<16xf32>
      %get3A_714 = arith.constant 5 : i32
      %get3A_715 = arith.index_cast %get3A_714 : i32 to index
      %get3A_716 = arith.index_cast %mul3A_690 : i32 to index
      %get3A_717 = tpu.vector_load %arg20[%get3A_715, %get3A_716] {strides = array<i32>} : memref<16x528xf32, #tpu.memory_space<vmem>>, vector<16xf32>,
      %add3A_718 = arith.addf %add3A_713, %get3A_717 : vector<16xf32>
      %get3A_719 = arith.constant 6 : i32
      %get3A_720 = arith.index_cast %get3A_719 : i32 to index
      %get3A_721 = arith.index_cast %mul3A_690 : i32 to index
      %get3A_722 = tpu.vector_load %arg20[%get3A_720, %get3A_721] {strides = array<i32>} : memref<16x528xf32, #tpu.memory_space<vmem>>, vector<16xf32>,
      %add3A_723 = arith.addf %add3A_718, %get3A_722 : vector<16xf32>
      %get3A_724 = arith.constant 7 : i32
      %get3A_725 = arith.index_cast %get3A_724 : i32 to index
      %get3A_726 = arith.index_cast %mul3A_690 : i32 to index
      %get3A_727 = tpu.vector_load %arg20[%get3A_725, %get3A_726] {strides = array<i32>} : memref<16x528xf32, #tpu.memory_space<vmem>>, vector<16xf32>,
      %add3A_728 = arith.addf %add3A_723, %get3A_727 : vector<16xf32>
      %get3A_729 = arith.constant 8 : i32
      %get3A_730 = arith.index_cast %get3A_729 : i32 to index
      %get3A_731 = arith.index_cast %mul3A_690 : i32 to index
      %get3A_732 = tpu.vector_load %arg20[%get3A_730, %get3A_731] {strides = array<i32>} : memref<16x528xf32, #tpu.memory_space<vmem>>, vector<16xf32>,
      %add3A_733 = arith.addf %add3A_728, %get3A_732 : vector<16xf32>
      %get3A_734 = arith.constant 9 : i32
      %get3A_735 = arith.index_cast %get3A_734 : i32 to index
      %get3A_736 = arith.index_cast %mul3A_690 : i32 to index
      %get3A_737 = tpu.vector_load %arg20[%get3A_735, %get3A_736] {strides = array<i32>} : memref<16x528xf32, #tpu.memory_space<vmem>>, vector<16xf32>,
      %add3A_738 = arith.addf %add3A_733, %get3A_737 : vector<16xf32>
      %get3A_739 = arith.constant 10 : i32
      %get3A_740 = arith.index_cast %get3A_739 : i32 to index
      %get3A_741 = arith.index_cast %mul3A_690 : i32 to index
      %get3A_742 = tpu.vector_load %arg20[%get3A_740, %get3A_741] {strides = array<i32>} : memref<16x528xf32, #tpu.memory_space<vmem>>, vector<16xf32>,
      %add3A_743 = arith.addf %add3A_738, %get3A_742 : vector<16xf32>
      %get3A_744 = arith.constant 11 : i32
      %get3A_745 = arith.index_cast %get3A_744 : i32 to index
      %get3A_746 = arith.index_cast %mul3A_690 : i32 to index
      %get3A_747 = tpu.vector_load %arg20[%get3A_745, %get3A_746] {strides = array<i32>} : memref<16x528xf32, #tpu.memory_space<vmem>>, vector<16xf32>,
      %add3A_748 = arith.addf %add3A_743, %get3A_747 : vector<16xf32>
      %get3A_749 = arith.constant 12 : i32
      %get3A_750 = arith.index_cast %get3A_749 : i32 to index
      %get3A_751 = arith.index_cast %mul3A_690 : i32 to index
      %get3A_752 = tpu.vector_load %arg20[%get3A_750, %get3A_751] {strides = array<i32>} : memref<16x528xf32, #tpu.memory_space<vmem>>, vector<16xf32>,
      %add3A_753 = arith.addf %add3A_748, %get3A_752 : vector<16xf32>
      %get3A_754 = arith.constant 13 : i32
      %get3A_755 = arith.index_cast %get3A_754 : i32 to index
      %get3A_756 = arith.index_cast %mul3A_690 : i32 to index
      %get3A_757 = tpu.vector_load %arg20[%get3A_755, %get3A_756] {strides = array<i32>} : memref<16x528xf32, #tpu.memory_space<vmem>>, vector<16xf32>,
      %add3A_758 = arith.addf %add3A_753, %get3A_757 : vector<16xf32>
      %get3A_759 = arith.constant 14 : i32
      %get3A_760 = arith.index_cast %get3A_759 : i32 to index
      %get3A_761 = arith.index_cast %mul3A_690 : i32 to index
      %get3A_762 = tpu.vector_load %arg20[%get3A_760, %get3A_761] {strides = array<i32>} : memref<16x528xf32, #tpu.memory_space<vmem>>, vector<16xf32>,
      %add3A_763 = arith.addf %add3A_758, %get3A_762 : vector<16xf32>
      %get3A_764 = arith.constant 15 : i32
      %get3A_765 = arith.index_cast %get3A_764 : i32 to index
      %get3A_766 = arith.index_cast %mul3A_690 : i32 to index
      %get3A_767 = tpu.vector_load %arg20[%get3A_765, %get3A_766] {strides = array<i32>} : memref<16x528xf32, #tpu.memory_space<vmem>>, vector<16xf32>,
      %add3A_768 = arith.addf %add3A_763, %get3A_767 : vector<16xf32>
      %swap3A = arith.constant 2 : i32
      %swap3A_769 = arith.index_cast %swap3A : i32 to index
      %swap3A_770 = arith.index_cast %mul3A_690 : i32 to index
      %swap3A_771 = tpu.vector_load %arg25[%swap3A_769, %swap3A_770] {strides = array<i32>} : memref<7x528xf32, #tpu.memory_space<vmem>>, vector<16xf32>,
      tpu.vector_store %arg25[%swap3A_769, %swap3A_770], %add3A_768 {strides = array<i32>} : memref<7x528xf32, #tpu.memory_space<vmem>>, vector<16xf32>,
      %scan3A_772 = arith.constant 0 : i32
      scf.yield %scan3A_772 : i32
    }
    %scan3A_658 = arith.constant 33 : i32
    %scan3A_659 = arith.constant 0 : i32
    %scan3A_660 = arith.constant 0 : i32
    %scan3A_661 = arith.constant 33 : i32
    %scan3A_662 = arith.addi %scan3A_660, %scan3A_661 : i32
    %scan3A_663 = arith.constant 1 : i32
    %scan3A_664 = scf.for %scan3A_687 = %scan3A_660 to %scan3A_662 step %scan3A_663 iter_args(%scan3A_688 = %scan3A_659) -> (i32)  : i32 {
      %mul3A_689 = arith.constant 16 : i32
      %mul3A_690 = arith.muli %scan3A_687, %mul3A_689 : i32
      %get3A = arith.constant 0 : i32
      %get3A_691 = arith.index_cast %get3A : i32 to index
      %get3A_692 = arith.index_cast %mul3A_690 : i32 to index
      %get3A_693 = tpu.vector_load %arg21[%get3A_691, %get3A_692] {strides = array<i32>} : memref<16x528xf32, #tpu.memory_space<vmem>>, vector<16xf32>,
      %get3A_694 = arith.constant 1 : i32
      %get3A_695 = arith.index_cast %get3A_694 : i32 to index
      %get3A_696 = arith.index_cast %mul3A_690 : i32 to index
      %get3A_697 = tpu.vector_load %arg21[%get3A_695, %get3A_696] {strides = array<i32>} : memref<16x528xf32, #tpu.memory_space<vmem>>, vector<16xf32>,
      %add3A_698 = arith.addf %get3A_693, %get3A_697 : vector<16xf32>
      %get3A_699 = arith.constant 2 : i32
      %get3A_700 = arith.index_cast %get3A_699 : i32 to index
      %get3A_701 = arith.index_cast %mul3A_690 : i32 to index
      %get3A_702 = tpu.vector_load %arg21[%get3A_700, %get3A_701] {strides = array<i32>} : memref<16x528xf32, #tpu.memory_space<vmem>>, vector<16xf32>,
      %add3A_703 = arith.addf %add3A_698, %get3A_702 : vector<16xf32>
      %get3A_704 = arith.constant 3 : i32
      %get3A_705 = arith.index_cast %get3A_704 : i32 to index
      %get3A_706 = arith.index_cast %mul3A_690 : i32 to index
      %get3A_707 = tpu.vector_load %arg21[%get3A_705, %get3A_706] {strides = array<i32>} : memref<16x528xf32, #tpu.memory_space<vmem>>, vector<16xf32>,
      %add3A_708 = arith.addf %add3A_703, %get3A_707 : vector<16xf32>
      %get3A_709 = arith.constant 4 : i32
      %get3A_710 = arith.index_cast %get3A_709 : i32 to index
      %get3A_711 = arith.index_cast %mul3A_690 : i32 to index
      %get3A_712 = tpu.vector_load %arg21[%get3A_710, %get3A_711] {strides = array<i32>} : memref<16x528xf32, #tpu.memory_space<vmem>>, vector<16xf32>,
      %add3A_713 = arith.addf %add3A_708, %get3A_712 : vector<16xf32>
      %get3A_714 = arith.constant 5 : i32
      %get3A_715 = arith.index_cast %get3A_714 : i32 to index
      %get3A_716 = arith.index_cast %mul3A_690 : i32 to index
      %get3A_717 = tpu.vector_load %arg21[%get3A_715, %get3A_716] {strides = array<i32>} : memref<16x528xf32, #tpu.memory_space<vmem>>, vector<16xf32>,
      %add3A_718 = arith.addf %add3A_713, %get3A_717 : vector<16xf32>
      %get3A_719 = arith.constant 6 : i32
      %get3A_720 = arith.index_cast %get3A_719 : i32 to index
      %get3A_721 = arith.index_cast %mul3A_690 : i32 to index
      %get3A_722 = tpu.vector_load %arg21[%get3A_720, %get3A_721] {strides = array<i32>} : memref<16x528xf32, #tpu.memory_space<vmem>>, vector<16xf32>,
      %add3A_723 = arith.addf %add3A_718, %get3A_722 : vector<16xf32>
      %get3A_724 = arith.constant 7 : i32
      %get3A_725 = arith.index_cast %get3A_724 : i32 to index
      %get3A_726 = arith.index_cast %mul3A_690 : i32 to index
      %get3A_727 = tpu.vector_load %arg21[%get3A_725, %get3A_726] {strides = array<i32>} : memref<16x528xf32, #tpu.memory_space<vmem>>, vector<16xf32>,
      %add3A_728 = arith.addf %add3A_723, %get3A_727 : vector<16xf32>
      %get3A_729 = arith.constant 8 : i32
      %get3A_730 = arith.index_cast %get3A_729 : i32 to index
      %get3A_731 = arith.index_cast %mul3A_690 : i32 to index
      %get3A_732 = tpu.vector_load %arg21[%get3A_730, %get3A_731] {strides = array<i32>} : memref<16x528xf32, #tpu.memory_space<vmem>>, vector<16xf32>,
      %add3A_733 = arith.addf %add3A_728, %get3A_732 : vector<16xf32>
      %get3A_734 = arith.constant 9 : i32
      %get3A_735 = arith.index_cast %get3A_734 : i32 to index
      %get3A_736 = arith.index_cast %mul3A_690 : i32 to index
      %get3A_737 = tpu.vector_load %arg21[%get3A_735, %get3A_736] {strides = array<i32>} : memref<16x528xf32, #tpu.memory_space<vmem>>, vector<16xf32>,
      %add3A_738 = arith.addf %add3A_733, %get3A_737 : vector<16xf32>
      %get3A_739 = arith.constant 10 : i32
      %get3A_740 = arith.index_cast %get3A_739 : i32 to index
      %get3A_741 = arith.index_cast %mul3A_690 : i32 to index
      %get3A_742 = tpu.vector_load %arg21[%get3A_740, %get3A_741] {strides = array<i32>} : memref<16x528xf32, #tpu.memory_space<vmem>>, vector<16xf32>,
      %add3A_743 = arith.addf %add3A_738, %get3A_742 : vector<16xf32>
      %get3A_744 = arith.constant 11 : i32
      %get3A_745 = arith.index_cast %get3A_744 : i32 to index
      %get3A_746 = arith.index_cast %mul3A_690 : i32 to index
      %get3A_747 = tpu.vector_load %arg21[%get3A_745, %get3A_746] {strides = array<i32>} : memref<16x528xf32, #tpu.memory_space<vmem>>, vector<16xf32>,
      %add3A_748 = arith.addf %add3A_743, %get3A_747 : vector<16xf32>
      %get3A_749 = arith.constant 12 : i32
      %get3A_750 = arith.index_cast %get3A_749 : i32 to index
      %get3A_751 = arith.index_cast %mul3A_690 : i32 to index
      %get3A_752 = tpu.vector_load %arg21[%get3A_750, %get3A_751] {strides = array<i32>} : memref<16x528xf32, #tpu.memory_space<vmem>>, vector<16xf32>,
      %add3A_753 = arith.addf %add3A_748, %get3A_752 : vector<16xf32>
      %get3A_754 = arith.constant 13 : i32
      %get3A_755 = arith.index_cast %get3A_754 : i32 to index
      %get3A_756 = arith.index_cast %mul3A_690 : i32 to index
      %get3A_757 = tpu.vector_load %arg21[%get3A_755, %get3A_756] {strides = array<i32>} : memref<16x528xf32, #tpu.memory_space<vmem>>, vector<16xf32>,
      %add3A_758 = arith.addf %add3A_753, %get3A_757 : vector<16xf32>
      %get3A_759 = arith.constant 14 : i32
      %get3A_760 = arith.index_cast %get3A_759 : i32 to index
      %get3A_761 = arith.index_cast %mul3A_690 : i32 to index
      %get3A_762 = tpu.vector_load %arg21[%get3A_760, %get3A_761] {strides = array<i32>} : memref<16x528xf32, #tpu.memory_space<vmem>>, vector<16xf32>,
      %add3A_763 = arith.addf %add3A_758, %get3A_762 : vector<16xf32>
      %get3A_764 = arith.constant 15 : i32
      %get3A_765 = arith.index_cast %get3A_764 : i32 to index
      %get3A_766 = arith.index_cast %mul3A_690 : i32 to index
      %get3A_767 = tpu.vector_load %arg21[%get3A_765, %get3A_766] {strides = array<i32>} : memref<16x528xf32, #tpu.memory_space<vmem>>, vector<16xf32>,
      %add3A_768 = arith.addf %add3A_763, %get3A_767 : vector<16xf32>
      %swap3A = arith.constant 3 : i32
      %swap3A_769 = arith.index_cast %swap3A : i32 to index
      %swap3A_770 = arith.index_cast %mul3A_690 : i32 to index
      %swap3A_771 = tpu.vector_load %arg25[%swap3A_769, %swap3A_770] {strides = array<i32>} : memref<7x528xf32, #tpu.memory_space<vmem>>, vector<16xf32>,
      tpu.vector_store %arg25[%swap3A_769, %swap3A_770], %add3A_768 {strides = array<i32>} : memref<7x528xf32, #tpu.memory_space<vmem>>, vector<16xf32>,
      %scan3A_772 = arith.constant 0 : i32
      scf.yield %scan3A_772 : i32
    }
    %scan3A_665 = arith.constant 33 : i32
    %scan3A_666 = arith.constant 0 : i32
    %scan3A_667 = arith.constant 0 : i32
    %scan3A_668 = arith.constant 33 : i32
    %scan3A_669 = arith.addi %scan3A_667, %scan3A_668 : i32
    %scan3A_670 = arith.constant 1 : i32
    %scan3A_671 = scf.for %scan3A_687 = %scan3A_667 to %scan3A_669 step %scan3A_670 iter_args(%scan3A_688 = %scan3A_666) -> (i32)  : i32 {
      %mul3A_689 = arith.constant 16 : i32
      %mul3A_690 = arith.muli %scan3A_687, %mul3A_689 : i32
      %get3A = arith.constant 0 : i32
      %get3A_691 = arith.index_cast %get3A : i32 to index
      %get3A_692 = arith.index_cast %mul3A_690 : i32 to index
      %get3A_693 = tpu.vector_load %arg22[%get3A_691, %get3A_692] {strides = array<i32>} : memref<16x528xf32, #tpu.memory_space<vmem>>, vector<16xf32>,
      %get3A_694 = arith.constant 1 : i32
      %get3A_695 = arith.index_cast %get3A_694 : i32 to index
      %get3A_696 = arith.index_cast %mul3A_690 : i32 to index
      %get3A_697 = tpu.vector_load %arg22[%get3A_695, %get3A_696] {strides = array<i32>} : memref<16x528xf32, #tpu.memory_space<vmem>>, vector<16xf32>,
      %add3A_698 = arith.addf %get3A_693, %get3A_697 : vector<16xf32>
      %get3A_699 = arith.constant 2 : i32
      %get3A_700 = arith.index_cast %get3A_699 : i32 to index
      %get3A_701 = arith.index_cast %mul3A_690 : i32 to index
      %get3A_702 = tpu.vector_load %arg22[%get3A_700, %get3A_701] {strides = array<i32>} : memref<16x528xf32, #tpu.memory_space<vmem>>, vector<16xf32>,
      %add3A_703 = arith.addf %add3A_698, %get3A_702 : vector<16xf32>
      %get3A_704 = arith.constant 3 : i32
      %get3A_705 = arith.index_cast %get3A_704 : i32 to index
      %get3A_706 = arith.index_cast %mul3A_690 : i32 to index
      %get3A_707 = tpu.vector_load %arg22[%get3A_705, %get3A_706] {strides = array<i32>} : memref<16x528xf32, #tpu.memory_space<vmem>>, vector<16xf32>,
      %add3A_708 = arith.addf %add3A_703, %get3A_707 : vector<16xf32>
      %get3A_709 = arith.constant 4 : i32
      %get3A_710 = arith.index_cast %get3A_709 : i32 to index
      %get3A_711 = arith.index_cast %mul3A_690 : i32 to index
      %get3A_712 = tpu.vector_load %arg22[%get3A_710, %get3A_711] {strides = array<i32>} : memref<16x528xf32, #tpu.memory_space<vmem>>, vector<16xf32>,
      %add3A_713 = arith.addf %add3A_708, %get3A_712 : vector<16xf32>
      %get3A_714 = arith.constant 5 : i32
      %get3A_715 = arith.index_cast %get3A_714 : i32 to index
      %get3A_716 = arith.index_cast %mul3A_690 : i32 to index
      %get3A_717 = tpu.vector_load %arg22[%get3A_715, %get3A_716] {strides = array<i32>} : memref<16x528xf32, #tpu.memory_space<vmem>>, vector<16xf32>,
      %add3A_718 = arith.addf %add3A_713, %get3A_717 : vector<16xf32>
      %get3A_719 = arith.constant 6 : i32
      %get3A_720 = arith.index_cast %get3A_719 : i32 to index
      %get3A_721 = arith.index_cast %mul3A_690 : i32 to index
      %get3A_722 = tpu.vector_load %arg22[%get3A_720, %get3A_721] {strides = array<i32>} : memref<16x528xf32, #tpu.memory_space<vmem>>, vector<16xf32>,
      %add3A_723 = arith.addf %add3A_718, %get3A_722 : vector<16xf32>
      %get3A_724 = arith.constant 7 : i32
      %get3A_725 = arith.index_cast %get3A_724 : i32 to index
      %get3A_726 = arith.index_cast %mul3A_690 : i32 to index
      %get3A_727 = tpu.vector_load %arg22[%get3A_725, %get3A_726] {strides = array<i32>} : memref<16x528xf32, #tpu.memory_space<vmem>>, vector<16xf32>,
      %add3A_728 = arith.addf %add3A_723, %get3A_727 : vector<16xf32>
      %get3A_729 = arith.constant 8 : i32
      %get3A_730 = arith.index_cast %get3A_729 : i32 to index
      %get3A_731 = arith.index_cast %mul3A_690 : i32 to index
      %get3A_732 = tpu.vector_load %arg22[%get3A_730, %get3A_731] {strides = array<i32>} : memref<16x528xf32, #tpu.memory_space<vmem>>, vector<16xf32>,
      %add3A_733 = arith.addf %add3A_728, %get3A_732 : vector<16xf32>
      %get3A_734 = arith.constant 9 : i32
      %get3A_735 = arith.index_cast %get3A_734 : i32 to index
      %get3A_736 = arith.index_cast %mul3A_690 : i32 to index
      %get3A_737 = tpu.vector_load %arg22[%get3A_735, %get3A_736] {strides = array<i32>} : memref<16x528xf32, #tpu.memory_space<vmem>>, vector<16xf32>,
      %add3A_738 = arith.addf %add3A_733, %get3A_737 : vector<16xf32>
      %get3A_739 = arith.constant 10 : i32
      %get3A_740 = arith.index_cast %get3A_739 : i32 to index
      %get3A_741 = arith.index_cast %mul3A_690 : i32 to index
      %get3A_742 = tpu.vector_load %arg22[%get3A_740, %get3A_741] {strides = array<i32>} : memref<16x528xf32, #tpu.memory_space<vmem>>, vector<16xf32>,
      %add3A_743 = arith.addf %add3A_738, %get3A_742 : vector<16xf32>
      %get3A_744 = arith.constant 11 : i32
      %get3A_745 = arith.index_cast %get3A_744 : i32 to index
      %get3A_746 = arith.index_cast %mul3A_690 : i32 to index
      %get3A_747 = tpu.vector_load %arg22[%get3A_745, %get3A_746] {strides = array<i32>} : memref<16x528xf32, #tpu.memory_space<vmem>>, vector<16xf32>,
      %add3A_748 = arith.addf %add3A_743, %get3A_747 : vector<16xf32>
      %get3A_749 = arith.constant 12 : i32
      %get3A_750 = arith.index_cast %get3A_749 : i32 to index
      %get3A_751 = arith.index_cast %mul3A_690 : i32 to index
      %get3A_752 = tpu.vector_load %arg22[%get3A_750, %get3A_751] {strides = array<i32>} : memref<16x528xf32, #tpu.memory_space<vmem>>, vector<16xf32>,
      %add3A_753 = arith.addf %add3A_748, %get3A_752 : vector<16xf32>
      %get3A_754 = arith.constant 13 : i32
      %get3A_755 = arith.index_cast %get3A_754 : i32 to index
      %get3A_756 = arith.index_cast %mul3A_690 : i32 to index
      %get3A_757 = tpu.vector_load %arg22[%get3A_755, %get3A_756] {strides = array<i32>} : memref<16x528xf32, #tpu.memory_space<vmem>>, vector<16xf32>,
      %add3A_758 = arith.addf %add3A_753, %get3A_757 : vector<16xf32>
      %get3A_759 = arith.constant 14 : i32
      %get3A_760 = arith.index_cast %get3A_759 : i32 to index
      %get3A_761 = arith.index_cast %mul3A_690 : i32 to index
      %get3A_762 = tpu.vector_load %arg22[%get3A_760, %get3A_761] {strides = array<i32>} : memref<16x528xf32, #tpu.memory_space<vmem>>, vector<16xf32>,
      %add3A_763 = arith.addf %add3A_758, %get3A_762 : vector<16xf32>
      %get3A_764 = arith.constant 15 : i32
      %get3A_765 = arith.index_cast %get3A_764 : i32 to index
      %get3A_766 = arith.index_cast %mul3A_690 : i32 to index
      %get3A_767 = tpu.vector_load %arg22[%get3A_765, %get3A_766] {strides = array<i32>} : memref<16x528xf32, #tpu.memory_space<vmem>>, vector<16xf32>,
      %add3A_768 = arith.addf %add3A_763, %get3A_767 : vector<16xf32>
      %swap3A = arith.constant 4 : i32
      %swap3A_769 = arith.index_cast %swap3A : i32 to index
      %swap3A_770 = arith.index_cast %mul3A_690 : i32 to index
      %swap3A_771 = tpu.vector_load %arg25[%swap3A_769, %swap3A_770] {strides = array<i32>} : memref<7x528xf32, #tpu.memory_space<vmem>>, vector<16xf32>,
      tpu.vector_store %arg25[%swap3A_769, %swap3A_770], %add3A_768 {strides = array<i32>} : memref<7x528xf32, #tpu.memory_space<vmem>>, vector<16xf32>,
      %scan3A_772 = arith.constant 0 : i32
      scf.yield %scan3A_772 : i32
    }
    %scan3A_672 = arith.constant 33 : i32
    %scan3A_673 = arith.constant 0 : i32
    %scan3A_674 = arith.constant 0 : i32
    %scan3A_675 = arith.constant 33 : i32
    %scan3A_676 = arith.addi %scan3A_674, %scan3A_675 : i32
    %scan3A_677 = arith.constant 1 : i32
    %scan3A_678 = scf.for %scan3A_687 = %scan3A_674 to %scan3A_676 step %scan3A_677 iter_args(%scan3A_688 = %scan3A_673) -> (i32)  : i32 {
      %mul3A_689 = arith.constant 16 : i32
      %mul3A_690 = arith.muli %scan3A_687, %mul3A_689 : i32
      %get3A = arith.constant 0 : i32
      %get3A_691 = arith.index_cast %get3A : i32 to index
      %get3A_692 = arith.index_cast %mul3A_690 : i32 to index
      %get3A_693 = tpu.vector_load %arg23[%get3A_691, %get3A_692] {strides = array<i32>} : memref<16x528xf32, #tpu.memory_space<vmem>>, vector<16xf32>,
      %get3A_694 = arith.constant 1 : i32
      %get3A_695 = arith.index_cast %get3A_694 : i32 to index
      %get3A_696 = arith.index_cast %mul3A_690 : i32 to index
      %get3A_697 = tpu.vector_load %arg23[%get3A_695, %get3A_696] {strides = array<i32>} : memref<16x528xf32, #tpu.memory_space<vmem>>, vector<16xf32>,
      %add3A_698 = arith.addf %get3A_693, %get3A_697 : vector<16xf32>
      %get3A_699 = arith.constant 2 : i32
      %get3A_700 = arith.index_cast %get3A_699 : i32 to index
      %get3A_701 = arith.index_cast %mul3A_690 : i32 to index
      %get3A_702 = tpu.vector_load %arg23[%get3A_700, %get3A_701] {strides = array<i32>} : memref<16x528xf32, #tpu.memory_space<vmem>>, vector<16xf32>,
      %add3A_703 = arith.addf %add3A_698, %get3A_702 : vector<16xf32>
      %get3A_704 = arith.constant 3 : i32
      %get3A_705 = arith.index_cast %get3A_704 : i32 to index
      %get3A_706 = arith.index_cast %mul3A_690 : i32 to index
      %get3A_707 = tpu.vector_load %arg23[%get3A_705, %get3A_706] {strides = array<i32>} : memref<16x528xf32, #tpu.memory_space<vmem>>, vector<16xf32>,
      %add3A_708 = arith.addf %add3A_703, %get3A_707 : vector<16xf32>
      %get3A_709 = arith.constant 4 : i32
      %get3A_710 = arith.index_cast %get3A_709 : i32 to index
      %get3A_711 = arith.index_cast %mul3A_690 : i32 to index
      %get3A_712 = tpu.vector_load %arg23[%get3A_710, %get3A_711] {strides = array<i32>} : memref<16x528xf32, #tpu.memory_space<vmem>>, vector<16xf32>,
      %add3A_713 = arith.addf %add3A_708, %get3A_712 : vector<16xf32>
      %get3A_714 = arith.constant 5 : i32
      %get3A_715 = arith.index_cast %get3A_714 : i32 to index
      %get3A_716 = arith.index_cast %mul3A_690 : i32 to index
      %get3A_717 = tpu.vector_load %arg23[%get3A_715, %get3A_716] {strides = array<i32>} : memref<16x528xf32, #tpu.memory_space<vmem>>, vector<16xf32>,
      %add3A_718 = arith.addf %add3A_713, %get3A_717 : vector<16xf32>
      %get3A_719 = arith.constant 6 : i32
      %get3A_720 = arith.index_cast %get3A_719 : i32 to index
      %get3A_721 = arith.index_cast %mul3A_690 : i32 to index
      %get3A_722 = tpu.vector_load %arg23[%get3A_720, %get3A_721] {strides = array<i32>} : memref<16x528xf32, #tpu.memory_space<vmem>>, vector<16xf32>,
      %add3A_723 = arith.addf %add3A_718, %get3A_722 : vector<16xf32>
      %get3A_724 = arith.constant 7 : i32
      %get3A_725 = arith.index_cast %get3A_724 : i32 to index
      %get3A_726 = arith.index_cast %mul3A_690 : i32 to index
      %get3A_727 = tpu.vector_load %arg23[%get3A_725, %get3A_726] {strides = array<i32>} : memref<16x528xf32, #tpu.memory_space<vmem>>, vector<16xf32>,
      %add3A_728 = arith.addf %add3A_723, %get3A_727 : vector<16xf32>
      %get3A_729 = arith.constant 8 : i32
      %get3A_730 = arith.index_cast %get3A_729 : i32 to index
      %get3A_731 = arith.index_cast %mul3A_690 : i32 to index
      %get3A_732 = tpu.vector_load %arg23[%get3A_730, %get3A_731] {strides = array<i32>} : memref<16x528xf32, #tpu.memory_space<vmem>>, vector<16xf32>,
      %add3A_733 = arith.addf %add3A_728, %get3A_732 : vector<16xf32>
      %get3A_734 = arith.constant 9 : i32
      %get3A_735 = arith.index_cast %get3A_734 : i32 to index
      %get3A_736 = arith.index_cast %mul3A_690 : i32 to index
      %get3A_737 = tpu.vector_load %arg23[%get3A_735, %get3A_736] {strides = array<i32>} : memref<16x528xf32, #tpu.memory_space<vmem>>, vector<16xf32>,
      %add3A_738 = arith.addf %add3A_733, %get3A_737 : vector<16xf32>
      %get3A_739 = arith.constant 10 : i32
      %get3A_740 = arith.index_cast %get3A_739 : i32 to index
      %get3A_741 = arith.index_cast %mul3A_690 : i32 to index
      %get3A_742 = tpu.vector_load %arg23[%get3A_740, %get3A_741] {strides = array<i32>} : memref<16x528xf32, #tpu.memory_space<vmem>>, vector<16xf32>,
      %add3A_743 = arith.addf %add3A_738, %get3A_742 : vector<16xf32>
      %get3A_744 = arith.constant 11 : i32
      %get3A_745 = arith.index_cast %get3A_744 : i32 to index
      %get3A_746 = arith.index_cast %mul3A_690 : i32 to index
      %get3A_747 = tpu.vector_load %arg23[%get3A_745, %get3A_746] {strides = array<i32>} : memref<16x528xf32, #tpu.memory_space<vmem>>, vector<16xf32>,
      %add3A_748 = arith.addf %add3A_743, %get3A_747 : vector<16xf32>
      %get3A_749 = arith.constant 12 : i32
      %get3A_750 = arith.index_cast %get3A_749 : i32 to index
      %get3A_751 = arith.index_cast %mul3A_690 : i32 to index
      %get3A_752 = tpu.vector_load %arg23[%get3A_750, %get3A_751] {strides = array<i32>} : memref<16x528xf32, #tpu.memory_space<vmem>>, vector<16xf32>,
      %add3A_753 = arith.addf %add3A_748, %get3A_752 : vector<16xf32>
      %get3A_754 = arith.constant 13 : i32
      %get3A_755 = arith.index_cast %get3A_754 : i32 to index
      %get3A_756 = arith.index_cast %mul3A_690 : i32 to index
      %get3A_757 = tpu.vector_load %arg23[%get3A_755, %get3A_756] {strides = array<i32>} : memref<16x528xf32, #tpu.memory_space<vmem>>, vector<16xf32>,
      %add3A_758 = arith.addf %add3A_753, %get3A_757 : vector<16xf32>
      %get3A_759 = arith.constant 14 : i32
      %get3A_760 = arith.index_cast %get3A_759 : i32 to index
      %get3A_761 = arith.index_cast %mul3A_690 : i32 to index
      %get3A_762 = tpu.vector_load %arg23[%get3A_760, %get3A_761] {strides = array<i32>} : memref<16x528xf32, #tpu.memory_space<vmem>>, vector<16xf32>,
      %add3A_763 = arith.addf %add3A_758, %get3A_762 : vector<16xf32>
      %get3A_764 = arith.constant 15 : i32
      %get3A_765 = arith.index_cast %get3A_764 : i32 to index
      %get3A_766 = arith.index_cast %mul3A_690 : i32 to index
      %get3A_767 = tpu.vector_load %arg23[%get3A_765, %get3A_766] {strides = array<i32>} : memref<16x528xf32, #tpu.memory_space<vmem>>, vector<16xf32>,
      %add3A_768 = arith.addf %add3A_763, %get3A_767 : vector<16xf32>
      %swap3A = arith.constant 5 : i32
      %swap3A_769 = arith.index_cast %swap3A : i32 to index
      %swap3A_770 = arith.index_cast %mul3A_690 : i32 to index
      %swap3A_771 = tpu.vector_load %arg25[%swap3A_769, %swap3A_770] {strides = array<i32>} : memref<7x528xf32, #tpu.memory_space<vmem>>, vector<16xf32>,
      tpu.vector_store %arg25[%swap3A_769, %swap3A_770], %add3A_768 {strides = array<i32>} : memref<7x528xf32, #tpu.memory_space<vmem>>, vector<16xf32>,
      %scan3A_772 = arith.constant 0 : i32
      scf.yield %scan3A_772 : i32
    }
    %scan3A_679 = arith.constant 33 : i32
    %scan3A_680 = arith.constant 0 : i32
    %scan3A_681 = arith.constant 0 : i32
    %scan3A_682 = arith.constant 33 : i32
    %scan3A_683 = arith.addi %scan3A_681, %scan3A_682 : i32
    %scan3A_684 = arith.constant 1 : i32
    %scan3A_685 = scf.for %scan3A_687 = %scan3A_681 to %scan3A_683 step %scan3A_684 iter_args(%scan3A_688 = %scan3A_680) -> (i32)  : i32 {
      %mul3A_689 = arith.constant 16 : i32
      %mul3A_690 = arith.muli %scan3A_687, %mul3A_689 : i32
      %get3A = arith.constant 0 : i32
      %get3A_691 = arith.index_cast %get3A : i32 to index
      %get3A_692 = arith.index_cast %mul3A_690 : i32 to index
      %get3A_693 = tpu.vector_load %arg24[%get3A_691, %get3A_692] {strides = array<i32>} : memref<16x528xf32, #tpu.memory_space<vmem>>, vector<16xf32>,
      %get3A_694 = arith.constant 1 : i32
      %get3A_695 = arith.index_cast %get3A_694 : i32 to index
      %get3A_696 = arith.index_cast %mul3A_690 : i32 to index
      %get3A_697 = tpu.vector_load %arg24[%get3A_695, %get3A_696] {strides = array<i32>} : memref<16x528xf32, #tpu.memory_space<vmem>>, vector<16xf32>,
      %add3A_698 = arith.addf %get3A_693, %get3A_697 : vector<16xf32>
      %get3A_699 = arith.constant 2 : i32
      %get3A_700 = arith.index_cast %get3A_699 : i32 to index
      %get3A_701 = arith.index_cast %mul3A_690 : i32 to index
      %get3A_702 = tpu.vector_load %arg24[%get3A_700, %get3A_701] {strides = array<i32>} : memref<16x528xf32, #tpu.memory_space<vmem>>, vector<16xf32>,
      %add3A_703 = arith.addf %add3A_698, %get3A_702 : vector<16xf32>
      %get3A_704 = arith.constant 3 : i32
      %get3A_705 = arith.index_cast %get3A_704 : i32 to index
      %get3A_706 = arith.index_cast %mul3A_690 : i32 to index
      %get3A_707 = tpu.vector_load %arg24[%get3A_705, %get3A_706] {strides = array<i32>} : memref<16x528xf32, #tpu.memory_space<vmem>>, vector<16xf32>,
      %add3A_708 = arith.addf %add3A_703, %get3A_707 : vector<16xf32>
      %get3A_709 = arith.constant 4 : i32
      %get3A_710 = arith.index_cast %get3A_709 : i32 to index
      %get3A_711 = arith.index_cast %mul3A_690 : i32 to index
      %get3A_712 = tpu.vector_load %arg24[%get3A_710, %get3A_711] {strides = array<i32>} : memref<16x528xf32, #tpu.memory_space<vmem>>, vector<16xf32>,
      %add3A_713 = arith.addf %add3A_708, %get3A_712 : vector<16xf32>
      %get3A_714 = arith.constant 5 : i32
      %get3A_715 = arith.index_cast %get3A_714 : i32 to index
      %get3A_716 = arith.index_cast %mul3A_690 : i32 to index
      %get3A_717 = tpu.vector_load %arg24[%get3A_715, %get3A_716] {strides = array<i32>} : memref<16x528xf32, #tpu.memory_space<vmem>>, vector<16xf32>,
      %add3A_718 = arith.addf %add3A_713, %get3A_717 : vector<16xf32>
      %get3A_719 = arith.constant 6 : i32
      %get3A_720 = arith.index_cast %get3A_719 : i32 to index
      %get3A_721 = arith.index_cast %mul3A_690 : i32 to index
      %get3A_722 = tpu.vector_load %arg24[%get3A_720, %get3A_721] {strides = array<i32>} : memref<16x528xf32, #tpu.memory_space<vmem>>, vector<16xf32>,
      %add3A_723 = arith.addf %add3A_718, %get3A_722 : vector<16xf32>
      %get3A_724 = arith.constant 7 : i32
      %get3A_725 = arith.index_cast %get3A_724 : i32 to index
      %get3A_726 = arith.index_cast %mul3A_690 : i32 to index
      %get3A_727 = tpu.vector_load %arg24[%get3A_725, %get3A_726] {strides = array<i32>} : memref<16x528xf32, #tpu.memory_space<vmem>>, vector<16xf32>,
      %add3A_728 = arith.addf %add3A_723, %get3A_727 : vector<16xf32>
      %get3A_729 = arith.constant 8 : i32
      %get3A_730 = arith.index_cast %get3A_729 : i32 to index
      %get3A_731 = arith.index_cast %mul3A_690 : i32 to index
      %get3A_732 = tpu.vector_load %arg24[%get3A_730, %get3A_731] {strides = array<i32>} : memref<16x528xf32, #tpu.memory_space<vmem>>, vector<16xf32>,
      %add3A_733 = arith.addf %add3A_728, %get3A_732 : vector<16xf32>
      %get3A_734 = arith.constant 9 : i32
      %get3A_735 = arith.index_cast %get3A_734 : i32 to index
      %get3A_736 = arith.index_cast %mul3A_690 : i32 to index
      %get3A_737 = tpu.vector_load %arg24[%get3A_735, %get3A_736] {strides = array<i32>} : memref<16x528xf32, #tpu.memory_space<vmem>>, vector<16xf32>,
      %add3A_738 = arith.addf %add3A_733, %get3A_737 : vector<16xf32>
      %get3A_739 = arith.constant 10 : i32
      %get3A_740 = arith.index_cast %get3A_739 : i32 to index
      %get3A_741 = arith.index_cast %mul3A_690 : i32 to index
      %get3A_742 = tpu.vector_load %arg24[%get3A_740, %get3A_741] {strides = array<i32>} : memref<16x528xf32, #tpu.memory_space<vmem>>, vector<16xf32>,
      %add3A_743 = arith.addf %add3A_738, %get3A_742 : vector<16xf32>
      %get3A_744 = arith.constant 11 : i32
      %get3A_745 = arith.index_cast %get3A_744 : i32 to index
      %get3A_746 = arith.index_cast %mul3A_690 : i32 to index
      %get3A_747 = tpu.vector_load %arg24[%get3A_745, %get3A_746] {strides = array<i32>} : memref<16x528xf32, #tpu.memory_space<vmem>>, vector<16xf32>,
      %add3A_748 = arith.addf %add3A_743, %get3A_747 : vector<16xf32>
      %get3A_749 = arith.constant 12 : i32
      %get3A_750 = arith.index_cast %get3A_749 : i32 to index
      %get3A_751 = arith.index_cast %mul3A_690 : i32 to index
      %get3A_752 = tpu.vector_load %arg24[%get3A_750, %get3A_751] {strides = array<i32>} : memref<16x528xf32, #tpu.memory_space<vmem>>, vector<16xf32>,
      %add3A_753 = arith.addf %add3A_748, %get3A_752 : vector<16xf32>
      %get3A_754 = arith.constant 13 : i32
      %get3A_755 = arith.index_cast %get3A_754 : i32 to index
      %get3A_756 = arith.index_cast %mul3A_690 : i32 to index
      %get3A_757 = tpu.vector_load %arg24[%get3A_755, %get3A_756] {strides = array<i32>} : memref<16x528xf32, #tpu.memory_space<vmem>>, vector<16xf32>,
      %add3A_758 = arith.addf %add3A_753, %get3A_757 : vector<16xf32>
      %get3A_759 = arith.constant 14 : i32
      %get3A_760 = arith.index_cast %get3A_759 : i32 to index
      %get3A_761 = arith.index_cast %mul3A_690 : i32 to index
      %get3A_762 = tpu.vector_load %arg24[%get3A_760, %get3A_761] {strides = array<i32>} : memref<16x528xf32, #tpu.memory_space<vmem>>, vector<16xf32>,
      %add3A_763 = arith.addf %add3A_758, %get3A_762 : vector<16xf32>
      %get3A_764 = arith.constant 15 : i32
      %get3A_765 = arith.index_cast %get3A_764 : i32 to index
      %get3A_766 = arith.index_cast %mul3A_690 : i32 to index
      %get3A_767 = tpu.vector_load %arg24[%get3A_765, %get3A_766] {strides = array<i32>} : memref<16x528xf32, #tpu.memory_space<vmem>>, vector<16xf32>,
      %add3A_768 = arith.addf %add3A_763, %get3A_767 : vector<16xf32>
      %swap3A = arith.constant 6 : i32
      %swap3A_769 = arith.index_cast %swap3A : i32 to index
      %swap3A_770 = arith.index_cast %mul3A_690 : i32 to index
      %swap3A_771 = tpu.vector_load %arg25[%swap3A_769, %swap3A_770] {strides = array<i32>} : memref<7x528xf32, #tpu.memory_space<vmem>>, vector<16xf32>,
      tpu.vector_store %arg25[%swap3A_769, %swap3A_770], %add3A_768 {strides = array<i32>} : memref<7x528xf32, #tpu.memory_space<vmem>>, vector<16xf32>,
      %scan3A_772 = arith.constant 0 : i32
      scf.yield %scan3A_772 : i32
    }
    %scan3A_686 = arith.constant 33 : i32
    "tpu.region"() ({
      %run_scoped3A = tpu.sem_alloc : memref<!tpu.dma_semaphore, #tpu.memory_space<semaphore_mem>>
      %dma_start3A_687 = arith.constant 0 : i32
      %dma_start3A_688 = arith.constant 0 : i32
      %dma_start3A_689 = tpu.memref_slice %arg8[%add3A, %dma_start3A_687, %dma_start3A_688] : memref<32x7x528xf32, #tpu.memory_space<hbm>> -> memref<1x7x528xf32, #tpu.memory_space<hbm>>
      %dma_start3A_690 = tpu.memref_squeeze %dma_start3A_689 : memref<1x7x528xf32, #tpu.memory_space<hbm>> -> memref<7x528xf32, #tpu.memory_space<hbm>>
      %dma_start3A_691 = arith.constant 0 : i32
      %dma_start3A_692 = arith.constant 0 : i32
      %dma_start3A_693 = tpu.memref_slice %arg8[%add3A, %dma_start3A_691, %dma_start3A_692] : memref<32x7x528xf32, #tpu.memory_space<hbm>> -> memref<1x7x528xf32, #tpu.memory_space<hbm>>
      %dma_start3A_694 = tpu.memref_squeeze %dma_start3A_693 : memref<1x7x528xf32, #tpu.memory_space<hbm>> -> memref<7x528xf32, #tpu.memory_space<hbm>>
      tpu.enqueue_dma source(%arg25 : memref<7x528xf32, #tpu.memory_space<vmem>>) target(%dma_start3A_694 : memref<7x528xf32, #tpu.memory_space<hbm>>) target_semaphore(%run_scoped3A : memref<!tpu.dma_semaphore, #tpu.memory_space<semaphore_mem>>)
      %dma_wait3A_695 = arith.constant 0 : i32
      %dma_wait3A_696 = arith.constant 0 : i32
      %dma_wait3A_697 = tpu.memref_slice %arg8[%add3A, %dma_wait3A_695, %dma_wait3A_696] : memref<32x7x528xf32, #tpu.memory_space<hbm>> -> memref<1x7x528xf32, #tpu.memory_space<hbm>>
      %dma_wait3A_698 = tpu.memref_squeeze %dma_wait3A_697 : memref<1x7x528xf32, #tpu.memory_space<hbm>> -> memref<7x528xf32, #tpu.memory_space<hbm>>
      %dma_wait3A_699 = arith.constant 0 : i32
      %dma_wait3A_700 = arith.constant 0 : i32
      %dma_wait3A_701 = tpu.memref_slice %arg8[%add3A, %dma_wait3A_699, %dma_wait3A_700] : memref<32x7x528xf32, #tpu.memory_space<hbm>> -> memref<1x7x528xf32, #tpu.memory_space<hbm>>
      %dma_wait3A_702 = tpu.memref_squeeze %dma_wait3A_701 : memref<1x7x528xf32, #tpu.memory_space<hbm>> -> memref<7x528xf32, #tpu.memory_space<hbm>>
      tpu.wait_dma2 semaphore(%run_scoped3A : memref<!tpu.dma_semaphore, #tpu.memory_space<semaphore_mem>>) src(%arg25 : memref<7x528xf32, #tpu.memory_space<vmem>>) dst(%dma_wait3A_702 : memref<7x528xf32, #tpu.memory_space<hbm>>)
      tpu.yield
    }) : () -> ()
    return
  }
}

module attributes {stable_mosaic.version = 14 : i64} {
  func.func @_finish_body(%arg0: memref<32x7x528xf32, #tpu.memory_space<vmem>>, %arg1: memref<8xf32, #tpu.memory_space<vmem>>) attributes {dimension_semantics = [], scalar_prefetch = 0 : i64, scratch_operands = 0 : i64, tpu.core_type = #tpu.core_type<tc>} {
    %get3A = arith.constant 0 : index
    %get3A_0 = arith.constant 0 : index
    %get3A_1 = arith.constant 0 : index
    %get3A_2 = vector.load %arg0[%get3A, %get3A_0, %get3A_1] : memref<32x7x528xf32, #tpu.memory_space<vmem>>, vector<32x7x528xf32>
    %reduce_sum3A = arith.constant dense<0.000000e+00> : vector<7x528xf32>
    %reduce_sum3A_3 = vector.multi_reduction <add>, %get3A_2, %reduce_sum3A [0] : vector<32x7x528xf32> to vector<7x528xf32>
    %slice3A = vector.extract_strided_slice %reduce_sum3A_3 {offsets = [0, 0], sizes = [7, 512], strides = [1, 1]} : vector<7x528xf32> to vector<7x512xf32>
    %slice3A_4 = vector.extract_strided_slice %slice3A {offsets = [0, 0], sizes = [1, 512], strides = [1, 1]} : vector<7x512xf32> to vector<1x512xf32>
    %slice3A_5 = vector.extract_strided_slice %slice3A {offsets = [1, 0], sizes = [1, 512], strides = [1, 1]} : vector<7x512xf32> to vector<1x512xf32>
    %slice3A_6 = vector.extract_strided_slice %slice3A {offsets = [2, 0], sizes = [1, 512], strides = [1, 1]} : vector<7x512xf32> to vector<1x512xf32>
    %slice3A_7 = vector.extract_strided_slice %slice3A {offsets = [3, 0], sizes = [1, 512], strides = [1, 1]} : vector<7x512xf32> to vector<1x512xf32>
    %slice3A_8 = vector.extract_strided_slice %slice3A {offsets = [4, 0], sizes = [1, 512], strides = [1, 1]} : vector<7x512xf32> to vector<1x512xf32>
    %slice3A_9 = vector.extract_strided_slice %slice3A {offsets = [5, 0], sizes = [1, 512], strides = [1, 1]} : vector<7x512xf32> to vector<1x512xf32>
    %slice3A_10 = vector.extract_strided_slice %slice3A {offsets = [6, 0], sizes = [1, 512], strides = [1, 1]} : vector<7x512xf32> to vector<1x512xf32>
    %div3A = arith.divf %slice3A_4, %slice3A_7 : vector<1x512xf32>
    %sqrt3A = math.sqrt %div3A : vector<1x512xf32>
    %div3A_11 = arith.divf %slice3A_5, %slice3A_7 : vector<1x512xf32>
    %sqrt3A_12 = math.sqrt %div3A_11 : vector<1x512xf32>
    %div3A_13 = arith.divf %slice3A_6, %slice3A_7 : vector<1x512xf32>
    %sqrt3A_14 = math.sqrt %div3A_13 : vector<1x512xf32>
    %div3A_15 = arith.divf %sqrt3A, %sqrt3A_12 : vector<1x512xf32>
    %sqrt3A_16 = math.sqrt %slice3A_8 : vector<1x512xf32>
    %sqrt3A_17 = math.sqrt %slice3A_9 : vector<1x512xf32>
    %sqrt3A_18 = math.sqrt %slice3A_10 : vector<1x512xf32>
    %div3A_19 = arith.divf %sqrt3A_16, %sqrt3A_17 : vector<1x512xf32>
    %reduce_sum3A_20 = vector.shape_cast %sqrt3A : vector<1x512xf32> to vector<1x1x512xf32>
    %reduce_sum3A_21 = arith.constant dense<0.000000e+00> : vector<1xf32>
    %reduce_sum3A_22 = vector.multi_reduction <add>, %reduce_sum3A_20, %reduce_sum3A_21 [1, 2] : vector<1x1x512xf32> to vector<1xf32>
    %reduce_sum3A_23 = vector.shape_cast %reduce_sum3A_22 : vector<1xf32> to vector<1x1x1xf32>
    %reduce_sum3A_24 = vector.extract %reduce_sum3A_23[0, 0, 0] : f32 from vector<1x1x1xf32>
    %reduce_sum3A_25 = vector.shape_cast %div3A_15 : vector<1x512xf32> to vector<1x1x512xf32>
    %reduce_sum3A_26 = arith.constant dense<0.000000e+00> : vector<1xf32>
    %reduce_sum3A_27 = vector.multi_reduction <add>, %reduce_sum3A_25, %reduce_sum3A_26 [1, 2] : vector<1x1x512xf32> to vector<1xf32>
    %reduce_sum3A_28 = vector.shape_cast %reduce_sum3A_27 : vector<1xf32> to vector<1x1x1xf32>
    %reduce_sum3A_29 = vector.extract %reduce_sum3A_28[0, 0, 0] : f32 from vector<1x1x1xf32>
    %reduce_sum3A_30 = vector.shape_cast %sqrt3A_14 : vector<1x512xf32> to vector<1x1x512xf32>
    %reduce_sum3A_31 = arith.constant dense<0.000000e+00> : vector<1xf32>
    %reduce_sum3A_32 = vector.multi_reduction <add>, %reduce_sum3A_30, %reduce_sum3A_31 [1, 2] : vector<1x1x512xf32> to vector<1xf32>
    %reduce_sum3A_33 = vector.shape_cast %reduce_sum3A_32 : vector<1xf32> to vector<1x1x1xf32>
    %reduce_sum3A_34 = vector.extract %reduce_sum3A_33[0, 0, 0] : f32 from vector<1x1x1xf32>
    %reduce_sum3A_35 = vector.shape_cast %sqrt3A_12 : vector<1x512xf32> to vector<1x1x512xf32>
    %reduce_sum3A_36 = arith.constant dense<0.000000e+00> : vector<1xf32>
    %reduce_sum3A_37 = vector.multi_reduction <add>, %reduce_sum3A_35, %reduce_sum3A_36 [1, 2] : vector<1x1x512xf32> to vector<1xf32>
    %reduce_sum3A_38 = vector.shape_cast %reduce_sum3A_37 : vector<1xf32> to vector<1x1x1xf32>
    %reduce_sum3A_39 = vector.extract %reduce_sum3A_38[0, 0, 0] : f32 from vector<1x1x1xf32>
    %reduce_sum3A_40 = vector.shape_cast %sqrt3A_16 : vector<1x512xf32> to vector<1x1x512xf32>
    %reduce_sum3A_41 = arith.constant dense<0.000000e+00> : vector<1xf32>
    %reduce_sum3A_42 = vector.multi_reduction <add>, %reduce_sum3A_40, %reduce_sum3A_41 [1, 2] : vector<1x1x512xf32> to vector<1xf32>
    %reduce_sum3A_43 = vector.shape_cast %reduce_sum3A_42 : vector<1xf32> to vector<1x1x1xf32>
    %reduce_sum3A_44 = vector.extract %reduce_sum3A_43[0, 0, 0] : f32 from vector<1x1x1xf32>
    %reduce_sum3A_45 = vector.shape_cast %div3A_19 : vector<1x512xf32> to vector<1x1x512xf32>
    %reduce_sum3A_46 = arith.constant dense<0.000000e+00> : vector<1xf32>
    %reduce_sum3A_47 = vector.multi_reduction <add>, %reduce_sum3A_45, %reduce_sum3A_46 [1, 2] : vector<1x1x512xf32> to vector<1xf32>
    %reduce_sum3A_48 = vector.shape_cast %reduce_sum3A_47 : vector<1xf32> to vector<1x1x1xf32>
    %reduce_sum3A_49 = vector.extract %reduce_sum3A_48[0, 0, 0] : f32 from vector<1x1x1xf32>
    %reduce_sum3A_50 = vector.shape_cast %sqrt3A_18 : vector<1x512xf32> to vector<1x1x512xf32>
    %reduce_sum3A_51 = arith.constant dense<0.000000e+00> : vector<1xf32>
    %reduce_sum3A_52 = vector.multi_reduction <add>, %reduce_sum3A_50, %reduce_sum3A_51 [1, 2] : vector<1x1x512xf32> to vector<1xf32>
    %reduce_sum3A_53 = vector.shape_cast %reduce_sum3A_52 : vector<1xf32> to vector<1x1x1xf32>
    %reduce_sum3A_54 = vector.extract %reduce_sum3A_53[0, 0, 0] : f32 from vector<1x1x1xf32>
    %reduce_sum3A_55 = vector.shape_cast %sqrt3A_17 : vector<1x512xf32> to vector<1x1x512xf32>
    %reduce_sum3A_56 = arith.constant dense<0.000000e+00> : vector<1xf32>
    %reduce_sum3A_57 = vector.multi_reduction <add>, %reduce_sum3A_55, %reduce_sum3A_56 [1, 2] : vector<1x1x512xf32> to vector<1xf32>
    %reduce_sum3A_58 = vector.shape_cast %reduce_sum3A_57 : vector<1xf32> to vector<1x1x1xf32>
    %reduce_sum3A_59 = vector.extract %reduce_sum3A_58[0, 0, 0] : f32 from vector<1x1x1xf32>
    %stack3A = vector.broadcast %reduce_sum3A_24 : f32 to vector<1xf32>
    %stack3A_60 = vector.broadcast %reduce_sum3A_29 : f32 to vector<1xf32>
    %stack3A_61 = vector.broadcast %reduce_sum3A_34 : f32 to vector<1xf32>
    %stack3A_62 = vector.broadcast %reduce_sum3A_39 : f32 to vector<1xf32>
    %stack3A_63 = vector.broadcast %reduce_sum3A_44 : f32 to vector<1xf32>
    %stack3A_64 = vector.broadcast %reduce_sum3A_49 : f32 to vector<1xf32>
    %stack3A_65 = vector.broadcast %reduce_sum3A_54 : f32 to vector<1xf32>
    %stack3A_66 = vector.broadcast %reduce_sum3A_59 : f32 to vector<1xf32>
    %stack3A_67 = tpu.concatenate %stack3A, %stack3A_60, %stack3A_61, %stack3A_62, %stack3A_63, %stack3A_64, %stack3A_65, %stack3A_66 in 0 : vector<1xf32>, vector<1xf32>, vector<1xf32>, vector<1xf32>, vector<1xf32>, vector<1xf32>, vector<1xf32>, vector<1xf32> -> vector<8xf32>
    %swap3A = arith.constant 0 : index
    %swap3A_68 = vector.load %arg1[%swap3A] : memref<8xf32, #tpu.memory_space<vmem>>, vector<8xf32>
    tpu.vector_store %arg1[%swap3A], %stack3A_67 {strides = array<i32>} : memref<8xf32, #tpu.memory_space<vmem>>, vector<8xf32>,
    return
  }
}

</mosaic_0001>

<sc_bundles>
// kernel: kernel.4.cloned.1.call-start
scs
__scs_entry_jumppad:
0x0: {  	(pc) =	sbr.rel $0x88, $3  }
0x1: {  	(tag) =	ssettag $0x0;
	lr =	simm.s32 $0x1  }
0x2: {  	[smem:$0x3F9B] =	sst lr;
	_ =	strace $0xD0000000  }
0x3: {  	_ = 	snop  }
0x4: {  	_ = 	snop  }
0x5: {  	_ = 	snop  }
0x6: {  	_ = 	snop  }
0x7: {  	_ = 	snop  }
__scs_overlays_trampoline_lowered:
0x8: {  	[smem:$0x3FAA] =	sst s0  }
0x9: {  	[smem:$0x3FAB] =	sst s1  }
0xa: {  	[smem:$0x3FAC] =	sst s2  }
0xb: {  	[smem:$0x3FAD] =	sst s3  }
0xc: {  	[smem:$0x3FAE] =	sst s4  }
0xd: {  	[smem:$0x3FAF] =	sst s5  }
0xe: {  	[smem:$0x3FB0] =	sst s6  }
0xf: {  	[smem:$0x3FB1] =	sst s7  }
0x10: {  	[smem:$0x3FB2] =	sst s8  }
0x11: {  	[smem:$0x3FB3] =	sst s9;
	s0 =	simm.s32 @!p0 $0x0  }
0x12: {  	s1 =	sld [smem:$0x3F99];
	s0 =	simm.s32 @p0 $0x1  }
0x13: {  	[smem:$0x3FB4] =	sst s0;
	s0 =	simm.s32 @!p1 $0x0  }
0x14: {  	s2 =	sld [smem:$0x3F98];
	s0 =	simm.s32 @p1 $0x1  }
0x15: {  	[smem:$0x3FB5] =	sst s0;
	s0 =	simm.s32 @!p2 $0x0  }
0x16: {  	s3 =	sld [smem:$0x3FDB];
	s0 =	simm.s32 @p2 $0x1  }
0x17: {  	s4 =	simm.s32 $0x1BF5;
	[smem:$0x3FB7] =	sst s0  }
0x18: {  	s0 =	sld [smem:$0x3F9A];
	_ =	swait.ge [sflag:s4], $0x0  }
0x19: {  	s7 =	sld [smem:$0x3F9B]  }
0x1a: {  	s8 =	sadd.s32 $0xFFFFE003, lr  }
0x1b: {  	s9 =	sadd.s32 $0xFFFFFEF7, lr;
	s5 =	simm.s32 $0xFFFFFFFF;
	p2 =	slt.u32 s8, $0xFFFFF086  }
0x1c: {  	p1 =	slt.u32 s9, $0xF7A;
	s5 =	simm.s32 @!p2 $0x0  }
0x1d: {  	s5 =	simm.s32 @p1 $0x1;
	p0 =	seq.s32 s7, s2  }
0x1e: {  	s7 =	smul.u32 @!p0 $0xF7A, s2;
	p2 =	seq.s32 @!p0 s5, $0x0  }
0x1f: {  	s9 =	smul.u32 $0xF7A, s1;
	s8 =	simm.s32 @!p0 $0x1BF5;
	p2 =	por !p2, p0  }
0x20: {  	[sflag:s8] =	ssyncset.s32 @!p0 $0xFFFFF086;
	s6 =	sadd.s32 @!p0 s3, s7;
	s7 =	simm.s32 @!p0 $0x108  }
0x21: {  	s3 =	sadd.s32 s3, s9;
	s6 =	sadd.s32 @!p0 $0x88, s6;
	s7 =	simm.s32 @p2 $0x1082  }
0x22: {  	[simem:s7], [sflag:s8] =	dma.local @!p0 [hbm:s6], $0xF7A  }
0x23: {  	s9 =	sor.u32 $0xD0000000, s2;
	s6 =	simm.s32 $0x108;
	_ =	swait.ge @!p0 [sflag:s8], $0x0  }
0x24: {  	s3 =	sadd.s32 $0x88, s3;
	s6 =	simm.s32 @!p1 $0x1082;
	[sflag:s4] =	ssyncset.s32 $0xFFFFF086  }
0x25: {  	[simem:s6], [sflag:s4] =	dma.local [hbm:s3], $0xF7A  }
0x26: {  	[smem:$0x3F9B] =	sst s1;
	(tag) =	ssettag s2;
	_ =	strace s9  }
0x27: {  	s1 =	sld [smem:$0x3FAB]  }
0x28: {  	s2 =	sld [smem:$0x3FAC]  }
0x29: {  	s4 =	sld [smem:$0x3FAE]  }
0x2a: {  	p0 =	seq.s32 s5, $0x0;
	s5 =	sld [smem:$0x3FAF]  }
0x2b: {  	s6 =	sld [smem:$0x3FB0]  }
0x2c: {  	s7 =	sld [smem:$0x3FB1]  }
0x2d: {  	s3 =	simm.s32 $0x108;
	s8 =	sld [smem:$0x3FB2]  }
0x2e: {  	s3 =	simm.s32 @!p0 $0x1082;
	s9 =	sld [smem:$0x3FB3]  }
0x2f: {  	lr =	sadd.s32 s0, s3;
	s0 =	sld [smem:$0x3FAA]  }
0x30: {  	s3 =	sld [smem:$0x3FAD]  }
0x31: {  	[smem:$0x3FB6] =	sst s10  }
0x32: {  	s10 =	sld [smem:$0x3FB4];
	_ =	sdelay $0x3  }
0x33: {  	p0 =	seq.s32 s10, $0x1;
	s10 =	sld [smem:$0x3FB6];
	_ =	sdelay $0x3  }
0x34: {  	[smem:$0x3FB6] =	sst s10  }
0x35: {  	s10 =	sld [smem:$0x3FB5];
	_ =	sdelay $0x3  }
0x36: {  	p1 =	seq.s32 s10, $0x1;
	s10 =	sld [smem:$0x3FB6];
	_ =	sdelay $0x3  }
0x37: {  	[smem:$0x3FB6] =	sst s10  }
0x38: {  	s10 =	sld [smem:$0x3FB7]  }
0x39: {  	_ = 	snop;
	(pc) =	sbr.ind lr, $3  }
0x3a: {  	_ = 	snop  }
0x3b: {  	_ = 	snop  }
0x3c: {  	p2 =	seq.s32 s10, $0x1;
	s10 =	sld [smem:$0x3FB6]  }
0x3d: {  	_ =	shalt  }
0x3e: {  	_ =	shalt  }
0x3f: {  	_ =	shalt  }
0x40: {  	_ =	shalt  }
0x41: {  	_ =	shalt  }
0x42: {  	_ =	shalt  }
0x43: {  	_ =	shalt  }
0x44: {  	_ =	shalt  }
0x45: {  	_ =	shalt  }
0x46: {  	_ =	shalt  }
0x47: {  	_ =	shalt  }
0x48: {  	_ =	shalt  }
0x49: {  	_ =	shalt  }
0x4a: {  	_ =	shalt  }
0x4b: {  	_ =	shalt  }
0x4c: {  	_ =	shalt  }
0x4d: {  	_ =	shalt  }
0x4e: {  	_ =	shalt  }
0x4f: {  	_ =	shalt  }
0x50: {  	_ =	shalt  }
0x51: {  	_ =	shalt  }
0x52: {  	_ =	shalt  }
0x53: {  	_ =	shalt  }
0x54: {  	_ =	shalt  }
0x55: {  	_ =	shalt  }
0x56: {  	_ =	shalt  }
0x57: {  	_ =	shalt  }
0x58: {  	_ =	shalt  }
0x59: {  	_ =	shalt  }
0x5a: {  	_ =	shalt  }
0x5b: {  	_ =	shalt  }
0x5c: {  	_ =	shalt  }
0x5d: {  	_ =	shalt  }
0x5e: {  	_ =	shalt  }
0x5f: {  	_ =	shalt  }
0x60: {  	_ =	shalt  }
0x61: {  	_ =	shalt  }
0x62: {  	_ =	shalt  }
0x63: {  	_ =	shalt  }
0x64: {  	_ =	shalt  }
0x65: {  	_ =	shalt  }
0x66: {  	_ =	shalt  }
0x67: {  	_ =	shalt  }
0x68: {  	_ =	shalt  }
0x69: {  	_ =	shalt  }
0x6a: {  	_ =	shalt  }
0x6b: {  	_ =	shalt  }
0x6c: {  	_ =	shalt  }
0x6d: {  	_ =	shalt  }
0x6e: {  	_ =	shalt  }
0x6f: {  	_ =	shalt  }
0x70: {  	_ =	shalt  }
0x71: {  	_ =	shalt  }
0x72: {  	_ =	shalt  }
0x73: {  	_ =	shalt  }
0x74: {  	_ =	shalt  }
0x75: {  	_ =	shalt  }
0x76: {  	_ =	shalt  }
0x77: {  	_ =	shalt  }
0x78: {  	_ =	shalt  }
0x79: {  	_ =	shalt  }
0x7a: {  	_ =	shalt  }
0x7b: {  	_ =	shalt  }
0x7c: {  	_ =	shalt  }
0x7d: {  	_ =	shalt  }
0x7e: {  	_ =	shalt  }
0x7f: {  	_ =	shalt  }
0x80: {  	_ =	shalt  }
0x81: {  	_ =	shalt  }
0x82: {  	_ =	shalt  }
0x83: {  	_ =	shalt  }
0x84: {  	_ =	shalt  }
0x85: {  	_ =	shalt  }
0x86: {  	_ =	shalt  }
0x87: {  	_ =	shalt  }
.Lfunc_end0:
.L_simem_size_0:
called_computation_lowered:
.L_overlay_start_0:
0x88: {  	s2 =	sld [smem:$0x3FD9]  }
0x89: {  	s3 =	sld [smem:$0x3FFE];
	_ =	sdelay $0x1  }
0x8a: {  	s1 =	srdreg.scid  }
0x8b: {  	s0 =	sand.u32 $0x1, s1  }
0x8c: {  	s17 =	sshll.u32 s0, $0xA;
	s2 =	sadd.s32 s3, s2  }
0x8d: {  	s2 =	sadd.s32 s2, s17  }
0x8e: {  	[smem:$0x3FC2] =	sst s2  }
0x8f: {  	_ = 	snop  }
0x90: {  	s2 =	sld [smem:$0x3FC8]  }
0x91: {  	s18 =	sld [smem:$0x3FC6]  }
0x92: {  	s4 =	sld [smem:$0x3FC5];
	(tm) =	ssettm $0x1  }
0x93: {  	s5 =	sld [smem:$0x3FFB];
	_ =	sdelay $0x3  }
0x94: {  	_ =	strace s5  }
0x95: {  	s5 =	sld [smem:$0x3FFC];
	_ =	sdelay $0x3  }
0x96: {  	_ =	strace s5  }
0x97: {  	s5 =	sld [smem:$0x3FFD];
	_ =	sdelay $0x3  }
0x98: {  	_ =	strace s5  }
0x99: {  	_ =	strace $0x8FFFFFFF  }
0x9a: {  	s19 =	sld [smem:$0x3FDB];
	_ =	sdelay $0x1  }
0x9b: {  	s6 =	simm.s32 $_scs_section_size  }
0x9c: {  	s7 =	simm.s32 $_size__tile_overlayer_lowered;
	s8 =	simm.s32 $_tile_overlayer_lowered  }
0x9d: {  	s22 =	simm.s32 $0x1BFF;
	s21 =	sshll.u32 s8, $0x1;
	s5 =	sadd.s32 s6, s19  }
0x9e: {  	s9 =	simm.s32 $0x0;
	s20 =	sshll.u32 s7, $0x1;
	s7 =	sadd.s32 s21, s5  }
0x9f: {  	[timem:s9], [sflag:s22] =	dma.local [hbm:s7], s20  }
0xa0: {  	_ =	swait.ge [sflag:s22], s20  }
0xa1: {  	s6 =	ssub.s32 $0x0, s20;
	[sflag:s22] =	ssyncset.done $0x0  }
0xa2: {  	[sflag:s22] =	ssyncadd.s32 s6;
	_ =	sdelay $0x1  }
0xa3: {  	s23 =	simm.s32 $0x1B8B  }
0xa4: {  	_ =	swait.ge [sflag:s23], $0x1  }
0xa5: {  	[sflag:s23] =	ssyncset.done $0x0  }
0xa6: {  	s25 =	simm.s32 $0x1B8E;
	s24 =	sld [smem:$0x3FFE];
	[sflag:s23] =	ssyncadd.s32 $0xFFFFFFFF  }
0xa7: {  	s26 =	simm.s32 $execute0_lowered;
	[smem:$0x3FD2] =	sst s25  }
0xa8: {  	s7 =	sshll.u32 s26, $0x1;
	_ =	strace $0x80000046;
	[dreg:$0x1] =	wrdreg $0xFFFFFFFF  }
0xa9: {  	s28 =	simm.s32 $_size_execute0_lowered;
	s5 =	sadd.s32 s5, s7;
	[dreg:$0x0] =	wrdreg $0x0  }
0xaa: {  	s7 =	sshll.u32 s28, $0x1;
	[dreg:$0x2] =	wrdreg s5  }
0xab: {  	[dreg:$0x3] =	wrdreg s7  }
0xac: {  	[dreg:$0x4] =	wrdreg $0xC0  }
0xad: {  	_ =	task [dreg:s9], $0x5FFFF  }
0xae: {  	[dreg:$0x1] =	wrdreg $0xFFFFFFFF  }
0xaf: {  	[dreg:$0x0] =	wrdreg $0x60  }
0xb0: {  	[dreg:$0x2] =	wrdreg s2  }
0xb1: {  	[dreg:$0x3] =	wrdreg s18  }
0xb2: {  	[dreg:$0x4] =	wrdreg s4  }
0xb3: {  	[dreg:$0x5] =	wrdreg s24  }
0xb4: {  	[dreg:$0x6] =	wrdreg $0x9  }
0xb5: {  	_ =	task.clear_ibuf [dreg:s9], $0x7FFFF;
	_ =	strace $0x90000046  }
0xb6: {  	s29 =	simm.s32 $0x9;
	_ =	strace $0x80000048  }
0xb7: {  	_ =	swait.ge [sflag:s29], $0x1  }
0xb8: {  	[sflag:s29] =	ssyncadd.s32 $0xFFFFFFFF  }
0xb9: {  	_ =	strace $0x90000048  }
0xba: {  	_ =	sfence  }
0xbb: {  	s30 =	sld [smem:$0x0];
	_ =	sdelay $0x2  }
0xbc: {  	s31 =	sshll.u32 s1, $0xD;
	s1 =	sshrl.u32 s1, $0x2  }
0xbd: {  	s3 =	sand.u32 $0x4000, s31;
	s1 =	sadd.s32 s1, s30  }
0xbe: {  	s0 =	sor.u32 s3, s0;
	s1 =	sshll.u32 s1, $0x11  }
0xbf: {  	s0 =	sor.u32 s1, s0  }
0xc0: {  	s0 =	sadd.s32 $0x8F2B, s0  }
0xc1: {  	[sflag:s0] =	ssyncadd.remote.s32 $0x1  }
0xc2: {  	_ =	sfence.sel $0xFFFF  }
0xc3: {  	[dreg:$0x0] =	wrdreg $0xFFFFFFFF;
	(pc) =	sbr.abs _section_cstart, $3  }
0xc4: {  	[dreg:$0x1] =	wrdreg $0xFFFFFFFF  }
0xc5: {  	_ =	task.clear_ibuf [dreg:s9], $0x2FFFF;
	_ =	strace $0x9FFFFFFF  }
0xc6: {  	(tm) =	ssettm $0x7FFFFFFF  }
0xc7: {  	_ =	shalt  }
tec
execute0_lowered:
.L_overlay_start_1:
0x0: {  	(tag) =	ssettag $0x1  }
0x1: {  	s0 =	srdreg.scid;
	s1 =	stileid.u32  }
0x2: {  	s2 =	rddreg [dreg:$0x0];
	s6 =	sand.u32 $0x1, s0;
	s15 =	sshll.u32 s1, $0x1  }
0x3: {  	s4 =	rddreg [dreg:$0x1];
	s5 =	sor.u32 s6, s15  }
0x4: {  	s9 =	rddreg [dreg:$0x3];
	s8 =	smul.u32 $0x186A0, s5  }
0x5: {  	s0 =	rddreg [dreg:$0x2]  }
0x6: {  	s1 =	simm.s32 $0x0;
	s3 =	smul.u32 $0x498, s5;
	s8 =	sshrl.u32 s8, $0x3  }
0x7: {  	[smem:$0x7FF] =	sst s1;
	s10 =	smul.u32 $0x280, s5;
	s18 =	sadd.s32 $0x1F4, s8  }
0x8: {  	s16 =	ssub.s32 $0x2, s6;
	s7 =	smul.u32 $0x188, s5;
	s19 =	sadd.s32 s2, s18  }
0x9: {  	s6 =	sadd.s32 s10, s9;
	s11 =	sadd.s32 s4, s18;
	[dreg:$0x5] =	wrdreg s19  }
0xa: {  	s20 =	sadd.s32 $0x3E8, s8;
	s10 =	sadd.s32 s0, s18;
	[dreg:$0x6] =	wrdreg s11  }
0xb: {  	s3 =	sadd.s32 s3, s9;
	s21 =	sadd.s32 s2, s20;
	[dreg:$0x7] =	wrdreg s10  }
0xc: {  	s5 =	sadd.s32 s7, s9;
	s22 =	sadd.s32 s4, s20;
	[dreg:$0x8] =	wrdreg s21  }
0xd: {  	s23 =	sadd.s32 $0x5DC, s8;
	s9 =	sadd.s32 s0, s20;
	[dreg:$0x9] =	wrdreg s22  }
0xe: {  	s17 =	sshrl.u32 s16, $0x1;
	s24 =	sadd.s32 s2, s23;
	[dreg:$0xa] =	wrdreg s9  }
0xf: {  	s26 =	sadd.s32 $0x7D0, s8;
	s25 =	sadd.s32 s4, s23;
	[dreg:$0xb] =	wrdreg s24  }
0x10: {  	s12 =	sadd.s32 $0x9C4, s8;
	s13 =	sadd.s32 s4, s26;
	[dreg:$0xc] =	wrdreg s25  }
0x11: {  	s7 =	ssub.s32 s16, s17;
	s14 =	sadd.s32 s2, s12;
	[dreg:$0xf] =	wrdreg s13  }
0x12: {  	s16 =	sadd.s32 $0xBB8, s8;
	s15 =	sadd.s32 s4, s12;
	[dreg:$0x11] =	wrdreg s14  }
0x13: {  	s17 =	sadd.s32 s2, s16;
	[dreg:$0x12] =	wrdreg s15  }
0x14: {  	s18 =	sadd.s32 s4, s16;
	[dreg:$0x14] =	wrdreg s17  }
0x15: {  	s9 =	sadd.s32 s0, s23;
	[dreg:$0x15] =	wrdreg s18  }
0x16: {  	s11 =	sadd.s32 s2, s26;
	[dreg:$0xd] =	wrdreg s9  }
0x17: {  	s10 =	sadd.s32 s0, s26;
	[dreg:$0xe] =	wrdreg s11  }
0x18: {  	s19 =	sadd.s32 $0xDAC, s8;
	[dreg:$0x10] =	wrdreg s10;
	s9 =	sadd.s32 s0, s12  }
0x19: {  	s20 =	sadd.s32 s2, s19;
	[dreg:$0x13] =	wrdreg s9  }
0x1a: {  	s22 =	sadd.s32 s4, s19;
	[dreg:$0x17] =	wrdreg s20  }
0x1b: {  	s21 =	sadd.s32 $0xFA0, s8;
	s10 =	sadd.s32 s0, s19;
	[dreg:$0x18] =	wrdreg s22  }
0x1c: {  	s23 =	sadd.s32 s2, s21;
	[dreg:$0x19] =	wrdreg s10  }
0x1d: {  	s25 =	sadd.s32 $0x1194, s8;
	s24 =	sadd.s32 s4, s21;
	[dreg:$0x1a] =	wrdreg s23  }
0x1e: {  	s26 =	sadd.s32 s2, s25;
	[dreg:$0x1b] =	wrdreg s24  }
0x1f: {  	s14 =	sadd.s32 $0x157C, s8;
	s11 =	sadd.s32 s4, s25;
	[dreg:$0x1d] =	wrdreg s26  }
0x20: {  	s18 =	sadd.s32 $0x1770, s8;
	s17 =	sadd.s32 s4, s14;
	[dreg:$0x1e] =	wrdreg s11  }
0x21: {  	s19 =	sadd.s32 s2, s18;
	[smem:$0x7D2] =	sst s17  }
0x22: {  	s12 =	sadd.s32 $0x1388, s8;
	s9 =	sadd.s32 s0, s16;
	[smem:$0x7D4] =	sst s19  }
0x23: {  	s13 =	sadd.s32 s2, s12;
	[dreg:$0x16] =	wrdreg s9  }
0x24: {  	s15 =	sadd.s32 s4, s12;
	[smem:$0x7CE] =	sst s13  }
0x25: {  	s10 =	sadd.s32 s0, s12;
	[smem:$0x7CF] =	sst s15  }
0x26: {  	s16 =	sadd.s32 s2, s14;
	[smem:$0x7D0] =	sst s10  }
0x27: {  	s20 =	sadd.s32 s4, s18;
	[smem:$0x7D1] =	sst s16  }
0x28: {  	s23 =	sadd.s32 $0x1B58, s8;
	s9 =	sadd.s32 s0, s21;
	[smem:$0x7D5] =	sst s20  }
0x29: {  	s11 =	sadd.s32 $0x1D4C, s8;
	s26 =	sadd.s32 s4, s23;
	[dreg:$0x1c] =	wrdreg s9  }
0x2a: {  	s12 =	sadd.s32 s2, s11;
	[smem:$0x7DB] =	sst s26  }
0x2b: {  	s13 =	sadd.s32 s4, s11;
	[smem:$0x7DD] =	sst s12  }
0x2c: {  	s21 =	sadd.s32 $0x1964, s8;
	s9 =	sadd.s32 s0, s25;
	[smem:$0x7DE] =	sst s13  }
0x2d: {  	s22 =	sadd.s32 s2, s21;
	[dreg:$0x1f] =	wrdreg s9  }
0x2e: {  	s24 =	sadd.s32 s4, s21;
	[smem:$0x7D7] =	sst s22  }
0x2f: {  	s10 =	sadd.s32 s0, s21;
	[smem:$0x7D8] =	sst s24  }
0x30: {  	s16 =	sadd.s32 $0x2134, s8;
	s25 =	sadd.s32 s2, s23;
	[smem:$0x7D9] =	sst s10  }
0x31: {  	s20 =	sadd.s32 $0x2328, s8;
	s19 =	sadd.s32 s4, s16;
	[smem:$0x7DA] =	sst s25  }
0x32: {  	s21 =	sadd.s32 s2, s20;
	[smem:$0x7E4] =	sst s19  }
0x33: {  	s9 =	sadd.s32 s0, s14;
	[smem:$0x7E6] =	sst s21  }
0x34: {  	s22 =	sadd.s32 s4, s20;
	[smem:$0x7D3] =	sst s9  }
0x35: {  	s14 =	sadd.s32 $0x1F40, s8;
	s9 =	sadd.s32 s0, s18;
	[smem:$0x7E7] =	sst s22  }
0x36: {  	s15 =	sadd.s32 s2, s14;
	[smem:$0x7D6] =	sst s9  }
0x37: {  	s17 =	sadd.s32 s4, s14;
	[smem:$0x7E0] =	sst s15  }
0x38: {  	s10 =	sadd.s32 s0, s14;
	[smem:$0x7E1] =	sst s17  }
0x39: {  	s25 =	sadd.s32 $0x2710, s8;
	s18 =	sadd.s32 s2, s16;
	[smem:$0x7E2] =	sst s10  }
0x3a: {  	s12 =	sadd.s32 s2, s25;
	[smem:$0x7E3] =	sst s18  }
0x3b: {  	s19 =	sadd.s32 $0x2CEC, s8;
	s13 =	sadd.s32 s4, s25;
	[smem:$0x7EC] =	sst s12  }
0x3c: {  	s21 =	sadd.s32 s2, s19;
	[smem:$0x7ED] =	sst s13  }
0x3d: {  	s22 =	sadd.s32 s4, s19;
	[smem:$0x7F5] =	sst s21  }
0x3e: {  	s14 =	sadd.s32 $0x2904, s8;
	s9 =	sadd.s32 s0, s23;
	[smem:$0x7F6] =	sst s22  }
0x3f: {  	s15 =	sadd.s32 s2, s14;
	[smem:$0x7DC] =	sst s9  }
0x40: {  	s23 =	sadd.s32 $0x251C, s8;
	s9 =	sadd.s32 s0, s11;
	[smem:$0x7EF] =	sst s15  }
0x41: {  	s28 =	simm.s32 $0xB680;
	s24 =	sadd.s32 s2, s23;
	[smem:$0x7DF] =	sst s9  }
0x42: {  	s29 =	simm.s32 $0xDE80;
	s26 =	sadd.s32 s4, s23;
	[smem:$0x7E9] =	sst s24  }
0x43: {  	s17 =	sadd.s32 $0x2AF8, s8;
	s10 =	sadd.s32 s0, s23;
	[smem:$0x7EA] =	sst s26  }
0x44: {  	s30 =	simm.s32 $0x10680;
	s18 =	sadd.s32 s2, s17;
	[smem:$0x7EB] =	sst s10  }
0x45: {  	v0 =	vimm.s32 $0x1780;
	vm0 =	vcmask $0x300;
	s31 =	simm.s32 $0x12E80;
	s23 =	sadd.s32 s2, s8;
	[smem:$0x7F2] =	sst s18  }
0x46: {  	vm14 =	vcmask $0x704;
	v0 =	vsel vm0, $0x0, v0;
	s21 =	smax.u32 s7, $0x1;
	s9 =	sadd.s32 s0, s16;
	[smem:$0x7F8] =	sst s23  }
0x47: {  	vm15 =	vcmask $0xB08;
	v0 =	vsel vm14, $0x80, v0;
	s22 =	simm.s32 $0x2000;
	s16 =	sadd.s32 s4, s14;
	[smem:$0x7E5] =	sst s9  }
0x48: {  	vm4 =	vcmask $0xF0C;
	v0 =	vsel vm15, $0x100, v0;
	s10 =	sadd.s32 s0, s17;
	s24 =	sadd.s32 s4, s8;
	[smem:$0x7F0] =	sst s16  }
0x49: {  	vm5 =	vcmask $0x1310;
	v0 =	vsel vm4, $0x180, v0;
	s18 =	sadd.s32 $0x9E00, s3;
	s23 =	simm.s32 $0x4000;
	[smem:$0x7F4] =	sst s10  }
0x4a: {  	vm6 =	vcmask $0x1714;
	v0 =	vsel vm5, $0x200, v0;
	s9 =	sadd.s32 s0, s20;
	s20 =	sadd.s32 s4, s17;
	[smem:$0x7F9] =	sst s24  }
0x4b: {  	vm7 =	vcmask $0x1B18;
	v0 =	vsel vm6, $0x280, v0;
	s17 =	sadd.s32 $0xA00, s3;
	s24 =	simm.s32 $0x6000;
	[smem:$0x7E8] =	sst s9  }
0x4c: {  	vm8 =	vcmask $0x1F1C;
	v0 =	vsel vm7, $0x300, v0;
	s3 =	simm.s32 $0x5000;
	s9 =	sadd.s32 s0, s25;
	[smem:$0x7F3] =	sst s20  }
0x4d: {  	vm9 =	vcmask $0x2320;
	v0 =	vsel vm8, $0x380, v0;
	s25 =	sadd.s32 s0, s8;
	s8 =	sadd.s32 $0x2EE0, s8;
	[smem:$0x7EE] =	sst s9  }
0x4e: {  	vm10 =	vcmask $0x2724;
	v0 =	vsel vm9, $0x1400, v0;
	s20 =	sadd.s32 $0x16400, s6;
	s9 =	sadd.s32 s0, s14;
	[smem:$0x7FA] =	sst s25  }
0x4f: {  	vm11 =	vcmask $0x2B28;
	v0 =	vsel vm10, $0x1480, v0;
	s6 =	simm.s32 $0x0;
	s2 =	sadd.s32 s2, s8;
	[smem:$0x7F1] =	sst s9  }
0x50: {  	v1 =	vlaneseq.u32;
	vm12 =	vcmask $0x2F2C;
	v2 =	vsel vm11, $0x1500, v0;
	s26 =	sadd.s32 s4, s8;
	s25 =	simm.s32 $0x3;
	[smem:$0x7FB] =	sst s2  }
0x51: {  	vm13 =	vcmask $0x3330;
	v5 =	vimm.f32 $1.000000000e+00;
	v2 =	vsel vm12, $0x1580, v2;
	s4 =	simm.s32 $0x1;
	s9 =	sadd.s32 s0, s19;
	[smem:$0x7FC] =	sst s26  }
0x52: {  	vm14 =	vcmask $0x3734;
	v0 =	vmul.u32 $0x3, v1;
	v3 =	vsel vm13, $0x1600, v2;
	s0 =	sadd.s32 s0, s8;
	s19 =	sadd.s32 $0x13200, s5;
	[smem:$0x7F7] =	sst s9  }
0x53: {  	vm15 =	vcmask $0x3B38;
	v1 =	vimm.f32 $0.0e+00;
	v4 =	vsel vm14, $0x1680, v3;
	s26 =	simm.s32 $0x8500;
	s2 =	simm.s32 $0x3000;
	[smem:$0x7FD] =	sst s0  }
0x54: {  	v2 =	vadd.s32 $0x1, v0;
	v3 =	vadd.s32 $0x2, v0;
	v4 =	vsel vm15, $0x1700, v4;
	s5 =	simm.s32 $0x2;
	s0 =	simm.s32 $0x1000;
	_ =	strace $0x80000047  }
.LBB2_1:
0x55: {  	s7 =	sld [smem:$0x7F8];
	_ =	sdelay $0x1  }
0x56: {  	s14 =	sld [smem:$0x7F9];
	s15 =	simm.s32 $0x0  }
0x57: {  	[tilespmem:s1], [sflag:$0x1] =	stream.linear.gather [hbm4b:s7+s1], $0xFA0, $0x38;
	[tilespmem:$0x1E280] =	vst v63  }
0x58: {  	s8 =	sld [smem:$0x7FA];
	s7 =	smul.u32 $0x5000, s15  }
0x59: {  	[tilespmem:s22], [sflag:$0x1] =	stream.linear.gather [hbm4b:s14+s1], $0xFA0, $0x38;
	[tilespmem:$0x1E280] =	vst v63  }
0x5a: {  	s16 =	sand.u32 $0x380, s1;
	s7 =	sshra.s32 s7, $0x2  }
0x5b: {  	s7 =	sor.u32 s16, s7  }
0x5c: {  	[tilespmem:s23], [sflag:$0x1] =	stream.linear.gather [hbm4b:s8+s1], $0xFA0, $0x38;
	[tilespmem:$0x1E280] =	vst v63  }
0x5d: {  	[tilespmem:s7+$0xC680] =	vst v1  }
0x5e: {  	[tilespmem:s7+$0xB680] =	vst v1  }
0x5f: {  	[tilespmem:s7+$0xB690] =	vst v1  }
0x60: {  	[tilespmem:s7+$0xB6A0] =	vst v1  }
0x61: {  	[tilespmem:s7+$0xB6B0] =	vst v1  }
0x62: {  	[tilespmem:s7+$0xB6C0] =	vst v1  }
0x63: {  	[tilespmem:s7+$0xB6D0] =	vst v1  }
0x64: {  	[tilespmem:s7+$0xB6E0] =	vst v1  }
0x65: {  	[tilespmem:s7+$0xB6F0] =	vst v1  }
0x66: {  	[tilespmem:s7+$0xBA80] =	vst v1  }
0x67: {  	[tilespmem:s7+$0xBA90] =	vst v1  }
0x68: {  	[tilespmem:s7+$0xBAA0] =	vst v1  }
0x69: {  	[tilespmem:s7+$0xBAB0] =	vst v1  }
0x6a: {  	[tilespmem:s7+$0xBAC0] =	vst v1  }
0x6b: {  	[tilespmem:s7+$0xBAD0] =	vst v1  }
0x6c: {  	[tilespmem:s7+$0xBAE0] =	vst v1  }
0x6d: {  	[tilespmem:s7+$0xBAF0] =	vst v1  }
0x6e: {  	[tilespmem:s7+$0xBE80] =	vst v1  }
0x6f: {  	[tilespmem:s7+$0xBE90] =	vst v1  }
0x70: {  	[tilespmem:s7+$0xBEA0] =	vst v1  }
0x71: {  	[tilespmem:s7+$0xBEB0] =	vst v1  }
0x72: {  	[tilespmem:s7+$0xBEC0] =	vst v1  }
0x73: {  	[tilespmem:s7+$0xBED0] =	vst v1  }
0x74: {  	[tilespmem:s7+$0xBEE0] =	vst v1  }
0x75: {  	[tilespmem:s7+$0xBEF0] =	vst v1  }
0x76: {  	[tilespmem:s7+$0xC280] =	vst v1  }
0x77: {  	[tilespmem:s7+$0xC290] =	vst v1  }
0x78: {  	[tilespmem:s7+$0xC2A0] =	vst v1  }
0x79: {  	s10 =	simm.s32 $0x0;
	s9 =	simm.s32 $0x2;
	s8 =	simm.s32 $0x0;
	[tilespmem:s7+$0xC2B0] =	vst v1  }
.LBB2_2:
0x7a: {  	p0 =	sne.s32 s9, $0xF;
	s10 =	smul.u32 $0x5000, s10;
	[tilespmem:s7+$0xC2C0] =	vst v1  }
0x7b: {  	s8 =	sadd.s32 $0x80, s8;
	[tilespmem:s7+$0xC2D0] =	vst v1  }
0x7c: {  	s11 =	sand.u32 $0x380, s8;
	s10 =	sshra.s32 s10, $0x2;
	[tilespmem:s7+$0xC2E0] =	vst v1  }
0x7d: {  	[tilespmem:s7+$0xC2F0] =	vst v1;
	s7 =	sor.u32 s11, s10  }
0x7e: {  	[tilespmem:s7+$0xC680] =	vst v1  }
0x7f: {  	[tilespmem:s7+$0xB680] =	vst v1  }
0x80: {  	[tilespmem:s7+$0xB690] =	vst v1  }
0x81: {  	[tilespmem:s7+$0xB6A0] =	vst v1  }
0x82: {  	[tilespmem:s7+$0xB6B0] =	vst v1  }
0x83: {  	[tilespmem:s7+$0xB6C0] =	vst v1  }
0x84: {  	[tilespmem:s7+$0xB6D0] =	vst v1  }
0x85: {  	[tilespmem:s7+$0xB6E0] =	vst v1  }
0x86: {  	[tilespmem:s7+$0xB6F0] =	vst v1  }
0x87: {  	[tilespmem:s7+$0xBA80] =	vst v1  }
0x88: {  	[tilespmem:s7+$0xBA90] =	vst v1  }
0x89: {  	[tilespmem:s7+$0xBAA0] =	vst v1  }
0x8a: {  	[tilespmem:s7+$0xBAB0] =	vst v1  }
0x8b: {  	[tilespmem:s7+$0xBAC0] =	vst v1  }
0x8c: {  	[tilespmem:s7+$0xBAD0] =	vst v1  }
0x8d: {  	[tilespmem:s7+$0xBAE0] =	vst v1  }
0x8e: {  	[tilespmem:s7+$0xBAF0] =	vst v1  }
0x8f: {  	[tilespmem:s7+$0xBE80] =	vst v1  }
0x90: {  	[tilespmem:s7+$0xBE90] =	vst v1  }
0x91: {  	[tilespmem:s7+$0xBEA0] =	vst v1  }
0x92: {  	[tilespmem:s7+$0xBEB0] =	vst v1  }
0x93: {  	[tilespmem:s7+$0xBEC0] =	vst v1  }
0x94: {  	[tilespmem:s7+$0xBED0] =	vst v1  }
0x95: {  	[tilespmem:s7+$0xBEE0] =	vst v1  }
.Ltmp0:
0x96: {  	[tilespmem:s7+$0xBEF0] =	vst v1;
	(pc) =	sbr.rel @p0 .LBB2_2-.Ltmp0, $4  }
0x97: {  	[tilespmem:s7+$0xC280] =	vst v1  }
0x98: {  	[tilespmem:s7+$0xC290] =	vst v1  }
0x99: {  	[tilespmem:s7+$0xC2A0] =	vst v1  }
0x9a: {  	s10 =	sshrl.u32 s9, $0x3;
	s9 =	sadd.s32 $0x1, s9;
	[tilespmem:s7+$0xC2B0] =	vst v1  }
0x9b: {  	s9 =	smul.u32 $0x5000, s10;
	[tilespmem:s7+$0xC2C0] =	vst v1  }
0x9c: {  	[tilespmem:s7+$0xC2D0] =	vst v1;
	s8 =	sadd.s32 $0x80, s8  }
0x9d: {  	[tilespmem:s7+$0xC2E0] =	vst v1;
	s8 =	sand.u32 $0x380, s8;
	s9 =	sshra.s32 s9, $0x2  }
0x9e: {  	[tilespmem:s7+$0xC2F0] =	vst v1;
	s9 =	sor.u32 s8, s9  }
0x9f: {  	[tilespmem:s9+$0xC680] =	vst v1  }
0xa0: {  	[tilespmem:s9+$0xB680] =	vst v1  }
0xa1: {  	[tilespmem:s9+$0xB690] =	vst v1  }
0xa2: {  	[tilespmem:s9+$0xB6A0] =	vst v1  }
0xa3: {  	[tilespmem:s9+$0xB6B0] =	vst v1  }
0xa4: {  	[tilespmem:s9+$0xB6C0] =	vst v1  }
0xa5: {  	[tilespmem:s9+$0xB6D0] =	vst v1  }
0xa6: {  	[tilespmem:s9+$0xB6E0] =	vst v1  }
0xa7: {  	[tilespmem:s9+$0xB6F0] =	vst v1  }
0xa8: {  	[tilespmem:s9+$0xBA80] =	vst v1  }
0xa9: {  	[tilespmem:s9+$0xBA90] =	vst v1  }
0xaa: {  	[tilespmem:s9+$0xBAA0] =	vst v1  }
0xab: {  	[tilespmem:s9+$0xBAB0] =	vst v1  }
0xac: {  	[tilespmem:s9+$0xBAC0] =	vst v1  }
0xad: {  	[tilespmem:s9+$0xBAD0] =	vst v1  }
0xae: {  	[tilespmem:s9+$0xBAE0] =	vst v1  }
0xaf: {  	[tilespmem:s9+$0xBAF0] =	vst v1  }
0xb0: {  	[tilespmem:s9+$0xBE80] =	vst v1  }
0xb1: {  	[tilespmem:s9+$0xBE90] =	vst v1  }
0xb2: {  	[tilespmem:s9+$0xBEA0] =	vst v1  }
0xb3: {  	[tilespmem:s9+$0xBEB0] =	vst v1  }
0xb4: {  	[tilespmem:s9+$0xBEC0] =	vst v1  }
0xb5: {  	[tilespmem:s9+$0xBED0] =	vst v1  }
0xb6: {  	[tilespmem:s9+$0xBEE0] =	vst v1  }
0xb7: {  	[tilespmem:s9+$0xBEF0] =	vst v1  }
0xb8: {  	[tilespmem:s9+$0xC280] =	vst v1  }
0xb9: {  	[tilespmem:s9+$0xC290] =	vst v1  }
0xba: {  	p0 =	por $0x1, $0x1;
	[tilespmem:s9+$0xC2A0] =	vst v1  }
.Ltmp1:
0xbb: {  	[tilespmem:s9+$0xC2B0] =	vst v1;
	(pc) =	sbr.rel @!p0 .LBB2_7-.Ltmp1, $4  }
0xbc: {  	[tilespmem:s9+$0xC2C0] =	vst v1  }
0xbd: {  	s7 =	simm.s32 $0x0;
	[tilespmem:s9+$0xC2D0] =	vst v1  }
0xbe: {  	s10 =	simm.s32 $0x0;
	p1 =	por $0x0, $0x0;
	s14 =	simm.s32 $0x0;
	[tilespmem:s9+$0xC2E0] =	vst v1  }
0xbf: {  	s12 =	simm.s32 $0x0;
	s8 =	simm.s32 $0x1;
	[tilespmem:s9+$0xC2F0] =	vst v1;
	s9 =	sand.u32 $0x380, s7  }
0xc0: {  	s11 =	smul.u32 $0x5000, s10;
	_ =	sdelay $0x1  }
0xc1: {  	s11 =	sshra.s32 s11, $0x2  }
0xc2: {  	s11 =	sor.u32 s9, s11  }
0xc3: {  	[tilespmem:s11+$0xEE80] =	vst v1  }
0xc4: {  	[tilespmem:s11+$0xDE80] =	vst v1  }
0xc5: {  	[tilespmem:s11+$0xDE90] =	vst v1  }
0xc6: {  	[tilespmem:s11+$0xDEA0] =	vst v1  }
0xc7: {  	[tilespmem:s11+$0xDEB0] =	vst v1  }
0xc8: {  	[tilespmem:s11+$0xDEC0] =	vst v1  }
0xc9: {  	[tilespmem:s11+$0xDED0] =	vst v1  }
0xca: {  	[tilespmem:s11+$0xDEE0] =	vst v1  }
0xcb: {  	[tilespmem:s11+$0xDEF0] =	vst v1  }
0xcc: {  	[tilespmem:s11+$0xE280] =	vst v1  }
0xcd: {  	[tilespmem:s11+$0xE290] =	vst v1  }
0xce: {  	[tilespmem:s11+$0xE2A0] =	vst v1  }
0xcf: {  	[tilespmem:s11+$0xE2B0] =	vst v1  }
0xd0: {  	[tilespmem:s11+$0xE2C0] =	vst v1  }
0xd1: {  	[tilespmem:s11+$0xE2D0] =	vst v1  }
0xd2: {  	[tilespmem:s11+$0xE2E0] =	vst v1  }
0xd3: {  	[tilespmem:s11+$0xE2F0] =	vst v1  }
0xd4: {  	[tilespmem:s11+$0xE680] =	vst v1  }
0xd5: {  	[tilespmem:s11+$0xE690] =	vst v1  }
0xd6: {  	[tilespmem:s11+$0xE6A0] =	vst v1  }
0xd7: {  	[tilespmem:s11+$0xE6B0] =	vst v1  }
0xd8: {  	[tilespmem:s11+$0xE6C0] =	vst v1  }
0xd9: {  	[tilespmem:s11+$0xE6D0] =	vst v1  }
0xda: {  	p2 =	por $0x1, $0x1;
	[tilespmem:s11+$0xE6E0] =	vst v1  }
.Ltmp2:
0xdb: {  	[tilespmem:s11+$0xE6F0] =	vst v1;
	(pc) =	sbr.rel @!p2 .LBB2_5-.Ltmp2, $4  }
0xdc: {  	[tilespmem:s11+$0xEA80] =	vst v1  }
0xdd: {  	[tilespmem:s11+$0xEA90] =	vst v1  }
0xde: {  	s14 =	simm.s32 $0x0;
	[tilespmem:s11+$0xEAA0] =	vst v1  }
0xdf: {  	s13 =	simm.s32 $0x2;
	p1 =	por $0x1, $0x1;
	s12 =	simm.s32 $0x0;
	[tilespmem:s11+$0xEAB0] =	vst v1  }
.LBB2_6:
0xe0: {  	p2 =	sne.s32 s13, $0xF;
	s14 =	smul.u32 $0x5000, s14;
	[tilespmem:s11+$0xEAC0] =	vst v1  }
0xe1: {  	s12 =	sadd.s32 $0x80, s12;
	[tilespmem:s11+$0xEAD0] =	vst v1  }
0xe2: {  	s15 =	sand.u32 $0x380, s12;
	s14 =	sshra.s32 s14, $0x2;
	[tilespmem:s11+$0xEAE0] =	vst v1  }
0xe3: {  	[tilespmem:s11+$0xEAF0] =	vst v1;
	s11 =	sor.u32 s15, s14  }
0xe4: {  	[tilespmem:s11+$0xEE80] =	vst v1  }
0xe5: {  	[tilespmem:s11+$0xDE80] =	vst v1  }
0xe6: {  	[tilespmem:s11+$0xDE90] =	vst v1  }
0xe7: {  	[tilespmem:s11+$0xDEA0] =	vst v1  }
0xe8: {  	[tilespmem:s11+$0xDEB0] =	vst v1  }
0xe9: {  	[tilespmem:s11+$0xDEC0] =	vst v1  }
0xea: {  	[tilespmem:s11+$0xDED0] =	vst v1  }
0xeb: {  	[tilespmem:s11+$0xDEE0] =	vst v1  }
0xec: {  	[tilespmem:s11+$0xDEF0] =	vst v1  }
0xed: {  	[tilespmem:s11+$0xE280] =	vst v1  }
0xee: {  	[tilespmem:s11+$0xE290] =	vst v1  }
0xef: {  	[tilespmem:s11+$0xE2A0] =	vst v1  }
0xf0: {  	[tilespmem:s11+$0xE2B0] =	vst v1  }
0xf1: {  	[tilespmem:s11+$0xE2C0] =	vst v1  }
0xf2: {  	[tilespmem:s11+$0xE2D0] =	vst v1  }
0xf3: {  	[tilespmem:s11+$0xE2E0] =	vst v1  }
0xf4: {  	[tilespmem:s11+$0xE2F0] =	vst v1  }
0xf5: {  	[tilespmem:s11+$0xE680] =	vst v1  }
0xf6: {  	[tilespmem:s11+$0xE690] =	vst v1  }
0xf7: {  	[tilespmem:s11+$0xE6A0] =	vst v1  }
0xf8: {  	[tilespmem:s11+$0xE6B0] =	vst v1  }
0xf9: {  	[tilespmem:s11+$0xE6C0] =	vst v1  }
0xfa: {  	[tilespmem:s11+$0xE6D0] =	vst v1  }
0xfb: {  	[tilespmem:s11+$0xE6E0] =	vst v1  }
.Ltmp3:
0xfc: {  	[tilespmem:s11+$0xE6F0] =	vst v1;
	(pc) =	sbr.rel @p2 .LBB2_6-.Ltmp3, $4  }
0xfd: {  	[tilespmem:s11+$0xEA80] =	vst v1  }
0xfe: {  	[tilespmem:s11+$0xEA90] =	vst v1  }
0xff: {  	[tilespmem:s11+$0xEAA0] =	vst v1  }
0x100: {  	s14 =	sshrl.u32 s13, $0x3;
	s13 =	sadd.s32 $0x1, s13;
	[tilespmem:s11+$0xEAB0] =	vst v1  }
.LBB2_7:
0x101: {  	s13 =	smul.u32 $0x5000, s14;
	[tilespmem:s11+$0xEAC0] =	vst @p1 v1;
	s12 =	sadd.s32 @p1 $0x80, s12;
	s14 =	simm.s32 $0x0  }
0x102: {  	[tilespmem:s11+$0xEAD0] =	vst @p1 v1;
	s14 =	smov.u32 @p1 s12  }
0x103: {  	[tilespmem:s11+$0xEAE0] =	vst @p1 v1;
	s12 =	sand.u32 $0x380, s14;
	s13 =	sshra.s32 s13, $0x2  }
0x104: {  	[tilespmem:s11+$0xEAF0] =	vst @p1 v1;
	s12 =	sor.u32 s12, s13  }
0x105: {  	[tilespmem:s12+$0xEE80] =	vst v1  }
0x106: {  	[tilespmem:s12+$0xDE80] =	vst v1  }
0x107: {  	[tilespmem:s12+$0xDE90] =	vst v1  }
0x108: {  	[tilespmem:s12+$0xDEA0] =	vst v1  }
0x109: {  	[tilespmem:s12+$0xDEB0] =	vst v1  }
0x10a: {  	[tilespmem:s12+$0xDEC0] =	vst v1  }
0x10b: {  	[tilespmem:s12+$0xDED0] =	vst v1  }
0x10c: {  	[tilespmem:s12+$0xDEE0] =	vst v1  }
0x10d: {  	[tilespmem:s12+$0xDEF0] =	vst v1  }
0x10e: {  	[tilespmem:s12+$0xE280] =	vst v1  }
0x10f: {  	[tilespmem:s12+$0xE290] =	vst v1  }
0x110: {  	[tilespmem:s12+$0xE2A0] =	vst v1  }
0x111: {  	[tilespmem:s12+$0xE2B0] =	vst v1  }
0x112: {  	[tilespmem:s12+$0xE2C0] =	vst v1  }
0x113: {  	[tilespmem:s12+$0xE2D0] =	vst v1  }
0x114: {  	[tilespmem:s12+$0xE2E0] =	vst v1  }
0x115: {  	[tilespmem:s12+$0xE2F0] =	vst v1  }
0x116: {  	[tilespmem:s12+$0xE680] =	vst v1  }
0x117: {  	[tilespmem:s12+$0xE690] =	vst v1  }
0x118: {  	[tilespmem:s12+$0xE6A0] =	vst v1  }
0x119: {  	[tilespmem:s12+$0xE6B0] =	vst v1  }
0x11a: {  	[tilespmem:s12+$0xE6C0] =	vst v1  }
0x11b: {  	[tilespmem:s12+$0xE6D0] =	vst v1  }
0x11c: {  	[tilespmem:s12+$0xE6E0] =	vst v1  }
0x11d: {  	[tilespmem:s12+$0xE6F0] =	vst v1  }
0x11e: {  	[tilespmem:s12+$0xEA80] =	vst v1  }
0x11f: {  	[tilespmem:s12+$0xEA90] =	vst v1  }
0x120: {  	[tilespmem:s12+$0xEAA0] =	vst v1  }
0x121: {  	[tilespmem:s12+$0xEAB0] =	vst v1  }
0x122: {  	s10 =	smul.u32 $0x5000, s10;
	[tilespmem:s12+$0xEAC0] =	vst v1  }
0x123: {  	[tilespmem:s12+$0xEAD0] =	vst v1  }
0x124: {  	s10 =	sshra.s32 s10, $0x2;
	[tilespmem:s12+$0xEAE0] =	vst v1  }
0x125: {  	s9 =	sor.u32 s9, s10;
	[tilespmem:s12+$0xEAF0] =	vst v1  }
0x126: {  	s10 =	sadd.s32 $0x10680, s9;
	[tilespmem:s9+$0x10680] =	vst v1  }
0x127: {  	[tilespmem:s10+$0x70] =	vst v1  }
0x128: {  	[tilespmem:s10+$0x60] =	vst v1  }
0x129: {  	[tilespmem:s10+$0x50] =	vst v1  }
0x12a: {  	[tilespmem:s10+$0x40] =	vst v1  }
0x12b: {  	[tilespmem:s10+$0x30] =	vst v1  }
0x12c: {  	[tilespmem:s10+$0x20] =	vst v1  }
0x12d: {  	s15 =	sadd.s32 $0x10A80, s9;
	[tilespmem:s10+$0x10] =	vst v1  }
0x12e: {  	[tilespmem:s15+$0x70] =	vst v1  }
0x12f: {  	[tilespmem:s15+$0x60] =	vst v1  }
0x130: {  	[tilespmem:s9+$0x10A80] =	vst v1  }
0x131: {  	[tilespmem:s15+$0x50] =	vst v1  }
0x132: {  	[tilespmem:s15+$0x40] =	vst v1  }
0x133: {  	[tilespmem:s15+$0x30] =	vst v1  }
0x134: {  	[tilespmem:s15+$0x20] =	vst v1  }
0x135: {  	s16 =	sadd.s32 $0x10E80, s9;
	[tilespmem:s15+$0x10] =	vst v1  }
0x136: {  	[tilespmem:s16+$0x60] =	vst v1  }
0x137: {  	[tilespmem:s16+$0x40] =	vst v1  }
0x138: {  	[tilespmem:s16+$0x70] =	vst v1  }
0x139: {  	[tilespmem:s16+$0x50] =	vst v1  }
0x13a: {  	[tilespmem:s9+$0x10E80] =	vst v1  }
0x13b: {  	[tilespmem:s16+$0x20] =	vst v1  }
0x13c: {  	[tilespmem:s16+$0x10] =	vst v1  }
.Ltmp4:
0x13d: {  	s12 =	sadd.s32 $0x11280, s9;
	[tilespmem:s16+$0x30] =	vst v1;
	(pc) =	sbr.rel @!p0 .LBB2_9-.Ltmp4, $4  }
0x13e: {  	[tilespmem:s12+$0x70] =	vst v1  }
0x13f: {  	[tilespmem:s12+$0x50] =	vst v1  }
0x140: {  	[tilespmem:s9+$0x11280] =	vst v1  }
0x141: {  	s10 =	simm.s32 $0x0;
	[tilespmem:s12+$0x20] =	vst v1  }
.LBB2_8:
0x142: {  	s11 =	smov.u32 s8  }
0x143: {  	s13 =	sshrl.u32 s8, $0x3;
	[tilespmem:s12+$0x30] =	vst v1;
	s10 =	sadd.s32 $0x80, s10;
	s11 =	sadd.s32 $0x1, s8  }
0x144: {  	p0 =	sne.s32 s8, $0xF;
	s13 =	smul.u32 $0x5000, s13;
	[tilespmem:s12+$0x60] =	vst v1  }
0x145: {  	[tilespmem:s12+$0x10] =	vst v1  }
0x146: {  	s8 =	sand.u32 $0x380, s10;
	s13 =	sshra.s32 s13, $0x2;
	[tilespmem:s12+$0x40] =	vst v1  }
0x147: {  	[tilespmem:s9+$0x11680] =	vst v1;
	s9 =	sor.u32 s8, s13  }
0x148: {  	s8 =	sadd.s32 $0x10680, s9;
	[tilespmem:s9+$0x10680] =	vst v1  }
0x149: {  	[tilespmem:s8+$0x70] =	vst v1  }
0x14a: {  	[tilespmem:s8+$0x60] =	vst v1  }
0x14b: {  	[tilespmem:s8+$0x30] =	vst v1  }
0x14c: {  	[tilespmem:s8+$0x50] =	vst v1  }
0x14d: {  	[tilespmem:s8+$0x20] =	vst v1  }
0x14e: {  	[tilespmem:s8+$0x40] =	vst v1  }
0x14f: {  	[tilespmem:s8+$0x10] =	vst v1;
	s8 =	sadd.s32 $0x10A80, s9  }
0x150: {  	[tilespmem:s8+$0x70] =	vst v1  }
0x151: {  	[tilespmem:s8+$0x60] =	vst v1  }
0x152: {  	[tilespmem:s9+$0x10A80] =	vst v1  }
0x153: {  	[tilespmem:s8+$0x30] =	vst v1  }
0x154: {  	[tilespmem:s8+$0x50] =	vst v1  }
0x155: {  	[tilespmem:s8+$0x20] =	vst v1  }
0x156: {  	[tilespmem:s8+$0x10] =	vst v1  }
0x157: {  	[tilespmem:s8+$0x40] =	vst v1;
	s8 =	sadd.s32 $0x10E80, s9  }
0x158: {  	[tilespmem:s8+$0x60] =	vst v1  }
0x159: {  	[tilespmem:s8+$0x40] =	vst v1  }
0x15a: {  	[tilespmem:s8+$0x70] =	vst v1  }
0x15b: {  	[tilespmem:s8+$0x50] =	vst v1  }
0x15c: {  	[tilespmem:s9+$0x10E80] =	vst v1  }
0x15d: {  	[tilespmem:s8+$0x20] =	vst v1  }
0x15e: {  	[tilespmem:s8+$0x10] =	vst v1  }
.Ltmp5:
0x15f: {  	s12 =	sadd.s32 $0x11280, s9;
	[tilespmem:s8+$0x30] =	vst v1;
	(pc) =	sbr.rel @p0 .LBB2_8-.Ltmp5, $4  }
0x160: {  	[tilespmem:s12+$0x70] =	vst v1  }
0x161: {  	[tilespmem:s12+$0x50] =	vst v1  }
0x162: {  	[tilespmem:s9+$0x11280] =	vst v1  }
0x163: {  	s8 =	smov.u32 s11;
	[tilespmem:s12+$0x20] =	vst v1  }
.LBB2_9:
0x164: {  	[tilespmem:s12+$0x30] =	vst v1;
	s8 =	sshrl.u32 s7, $0x3  }
0x165: {  	[tilespmem:s12+$0x60] =	vst v1;
	s8 =	smul.u32 $0x5000, s8  }
0x166: {  	[tilespmem:s12+$0x10] =	vst v1  }
0x167: {  	[tilespmem:s12+$0x40] =	vst v1;
	s10 =	sand.u32 $0x380, s7;
	s8 =	sshra.s32 s8, $0x2  }
0x168: {  	[tilespmem:s9+$0x11680] =	vst v1;
	s9 =	sor.u32 s10, s8  }
0x169: {  	s8 =	sadd.s32 $0x12E80, s9;
	[tilespmem:s9+$0x12E80] =	vst v1  }
0x16a: {  	[tilespmem:s8+$0x70] =	vst v1  }
0x16b: {  	[tilespmem:s8+$0x60] =	vst v1  }
0x16c: {  	[tilespmem:s8+$0x30] =	vst v1  }
0x16d: {  	[tilespmem:s8+$0x50] =	vst v1  }
0x16e: {  	[tilespmem:s8+$0x20] =	vst v1  }
0x16f: {  	[tilespmem:s8+$0x40] =	vst v1  }
0x170: {  	s15 =	sadd.s32 $0x13280, s9;
	[tilespmem:s8+$0x10] =	vst v1  }
0x171: {  	[tilespmem:s15+$0x70] =	vst v1  }
0x172: {  	[tilespmem:s15+$0x60] =	vst v1  }
0x173: {  	[tilespmem:s9+$0x13280] =	vst v1  }
0x174: {  	[tilespmem:s15+$0x50] =	vst v1  }
0x175: {  	[tilespmem:s15+$0x40] =	vst v1  }
0x176: {  	[tilespmem:s15+$0x30] =	vst v1  }
0x177: {  	[tilespmem:s15+$0x20] =	vst v1  }
0x178: {  	s16 =	sadd.s32 $0x13680, s9;
	[tilespmem:s15+$0x10] =	vst v1  }
0x179: {  	[tilespmem:s16+$0x70] =	vst v1  }
0x17a: {  	[tilespmem:s16+$0x60] =	vst v1  }
0x17b: {  	[tilespmem:s16+$0x50] =	vst v1  }
0x17c: {  	[tilespmem:s9+$0x13680] =	vst v1  }
0x17d: {  	[tilespmem:s16+$0x40] =	vst v1  }
0x17e: {  	[tilespmem:s16+$0x20] =	vst v1  }
0x17f: {  	p0 =	sne.s32 s7, $0xF;
	[tilespmem:s16+$0x30] =	vst v1  }
.Ltmp6:
0x180: {  	[tilespmem:s16+$0x10] =	vst v1;
	(pc) =	sbr.rel @!p0 .LBB2_11-.Ltmp6, $4  }
0x181: {  	s12 =	sadd.s32 $0x13A80, s9;
	[tilespmem:s9+$0x13A80] =	vst v1  }
0x182: {  	[tilespmem:s12+$0x70] =	vst v1  }
0x183: {  	[tilespmem:s12+$0x60] =	vst v1  }
0x184: {  	s13 =	sadd.s32 $0x1, s7;
	s10 =	smov.u32 s7;
	s8 =	smov.u32 s9;
	[tilespmem:s12+$0x20] =	vst v1  }
.LBB2_10:
0x185: {  	s11 =	smov.u32 s13  }
0x186: {  	s14 =	sshrl.u32 s13, $0x3;
	[tilespmem:s12+$0x40] =	vst v1;
	s10 =	sadd.s32 $0x80, s10;
	s11 =	sadd.s32 $0x1, s13  }
0x187: {  	p1 =	sne.s32 s13, $0xF;
	s14 =	smul.u32 $0x5000, s14;
	[tilespmem:s12+$0x50] =	vst v1  }
0x188: {  	[tilespmem:s12+$0x30] =	vst v1  }
0x189: {  	s13 =	sand.u32 $0x380, s10;
	s14 =	sshra.s32 s14, $0x2;
	[tilespmem:s12+$0x10] =	vst v1  }
0x18a: {  	[tilespmem:s8+$0x13E80] =	vst v1;
	s8 =	sor.u32 s13, s14  }
0x18b: {  	s12 =	sadd.s32 $0x12E80, s8;
	[tilespmem:s8+$0x12E80] =	vst v1  }
0x18c: {  	[tilespmem:s12+$0x70] =	vst v1  }
0x18d: {  	[tilespmem:s12+$0x60] =	vst v1  }
0x18e: {  	[tilespmem:s12+$0x30] =	vst v1  }
0x18f: {  	[tilespmem:s12+$0x50] =	vst v1  }
0x190: {  	[tilespmem:s12+$0x20] =	vst v1  }
0x191: {  	[tilespmem:s12+$0x40] =	vst v1  }
0x192: {  	[tilespmem:s12+$0x10] =	vst v1;
	s12 =	sadd.s32 $0x13280, s8  }
0x193: {  	[tilespmem:s12+$0x70] =	vst v1  }
0x194: {  	[tilespmem:s12+$0x60] =	vst v1  }
0x195: {  	[tilespmem:s8+$0x13280] =	vst v1  }
0x196: {  	[tilespmem:s12+$0x30] =	vst v1  }
0x197: {  	[tilespmem:s12+$0x50] =	vst v1  }
0x198: {  	[tilespmem:s12+$0x20] =	vst v1  }
0x199: {  	[tilespmem:s12+$0x10] =	vst v1  }
0x19a: {  	[tilespmem:s12+$0x40] =	vst v1;
	s12 =	sadd.s32 $0x13680, s8  }
0x19b: {  	[tilespmem:s12+$0x70] =	vst v1  }
0x19c: {  	[tilespmem:s12+$0x60] =	vst v1  }
0x19d: {  	[tilespmem:s12+$0x50] =	vst v1  }
0x19e: {  	[tilespmem:s8+$0x13680] =	vst v1  }
0x19f: {  	[tilespmem:s12+$0x20] =	vst v1  }
0x1a0: {  	[tilespmem:s12+$0x30] =	vst v1  }
0x1a1: {  	[tilespmem:s12+$0x10] =	vst v1  }
.Ltmp7:
0x1a2: {  	[tilespmem:s12+$0x40] =	vst v1;
	(pc) =	sbr.rel @p1 .LBB2_10-.Ltmp7, $4  }
0x1a3: {  	s12 =	sadd.s32 $0x13A80, s8;
	[tilespmem:s8+$0x13A80] =	vst v1  }
0x1a4: {  	[tilespmem:s12+$0x70] =	vst v1  }
0x1a5: {  	[tilespmem:s12+$0x60] =	vst v1  }
0x1a6: {  	s13 =	smov.u32 s11;
	[tilespmem:s12+$0x20] =	vst v1  }
.LBB2_11:
0x1a7: {  	[tilespmem:s12+$0x40] =	vst v1  }
0x1a8: {  	[tilespmem:s12+$0x50] =	vst v1  }
0x1a9: {  	[tilespmem:s12+$0x30] =	vst v1  }
0x1aa: {  	[tilespmem:s12+$0x10] =	vst v1  }
0x1ab: {  	[tilespmem:s8+$0x13E80] =	vst v1  }
0x1ac: {  	s14 =	sadd.s32 $0x15680, s9;
	[tilespmem:s9+$0x15680] =	vst v1  }
0x1ad: {  	[tilespmem:s14+$0x70] =	vst v1  }
0x1ae: {  	[tilespmem:s14+$0x60] =	vst v1  }
0x1af: {  	[tilespmem:s14+$0x50] =	vst v1  }
0x1b0: {  	[tilespmem:s14+$0x40] =	vst v1  }
0x1b1: {  	[tilespmem:s14+$0x30] =	vst v1  }
0x1b2: {  	[tilespmem:s14+$0x20] =	vst v1  }
0x1b3: {  	s15 =	sadd.s32 $0x15A80, s9;
	[tilespmem:s14+$0x10] =	vst v1  }
0x1b4: {  	[tilespmem:s15+$0x70] =	vst v1  }
0x1b5: {  	[tilespmem:s15+$0x60] =	vst v1  }
0x1b6: {  	[tilespmem:s9+$0x15A80] =	vst v1  }
0x1b7: {  	[tilespmem:s15+$0x50] =	vst v1  }
0x1b8: {  	[tilespmem:s15+$0x40] =	vst v1  }
0x1b9: {  	[tilespmem:s15+$0x30] =	vst v1  }
0x1ba: {  	[tilespmem:s15+$0x20] =	vst v1  }
0x1bb: {  	s16 =	sadd.s32 $0x15E80, s9;
	[tilespmem:s15+$0x10] =	vst v1  }
0x1bc: {  	[tilespmem:s16+$0x60] =	vst v1  }
0x1bd: {  	[tilespmem:s16+$0x40] =	vst v1  }
0x1be: {  	[tilespmem:s16+$0x70] =	vst v1  }
0x1bf: {  	[tilespmem:s16+$0x50] =	vst v1  }
0x1c0: {  	[tilespmem:s9+$0x15E80] =	vst v1  }
0x1c1: {  	[tilespmem:s16+$0x20] =	vst v1  }
0x1c2: {  	[tilespmem:s16+$0x10] =	vst v1  }
.Ltmp8:
0x1c3: {  	s11 =	sadd.s32 $0x16280, s9;
	[tilespmem:s16+$0x30] =	vst v1;
	(pc) =	sbr.rel @!p0 .LBB2_13-.Ltmp8, $4  }
0x1c4: {  	[tilespmem:s11+$0x70] =	vst v1  }
0x1c5: {  	[tilespmem:s11+$0x50] =	vst v1  }
0x1c6: {  	[tilespmem:s9+$0x16280] =	vst v1  }
0x1c7: {  	s12 =	sadd.s32 $0x1, s7;
	s8 =	simm.s32 $0x0;
	[tilespmem:s11+$0x20] =	vst v1  }
.LBB2_12:
0x1c8: {  	s10 =	smov.u32 s12  }
0x1c9: {  	s13 =	sshrl.u32 s12, $0x3;
	[tilespmem:s11+$0x30] =	vst v1;
	s7 =	sadd.s32 $0x80, s7;
	s10 =	sadd.s32 $0x1, s12  }
0x1ca: {  	p0 =	sne.s32 s12, $0xF;
	s13 =	smul.u32 $0x5000, s13;
	[tilespmem:s11+$0x60] =	vst v1  }
0x1cb: {  	[tilespmem:s11+$0x10] =	vst v1  }
0x1cc: {  	s12 =	sand.u32 $0x380, s7;
	s13 =	sshra.s32 s13, $0x2;
	[tilespmem:s11+$0x40] =	vst v1  }
0x1cd: {  	[tilespmem:s9+$0x16680] =	vst v1;
	s9 =	sor.u32 s12, s13  }
0x1ce: {  	s11 =	sadd.s32 $0x15680, s9;
	[tilespmem:s9+$0x15680] =	vst v1  }
0x1cf: {  	[tilespmem:s11+$0x70] =	vst v1  }
0x1d0: {  	[tilespmem:s11+$0x60] =	vst v1  }
0x1d1: {  	[tilespmem:s11+$0x30] =	vst v1  }
0x1d2: {  	[tilespmem:s11+$0x50] =	vst v1  }
0x1d3: {  	[tilespmem:s11+$0x20] =	vst v1  }
0x1d4: {  	[tilespmem:s11+$0x40] =	vst v1  }
0x1d5: {  	[tilespmem:s11+$0x10] =	vst v1;
	s11 =	sadd.s32 $0x15A80, s9  }
0x1d6: {  	[tilespmem:s11+$0x70] =	vst v1  }
0x1d7: {  	[tilespmem:s11+$0x60] =	vst v1  }
0x1d8: {  	[tilespmem:s9+$0x15A80] =	vst v1  }
0x1d9: {  	[tilespmem:s11+$0x30] =	vst v1  }
0x1da: {  	[tilespmem:s11+$0x50] =	vst v1  }
0x1db: {  	[tilespmem:s11+$0x20] =	vst v1  }
0x1dc: {  	[tilespmem:s11+$0x10] =	vst v1  }
0x1dd: {  	[tilespmem:s11+$0x40] =	vst v1;
	s11 =	sadd.s32 $0x15E80, s9  }
0x1de: {  	[tilespmem:s11+$0x60] =	vst v1  }
0x1df: {  	[tilespmem:s11+$0x40] =	vst v1  }
0x1e0: {  	[tilespmem:s11+$0x70] =	vst v1  }
0x1e1: {  	[tilespmem:s11+$0x50] =	vst v1  }
0x1e2: {  	[tilespmem:s9+$0x15E80] =	vst v1  }
0x1e3: {  	[tilespmem:s11+$0x20] =	vst v1  }
0x1e4: {  	[tilespmem:s11+$0x10] =	vst v1  }
.Ltmp9:
0x1e5: {  	[tilespmem:s11+$0x30] =	vst v1;
	s11 =	sadd.s32 $0x16280, s9;
	(pc) =	sbr.rel @p0 .LBB2_12-.Ltmp9, $4  }
0x1e6: {  	[tilespmem:s11+$0x70] =	vst v1  }
0x1e7: {  	[tilespmem:s11+$0x50] =	vst v1  }
0x1e8: {  	[tilespmem:s9+$0x16280] =	vst v1  }
0x1e9: {  	s12 =	smov.u32 s10;
	[tilespmem:s11+$0x20] =	vst v1  }
.LBB2_13:
0x1ea: {  	[tilespmem:s11+$0x30] =	vst v1;
	s7 =	sshrl.u32 s8, $0x3  }
0x1eb: {  	[tilespmem:s11+$0x60] =	vst v1;
	s7 =	smul.u32 $0x5000, s7  }
0x1ec: {  	[tilespmem:s11+$0x10] =	vst v1  }
0x1ed: {  	[tilespmem:s11+$0x40] =	vst v1;
	s10 =	sand.u32 $0x380, s8;
	s7 =	sshra.s32 s7, $0x2  }
0x1ee: {  	[tilespmem:s9+$0x16680] =	vst v1;
	s7 =	sor.u32 s10, s7  }
0x1ef: {  	s14 =	sadd.s32 $0x17E80, s7;
	[tilespmem:s7+$0x17E80] =	vst v1  }
0x1f0: {  	[tilespmem:s14+$0x70] =	vst v1  }
0x1f1: {  	[tilespmem:s14+$0x60] =	vst v1  }
0x1f2: {  	[tilespmem:s14+$0x30] =	vst v1  }
0x1f3: {  	[tilespmem:s14+$0x50] =	vst v1  }
0x1f4: {  	[tilespmem:s14+$0x20] =	vst v1  }
0x1f5: {  	[tilespmem:s14+$0x40] =	vst v1  }
0x1f6: {  	s15 =	sadd.s32 $0x18280, s7;
	[tilespmem:s14+$0x10] =	vst v1  }
0x1f7: {  	[tilespmem:s15+$0x70] =	vst v1  }
0x1f8: {  	[tilespmem:s15+$0x60] =	vst v1  }
0x1f9: {  	[tilespmem:s7+$0x18280] =	vst v1  }
0x1fa: {  	[tilespmem:s15+$0x50] =	vst v1  }
0x1fb: {  	[tilespmem:s15+$0x40] =	vst v1  }
0x1fc: {  	[tilespmem:s15+$0x30] =	vst v1  }
0x1fd: {  	[tilespmem:s15+$0x20] =	vst v1  }
0x1fe: {  	s16 =	sadd.s32 $0x18680, s7;
	[tilespmem:s15+$0x10] =	vst v1  }
0x1ff: {  	[tilespmem:s16+$0x70] =	vst v1  }
0x200: {  	[tilespmem:s16+$0x60] =	vst v1  }
0x201: {  	[tilespmem:s16+$0x50] =	vst v1  }
0x202: {  	[tilespmem:s7+$0x18680] =	vst v1  }
0x203: {  	[tilespmem:s16+$0x40] =	vst v1  }
0x204: {  	[tilespmem:s16+$0x20] =	vst v1  }
0x205: {  	p0 =	sne.s32 s8, $0xF;
	[tilespmem:s16+$0x30] =	vst v1  }
.Ltmp10:
0x206: {  	[tilespmem:s16+$0x10] =	vst v1;
	(pc) =	sbr.rel @!p0 .LBB2_15-.Ltmp10, $4  }
0x207: {  	s12 =	sadd.s32 $0x18A80, s7;
	[tilespmem:s7+$0x18A80] =	vst v1  }
0x208: {  	[tilespmem:s12+$0x70] =	vst v1  }
0x209: {  	[tilespmem:s12+$0x60] =	vst v1  }
0x20a: {  	s13 =	sadd.s32 $0x1, s8;
	s10 =	smov.u32 s8;
	s9 =	smov.u32 s7;
	[tilespmem:s12+$0x20] =	vst v1  }
.LBB2_14:
0x20b: {  	s11 =	smov.u32 s13  }
0x20c: {  	s14 =	sshrl.u32 s13, $0x3;
	[tilespmem:s12+$0x40] =	vst v1;
	s10 =	sadd.s32 $0x80, s10;
	s11 =	sadd.s32 $0x1, s13  }
0x20d: {  	p1 =	sne.s32 s13, $0xF;
	s14 =	smul.u32 $0x5000, s14;
	[tilespmem:s12+$0x50] =	vst v1  }
0x20e: {  	[tilespmem:s12+$0x30] =	vst v1  }
0x20f: {  	s13 =	sand.u32 $0x380, s10;
	s14 =	sshra.s32 s14, $0x2;
	[tilespmem:s12+$0x10] =	vst v1  }
0x210: {  	[tilespmem:s9+$0x18E80] =	vst v1;
	s9 =	sor.u32 s13, s14  }
0x211: {  	s12 =	sadd.s32 $0x17E80, s9;
	[tilespmem:s9+$0x17E80] =	vst v1  }
0x212: {  	[tilespmem:s12+$0x70] =	vst v1  }
0x213: {  	[tilespmem:s12+$0x60] =	vst v1  }
0x214: {  	[tilespmem:s12+$0x30] =	vst v1  }
0x215: {  	[tilespmem:s12+$0x50] =	vst v1  }
0x216: {  	[tilespmem:s12+$0x20] =	vst v1  }
0x217: {  	[tilespmem:s12+$0x40] =	vst v1  }
0x218: {  	[tilespmem:s12+$0x10] =	vst v1;
	s12 =	sadd.s32 $0x18280, s9  }
0x219: {  	[tilespmem:s12+$0x70] =	vst v1  }
0x21a: {  	[tilespmem:s12+$0x60] =	vst v1  }
0x21b: {  	[tilespmem:s9+$0x18280] =	vst v1  }
0x21c: {  	[tilespmem:s12+$0x30] =	vst v1  }
0x21d: {  	[tilespmem:s12+$0x50] =	vst v1  }
0x21e: {  	[tilespmem:s12+$0x20] =	vst v1  }
0x21f: {  	[tilespmem:s12+$0x10] =	vst v1  }
0x220: {  	[tilespmem:s12+$0x40] =	vst v1;
	s12 =	sadd.s32 $0x18680, s9  }
0x221: {  	[tilespmem:s12+$0x70] =	vst v1  }
0x222: {  	[tilespmem:s12+$0x60] =	vst v1  }
0x223: {  	[tilespmem:s12+$0x50] =	vst v1  }
0x224: {  	[tilespmem:s9+$0x18680] =	vst v1  }
0x225: {  	[tilespmem:s12+$0x20] =	vst v1  }
0x226: {  	[tilespmem:s12+$0x30] =	vst v1  }
0x227: {  	[tilespmem:s12+$0x10] =	vst v1  }
.Ltmp11:
0x228: {  	[tilespmem:s12+$0x40] =	vst v1;
	(pc) =	sbr.rel @p1 .LBB2_14-.Ltmp11, $4  }
0x229: {  	s12 =	sadd.s32 $0x18A80, s9;
	[tilespmem:s9+$0x18A80] =	vst v1  }
0x22a: {  	[tilespmem:s12+$0x70] =	vst v1  }
0x22b: {  	[tilespmem:s12+$0x60] =	vst v1  }
0x22c: {  	s13 =	smov.u32 s11;
	[tilespmem:s12+$0x20] =	vst v1  }
.LBB2_15:
0x22d: {  	[tilespmem:s12+$0x40] =	vst v1  }
0x22e: {  	[tilespmem:s12+$0x50] =	vst v1  }
0x22f: {  	[tilespmem:s12+$0x30] =	vst v1  }
0x230: {  	[tilespmem:s12+$0x10] =	vst v1  }
0x231: {  	[tilespmem:s9+$0x18E80] =	vst v1  }
0x232: {  	s14 =	sadd.s32 $0x1A680, s7;
	[tilespmem:s7+$0x1A680] =	vst v1  }
0x233: {  	[tilespmem:s14+$0x70] =	vst v1  }
0x234: {  	[tilespmem:s14+$0x60] =	vst v1  }
0x235: {  	[tilespmem:s14+$0x50] =	vst v1  }
0x236: {  	[tilespmem:s14+$0x40] =	vst v1  }
0x237: {  	[tilespmem:s14+$0x30] =	vst v1  }
0x238: {  	[tilespmem:s14+$0x20] =	vst v1  }
0x239: {  	s15 =	sadd.s32 $0x1AA80, s7;
	[tilespmem:s14+$0x10] =	vst v1  }
0x23a: {  	[tilespmem:s15+$0x70] =	vst v1  }
0x23b: {  	[tilespmem:s15+$0x60] =	vst v1  }
0x23c: {  	[tilespmem:s7+$0x1AA80] =	vst v1  }
0x23d: {  	[tilespmem:s15+$0x50] =	vst v1  }
0x23e: {  	[tilespmem:s15+$0x40] =	vst v1  }
0x23f: {  	[tilespmem:s15+$0x30] =	vst v1  }
0x240: {  	[tilespmem:s15+$0x20] =	vst v1  }
0x241: {  	s16 =	sadd.s32 $0x1AE80, s7;
	[tilespmem:s15+$0x10] =	vst v1  }
0x242: {  	[tilespmem:s16+$0x70] =	vst v1  }
0x243: {  	[tilespmem:s16+$0x60] =	vst v1  }
0x244: {  	[tilespmem:s16+$0x50] =	vst v1  }
0x245: {  	[tilespmem:s7+$0x1AE80] =	vst v1  }
0x246: {  	[tilespmem:s16+$0x40] =	vst v1  }
0x247: {  	[tilespmem:s16+$0x20] =	vst v1  }
0x248: {  	[tilespmem:s16+$0x30] =	vst v1  }
.Ltmp12:
0x249: {  	[tilespmem:s16+$0x10] =	vst v1;
	(pc) =	sbr.rel @!p0 .LBB2_17-.Ltmp12, $4  }
0x24a: {  	s10 =	sadd.s32 $0x1B280, s7;
	[tilespmem:s7+$0x1B280] =	vst v1  }
0x24b: {  	[tilespmem:s10+$0x70] =	vst v1  }
0x24c: {  	[tilespmem:s10+$0x60] =	vst v1  }
0x24d: {  	s11 =	sadd.s32 $0x1, s8;
	[tilespmem:s10+$0x20] =	vst v1  }
.LBB2_16:
0x24e: {  	s9 =	smov.u32 s11  }
0x24f: {  	s12 =	sshrl.u32 s11, $0x3;
	[tilespmem:s10+$0x40] =	vst v1;
	s8 =	sadd.s32 $0x80, s8;
	s9 =	sadd.s32 $0x1, s11  }
0x250: {  	p0 =	sne.s32 s11, $0xF;
	s12 =	smul.u32 $0x5000, s12;
	[tilespmem:s10+$0x50] =	vst v1  }
0x251: {  	[tilespmem:s10+$0x30] =	vst v1  }
0x252: {  	s11 =	sand.u32 $0x380, s8;
	s12 =	sshra.s32 s12, $0x2;
	[tilespmem:s10+$0x10] =	vst v1  }
0x253: {  	[tilespmem:s7+$0x1B680] =	vst v1;
	s7 =	sor.u32 s11, s12  }
0x254: {  	s10 =	sadd.s32 $0x1A680, s7;
	[tilespmem:s7+$0x1A680] =	vst v1  }
0x255: {  	[tilespmem:s10+$0x70] =	vst v1  }
0x256: {  	[tilespmem:s10+$0x60] =	vst v1  }
0x257: {  	[tilespmem:s10+$0x30] =	vst v1  }
0x258: {  	[tilespmem:s10+$0x50] =	vst v1  }
0x259: {  	[tilespmem:s10+$0x20] =	vst v1  }
0x25a: {  	[tilespmem:s10+$0x40] =	vst v1  }
0x25b: {  	[tilespmem:s10+$0x10] =	vst v1;
	s10 =	sadd.s32 $0x1AA80, s7  }
0x25c: {  	[tilespmem:s10+$0x70] =	vst v1  }
0x25d: {  	[tilespmem:s10+$0x60] =	vst v1  }
0x25e: {  	[tilespmem:s7+$0x1AA80] =	vst v1  }
0x25f: {  	[tilespmem:s10+$0x30] =	vst v1  }
0x260: {  	[tilespmem:s10+$0x50] =	vst v1  }
0x261: {  	[tilespmem:s10+$0x20] =	vst v1  }
0x262: {  	[tilespmem:s10+$0x10] =	vst v1  }
0x263: {  	[tilespmem:s10+$0x40] =	vst v1;
	s10 =	sadd.s32 $0x1AE80, s7  }
0x264: {  	[tilespmem:s10+$0x70] =	vst v1  }
0x265: {  	[tilespmem:s10+$0x60] =	vst v1  }
0x266: {  	[tilespmem:s10+$0x50] =	vst v1  }
0x267: {  	[tilespmem:s7+$0x1AE80] =	vst v1  }
0x268: {  	[tilespmem:s10+$0x20] =	vst v1  }
0x269: {  	[tilespmem:s10+$0x30] =	vst v1  }
0x26a: {  	[tilespmem:s10+$0x10] =	vst v1  }
.Ltmp13:
0x26b: {  	[tilespmem:s10+$0x40] =	vst v1;
	(pc) =	sbr.rel @p0 .LBB2_16-.Ltmp13, $4  }
0x26c: {  	s10 =	sadd.s32 $0x1B280, s7;
	[tilespmem:s7+$0x1B280] =	vst v1  }
0x26d: {  	[tilespmem:s10+$0x70] =	vst v1  }
0x26e: {  	[tilespmem:s10+$0x60] =	vst v1  }
0x26f: {  	s11 =	smov.u32 s9;
	[tilespmem:s10+$0x20] =	vst v1  }
.LBB2_17:
0x270: {  	[tilespmem:s10+$0x40] =	vst v1  }
0x271: {  	[tilespmem:s10+$0x50] =	vst v1  }
0x272: {  	[tilespmem:s10+$0x30] =	vst v1  }
0x273: {  	[tilespmem:s10+$0x10] =	vst v1  }
0x274: {  	[tilespmem:s7+$0x1B680] =	vst v1  }
0x275: {  	[tilespmem:s24], [sflag:$0x3] =	stream.linear.gather [hbm4b:s17+s1], $0x24C0, $0x38;
	[tilespmem:$0x1E280] =	vst v63  }
0x276: {  	_ =	swait.ge [sflag:s25], $0x24C0  }
0x277: {  	s13 =	simm.s32 $0x0;
	[sflag:s25] =	ssyncset.done $0x0  }
0x278: {  	v6 =	vmov s13;
	[sflag:s25] =	ssyncadd.s32 $0xFFFFDB40  }
0x279: {  	v6 =	vmul.u32 $0x3, v6;
	[tilespmem:s26], [sflag:$0x3] =	stream.linear.gather [hbm4b:s18+s1], $0x24C0, $0x38;
	[tilespmem:$0x1E280] =	vst v63  }
0x27a: {  	_ =	swait.ge [sflag:s25], $0x24C0  }
0x27b: {  	v6 =	vbroadcast v6, $0x0;
	[sflag:s25] =	ssyncset.done $0x0  }
0x27c: {  	s14 =	simm.s32 $0xAA00;
	[sflag:s25] =	ssyncadd.s32 $0xFFFFDB40  }
0x27d: {  	v7 =	vor.u32 v2, v6;
	[tilespmem:s14], [sflag:$0x3] =	stream.linear.gather [hbm4b:s19+s1], $0xC40, $0x38;
	[tilespmem:$0x1E280] =	vst v63  }
0x27e: {  	v8 =	vor.u32 v0, v6;
	_ =	swait.ge [sflag:s25], $0xC40  }
0x27f: {  	[sflag:s25] =	ssyncset.done $0x0  }
0x280: {  	s7 =	simm.s32 $0xAA20;
	[sflag:s25] =	ssyncadd.s32 $0xFFFFF3C0  }
0x281: {  	v6 =	vor.u32 v3, v6;
	v9 =	vld [tilespmem:s7+$0xFFFFFFE0]  }
0x282: {  	v10 =	vld.idx.msk [tilespmem:v7+s26+$0x0], $0xffff  }
0x283: {  	v11 =	vld.idx.msk [tilespmem:v8+s26+$0x0], $0xffff  }
0x284: {  	v8 =	vld.idx.msk [tilespmem:v8+s24+$0x0], $0xffff  }
0x285: {  	v7 =	vld.idx.msk [tilespmem:v7+s24+$0x0], $0xffff  }
0x286: {  	v12 =	vld.idx.msk [tilespmem:v6+s26+$0x0], $0xffff  }
0x287: {  	v6 =	vld.idx.msk [tilespmem:v6+s24+$0x0], $0xffff;
	_ =	sdelay $0x1  }
0x288: {  	s8 =	simm.s32 $0x10  }
0x289: {  	v16 =	vmov s8;
	v13 =	vshll.u32 v9, $0x3;
	v9 =	vand.u32 $0x7F, v9  }
0x28a: {  	v14 =	vmul.f32 v11, v11;
	v11 =	vsub.f32 v8, v11;
	v15 =	vsub.f32 v7, v10  }
0x28b: {  	v8 =	vmul.f32 v8, v8;
	v44 =	vsub.f32 v6, v12;
	v13 =	vand.u32 $0xFFFFFC00, v13  }
0x28c: {  	v9 =	vor.u32 v9, v13;
	v11 =	vmul.f32 v11, v11;
	v15 =	vmul.f32 v15, v15  }
0x28d: {  	v7 =	vmul.f32 v7, v7;
	v10 =	vmul.f32 v10, v10;
	v9 =	vadd.s32 v4, v9  }
0x28e: {  	v45 =	vmul.u32 $0x3, v16;
	v13 =	vmul.f32 v44, v44;
	v11 =	vadd.f32 v15, v11  }
0x28f: {  	v7 =	vadd.f32 v7, v8;
	v8 =	vadd.f32 v10, v14;
	v10 =	vmul.f32 v12, v12  }
0x290: {  	v46 =	vbroadcast v45, $0x0;
	v6 =	vmul.f32 v6, v6;
	v11 =	vadd.f32 v13, v11  }
0x291: {  	v8 =	vadd.f32 v10, v8  }
0x292: {  	v6 =	vadd.f32 v6, v7;
	v7 =	vadd.s32 v3, v46;
	[tilespmem:v9+s28+$0x0] =	vst.idx.add.f32.msk $0xffff, v11  }
0x293: {  	[tilespmem:v9+s29+$0x0] =	vst.idx.add.f32.msk $0xffff, v8;
	v8 =	vadd.s32 v0, v46  }
0x294: {  	[tilespmem:v9+s30+$0x0] =	vst.idx.add.f32.msk $0xffff, v6  }
0x295: {  	v6 =	vadd.s32 v2, v46;
	[tilespmem:v9+s31+$0x0] =	vst.idx.add.f32.msk $0xffff, v5  }
0x296: {  	v9 =	vld [tilespmem:s7+$0xFFFFFFF0]  }
0x297: {  	v10 =	vld.idx.msk [tilespmem:v7+s24+$0x0], $0xffff  }
0x298: {  	v11 =	vld.idx.msk [tilespmem:v8+s26+$0x0], $0xffff  }
0x299: {  	v8 =	vld.idx.msk [tilespmem:v8+s24+$0x0], $0xffff  }
0x29a: {  	v12 =	vld.idx.msk [tilespmem:v6+s26+$0x0], $0xffff  }
0x29b: {  	v6 =	vld.idx.msk [tilespmem:v6+s24+$0x0], $0xffff  }
0x29c: {  	v7 =	vld.idx.msk [tilespmem:v7+s26+$0x0], $0xffff  }
0x29d: {  	s15 =	simm.s32 $0x20  }
0x29e: {  	v52 =	vmov s15  }
0x29f: {  	v15 =	vmul.u32 $0x3, v52;
	v48 =	vshll.u32 v9, $0x3  }
0x2a0: {  	v47 =	vmul.f32 v11, v11;
	v11 =	vsub.f32 v8, v11;
	v49 =	vsub.f32 v6, v12  }
0x2a1: {  	v9 =	vand.u32 $0x7F, v9;
	v50 =	vsub.f32 v10, v7;
	v14 =	vand.u32 $0xFFFFFC00, v48  }
0x2a2: {  	v9 =	vor.u32 v9, v14;
	v11 =	vmul.f32 v11, v11;
	v51 =	vmul.f32 v49, v49  }
0x2a3: {  	v8 =	vmul.f32 v8, v8;
	v12 =	vmul.f32 v12, v12;
	v9 =	vadd.s32 v4, v9  }
0x2a4: {  	v53 =	vmul.f32 v50, v50;
	v6 =	vmul.f32 v6, v6;
	v11 =	vadd.f32 v51, v11  }
0x2a5: {  	v54 =	vbroadcast v15, $0x0;
	v7 =	vmul.f32 v7, v7;
	v12 =	vadd.f32 v12, v47  }
0x2a6: {  	v10 =	vmul.f32 v10, v10;
	v6 =	vadd.f32 v6, v8;
	v8 =	vadd.f32 v53, v11  }
0x2a7: {  	v7 =	vadd.f32 v7, v12;
	v11 =	vadd.s32 v0, v54  }
0x2a8: {  	v6 =	vadd.f32 v10, v6;
	[tilespmem:v9+s28+$0x0] =	vst.idx.add.f32.msk $0xffff, v8  }
0x2a9: {  	[tilespmem:v9+s29+$0x0] =	vst.idx.add.f32.msk $0xffff, v7  }
0x2aa: {  	v8 =	vadd.s32 v2, v54;
	[tilespmem:v9+s30+$0x0] =	vst.idx.add.f32.msk $0xffff, v6  }
0x2ab: {  	[tilespmem:v9+s31+$0x0] =	vst.idx.add.f32.msk $0xffff, v5  }
0x2ac: {  	v7 =	vadd.s32 v3, v54;
	v6 =	vld.idx.msk [tilespmem:v11+s24+$0x0], $0xffff  }
0x2ad: {  	v10 =	vld.idx.msk [tilespmem:v11+s26+$0x0], $0xffff  }
0x2ae: {  	v11 =	vld [tilespmem:s7+$0x0]  }
0x2af: {  	v9 =	vld.idx.msk [tilespmem:v8+s24+$0x0], $0xffff  }
0x2b0: {  	v8 =	vld.idx.msk [tilespmem:v8+s26+$0x0], $0xffff  }
0x2b1: {  	v55 =	vld.idx.msk [tilespmem:v7+s26+$0x0], $0xffff  }
0x2b2: {  	v7 =	vld.idx.msk [tilespmem:v7+s24+$0x0], $0xffff;
	_ =	sdelay $0x1  }
0x2b3: {  	v57 =	vsub.f32 v6, v10;
	v58 =	vshll.u32 v11, $0x3;
	v11 =	vand.u32 $0x7F, v11  }
0x2b4: {  	s16 =	simm.s32 $0x30;
	v56 =	vmul.f32 v9, v9;
	v15 =	vand.u32 $0xFFFFFC00, v58;
	v9 =	vsub.f32 v9, v8  }
0x2b5: {  	v59 =	vmov s16;
	v10 =	vmul.f32 v10, v10;
	v11 =	vor.u32 v11, v15  }
0x2b6: {  	v14 =	vmul.f32 v57, v57;
	v60 =	vsub.f32 v7, v55;
	v9 =	vmul.f32 v9, v9  }
0x2b7: {  	v6 =	vmul.f32 v6, v6;
	v8 =	vmul.f32 v8, v8;
	v11 =	vadd.s32 v4, v11  }
0x2b8: {  	v15 =	vmul.u32 $0x3, v59;
	v61 =	vmul.f32 v60, v60;
	v9 =	vadd.f32 v9, v14  }
0x2b9: {  	v63 =	vmul.f32 v7, v7;
	v8 =	vadd.f32 v8, v10;
	v10 =	vmul.f32 v55, v55  }
0x2ba: {  	v6 =	vadd.f32 v56, v6;
	v62 =	vbroadcast v15, $0x0;
	v9 =	vadd.f32 v61, v9  }
0x2bb: {  	v8 =	vadd.f32 v10, v8  }
0x2bc: {  	v6 =	vadd.f32 v63, v6;
	v7 =	vadd.s32 v0, v62;
	[tilespmem:v11+s28+$0x0] =	vst.idx.add.f32.msk $0xffff, v9  }
0x2bd: {  	[tilespmem:v11+s29+$0x0] =	vst.idx.add.f32.msk $0xffff, v8  }
0x2be: {  	[tilespmem:v11+s30+$0x0] =	vst.idx.add.f32.msk $0xffff, v6;
	v6 =	vadd.s32 v2, v62;
	_ =	sdelay $0x1  }
0x2bf: {  	[tilespmem:v11+s31+$0x0] =	vst.idx.add.f32.msk $0xffff, v5  }
0x2c0: {  	s9 =	simm.s32 $0xAA20;
	s8 =	simm.s32 $0x70;
	v9 =	vadd.s32 v3, v62;
	v8 =	vld.idx.msk [tilespmem:v7+s24+$0x0], $0xffff  }
.LBB2_18:
0x2c1: {  	p0 =	sne.s32 s8, $0xC30  }
0x2c2: {  	v10 =	vld.idx.msk [tilespmem:v6+s24+$0x0], $0xffff;
	s7 =	sadd.s32 $0x40, s7;
	s10 =	smov.u32 s8;
	s8 =	sadd.s32 $0x40, s8  }
0x2c3: {  	v7 =	vld.idx.msk [tilespmem:v7+s26+$0x0], $0xffff  }
0x2c4: {  	v11 =	vld [tilespmem:s9+$0x10];
	s9 =	smov.u32 s7  }
0x2c5: {  	v12 =	vld.idx.msk [tilespmem:v9+s24+$0x0], $0xffff  }
0x2c6: {  	v9 =	vld.idx.msk [tilespmem:v9+s26+$0x0], $0xffff  }
0x2c7: {  	v6 =	vld.idx.msk [tilespmem:v6+s26+$0x0], $0xffff  }
0x2c8: {  	v13 =	vmul.f32 v8, v8;
	v14 =	vmul.f32 v10, v10  }
0x2c9: {  	v8 =	vsub.f32 v8, v7;
	v15 =	vshll.u32 v11, $0x3  }
0x2ca: {  	v13 =	vadd.f32 v14, v13;
	v11 =	vand.u32 $0x7F, v11;
	v14 =	vand.u32 $0xFFFFFC00, v15  }
0x2cb: {  	v8 =	vmul.f32 v8, v8;
	v15 =	vmul.f32 v12, v12;
	v11 =	vor.u32 v11, v14  }
0x2cc: {  	v12 =	vsub.f32 v12, v9  }
0x2cd: {  	v7 =	vmul.f32 v7, v7;
	v10 =	vsub.f32 v10, v6;
	v6 =	vmul.f32 v6, v6  }
0x2ce: {  	v13 =	vadd.f32 v15, v13  }
0x2cf: {  	v10 =	vmul.f32 v10, v10;
	v6 =	vadd.f32 v6, v7  }
0x2d0: {  	s11 =	sadd.s32 $0xFFFFFFD0, s10;
	v7 =	vadd.s32 v4, v11  }
0x2d1: {  	v11 =	vmov s11;
	v8 =	vadd.f32 v10, v8;
	v10 =	vmul.f32 v12, v12  }
0x2d2: {  	v9 =	vmul.f32 v9, v9;
	v11 =	vmul.u32 $0x3, v11  }
0x2d3: {  	v8 =	vadd.f32 v10, v8  }
0x2d4: {  	v6 =	vadd.f32 v9, v6;
	v10 =	vbroadcast v11, $0x0  }
0x2d5: {  	[tilespmem:v7+s28+$0x0] =	vst.idx.add.f32.msk $0xffff, v8  }
0x2d6: {  	v9 =	vor.u32 v2, v10;
	v8 =	vor.u32 v0, v10;
	[tilespmem:v7+s29+$0x0] =	vst.idx.add.f32.msk $0xffff, v6  }
0x2d7: {  	[tilespmem:v7+s30+$0x0] =	vst.idx.add.f32.msk $0xffff, v13  }
0x2d8: {  	[tilespmem:v7+s31+$0x0] =	vst.idx.add.f32.msk $0xffff, v5;
	_ =	sdelay $0x1  }
0x2d9: {  	v7 =	vor.u32 v3, v10;
	v6 =	vld [tilespmem:s7+$0xFFFFFFE0]  }
0x2da: {  	v10 =	vld.idx.msk [tilespmem:v9+s26+$0x0], $0xffff  }
0x2db: {  	v11 =	vld.idx.msk [tilespmem:v8+s26+$0x0], $0xffff  }
0x2dc: {  	v8 =	vld.idx.msk [tilespmem:v8+s24+$0x0], $0xffff  }
0x2dd: {  	v9 =	vld.idx.msk [tilespmem:v9+s24+$0x0], $0xffff  }
0x2de: {  	v12 =	vld.idx.msk [tilespmem:v7+s26+$0x0], $0xffff;
	v13 =	vshll.u32 v6, $0x3  }
0x2df: {  	v6 =	vand.u32 $0x7F, v6;
	v7 =	vld.idx.msk [tilespmem:v7+s24+$0x0], $0xffff;
	v13 =	vand.u32 $0xFFFFFC00, v13  }
0x2e0: {  	v6 =	vor.u32 v6, v13  }
0x2e1: {  	v13 =	vmul.f32 v11, v11  }
0x2e2: {  	v11 =	vsub.f32 v8, v11  }
0x2e3: {  	v8 =	vmul.f32 v8, v8;
	v14 =	vsub.f32 v9, v10;
	v9 =	vmul.f32 v9, v9  }
0x2e4: {  	s11 =	sadd.s32 $0xFFFFFFE0, s10;
	v11 =	vmul.f32 v11, v11  }
0x2e5: {  	v15 =	vsub.f32 v7, v12;
	v14 =	vmul.f32 v14, v14;
	v8 =	vadd.f32 v9, v8  }
0x2e6: {  	v6 =	vadd.s32 v4, v6;
	v9 =	vmul.f32 v10, v10;
	v10 =	vmov s11  }
0x2e7: {  	v10 =	vmul.u32 $0x3, v10;
	v11 =	vadd.f32 v14, v11;
	v14 =	vmul.f32 v15, v15  }
0x2e8: {  	v12 =	vmul.f32 v12, v12;
	v9 =	vadd.f32 v9, v13  }
0x2e9: {  	v7 =	vmul.f32 v7, v7;
	v10 =	vbroadcast v10, $0x0;
	v11 =	vadd.f32 v14, v11  }
0x2ea: {  	v9 =	vadd.f32 v12, v9  }
0x2eb: {  	v7 =	vadd.f32 v7, v8;
	v8 =	vadd.s32 v3, v10;
	[tilespmem:v6+s28+$0x0] =	vst.idx.add.f32.msk $0xffff, v11  }
0x2ec: {  	[tilespmem:v6+s29+$0x0] =	vst.idx.add.f32.msk $0xffff, v9;
	v9 =	vadd.s32 v0, v10  }
0x2ed: {  	[tilespmem:v6+s30+$0x0] =	vst.idx.add.f32.msk $0xffff, v7  }
0x2ee: {  	[tilespmem:v6+s31+$0x0] =	vst.idx.add.f32.msk $0xffff, v5;
	v6 =	vadd.s32 v2, v10  }
0x2ef: {  	v7 =	vld [tilespmem:s7+$0xFFFFFFF0]  }
0x2f0: {  	v10 =	vld.idx.msk [tilespmem:v8+s24+$0x0], $0xffff  }
0x2f1: {  	v11 =	vld.idx.msk [tilespmem:v9+s26+$0x0], $0xffff  }
0x2f2: {  	v8 =	vld.idx.msk [tilespmem:v8+s26+$0x0], $0xffff  }
0x2f3: {  	v12 =	vld.idx.msk [tilespmem:v6+s26+$0x0], $0xffff  }
0x2f4: {  	v6 =	vld.idx.msk [tilespmem:v6+s24+$0x0], $0xffff;
	_ =	sdelay $0x1  }
0x2f5: {  	v9 =	vld.idx.msk [tilespmem:v9+s24+$0x0], $0xffff  }
0x2f6: {  	v13 =	vmul.f32 v11, v11  }
0x2f7: {  	v15 =	vshll.u32 v7, $0x3;
	v14 =	vsub.f32 v10, v8  }
0x2f8: {  	v7 =	vand.u32 $0x7F, v7;
	v15 =	vand.u32 $0xFFFFFC00, v15;
	v16 =	vmul.f32 v12, v12  }
0x2f9: {  	v7 =	vor.u32 v7, v15;
	v12 =	vsub.f32 v6, v12  }
0x2fa: {  	v7 =	vadd.s32 v4, v7;
	v6 =	vmul.f32 v6, v6;
	v13 =	vadd.f32 v16, v13  }
0x2fb: {  	v11 =	vsub.f32 v9, v11;
	v12 =	vmul.f32 v12, v12;
	v9 =	vmul.f32 v9, v9  }
0x2fc: {  	s11 =	sadd.s32 $0xFFFFFFF0, s10  }
0x2fd: {  	v11 =	vmul.f32 v11, v11;
	v6 =	vadd.f32 v6, v9;
	v9 =	vmov s11  }
0x2fe: {  	v9 =	vmul.u32 $0x3, v9  }
0x2ff: {  	v11 =	vadd.f32 v12, v11;
	v12 =	vmul.f32 v14, v14  }
0x300: {  	v8 =	vmul.f32 v8, v8;
	v9 =	vbroadcast v9, $0x0  }
0x301: {  	v10 =	vmul.f32 v10, v10;
	v11 =	vadd.f32 v12, v11  }
0x302: {  	v8 =	vadd.f32 v8, v13;
	v12 =	vadd.s32 v0, v9  }
0x303: {  	v6 =	vadd.f32 v10, v6;
	v10 =	vadd.s32 v2, v9;
	[tilespmem:v7+s28+$0x0] =	vst.idx.add.f32.msk $0xffff, v11  }
0x304: {  	[tilespmem:v7+s29+$0x0] =	vst.idx.add.f32.msk $0xffff, v8  }
0x305: {  	[tilespmem:v7+s30+$0x0] =	vst.idx.add.f32.msk $0xffff, v6  }
0x306: {  	[tilespmem:v7+s31+$0x0] =	vst.idx.add.f32.msk $0xffff, v5  }
0x307: {  	v6 =	vld.idx.msk [tilespmem:v12+s24+$0x0], $0xffff  }
0x308: {  	v7 =	vld.idx.msk [tilespmem:v10+s24+$0x0], $0xffff  }
0x309: {  	v8 =	vadd.s32 v3, v9;
	v9 =	vld.idx.msk [tilespmem:v12+s26+$0x0], $0xffff  }
0x30a: {  	v11 =	vld [tilespmem:s7+$0x0];
	_ =	sdelay $0x2  }
0x30b: {  	v10 =	vld.idx.msk [tilespmem:v10+s26+$0x0], $0xffff  }
0x30c: {  	v13 =	vmul.f32 v7, v7;
	v12 =	vld.idx.msk [tilespmem:v8+s26+$0x0], $0xffff  }
0x30d: {  	v14 =	vsub.f32 v6, v9;
	v8 =	vld.idx.msk [tilespmem:v8+s24+$0x0], $0xffff;
	v15 =	vshll.u32 v11, $0x3  }
0x30e: {  	v11 =	vand.u32 $0x7F, v11;
	v15 =	vand.u32 $0xFFFFFC00, v15  }
0x30f: {  	v11 =	vor.u32 v11, v15;
	_ =	sdelay $0x1  }
0x310: {  	v9 =	vmul.f32 v9, v9;
	v7 =	vsub.f32 v7, v10;
	v10 =	vmul.f32 v10, v10  }
0x311: {  	v14 =	vmul.f32 v14, v14;
	v15 =	vmov s10  }
0x312: {  	v16 =	vsub.f32 v8, v12;
	v7 =	vmul.f32 v7, v7;
	v9 =	vadd.f32 v10, v9  }
0x313: {  	v8 =	vmul.f32 v8, v8;
	v10 =	vadd.s32 v4, v11;
	v11 =	vmul.u32 $0x3, v15  }
0x314: {  	v6 =	vmul.f32 v6, v6;
	v7 =	vadd.f32 v7, v14;
	v14 =	vmul.f32 v16, v16  }
0x315: {  	v12 =	vmul.f32 v12, v12;
	v11 =	vbroadcast v11, $0x0  }
0x316: {  	v6 =	vadd.f32 v13, v6;
	v14 =	vadd.f32 v14, v7  }
0x317: {  	v9 =	vadd.f32 v12, v9;
	v7 =	vadd.s32 v0, v11  }
.Ltmp14:
0x318: {  	v8 =	vadd.f32 v8, v6;
	v6 =	vadd.s32 v2, v11;
	[tilespmem:v10+s28+$0x0] =	vst.idx.add.f32.msk $0xffff, v14;
	(pc) =	sbr.rel @p0 .LBB2_18-.Ltmp14, $4  }
0x319: {  	[tilespmem:v10+s29+$0x0] =	vst.idx.add.f32.msk $0xffff, v9  }
0x31a: {  	[tilespmem:v10+s30+$0x0] =	vst.idx.add.f32.msk $0xffff, v8  }
0x31b: {  	v9 =	vadd.s32 v3, v11;
	[tilespmem:v10+s31+$0x0] =	vst.idx.add.f32.msk $0xffff, v5  }
0x31c: {  	v8 =	vld.idx.msk [tilespmem:v7+s24+$0x0], $0xffff  }
0x31d: {  	_ =	sdelay $0x3  }
0x31e: {  	v10 =	vld.idx.msk [tilespmem:v6+s24+$0x0], $0xffff  }
0x31f: {  	v7 =	vld.idx.msk [tilespmem:v7+s26+$0x0], $0xffff  }
0x320: {  	v11 =	vld [tilespmem:s9+$0x10]  }
0x321: {  	v6 =	vld.idx.msk [tilespmem:v6+s26+$0x0], $0xffff  }
0x322: {  	v12 =	vld.idx.msk [tilespmem:v9+s24+$0x0], $0xffff  }
0x323: {  	v9 =	vld.idx.msk [tilespmem:v9+s26+$0x0], $0xffff;
	_ =	sdelay $0x2  }
0x324: {  	v13 =	vsub.f32 v8, v7  }
0x325: {  	v8 =	vmul.f32 v8, v8;
	v14 =	vshll.u32 v11, $0x3;
	v15 =	vsub.f32 v10, v6  }
0x326: {  	v11 =	vand.u32 $0x7F, v11;
	v63 =	vsub.f32 v12, v9;
	v14 =	vand.u32 $0xFFFFFC00, v14  }
0x327: {  	v13 =	vmul.f32 v13, v13;
	v11 =	vor.u32 v11, v14;
	v15 =	vmul.f32 v15, v15  }
0x328: {  	v7 =	vmul.f32 v7, v7;
	v6 =	vmul.f32 v6, v6;
	v11 =	vadd.s32 v4, v11  }
0x329: {  	v10 =	vmul.f32 v10, v10;
	v14 =	vmul.f32 v63, v63;
	v13 =	vadd.f32 v15, v13  }
0x32a: {  	v6 =	vadd.f32 v6, v7;
	v7 =	vmul.f32 v9, v9  }
0x32b: {  	v8 =	vadd.f32 v10, v8;
	v9 =	vmul.f32 v12, v12;
	v10 =	vadd.f32 v14, v13  }
0x32c: {  	v6 =	vadd.f32 v7, v6  }
0x32d: {  	v7 =	vadd.f32 v9, v8;
	[tilespmem:v11+s28+$0x0] =	vst.idx.add.f32.msk $0xffff, v10  }
0x32e: {  	[tilespmem:v11+s29+$0x0] =	vst.idx.add.f32.msk $0xffff, v6  }
0x32f: {  	[tilespmem:v11+s30+$0x0] =	vst.idx.add.f32.msk $0xffff, v7  }
0x330: {  	s7 =	simm.s32 $0x0;
	s8 =	rddreg [dreg:$0x5];
	[tilespmem:v11+s31+$0x0] =	vst.idx.add.f32.msk $0xffff, v5  }
0x331: {  	[tilespmem:s0], [sflag:$0x2] =	stream.linear.gather [hbm4b:s8+s7], $0xFA0, $0x38;
	[tilespmem:$0x1E280] =	vst v63  }
0x332: {  	s15 =	rddreg [dreg:$0x6]  }
0x333: {  	[tilespmem:s2], [sflag:$0x2] =	stream.linear.gather [hbm4b:s15+s7], $0xFA0, $0x38;
	[tilespmem:$0x1E280] =	vst v63  }
0x334: {  	s16 =	rddreg [dreg:$0x7]  }
0x335: {  	[tilespmem:s3], [sflag:$0x2] =	stream.linear.gather [hbm4b:s16+s7], $0xFA0, $0x38;
	[tilespmem:$0x1E280] =	vst v63  }
0x336: {  	_ =	swait.ge [sflag:s4], $0xFA0  }
0x337: {  	[sflag:s4] =	ssyncset.done $0x0  }
0x338: {  	[sflag:s4] =	ssyncadd.s32 $0xFFFFF060  }
0x339: {  	_ =	swait.ge [sflag:s4], $0xFA0  }
0x33a: {  	[sflag:s4] =	ssyncset.done $0x0  }
0x33b: {  	[sflag:s4] =	ssyncadd.s32 $0xFFFFF060  }
0x33c: {  	_ =	swait.ge [sflag:s4], $0xFA0  }
0x33d: {  	[sflag:s4] =	ssyncset.done $0x0  }
0x33e: {  	s9 =	rddreg [dreg:$0x8];
	[sflag:s4] =	ssyncadd.s32 $0xFFFFF060  }
0x33f: {  	[tilespmem:s7], [sflag:$0x1] =	stream.linear.gather [hbm4b:s9+s7], $0xFA0, $0x38;
	[tilespmem:$0x1E280] =	vst v63  }
0x340: {  	s10 =	rddreg [dreg:$0x9]  }
0x341: {  	[tilespmem:s22], [sflag:$0x1] =	stream.linear.gather [hbm4b:s10+s7], $0xFA0, $0x38;
	[tilespmem:$0x1E280] =	vst v63  }
0x342: {  	s11 =	rddreg [dreg:$0xa]  }
0x343: {  	[tilespmem:s23], [sflag:$0x1] =	stream.linear.gather [hbm4b:s11+s7], $0xFA0, $0x38;
	[tilespmem:$0x1E280] =	vst v63  }
0x344: {  	_ =	swait.ge [sflag:s5], $0xFA0  }
0x345: {  	[sflag:s5] =	ssyncset.done $0x0  }
0x346: {  	[sflag:s5] =	ssyncadd.s32 $0xFFFFF060  }
0x347: {  	_ =	swait.ge [sflag:s5], $0xFA0  }
0x348: {  	[sflag:s5] =	ssyncset.done $0x0  }
0x349: {  	[sflag:s5] =	ssyncadd.s32 $0xFFFFF060  }
0x34a: {  	_ =	swait.ge [sflag:s5], $0xFA0  }
0x34b: {  	[sflag:s5] =	ssyncset.done $0x0  }
0x34c: {  	s12 =	rddreg [dreg:$0xb];
	[sflag:s5] =	ssyncadd.s32 $0xFFFFF060  }
0x34d: {  	[tilespmem:s0], [sflag:$0x2] =	stream.linear.gather [hbm4b:s12+s7], $0xFA0, $0x38;
	[tilespmem:$0x1E280] =	vst v63  }
0x34e: {  	s13 =	rddreg [dreg:$0xc]  }
0x34f: {  	[tilespmem:s2], [sflag:$0x2] =	stream.linear.gather [hbm4b:s13+s7], $0xFA0, $0x38;
	[tilespmem:$0x1E280] =	vst v63  }
0x350: {  	s14 =	rddreg [dreg:$0xd]  }
0x351: {  	[tilespmem:s3], [sflag:$0x2] =	stream.linear.gather [hbm4b:s14+s7], $0xFA0, $0x38;
	[tilespmem:$0x1E280] =	vst v63  }
0x352: {  	_ =	swait.ge [sflag:s4], $0xFA0  }
0x353: {  	[sflag:s4] =	ssyncset.done $0x0  }
0x354: {  	[sflag:s4] =	ssyncadd.s32 $0xFFFFF060  }
0x355: {  	_ =	swait.ge [sflag:s4], $0xFA0  }
0x356: {  	[sflag:s4] =	ssyncset.done $0x0  }
0x357: {  	[sflag:s4] =	ssyncadd.s32 $0xFFFFF060  }
0x358: {  	_ =	swait.ge [sflag:s4], $0xFA0  }
0x359: {  	[sflag:s4] =	ssyncset.done $0x0  }
0x35a: {  	s15 =	rddreg [dreg:$0xe];
	[sflag:s4] =	ssyncadd.s32 $0xFFFFF060  }
0x35b: {  	[tilespmem:s7], [sflag:$0x1] =	stream.linear.gather [hbm4b:s15+s7], $0xFA0, $0x38;
	[tilespmem:$0x1E280] =	vst v63  }
0x35c: {  	s16 =	rddreg [dreg:$0xf]  }
0x35d: {  	[tilespmem:s22], [sflag:$0x1] =	stream.linear.gather [hbm4b:s16+s7], $0xFA0, $0x38;
	[tilespmem:$0x1E280] =	vst v63  }
0x35e: {  	s9 =	rddreg [dreg:$0x10]  }
0x35f: {  	[tilespmem:s23], [sflag:$0x1] =	stream.linear.gather [hbm4b:s9+s7], $0xFA0, $0x38;
	[tilespmem:$0x1E280] =	vst v63  }
0x360: {  	_ =	swait.ge [sflag:s5], $0xFA0  }
0x361: {  	[sflag:s5] =	ssyncset.done $0x0  }
0x362: {  	[sflag:s5] =	ssyncadd.s32 $0xFFFFF060  }
0x363: {  	_ =	swait.ge [sflag:s5], $0xFA0  }
0x364: {  	[sflag:s5] =	ssyncset.done $0x0  }
0x365: {  	[sflag:s5] =	ssyncadd.s32 $0xFFFFF060  }
0x366: {  	_ =	swait.ge [sflag:s5], $0xFA0  }
0x367: {  	[sflag:s5] =	ssyncset.done $0x0  }
0x368: {  	s10 =	rddreg [dreg:$0x11];
	[sflag:s5] =	ssyncadd.s32 $0xFFFFF060  }
0x369: {  	[tilespmem:s0], [sflag:$0x2] =	stream.linear.gather [hbm4b:s10+s7], $0xFA0, $0x38;
	[tilespmem:$0x1E280] =	vst v63  }
0x36a: {  	s11 =	rddreg [dreg:$0x12]  }
0x36b: {  	[tilespmem:s2], [sflag:$0x2] =	stream.linear.gather [hbm4b:s11+s7], $0xFA0, $0x38;
	[tilespmem:$0x1E280] =	vst v63  }
0x36c: {  	s12 =	rddreg [dreg:$0x13]  }
0x36d: {  	[tilespmem:s3], [sflag:$0x2] =	stream.linear.gather [hbm4b:s12+s7], $0xFA0, $0x38;
	[tilespmem:$0x1E280] =	vst v63  }
0x36e: {  	_ =	swait.ge [sflag:s4], $0xFA0  }
0x36f: {  	[sflag:s4] =	ssyncset.done $0x0  }
0x370: {  	[sflag:s4] =	ssyncadd.s32 $0xFFFFF060  }
0x371: {  	_ =	swait.ge [sflag:s4], $0xFA0  }
0x372: {  	[sflag:s4] =	ssyncset.done $0x0  }
0x373: {  	[sflag:s4] =	ssyncadd.s32 $0xFFFFF060  }
0x374: {  	_ =	swait.ge [sflag:s4], $0xFA0  }
0x375: {  	[sflag:s4] =	ssyncset.done $0x0  }
0x376: {  	s13 =	rddreg [dreg:$0x14];
	[sflag:s4] =	ssyncadd.s32 $0xFFFFF060  }
0x377: {  	[tilespmem:s7], [sflag:$0x1] =	stream.linear.gather [hbm4b:s13+s7], $0xFA0, $0x38;
	[tilespmem:$0x1E280] =	vst v63  }
0x378: {  	s14 =	rddreg [dreg:$0x15]  }
0x379: {  	[tilespmem:s22], [sflag:$0x1] =	stream.linear.gather [hbm4b:s14+s7], $0xFA0, $0x38;
	[tilespmem:$0x1E280] =	vst v63  }
0x37a: {  	s15 =	rddreg [dreg:$0x16]  }
0x37b: {  	[tilespmem:s23], [sflag:$0x1] =	stream.linear.gather [hbm4b:s15+s7], $0xFA0, $0x38;
	[tilespmem:$0x1E280] =	vst v63  }
0x37c: {  	_ =	swait.ge [sflag:s5], $0xFA0  }
0x37d: {  	[sflag:s5] =	ssyncset.done $0x0  }
0x37e: {  	[sflag:s5] =	ssyncadd.s32 $0xFFFFF060  }
0x37f: {  	_ =	swait.ge [sflag:s5], $0xFA0  }
0x380: {  	[sflag:s5] =	ssyncset.done $0x0  }
0x381: {  	[sflag:s5] =	ssyncadd.s32 $0xFFFFF060  }
0x382: {  	_ =	swait.ge [sflag:s5], $0xFA0  }
0x383: {  	[sflag:s5] =	ssyncset.done $0x0  }
0x384: {  	s16 =	rddreg [dreg:$0x17];
	[sflag:s5] =	ssyncadd.s32 $0xFFFFF060  }
0x385: {  	[tilespmem:s0], [sflag:$0x2] =	stream.linear.gather [hbm4b:s16+s7], $0xFA0, $0x38;
	[tilespmem:$0x1E280] =	vst v63  }
0x386: {  	s9 =	rddreg [dreg:$0x18]  }
0x387: {  	[tilespmem:s2], [sflag:$0x2] =	stream.linear.gather [hbm4b:s9+s7], $0xFA0, $0x38;
	[tilespmem:$0x1E280] =	vst v63  }
0x388: {  	s10 =	rddreg [dreg:$0x19]  }
0x389: {  	[tilespmem:s3], [sflag:$0x2] =	stream.linear.gather [hbm4b:s10+s7], $0xFA0, $0x38;
	[tilespmem:$0x1E280] =	vst v63  }
0x38a: {  	_ =	swait.ge [sflag:s4], $0xFA0  }
0x38b: {  	[sflag:s4] =	ssyncset.done $0x0  }
0x38c: {  	[sflag:s4] =	ssyncadd.s32 $0xFFFFF060  }
0x38d: {  	_ =	swait.ge [sflag:s4], $0xFA0  }
0x38e: {  	[sflag:s4] =	ssyncset.done $0x0  }
0x38f: {  	[sflag:s4] =	ssyncadd.s32 $0xFFFFF060  }
0x390: {  	_ =	swait.ge [sflag:s4], $0xFA0  }
0x391: {  	[sflag:s4] =	ssyncset.done $0x0  }
0x392: {  	s11 =	rddreg [dreg:$0x1a];
	[sflag:s4] =	ssyncadd.s32 $0xFFFFF060  }
0x393: {  	[tilespmem:s7], [sflag:$0x1] =	stream.linear.gather [hbm4b:s11+s7], $0xFA0, $0x38;
	[tilespmem:$0x1E280] =	vst v63  }
0x394: {  	s12 =	rddreg [dreg:$0x1b]  }
0x395: {  	[tilespmem:s22], [sflag:$0x1] =	stream.linear.gather [hbm4b:s12+s7], $0xFA0, $0x38;
	[tilespmem:$0x1E280] =	vst v63  }
0x396: {  	s13 =	rddreg [dreg:$0x1c]  }
0x397: {  	[tilespmem:s23], [sflag:$0x1] =	stream.linear.gather [hbm4b:s13+s7], $0xFA0, $0x38;
	[tilespmem:$0x1E280] =	vst v63  }
0x398: {  	_ =	swait.ge [sflag:s5], $0xFA0  }
0x399: {  	[sflag:s5] =	ssyncset.done $0x0  }
0x39a: {  	[sflag:s5] =	ssyncadd.s32 $0xFFFFF060  }
0x39b: {  	_ =	swait.ge [sflag:s5], $0xFA0  }
0x39c: {  	[sflag:s5] =	ssyncset.done $0x0  }
0x39d: {  	[sflag:s5] =	ssyncadd.s32 $0xFFFFF060  }
0x39e: {  	_ =	swait.ge [sflag:s5], $0xFA0  }
0x39f: {  	[sflag:s5] =	ssyncset.done $0x0  }
0x3a0: {  	s14 =	rddreg [dreg:$0x1d];
	[sflag:s5] =	ssyncadd.s32 $0xFFFFF060  }
0x3a1: {  	[tilespmem:s0], [sflag:$0x2] =	stream.linear.gather [hbm4b:s14+s7], $0xFA0, $0x38;
	[tilespmem:$0x1E280] =	vst v63  }
0x3a2: {  	s15 =	rddreg [dreg:$0x1e]  }
0x3a3: {  	[tilespmem:s2], [sflag:$0x2] =	stream.linear.gather [hbm4b:s15+s7], $0xFA0, $0x38;
	[tilespmem:$0x1E280] =	vst v63  }
0x3a4: {  	s16 =	rddreg [dreg:$0x1f]  }
0x3a5: {  	[tilespmem:s3], [sflag:$0x2] =	stream.linear.gather [hbm4b:s16+s7], $0xFA0, $0x38;
	[tilespmem:$0x1E280] =	vst v63  }
0x3a6: {  	_ =	swait.ge [sflag:s4], $0xFA0  }
0x3a7: {  	[sflag:s4] =	ssyncset.done $0x0  }
0x3a8: {  	[sflag:s4] =	ssyncadd.s32 $0xFFFFF060  }
0x3a9: {  	_ =	swait.ge [sflag:s4], $0xFA0  }
0x3aa: {  	[sflag:s4] =	ssyncset.done $0x0  }
0x3ab: {  	[sflag:s4] =	ssyncadd.s32 $0xFFFFF060  }
0x3ac: {  	_ =	swait.ge [sflag:s4], $0xFA0  }
0x3ad: {  	s9 =	sld [smem:$0x7CE]  }
0x3ae: {  	[sflag:s4] =	ssyncset.done $0x0  }
0x3af: {  	s10 =	sld [smem:$0x7CF];
	[sflag:s4] =	ssyncadd.s32 $0xFFFFF060  }
0x3b0: {  	[tilespmem:s7], [sflag:$0x1] =	stream.linear.gather [hbm4b:s9+s7], $0xFA0, $0x38;
	[tilespmem:$0x1E280] =	vst v63  }
0x3b1: {  	s11 =	sld [smem:$0x7D0]  }
0x3b2: {  	[tilespmem:s22], [sflag:$0x1] =	stream.linear.gather [hbm4b:s10+s7], $0xFA0, $0x38;
	[tilespmem:$0x1E280] =	vst v63  }
0x3b3: {  	_ = 	snop  }
0x3b4: {  	[tilespmem:s23], [sflag:$0x1] =	stream.linear.gather [hbm4b:s11+s7], $0xFA0, $0x38;
	[tilespmem:$0x1E280] =	vst v63  }
0x3b5: {  	_ =	swait.ge [sflag:s5], $0xFA0  }
0x3b6: {  	[sflag:s5] =	ssyncset.done $0x0  }
0x3b7: {  	[sflag:s5] =	ssyncadd.s32 $0xFFFFF060  }
0x3b8: {  	_ =	swait.ge [sflag:s5], $0xFA0  }
0x3b9: {  	[sflag:s5] =	ssyncset.done $0x0  }
0x3ba: {  	[sflag:s5] =	ssyncadd.s32 $0xFFFFF060  }
0x3bb: {  	_ =	swait.ge [sflag:s5], $0xFA0  }
0x3bc: {  	s12 =	sld [smem:$0x7D1]  }
0x3bd: {  	[sflag:s5] =	ssyncset.done $0x0  }
0x3be: {  	s13 =	sld [smem:$0x7D2];
	[sflag:s5] =	ssyncadd.s32 $0xFFFFF060  }
0x3bf: {  	[tilespmem:s0], [sflag:$0x2] =	stream.linear.gather [hbm4b:s12+s7], $0xFA0, $0x38;
	[tilespmem:$0x1E280] =	vst v63  }
0x3c0: {  	s14 =	sld [smem:$0x7D3]  }
0x3c1: {  	[tilespmem:s2], [sflag:$0x2] =	stream.linear.gather [hbm4b:s13+s7], $0xFA0, $0x38;
	[tilespmem:$0x1E280] =	vst v63  }
0x3c2: {  	_ = 	snop  }
0x3c3: {  	[tilespmem:s3], [sflag:$0x2] =	stream.linear.gather [hbm4b:s14+s7], $0xFA0, $0x38;
	[tilespmem:$0x1E280] =	vst v63  }
0x3c4: {  	_ =	swait.ge [sflag:s4], $0xFA0  }
0x3c5: {  	[sflag:s4] =	ssyncset.done $0x0  }
0x3c6: {  	[sflag:s4] =	ssyncadd.s32 $0xFFFFF060  }
0x3c7: {  	_ =	swait.ge [sflag:s4], $0xFA0  }
0x3c8: {  	[sflag:s4] =	ssyncset.done $0x0  }
0x3c9: {  	[sflag:s4] =	ssyncadd.s32 $0xFFFFF060  }
0x3ca: {  	_ =	swait.ge [sflag:s4], $0xFA0  }
0x3cb: {  	s15 =	sld [smem:$0x7D4]  }
0x3cc: {  	[sflag:s4] =	ssyncset.done $0x0  }
0x3cd: {  	s16 =	sld [smem:$0x7D5];
	[sflag:s4] =	ssyncadd.s32 $0xFFFFF060  }
0x3ce: {  	[tilespmem:s7], [sflag:$0x1] =	stream.linear.gather [hbm4b:s15+s7], $0xFA0, $0x38;
	[tilespmem:$0x1E280] =	vst v63  }
0x3cf: {  	s9 =	sld [smem:$0x7D6]  }
0x3d0: {  	[tilespmem:s22], [sflag:$0x1] =	stream.linear.gather [hbm4b:s16+s7], $0xFA0, $0x38;
	[tilespmem:$0x1E280] =	vst v63  }
0x3d1: {  	_ = 	snop  }
0x3d2: {  	[tilespmem:s23], [sflag:$0x1] =	stream.linear.gather [hbm4b:s9+s7], $0xFA0, $0x38;
	[tilespmem:$0x1E280] =	vst v63  }
0x3d3: {  	_ =	swait.ge [sflag:s5], $0xFA0  }
0x3d4: {  	[sflag:s5] =	ssyncset.done $0x0  }
0x3d5: {  	[sflag:s5] =	ssyncadd.s32 $0xFFFFF060  }
0x3d6: {  	_ =	swait.ge [sflag:s5], $0xFA0  }
0x3d7: {  	[sflag:s5] =	ssyncset.done $0x0  }
0x3d8: {  	[sflag:s5] =	ssyncadd.s32 $0xFFFFF060  }
0x3d9: {  	_ =	swait.ge [sflag:s5], $0xFA0  }
0x3da: {  	s10 =	sld [smem:$0x7D7]  }
0x3db: {  	[sflag:s5] =	ssyncset.done $0x0  }
0x3dc: {  	s11 =	sld [smem:$0x7D8];
	[sflag:s5] =	ssyncadd.s32 $0xFFFFF060  }
0x3dd: {  	[tilespmem:s0], [sflag:$0x2] =	stream.linear.gather [hbm4b:s10+s7], $0xFA0, $0x38;
	[tilespmem:$0x1E280] =	vst v63  }
0x3de: {  	s12 =	sld [smem:$0x7D9]  }
0x3df: {  	[tilespmem:s2], [sflag:$0x2] =	stream.linear.gather [hbm4b:s11+s7], $0xFA0, $0x38;
	[tilespmem:$0x1E280] =	vst v63  }
0x3e0: {  	_ = 	snop  }
0x3e1: {  	[tilespmem:s3], [sflag:$0x2] =	stream.linear.gather [hbm4b:s12+s7], $0xFA0, $0x38;
	[tilespmem:$0x1E280] =	vst v63  }
0x3e2: {  	_ =	swait.ge [sflag:s4], $0xFA0  }
0x3e3: {  	[sflag:s4] =	ssyncset.done $0x0  }
0x3e4: {  	[sflag:s4] =	ssyncadd.s32 $0xFFFFF060  }
0x3e5: {  	_ =	swait.ge [sflag:s4], $0xFA0  }
0x3e6: {  	[sflag:s4] =	ssyncset.done $0x0  }
0x3e7: {  	[sflag:s4] =	ssyncadd.s32 $0xFFFFF060  }
0x3e8: {  	_ =	swait.ge [sflag:s4], $0xFA0  }
0x3e9: {  	s13 =	sld [smem:$0x7DA]  }
0x3ea: {  	[sflag:s4] =	ssyncset.done $0x0  }
0x3eb: {  	s14 =	sld [smem:$0x7DB];
	[sflag:s4] =	ssyncadd.s32 $0xFFFFF060  }
0x3ec: {  	[tilespmem:s7], [sflag:$0x1] =	stream.linear.gather [hbm4b:s13+s7], $0xFA0, $0x38;
	[tilespmem:$0x1E280] =	vst v63  }
0x3ed: {  	s15 =	sld [smem:$0x7DC]  }
0x3ee: {  	[tilespmem:s22], [sflag:$0x1] =	stream.linear.gather [hbm4b:s14+s7], $0xFA0, $0x38;
	[tilespmem:$0x1E280] =	vst v63  }
0x3ef: {  	_ = 	snop  }
0x3f0: {  	[tilespmem:s23], [sflag:$0x1] =	stream.linear.gather [hbm4b:s15+s7], $0xFA0, $0x38;
	[tilespmem:$0x1E280] =	vst v63  }
0x3f1: {  	_ =	swait.ge [sflag:s5], $0xFA0  }
0x3f2: {  	[sflag:s5] =	ssyncset.done $0x0  }
0x3f3: {  	[sflag:s5] =	ssyncadd.s32 $0xFFFFF060  }
0x3f4: {  	_ =	swait.ge [sflag:s5], $0xFA0  }
0x3f5: {  	[sflag:s5] =	ssyncset.done $0x0  }
0x3f6: {  	[sflag:s5] =	ssyncadd.s32 $0xFFFFF060  }
0x3f7: {  	_ =	swait.ge [sflag:s5], $0xFA0  }
0x3f8: {  	s16 =	sld [smem:$0x7DD]  }
0x3f9: {  	[sflag:s5] =	ssyncset.done $0x0  }
0x3fa: {  	s9 =	sld [smem:$0x7DE];
	[sflag:s5] =	ssyncadd.s32 $0xFFFFF060  }
0x3fb: {  	[tilespmem:s0], [sflag:$0x2] =	stream.linear.gather [hbm4b:s16+s7], $0xFA0, $0x38;
	[tilespmem:$0x1E280] =	vst v63  }
0x3fc: {  	s10 =	sld [smem:$0x7DF]  }
0x3fd: {  	[tilespmem:s2], [sflag:$0x2] =	stream.linear.gather [hbm4b:s9+s7], $0xFA0, $0x38;
	[tilespmem:$0x1E280] =	vst v63  }
0x3fe: {  	_ = 	snop  }
0x3ff: {  	[tilespmem:s3], [sflag:$0x2] =	stream.linear.gather [hbm4b:s10+s7], $0xFA0, $0x38;
	[tilespmem:$0x1E280] =	vst v63  }
0x400: {  	_ =	swait.ge [sflag:s4], $0xFA0  }
0x401: {  	[sflag:s4] =	ssyncset.done $0x0  }
0x402: {  	[sflag:s4] =	ssyncadd.s32 $0xFFFFF060  }
0x403: {  	_ =	swait.ge [sflag:s4], $0xFA0  }
0x404: {  	[sflag:s4] =	ssyncset.done $0x0  }
0x405: {  	[sflag:s4] =	ssyncadd.s32 $0xFFFFF060  }
0x406: {  	_ =	swait.ge [sflag:s4], $0xFA0  }
0x407: {  	s11 =	sld [smem:$0x7E0]  }
0x408: {  	[sflag:s4] =	ssyncset.done $0x0  }
0x409: {  	s12 =	sld [smem:$0x7E1];
	[sflag:s4] =	ssyncadd.s32 $0xFFFFF060  }
0x40a: {  	[tilespmem:s7], [sflag:$0x1] =	stream.linear.gather [hbm4b:s11+s7], $0xFA0, $0x38;
	[tilespmem:$0x1E280] =	vst v63  }
0x40b: {  	s13 =	sld [smem:$0x7E2]  }
0x40c: {  	[tilespmem:s22], [sflag:$0x1] =	stream.linear.gather [hbm4b:s12+s7], $0xFA0, $0x38;
	[tilespmem:$0x1E280] =	vst v63  }
0x40d: {  	_ = 	snop  }
0x40e: {  	[tilespmem:s23], [sflag:$0x1] =	stream.linear.gather [hbm4b:s13+s7], $0xFA0, $0x38;
	[tilespmem:$0x1E280] =	vst v63  }
0x40f: {  	_ =	swait.ge [sflag:s5], $0xFA0  }
0x410: {  	[sflag:s5] =	ssyncset.done $0x0  }
0x411: {  	[sflag:s5] =	ssyncadd.s32 $0xFFFFF060  }
0x412: {  	_ =	swait.ge [sflag:s5], $0xFA0  }
0x413: {  	[sflag:s5] =	ssyncset.done $0x0  }
0x414: {  	[sflag:s5] =	ssyncadd.s32 $0xFFFFF060  }
0x415: {  	_ =	swait.ge [sflag:s5], $0xFA0  }
0x416: {  	s14 =	sld [smem:$0x7E3]  }
0x417: {  	[sflag:s5] =	ssyncset.done $0x0  }
0x418: {  	s15 =	sld [smem:$0x7E4];
	[sflag:s5] =	ssyncadd.s32 $0xFFFFF060  }
0x419: {  	[tilespmem:s0], [sflag:$0x2] =	stream.linear.gather [hbm4b:s14+s7], $0xFA0, $0x38;
	[tilespmem:$0x1E280] =	vst v63  }
0x41a: {  	s16 =	sld [smem:$0x7E5]  }
0x41b: {  	[tilespmem:s2], [sflag:$0x2] =	stream.linear.gather [hbm4b:s15+s7], $0xFA0, $0x38;
	[tilespmem:$0x1E280] =	vst v63  }
0x41c: {  	_ = 	snop  }
0x41d: {  	[tilespmem:s3], [sflag:$0x2] =	stream.linear.gather [hbm4b:s16+s7], $0xFA0, $0x38;
	[tilespmem:$0x1E280] =	vst v63  }
0x41e: {  	_ =	swait.ge [sflag:s4], $0xFA0  }
0x41f: {  	[sflag:s4] =	ssyncset.done $0x0  }
0x420: {  	[sflag:s4] =	ssyncadd.s32 $0xFFFFF060  }
0x421: {  	_ =	swait.ge [sflag:s4], $0xFA0  }
0x422: {  	[sflag:s4] =	ssyncset.done $0x0  }
0x423: {  	[sflag:s4] =	ssyncadd.s32 $0xFFFFF060  }
0x424: {  	_ =	swait.ge [sflag:s4], $0xFA0  }
0x425: {  	s9 =	sld [smem:$0x7E6]  }
0x426: {  	[sflag:s4] =	ssyncset.done $0x0  }
0x427: {  	s10 =	sld [smem:$0x7E7];
	[sflag:s4] =	ssyncadd.s32 $0xFFFFF060  }
0x428: {  	[tilespmem:s7], [sflag:$0x1] =	stream.linear.gather [hbm4b:s9+s7], $0xFA0, $0x38;
	[tilespmem:$0x1E280] =	vst v63  }
0x429: {  	s11 =	sld [smem:$0x7E8]  }
0x42a: {  	[tilespmem:s22], [sflag:$0x1] =	stream.linear.gather [hbm4b:s10+s7], $0xFA0, $0x38;
	[tilespmem:$0x1E280] =	vst v63  }
0x42b: {  	_ = 	snop  }
0x42c: {  	[tilespmem:s23], [sflag:$0x1] =	stream.linear.gather [hbm4b:s11+s7], $0xFA0, $0x38;
	[tilespmem:$0x1E280] =	vst v63  }
0x42d: {  	_ =	swait.ge [sflag:s5], $0xFA0  }
0x42e: {  	[sflag:s5] =	ssyncset.done $0x0  }
0x42f: {  	[sflag:s5] =	ssyncadd.s32 $0xFFFFF060  }
0x430: {  	_ =	swait.ge [sflag:s5], $0xFA0  }
0x431: {  	[sflag:s5] =	ssyncset.done $0x0  }
0x432: {  	[sflag:s5] =	ssyncadd.s32 $0xFFFFF060  }
0x433: {  	_ =	swait.ge [sflag:s5], $0xFA0  }
0x434: {  	s12 =	sld [smem:$0x7E9]  }
0x435: {  	[sflag:s5] =	ssyncset.done $0x0  }
0x436: {  	s13 =	sld [smem:$0x7EA];
	[sflag:s5] =	ssyncadd.s32 $0xFFFFF060  }
0x437: {  	[tilespmem:s0], [sflag:$0x2] =	stream.linear.gather [hbm4b:s12+s7], $0xFA0, $0x38;
	[tilespmem:$0x1E280] =	vst v63  }
0x438: {  	s14 =	sld [smem:$0x7EB]  }
0x439: {  	[tilespmem:s2], [sflag:$0x2] =	stream.linear.gather [hbm4b:s13+s7], $0xFA0, $0x38;
	[tilespmem:$0x1E280] =	vst v63  }
0x43a: {  	_ = 	snop  }
0x43b: {  	[tilespmem:s3], [sflag:$0x2] =	stream.linear.gather [hbm4b:s14+s7], $0xFA0, $0x38;
	[tilespmem:$0x1E280] =	vst v63  }
0x43c: {  	_ =	swait.ge [sflag:s4], $0xFA0  }
0x43d: {  	[sflag:s4] =	ssyncset.done $0x0  }
0x43e: {  	[sflag:s4] =	ssyncadd.s32 $0xFFFFF060  }
0x43f: {  	_ =	swait.ge [sflag:s4], $0xFA0  }
0x440: {  	[sflag:s4] =	ssyncset.done $0x0  }
0x441: {  	[sflag:s4] =	ssyncadd.s32 $0xFFFFF060  }
0x442: {  	_ =	swait.ge [sflag:s4], $0xFA0  }
0x443: {  	s15 =	sld [smem:$0x7EC]  }
0x444: {  	[sflag:s4] =	ssyncset.done $0x0  }
0x445: {  	s16 =	sld [smem:$0x7ED];
	[sflag:s4] =	ssyncadd.s32 $0xFFFFF060  }
0x446: {  	[tilespmem:s7], [sflag:$0x1] =	stream.linear.gather [hbm4b:s15+s7], $0xFA0, $0x38;
	[tilespmem:$0x1E280] =	vst v63  }
0x447: {  	s9 =	sld [smem:$0x7EE]  }
0x448: {  	[tilespmem:s22], [sflag:$0x1] =	stream.linear.gather [hbm4b:s16+s7], $0xFA0, $0x38;
	[tilespmem:$0x1E280] =	vst v63  }
0x449: {  	_ = 	snop  }
0x44a: {  	[tilespmem:s23], [sflag:$0x1] =	stream.linear.gather [hbm4b:s9+s7], $0xFA0, $0x38;
	[tilespmem:$0x1E280] =	vst v63  }
0x44b: {  	_ =	swait.ge [sflag:s5], $0xFA0  }
0x44c: {  	[sflag:s5] =	ssyncset.done $0x0  }
0x44d: {  	[sflag:s5] =	ssyncadd.s32 $0xFFFFF060  }
0x44e: {  	_ =	swait.ge [sflag:s5], $0xFA0  }
0x44f: {  	[sflag:s5] =	ssyncset.done $0x0  }
0x450: {  	[sflag:s5] =	ssyncadd.s32 $0xFFFFF060  }
0x451: {  	_ =	swait.ge [sflag:s5], $0xFA0  }
0x452: {  	s10 =	sld [smem:$0x7EF]  }
0x453: {  	[sflag:s5] =	ssyncset.done $0x0  }
0x454: {  	s11 =	sld [smem:$0x7F0];
	[sflag:s5] =	ssyncadd.s32 $0xFFFFF060  }
0x455: {  	[tilespmem:s0], [sflag:$0x2] =	stream.linear.gather [hbm4b:s10+s7], $0xFA0, $0x38;
	[tilespmem:$0x1E280] =	vst v63  }
0x456: {  	s12 =	sld [smem:$0x7F1]  }
0x457: {  	[tilespmem:s2], [sflag:$0x2] =	stream.linear.gather [hbm4b:s11+s7], $0xFA0, $0x38;
	[tilespmem:$0x1E280] =	vst v63  }
0x458: {  	_ = 	snop  }
0x459: {  	[tilespmem:s3], [sflag:$0x2] =	stream.linear.gather [hbm4b:s12+s7], $0xFA0, $0x38;
	[tilespmem:$0x1E280] =	vst v63  }
0x45a: {  	_ =	swait.ge [sflag:s4], $0xFA0  }
0x45b: {  	[sflag:s4] =	ssyncset.done $0x0  }
0x45c: {  	[sflag:s4] =	ssyncadd.s32 $0xFFFFF060  }
0x45d: {  	_ =	swait.ge [sflag:s4], $0xFA0  }
0x45e: {  	[sflag:s4] =	ssyncset.done $0x0  }
0x45f: {  	[sflag:s4] =	ssyncadd.s32 $0xFFFFF060  }
0x460: {  	_ =	swait.ge [sflag:s4], $0xFA0  }
0x461: {  	s13 =	sld [smem:$0x7F2]  }
0x462: {  	[sflag:s4] =	ssyncset.done $0x0  }
0x463: {  	s14 =	sld [smem:$0x7F3];
	[sflag:s4] =	ssyncadd.s32 $0xFFFFF060  }
0x464: {  	[tilespmem:s7], [sflag:$0x1] =	stream.linear.gather [hbm4b:s13+s7], $0xFA0, $0x38;
	[tilespmem:$0x1E280] =	vst v63  }
0x465: {  	s15 =	sld [smem:$0x7F4]  }
0x466: {  	[tilespmem:s22], [sflag:$0x1] =	stream.linear.gather [hbm4b:s14+s7], $0xFA0, $0x38;
	[tilespmem:$0x1E280] =	vst v63  }
0x467: {  	_ = 	snop  }
0x468: {  	[tilespmem:s23], [sflag:$0x1] =	stream.linear.gather [hbm4b:s15+s7], $0xFA0, $0x38;
	[tilespmem:$0x1E280] =	vst v63  }
0x469: {  	_ =	swait.ge [sflag:s5], $0xFA0  }
0x46a: {  	[sflag:s5] =	ssyncset.done $0x0  }
0x46b: {  	[sflag:s5] =	ssyncadd.s32 $0xFFFFF060  }
0x46c: {  	_ =	swait.ge [sflag:s5], $0xFA0  }
0x46d: {  	[sflag:s5] =	ssyncset.done $0x0  }
0x46e: {  	[sflag:s5] =	ssyncadd.s32 $0xFFFFF060  }
0x46f: {  	_ =	swait.ge [sflag:s5], $0xFA0  }
0x470: {  	s16 =	sld [smem:$0x7F5]  }
0x471: {  	[sflag:s5] =	ssyncset.done $0x0  }
0x472: {  	s9 =	sld [smem:$0x7F6];
	[sflag:s5] =	ssyncadd.s32 $0xFFFFF060  }
0x473: {  	[tilespmem:s0], [sflag:$0x2] =	stream.linear.gather [hbm4b:s16+s7], $0xFA0, $0x38;
	[tilespmem:$0x1E280] =	vst v63  }
0x474: {  	s10 =	sld [smem:$0x7F7]  }
0x475: {  	[tilespmem:s2], [sflag:$0x2] =	stream.linear.gather [hbm4b:s9+s7], $0xFA0, $0x38;
	[tilespmem:$0x1E280] =	vst v63  }
0x476: {  	_ = 	snop  }
0x477: {  	[tilespmem:s3], [sflag:$0x2] =	stream.linear.gather [hbm4b:s10+s7], $0xFA0, $0x38;
	[tilespmem:$0x1E280] =	vst v63  }
0x478: {  	_ =	swait.ge [sflag:s4], $0xFA0  }
0x479: {  	[sflag:s4] =	ssyncset.done $0x0  }
0x47a: {  	[sflag:s4] =	ssyncadd.s32 $0xFFFFF060  }
0x47b: {  	_ =	swait.ge [sflag:s4], $0xFA0  }
0x47c: {  	[sflag:s4] =	ssyncset.done $0x0  }
0x47d: {  	[sflag:s4] =	ssyncadd.s32 $0xFFFFF060  }
0x47e: {  	_ =	swait.ge [sflag:s4], $0xFA0  }
0x47f: {  	s11 =	sld [smem:$0x7FB]  }
0x480: {  	[sflag:s4] =	ssyncset.done $0x0  }
0x481: {  	s12 =	sld [smem:$0x7FC];
	[sflag:s4] =	ssyncadd.s32 $0xFFFFF060  }
0x482: {  	[tilespmem:s7], [sflag:$0x1] =	stream.linear.gather [hbm4b:s11+s7], $0xFA0, $0x38;
	[tilespmem:$0x1E280] =	vst v63  }
0x483: {  	s13 =	sld [smem:$0x7FD]  }
0x484: {  	[tilespmem:s22], [sflag:$0x1] =	stream.linear.gather [hbm4b:s12+s7], $0xFA0, $0x38;
	[tilespmem:$0x1E280] =	vst v63  }
0x485: {  	_ = 	snop  }
0x486: {  	[tilespmem:s23], [sflag:$0x1] =	stream.linear.gather [hbm4b:s13+s7], $0xFA0, $0x38;
	[tilespmem:$0x1E280] =	vst v63  }
0x487: {  	_ =	swait.ge [sflag:s5], $0xFA0  }
0x488: {  	[sflag:s5] =	ssyncset.done $0x0  }
0x489: {  	[sflag:s5] =	ssyncadd.s32 $0xFFFFF060  }
0x48a: {  	_ =	swait.ge [sflag:s5], $0xFA0  }
0x48b: {  	[sflag:s5] =	ssyncset.done $0x0  }
0x48c: {  	[sflag:s5] =	ssyncadd.s32 $0xFFFFF060  }
0x48d: {  	_ =	swait.ge [sflag:s5], $0xFA0  }
0x48e: {  	[sflag:s5] =	ssyncset.done $0x0  }
0x48f: {  	[sflag:s5] =	ssyncadd.s32 $0xFFFFF060  }
0x490: {  	_ =	swait.ge [sflag:s4], $0xFA0  }
0x491: {  	[sflag:s4] =	ssyncset.done $0x0  }
0x492: {  	[sflag:s4] =	ssyncadd.s32 $0xFFFFF060  }
0x493: {  	_ =	swait.ge [sflag:s4], $0xFA0  }
0x494: {  	[sflag:s4] =	ssyncset.done $0x0  }
0x495: {  	[sflag:s4] =	ssyncadd.s32 $0xFFFFF060  }
0x496: {  	_ =	swait.ge [sflag:s4], $0xFA0  }
0x497: {  	s14 =	sand.u32 $0x70, s7;
	s15 =	sand.u32 $0x1C00, s7;
	[sflag:s4] =	ssyncset.done $0x0  }
0x498: {  	s12 =	sor.u32 s14, s15;
	[sflag:s4] =	ssyncadd.s32 $0xFFFFF060  }
0x499: {  	v6 =	vld [tilespmem:s12+$0xB680]  }
0x49a: {  	v7 =	vld [tilespmem:s12+$0xB700];
	_ =	sdelay $0x1  }
0x49b: {  	v8 =	vld [tilespmem:s12+$0xB780];
	_ =	sdelay $0x1  }
0x49c: {  	v9 =	vld [tilespmem:s12+$0xB800]  }
0x49d: {  	v6 =	vadd.f32 v7, v6  }
0x49e: {  	v7 =	vld [tilespmem:s12+$0xB880]  }
0x49f: {  	v6 =	vadd.f32 v8, v6  }
0x4a0: {  	v8 =	vld [tilespmem:s12+$0xB900]  }
0x4a1: {  	v6 =	vadd.f32 v9, v6  }
0x4a2: {  	s7 =	sor.u32 s7, s7;
	v9 =	vld [tilespmem:s12+$0xB980]  }
0x4a3: {  	s10 =	sor.u32 $0x380, s7;
	v6 =	vadd.f32 v7, v6  }
0x4a4: {  	v7 =	vld [tilespmem:s10+$0xB680]  }
0x4a5: {  	v6 =	vadd.f32 v8, v6  }
0x4a6: {  	v8 =	vld [tilespmem:s12+$0xCA80]  }
0x4a7: {  	v6 =	vadd.f32 v9, v6  }
0x4a8: {  	v9 =	vld [tilespmem:s12+$0xCB00]  }
0x4a9: {  	v6 =	vadd.f32 v7, v6  }
0x4aa: {  	v7 =	vld [tilespmem:s12+$0xCB80]  }
0x4ab: {  	v10 =	vadd.f32 v8, v6  }
0x4ac: {  	s11 =	simm.s32 $0x80;
	s7 =	simm.s32 $0x10;
	v8 =	vld [tilespmem:s12+$0xCC00]  }
0x4ad: {  	s16 =	sand.u32 $0x1C00, s11;
	s15 =	simm.s32 $0x20;
	s9 =	sand.u32 $0x70, s7;
	v6 =	vld [tilespmem:s12+$0xCD00];
	v10 =	vadd.f32 v9, v10  }
0x4ae: {  	s14 =	simm.s32 $0x10;
	s8 =	smov.u32 s12;
	s13 =	sor.u32 s9, s16;
	v9 =	vld [tilespmem:s12+$0xCC80]  }
.LBB2_20:
0x4af: {  	p0 =	sne.s32 s15, $0x200;
	v11 =	vld [tilespmem:s13+$0xB680];
	v7 =	vadd.f32 v7, v10  }
0x4b0: {  	v10 =	vld [tilespmem:s13+$0xB700]  }
0x4b1: {  	v7 =	vadd.f32 v8, v7;
	v8 =	vld [tilespmem:s8+$0xCD80]  }
0x4b2: {  	v12 =	vld [tilespmem:s13+$0xB780]  }
0x4b3: {  	v7 =	vadd.f32 v9, v7;
	v9 =	vld [tilespmem:s8+$0xCE00]  }
0x4b4: {  	v13 =	vld [tilespmem:s13+$0xB800]  }
0x4b5: {  	v10 =	vadd.f32 v10, v11;
	v6 =	vadd.f32 v6, v7  }
0x4b6: {  	v7 =	vld [tilespmem:s13+$0xB880]  }
0x4b7: {  	v10 =	vadd.f32 v12, v10;
	v6 =	vadd.f32 v8, v6  }
0x4b8: {  	v8 =	vld [tilespmem:s13+$0xB900]  }
0x4b9: {  	v10 =	vadd.f32 v13, v10;
	v6 =	vadd.f32 v9, v6  }
0x4ba: {  	s16 =	sor.u32 s11, s14;
	s14 =	smov.u32 s15;
	v9 =	vld [tilespmem:s13+$0xB980]  }
0x4bb: {  	s16 =	sor.u32 $0x380, s16;
	v7 =	vadd.f32 v7, v10;
	[tilespmem:s8+$0x1CE80] =	vst v6;
	s8 =	smov.u32 s13  }
0x4bc: {  	v6 =	vld [tilespmem:s16+$0xB680]  }
0x4bd: {  	v7 =	vadd.f32 v8, v7  }
0x4be: {  	v8 =	vld [tilespmem:s8+$0xCA80]  }
0x4bf: {  	v7 =	vadd.f32 v9, v7  }
0x4c0: {  	v9 =	vld [tilespmem:s8+$0xCB00]  }
0x4c1: {  	v6 =	vadd.f32 v6, v7  }
.Ltmp15:
0x4c2: {  	v7 =	vld [tilespmem:s8+$0xCB80];
	(pc) =	sbr.rel @p0 .LBB2_20-.Ltmp15, $4  }
0x4c3: {  	v6 =	vadd.f32 v8, v6  }
0x4c4: {  	s11 =	sadd.s32 $0x80, s11;
	v8 =	vld [tilespmem:s8+$0xCC00]  }
0x4c5: {  	s13 =	sand.u32 $0x70, s15;
	s16 =	sand.u32 $0x1C00, s11;
	v10 =	vadd.f32 v9, v6;
	v6 =	vld [tilespmem:s8+$0xCD00]  }
0x4c6: {  	s15 =	sadd.s32 $0x10, s15;
	s13 =	sor.u32 s13, s16;
	v9 =	vld [tilespmem:s8+$0xCC80]  }
0x4c7: {  	v11 =	vld [tilespmem:s13+$0xB680];
	v7 =	vadd.f32 v7, v10  }
0x4c8: {  	v10 =	vld [tilespmem:s13+$0xB700]  }
0x4c9: {  	v12 =	vld [tilespmem:s13+$0xB780];
	v7 =	vadd.f32 v8, v7  }
0x4ca: {  	v8 =	vld [tilespmem:s8+$0xCD80]  }
0x4cb: {  	v13 =	vld [tilespmem:s13+$0xB800];
	v7 =	vadd.f32 v9, v7  }
0x4cc: {  	v9 =	vld [tilespmem:s8+$0xCE00]  }
0x4cd: {  	v10 =	vadd.f32 v10, v11;
	v6 =	vadd.f32 v6, v7  }
0x4ce: {  	v7 =	vld [tilespmem:s13+$0xB880]  }
0x4cf: {  	v10 =	vadd.f32 v12, v10;
	v6 =	vadd.f32 v8, v6  }
0x4d0: {  	v8 =	vld [tilespmem:s13+$0xB900]  }
0x4d1: {  	v10 =	vadd.f32 v13, v10;
	v6 =	vadd.f32 v9, v6  }
0x4d2: {  	s11 =	sor.u32 s11, s14;
	v9 =	vld [tilespmem:s13+$0xB980]  }
0x4d3: {  	s11 =	sor.u32 $0x380, s11;
	v7 =	vadd.f32 v7, v10;
	[tilespmem:s8+$0x1CE80] =	vst v6  }
0x4d4: {  	v6 =	vld [tilespmem:s11+$0xB680]  }
0x4d5: {  	v7 =	vadd.f32 v8, v7  }
0x4d6: {  	v8 =	vld [tilespmem:s13+$0xCA80]  }
0x4d7: {  	v7 =	vadd.f32 v9, v7  }
0x4d8: {  	v9 =	vld [tilespmem:s13+$0xCB00]  }
0x4d9: {  	v6 =	vadd.f32 v6, v7  }
0x4da: {  	v7 =	vld [tilespmem:s13+$0xCB80]  }
0x4db: {  	v6 =	vadd.f32 v8, v6  }
0x4dc: {  	v8 =	vld [tilespmem:s13+$0xCC00]  }
0x4dd: {  	v6 =	vadd.f32 v9, v6  }
0x4de: {  	v9 =	vld [tilespmem:s13+$0xCC80]  }
0x4df: {  	v6 =	vadd.f32 v7, v6  }
0x4e0: {  	v7 =	vld [tilespmem:s13+$0xCD00]  }
0x4e1: {  	v6 =	vadd.f32 v8, v6  }
0x4e2: {  	v8 =	vld [tilespmem:s13+$0xCD80]  }
0x4e3: {  	v6 =	vadd.f32 v9, v6  }
0x4e4: {  	v9 =	vld [tilespmem:s13+$0xCE00]  }
0x4e5: {  	v6 =	vadd.f32 v7, v6;
	_ =	sdelay $0x1  }
0x4e6: {  	v6 =	vadd.f32 v8, v6;
	_ =	sdelay $0x1  }
0x4e7: {  	v6 =	vadd.f32 v9, v6;
	_ =	sdelay $0x1  }
0x4e8: {  	[tilespmem:s13+$0x1CE80] =	vst v6  }
0x4e9: {  	v6 =	vld [tilespmem:s12+$0xDE80]  }
0x4ea: {  	v7 =	vld [tilespmem:s12+$0xDF00];
	_ =	sdelay $0x1  }
0x4eb: {  	v8 =	vld [tilespmem:s12+$0xDF80];
	_ =	sdelay $0x1  }
0x4ec: {  	v9 =	vld [tilespmem:s12+$0xE000]  }
0x4ed: {  	v6 =	vadd.f32 v7, v6  }
0x4ee: {  	v7 =	vld [tilespmem:s12+$0xE080]  }
0x4ef: {  	v6 =	vadd.f32 v8, v6  }
0x4f0: {  	v8 =	vld [tilespmem:s12+$0xE100]  }
0x4f1: {  	v6 =	vadd.f32 v9, v6  }
0x4f2: {  	v9 =	vld [tilespmem:s12+$0xE180]  }
0x4f3: {  	v6 =	vadd.f32 v7, v6  }
0x4f4: {  	v7 =	vld [tilespmem:s10+$0xDE80]  }
0x4f5: {  	v6 =	vadd.f32 v8, v6  }
0x4f6: {  	v8 =	vld [tilespmem:s12+$0xF280]  }
0x4f7: {  	v6 =	vadd.f32 v9, v6  }
0x4f8: {  	v9 =	vld [tilespmem:s12+$0xF300]  }
0x4f9: {  	v6 =	vadd.f32 v7, v6  }
0x4fa: {  	v7 =	vld [tilespmem:s12+$0xF380]  }
0x4fb: {  	v10 =	vadd.f32 v8, v6  }
0x4fc: {  	s10 =	simm.s32 $0x80;
	v8 =	vld [tilespmem:s12+$0xF400]  }
0x4fd: {  	s16 =	sand.u32 $0x1C00, s10;
	v6 =	vld [tilespmem:s12+$0xF500];
	v10 =	vadd.f32 v9, v10  }
0x4fe: {  	s8 =	sor.u32 s9, s16;
	s9 =	simm.s32 $0x20;
	v9 =	vld [tilespmem:s12+$0xF480]  }
.LBB2_22:
0x4ff: {  	p0 =	sne.s32 s9, $0x200;
	v11 =	vld [tilespmem:s8+$0xDE80];
	v7 =	vadd.f32 v7, v10  }
0x500: {  	v10 =	vld [tilespmem:s8+$0xDF00]  }
0x501: {  	v7 =	vadd.f32 v8, v7;
	v8 =	vld [tilespmem:s12+$0xF580]  }
0x502: {  	v12 =	vld [tilespmem:s8+$0xDF80]  }
0x503: {  	v7 =	vadd.f32 v9, v7;
	v9 =	vld [tilespmem:s12+$0xF600]  }
0x504: {  	v13 =	vld [tilespmem:s8+$0xE000]  }
0x505: {  	v10 =	vadd.f32 v10, v11;
	v6 =	vadd.f32 v6, v7  }
0x506: {  	v7 =	vld [tilespmem:s8+$0xE080]  }
0x507: {  	v10 =	vadd.f32 v12, v10;
	v6 =	vadd.f32 v8, v6  }
0x508: {  	v8 =	vld [tilespmem:s8+$0xE100]  }
0x509: {  	v10 =	vadd.f32 v13, v10;
	v6 =	vadd.f32 v9, v6  }
0x50a: {  	s11 =	sor.u32 s10, s7;
	s7 =	smov.u32 s9;
	v9 =	vld [tilespmem:s8+$0xE180]  }
0x50b: {  	s11 =	sor.u32 $0x380, s11;
	v7 =	vadd.f32 v7, v10;
	[tilespmem:s12+$0x1CF00] =	vst v6;
	s12 =	smov.u32 s8  }
0x50c: {  	v6 =	vld [tilespmem:s11+$0xDE80]  }
0x50d: {  	v7 =	vadd.f32 v8, v7  }
0x50e: {  	v8 =	vld [tilespmem:s12+$0xF280]  }
0x50f: {  	v7 =	vadd.f32 v9, v7  }
0x510: {  	v9 =	vld [tilespmem:s12+$0xF300]  }
0x511: {  	v6 =	vadd.f32 v6, v7  }
.Ltmp16:
0x512: {  	v7 =	vld [tilespmem:s12+$0xF380];
	(pc) =	sbr.rel @p0 .LBB2_22-.Ltmp16, $4  }
0x513: {  	v6 =	vadd.f32 v8, v6  }
0x514: {  	s10 =	sadd.s32 $0x80, s10;
	v8 =	vld [tilespmem:s12+$0xF400]  }
0x515: {  	s8 =	sand.u32 $0x70, s9;
	s11 =	sand.u32 $0x1C00, s10;
	v10 =	vadd.f32 v9, v6;
	v6 =	vld [tilespmem:s12+$0xF500]  }
0x516: {  	s9 =	sadd.s32 $0x10, s9;
	s8 =	sor.u32 s8, s11;
	v9 =	vld [tilespmem:s12+$0xF480]  }
0x517: {  	v11 =	vld [tilespmem:s8+$0xDE80];
	v7 =	vadd.f32 v7, v10  }
0x518: {  	v53 =	vld [tilespmem:s8+$0xDF00]  }
0x519: {  	v12 =	vld [tilespmem:s8+$0xDF80];
	v7 =	vadd.f32 v8, v7  }
0x51a: {  	v8 =	vld [tilespmem:s12+$0xF580]  }
0x51b: {  	v54 =	vld [tilespmem:s12+$0xF600];
	v7 =	vadd.f32 v9, v7  }
0x51c: {  	v13 =	vld [tilespmem:s8+$0xE000]  }
0x51d: {  	v10 =	vadd.f32 v53, v11;
	v6 =	vadd.f32 v6, v7  }
0x51e: {  	v7 =	vld [tilespmem:s8+$0xE080]  }
0x51f: {  	v10 =	vadd.f32 v12, v10;
	v6 =	vadd.f32 v8, v6  }
0x520: {  	v8 =	vld [tilespmem:s8+$0xE100]  }
0x521: {  	v10 =	vadd.f32 v13, v10;
	v6 =	vadd.f32 v54, v6  }
0x522: {  	v55 =	vld [tilespmem:s8+$0xE180];
	s7 =	sor.u32 s10, s7  }
0x523: {  	s7 =	sor.u32 $0x380, s7;
	v7 =	vadd.f32 v7, v10;
	[tilespmem:s12+$0x1CF00] =	vst v6  }
0x524: {  	v6 =	vld [tilespmem:s7+$0xDE80]  }
0x525: {  	v7 =	vadd.f32 v8, v7  }
0x526: {  	v8 =	vld [tilespmem:s8+$0xF280]  }
0x527: {  	v7 =	vadd.f32 v55, v7  }
0x528: {  	v56 =	vld [tilespmem:s8+$0xF300]  }
0x529: {  	v6 =	vadd.f32 v6, v7  }
0x52a: {  	v7 =	vld [tilespmem:s8+$0xF380]  }
0x52b: {  	v6 =	vadd.f32 v8, v6  }
0x52c: {  	v8 =	vld [tilespmem:s8+$0xF400]  }
0x52d: {  	v6 =	vadd.f32 v56, v6  }
0x52e: {  	v57 =	vld [tilespmem:s8+$0xF480]  }
0x52f: {  	v6 =	vadd.f32 v7, v6  }
0x530: {  	v7 =	vld [tilespmem:s8+$0xF500]  }
0x531: {  	v6 =	vadd.f32 v8, v6  }
0x532: {  	v8 =	vld [tilespmem:s8+$0xF580]  }
0x533: {  	v6 =	vadd.f32 v57, v6  }
0x534: {  	v58 =	vld [tilespmem:s8+$0xF600]  }
0x535: {  	v6 =	vadd.f32 v7, v6;
	_ =	sdelay $0x1  }
0x536: {  	v6 =	vadd.f32 v8, v6;
	_ =	sdelay $0x1  }
0x537: {  	s9 =	simm.s32 $0x0;
	v6 =	vadd.f32 v58, v6  }
0x538: {  	s13 =	sand.u32 $0x70, s9;
	s14 =	sand.u32 $0x1C00, s9  }
0x539: {  	s7 =	sor.u32 s13, s14;
	[tilespmem:s8+$0x1CF00] =	vst v6  }
0x53a: {  	s15 =	sadd.s32 $0x10680, s7;
	v6 =	vld [tilespmem:s7+$0x10680]  }
0x53b: {  	v7 =	vld [tilespmem:s15+$0x80];
	_ =	sdelay $0x1  }
0x53c: {  	v8 =	vld [tilespmem:s7+$0x10780];
	_ =	sdelay $0x1  }
0x53d: {  	v59 =	vld [tilespmem:s15+$0x180]  }
0x53e: {  	v6 =	vadd.f32 v7, v6  }
0x53f: {  	v7 =	vld [tilespmem:s15+$0x200]  }
0x540: {  	v6 =	vadd.f32 v8, v6  }
0x541: {  	v8 =	vld [tilespmem:s15+$0x280]  }
0x542: {  	v6 =	vadd.f32 v59, v6  }
0x543: {  	s16 =	sor.u32 s9, s9;
	v60 =	vld [tilespmem:s15+$0x300]  }
0x544: {  	s9 =	sor.u32 $0x380, s16;
	v6 =	vadd.f32 v7, v6  }
0x545: {  	v7 =	vld [tilespmem:s9+$0x10680]  }
0x546: {  	v6 =	vadd.f32 v8, v6  }
0x547: {  	v8 =	vld [tilespmem:s7+$0x11A80]  }
0x548: {  	v6 =	vadd.f32 v60, v6  }
0x549: {  	v61 =	vld [tilespmem:s7+$0x11B00]  }
0x54a: {  	v6 =	vadd.f32 v7, v6  }
0x54b: {  	v7 =	vld [tilespmem:s7+$0x11B80]  }
0x54c: {  	v6 =	vadd.f32 v8, v6  }
0x54d: {  	v8 =	vld [tilespmem:s7+$0x11C00]  }
0x54e: {  	v6 =	vadd.f32 v61, v6  }
0x54f: {  	v62 =	vld [tilespmem:s7+$0x11C80]  }
0x550: {  	v6 =	vadd.f32 v7, v6  }
0x551: {  	v7 =	vld [tilespmem:s7+$0x11D00]  }
0x552: {  	v6 =	vadd.f32 v8, v6  }
0x553: {  	v8 =	vld [tilespmem:s7+$0x11D80]  }
0x554: {  	v6 =	vadd.f32 v62, v6  }
0x555: {  	v63 =	vld [tilespmem:s7+$0x11E00]  }
0x556: {  	v6 =	vadd.f32 v7, v6;
	_ =	sdelay $0x1  }
0x557: {  	s10 =	simm.s32 $0x80;
	v6 =	vadd.f32 v8, v6  }
0x558: {  	s11 =	simm.s32 $0x10;
	s13 =	simm.s32 $0x20;
	s8 =	simm.s32 $0x10  }
0x559: {  	s12 =	smov.u32 s7;
	s14 =	sand.u32 $0x70, s8;
	s15 =	sand.u32 $0x1C00, s10;
	v6 =	vadd.f32 v63, v6  }
.LBB2_24:
0x55a: {  	p0 =	sne.s32 s13, $0x200;
	s14 =	sor.u32 s14, s15  }
0x55b: {  	s15 =	sadd.s32 $0x10680, s14;
	v7 =	vld [tilespmem:s14+$0x10680];
	[tilespmem:s12+$0x1CF80] =	vst v6;
	s12 =	smov.u32 s14  }
0x55c: {  	v6 =	vld [tilespmem:s15+$0x80];
	_ =	sdelay $0x1  }
0x55d: {  	v8 =	vld [tilespmem:s12+$0x10780];
	_ =	sdelay $0x1  }
0x55e: {  	v9 =	vld [tilespmem:s15+$0x180]  }
0x55f: {  	v6 =	vadd.f32 v6, v7  }
0x560: {  	v7 =	vld [tilespmem:s15+$0x200]  }
0x561: {  	v6 =	vadd.f32 v8, v6  }
0x562: {  	v8 =	vld [tilespmem:s15+$0x280]  }
0x563: {  	v6 =	vadd.f32 v9, v6  }
0x564: {  	s14 =	sor.u32 s10, s11;
	s11 =	smov.u32 s13;
	v9 =	vld [tilespmem:s15+$0x300]  }
0x565: {  	s14 =	sor.u32 $0x380, s14;
	v6 =	vadd.f32 v7, v6  }
0x566: {  	v7 =	vld [tilespmem:s14+$0x10680]  }
0x567: {  	v6 =	vadd.f32 v8, v6  }
0x568: {  	v8 =	vld [tilespmem:s12+$0x11A80]  }
0x569: {  	v6 =	vadd.f32 v9, v6  }
0x56a: {  	v9 =	vld [tilespmem:s12+$0x11B00]  }
0x56b: {  	v6 =	vadd.f32 v7, v6  }
0x56c: {  	v7 =	vld [tilespmem:s12+$0x11B80]  }
0x56d: {  	v6 =	vadd.f32 v8, v6  }
0x56e: {  	v8 =	vld [tilespmem:s12+$0x11C00]  }
0x56f: {  	v6 =	vadd.f32 v9, v6  }
0x570: {  	v9 =	vld [tilespmem:s12+$0x11C80]  }
0x571: {  	v6 =	vadd.f32 v7, v6  }
0x572: {  	v7 =	vld [tilespmem:s12+$0x11D00]  }
0x573: {  	v6 =	vadd.f32 v8, v6  }
0x574: {  	v8 =	vld [tilespmem:s12+$0x11D80]  }
0x575: {  	v6 =	vadd.f32 v9, v6  }
0x576: {  	v9 =	vld [tilespmem:s12+$0x11E00]  }
.Ltmp17:
0x577: {  	v6 =	vadd.f32 v7, v6;
	(pc) =	sbr.rel @p0 .LBB2_24-.Ltmp17, $4  }
0x578: {  	_ = 	snop  }
0x579: {  	v6 =	vadd.f32 v8, v6  }
0x57a: {  	s10 =	sadd.s32 $0x80, s10  }
0x57b: {  	s13 =	sadd.s32 $0x10, s13;
	s15 =	sand.u32 $0x1C00, s10;
	s14 =	sand.u32 $0x70, s11;
	v6 =	vadd.f32 v9, v6  }
0x57c: {  	s13 =	sor.u32 s14, s15  }
0x57d: {  	v7 =	vld [tilespmem:s13+$0x10680];
	s14 =	sadd.s32 $0x10680, s13;
	[tilespmem:s12+$0x1CF80] =	vst v6  }
0x57e: {  	v6 =	vld [tilespmem:s14+$0x80];
	_ =	sdelay $0x1  }
0x57f: {  	v8 =	vld [tilespmem:s13+$0x10780];
	_ =	sdelay $0x1  }
0x580: {  	v9 =	vld [tilespmem:s14+$0x180]  }
0x581: {  	v6 =	vadd.f32 v6, v7  }
0x582: {  	v7 =	vld [tilespmem:s14+$0x200]  }
0x583: {  	v6 =	vadd.f32 v8, v6  }
0x584: {  	v8 =	vld [tilespmem:s14+$0x280]  }
0x585: {  	v6 =	vadd.f32 v9, v6  }
0x586: {  	s10 =	sor.u32 s10, s11;
	v55 =	vld [tilespmem:s14+$0x300]  }
0x587: {  	s10 =	sor.u32 $0x380, s10;
	v6 =	vadd.f32 v7, v6  }
0x588: {  	v7 =	vld [tilespmem:s10+$0x10680]  }
0x589: {  	v6 =	vadd.f32 v8, v6  }
0x58a: {  	v8 =	vld [tilespmem:s13+$0x11A80]  }
0x58b: {  	v6 =	vadd.f32 v55, v6  }
0x58c: {  	v56 =	vld [tilespmem:s13+$0x11B00]  }
0x58d: {  	v6 =	vadd.f32 v7, v6  }
0x58e: {  	v7 =	vld [tilespmem:s13+$0x11B80]  }
0x58f: {  	v6 =	vadd.f32 v8, v6  }
0x590: {  	v8 =	vld [tilespmem:s13+$0x11C00]  }
0x591: {  	v6 =	vadd.f32 v56, v6  }
0x592: {  	v57 =	vld [tilespmem:s13+$0x11C80]  }
0x593: {  	v6 =	vadd.f32 v7, v6  }
0x594: {  	v7 =	vld [tilespmem:s13+$0x11D00]  }
0x595: {  	v6 =	vadd.f32 v8, v6  }
0x596: {  	v8 =	vld [tilespmem:s13+$0x11D80]  }
0x597: {  	v6 =	vadd.f32 v57, v6  }
0x598: {  	v58 =	vld [tilespmem:s13+$0x11E00]  }
0x599: {  	v6 =	vadd.f32 v7, v6;
	_ =	sdelay $0x1  }
0x59a: {  	v6 =	vadd.f32 v8, v6;
	_ =	sdelay $0x1  }
0x59b: {  	v6 =	vadd.f32 v58, v6;
	_ =	sdelay $0x1  }
0x59c: {  	[tilespmem:s13+$0x1CF80] =	vst v6  }
0x59d: {  	s16 =	sadd.s32 $0x12E80, s7;
	v6 =	vld [tilespmem:s7+$0x12E80]  }
0x59e: {  	v7 =	vld [tilespmem:s16+$0x80];
	_ =	sdelay $0x1  }
0x59f: {  	v8 =	vld [tilespmem:s16+$0x100];
	_ =	sdelay $0x1  }
0x5a0: {  	v59 =	vld [tilespmem:s7+$0x13000]  }
0x5a1: {  	v6 =	vadd.f32 v7, v6  }
0x5a2: {  	v7 =	vld [tilespmem:s16+$0x200]  }
0x5a3: {  	v6 =	vadd.f32 v8, v6  }
0x5a4: {  	v8 =	vld [tilespmem:s16+$0x280]  }
0x5a5: {  	v6 =	vadd.f32 v59, v6  }
0x5a6: {  	v60 =	vld [tilespmem:s16+$0x300]  }
0x5a7: {  	v6 =	vadd.f32 v7, v6  }
0x5a8: {  	v7 =	vld [tilespmem:s9+$0x12E80]  }
0x5a9: {  	v6 =	vadd.f32 v8, v6  }
0x5aa: {  	v8 =	vld [tilespmem:s7+$0x14280]  }
0x5ab: {  	v6 =	vadd.f32 v60, v6  }
0x5ac: {  	v61 =	vld [tilespmem:s7+$0x14300]  }
0x5ad: {  	v6 =	vadd.f32 v7, v6  }
0x5ae: {  	v7 =	vld [tilespmem:s7+$0x14380]  }
0x5af: {  	v6 =	vadd.f32 v8, v6  }
0x5b0: {  	v8 =	vld [tilespmem:s7+$0x14400]  }
0x5b1: {  	v6 =	vadd.f32 v61, v6  }
0x5b2: {  	v62 =	vld [tilespmem:s7+$0x14480]  }
0x5b3: {  	v6 =	vadd.f32 v7, v6  }
0x5b4: {  	v7 =	vld [tilespmem:s7+$0x14500]  }
0x5b5: {  	v6 =	vadd.f32 v8, v6  }
0x5b6: {  	v8 =	vld [tilespmem:s7+$0x14580]  }
0x5b7: {  	v6 =	vadd.f32 v62, v6  }
0x5b8: {  	v63 =	vld [tilespmem:s7+$0x14600]  }
0x5b9: {  	v6 =	vadd.f32 v7, v6;
	_ =	sdelay $0x1  }
0x5ba: {  	v6 =	vadd.f32 v8, v6  }
0x5bb: {  	s9 =	simm.s32 $0x80  }
0x5bc: {  	s11 =	sand.u32 $0x70, s8;
	s10 =	simm.s32 $0x20;
	s12 =	sand.u32 $0x1C00, s9;
	v6 =	vadd.f32 v63, v6  }
.LBB2_26:
0x5bd: {  	p0 =	sne.s32 s10, $0x200;
	s11 =	sor.u32 s11, s12  }
0x5be: {  	s12 =	sadd.s32 $0x12E80, s11;
	v7 =	vld [tilespmem:s11+$0x12E80];
	[tilespmem:s7+$0x1D000] =	vst v6;
	s7 =	smov.u32 s11  }
0x5bf: {  	v6 =	vld [tilespmem:s12+$0x80];
	_ =	sdelay $0x1  }
0x5c0: {  	v8 =	vld [tilespmem:s12+$0x100];
	_ =	sdelay $0x1  }
0x5c1: {  	v9 =	vld [tilespmem:s7+$0x13000]  }
0x5c2: {  	v6 =	vadd.f32 v6, v7  }
0x5c3: {  	v7 =	vld [tilespmem:s12+$0x200]  }
0x5c4: {  	v6 =	vadd.f32 v8, v6  }
0x5c5: {  	v8 =	vld [tilespmem:s12+$0x280]  }
0x5c6: {  	v6 =	vadd.f32 v9, v6  }
0x5c7: {  	s11 =	sor.u32 s9, s8;
	s8 =	smov.u32 s10;
	v9 =	vld [tilespmem:s12+$0x300]  }
0x5c8: {  	s11 =	sor.u32 $0x380, s11;
	v6 =	vadd.f32 v7, v6  }
0x5c9: {  	v7 =	vld [tilespmem:s11+$0x12E80]  }
0x5ca: {  	v6 =	vadd.f32 v8, v6  }
0x5cb: {  	v8 =	vld [tilespmem:s7+$0x14280]  }
0x5cc: {  	v6 =	vadd.f32 v9, v6  }
0x5cd: {  	v9 =	vld [tilespmem:s7+$0x14300]  }
0x5ce: {  	v6 =	vadd.f32 v7, v6  }
0x5cf: {  	v7 =	vld [tilespmem:s7+$0x14380]  }
0x5d0: {  	v6 =	vadd.f32 v8, v6  }
0x5d1: {  	v8 =	vld [tilespmem:s7+$0x14400]  }
0x5d2: {  	v6 =	vadd.f32 v9, v6  }
0x5d3: {  	v9 =	vld [tilespmem:s7+$0x14480]  }
0x5d4: {  	v6 =	vadd.f32 v7, v6  }
0x5d5: {  	v7 =	vld [tilespmem:s7+$0x14500]  }
0x5d6: {  	v6 =	vadd.f32 v8, v6  }
0x5d7: {  	v8 =	vld [tilespmem:s7+$0x14580]  }
0x5d8: {  	v6 =	vadd.f32 v9, v6  }
0x5d9: {  	v9 =	vld [tilespmem:s7+$0x14600]  }
.Ltmp18:
0x5da: {  	v6 =	vadd.f32 v7, v6;
	(pc) =	sbr.rel @p0 .LBB2_26-.Ltmp18, $4  }
0x5db: {  	_ = 	snop  }
0x5dc: {  	v6 =	vadd.f32 v8, v6  }
0x5dd: {  	s9 =	sadd.s32 $0x80, s9  }
0x5de: {  	s10 =	sadd.s32 $0x10, s10;
	s12 =	sand.u32 $0x1C00, s9;
	s11 =	sand.u32 $0x70, s8;
	v6 =	vadd.f32 v9, v6  }
0x5df: {  	s10 =	sor.u32 s11, s12  }
0x5e0: {  	v7 =	vld [tilespmem:s10+$0x12E80];
	s11 =	sadd.s32 $0x12E80, s10;
	[tilespmem:s7+$0x1D000] =	vst v6  }
0x5e1: {  	v6 =	vld [tilespmem:s11+$0x80];
	_ =	sdelay $0x1  }
0x5e2: {  	v8 =	vld [tilespmem:s11+$0x100];
	_ =	sdelay $0x1  }
0x5e3: {  	v9 =	vld [tilespmem:s10+$0x13000]  }
0x5e4: {  	v6 =	vadd.f32 v6, v7  }
0x5e5: {  	v7 =	vld [tilespmem:s11+$0x200]  }
0x5e6: {  	v6 =	vadd.f32 v8, v6  }
0x5e7: {  	v8 =	vld [tilespmem:s11+$0x280]  }
0x5e8: {  	v6 =	vadd.f32 v9, v6  }
0x5e9: {  	s13 =	sor.u32 s9, s8;
	v55 =	vld [tilespmem:s11+$0x300]  }
0x5ea: {  	s7 =	sor.u32 $0x380, s13;
	v6 =	vadd.f32 v7, v6  }
0x5eb: {  	v7 =	vld [tilespmem:s7+$0x12E80]  }
0x5ec: {  	v6 =	vadd.f32 v8, v6  }
0x5ed: {  	v8 =	vld [tilespmem:s10+$0x14280]  }
0x5ee: {  	v6 =	vadd.f32 v55, v6  }
0x5ef: {  	v56 =	vld [tilespmem:s10+$0x14300]  }
0x5f0: {  	v6 =	vadd.f32 v7, v6  }
0x5f1: {  	v7 =	vld [tilespmem:s10+$0x14380]  }
0x5f2: {  	v6 =	vadd.f32 v8, v6  }
0x5f3: {  	v8 =	vld [tilespmem:s10+$0x14400]  }
0x5f4: {  	v6 =	vadd.f32 v56, v6  }
0x5f5: {  	v57 =	vld [tilespmem:s10+$0x14480]  }
0x5f6: {  	v6 =	vadd.f32 v7, v6  }
0x5f7: {  	v7 =	vld [tilespmem:s10+$0x14500]  }
0x5f8: {  	v6 =	vadd.f32 v8, v6  }
0x5f9: {  	v8 =	vld [tilespmem:s10+$0x14580]  }
0x5fa: {  	v6 =	vadd.f32 v57, v6  }
0x5fb: {  	v58 =	vld [tilespmem:s10+$0x14600]  }
0x5fc: {  	v6 =	vadd.f32 v7, v6;
	_ =	sdelay $0x1  }
0x5fd: {  	v6 =	vadd.f32 v8, v6;
	_ =	sdelay $0x1  }
0x5fe: {  	s14 =	simm.s32 $0x0;
	v6 =	vadd.f32 v58, v6  }
0x5ff: {  	s15 =	sand.u32 $0x70, s14;
	s16 =	sand.u32 $0x1C00, s14  }
0x600: {  	s7 =	sor.u32 s15, s16;
	[tilespmem:s10+$0x1D000] =	vst v6  }
0x601: {  	s9 =	sadd.s32 $0x15680, s7;
	v6 =	vld [tilespmem:s7+$0x15680]  }
0x602: {  	v7 =	vld [tilespmem:s9+$0x80];
	_ =	sdelay $0x1  }
0x603: {  	v8 =	vld [tilespmem:s9+$0x100];
	_ =	sdelay $0x1  }
0x604: {  	v59 =	vld [tilespmem:s9+$0x180]  }
0x605: {  	v6 =	vadd.f32 v7, v6  }
0x606: {  	v7 =	vld [tilespmem:s7+$0x15880]  }
0x607: {  	v6 =	vadd.f32 v8, v6  }
0x608: {  	v8 =	vld [tilespmem:s9+$0x280]  }
0x609: {  	v6 =	vadd.f32 v59, v6  }
0x60a: {  	s8 =	sor.u32 s14, s14;
	v60 =	vld [tilespmem:s9+$0x300]  }
0x60b: {  	s9 =	sor.u32 $0x380, s8;
	v6 =	vadd.f32 v7, v6  }
0x60c: {  	v7 =	vld [tilespmem:s9+$0x15680]  }
0x60d: {  	v6 =	vadd.f32 v8, v6  }
0x60e: {  	v8 =	vld [tilespmem:s7+$0x16A80]  }
0x60f: {  	v6 =	vadd.f32 v60, v6  }
0x610: {  	v61 =	vld [tilespmem:s7+$0x16B00]  }
0x611: {  	v6 =	vadd.f32 v7, v6  }
0x612: {  	v7 =	vld [tilespmem:s7+$0x16B80]  }
0x613: {  	v6 =	vadd.f32 v8, v6  }
0x614: {  	v8 =	vld [tilespmem:s7+$0x16C00]  }
0x615: {  	v6 =	vadd.f32 v61, v6  }
0x616: {  	v62 =	vld [tilespmem:s7+$0x16C80]  }
0x617: {  	v6 =	vadd.f32 v7, v6  }
0x618: {  	v7 =	vld [tilespmem:s7+$0x16D00]  }
0x619: {  	v6 =	vadd.f32 v8, v6  }
0x61a: {  	v8 =	vld [tilespmem:s7+$0x16D80]  }
0x61b: {  	v6 =	vadd.f32 v62, v6  }
0x61c: {  	v63 =	vld [tilespmem:s7+$0x16E00]  }
0x61d: {  	v6 =	vadd.f32 v7, v6;
	_ =	sdelay $0x1  }
0x61e: {  	s13 =	simm.s32 $0x20;
	v6 =	vadd.f32 v8, v6  }
0x61f: {  	s11 =	simm.s32 $0x10;
	s10 =	simm.s32 $0x80;
	s8 =	simm.s32 $0x10  }
0x620: {  	s12 =	smov.u32 s7;
	s15 =	sand.u32 $0x1C00, s10;
	s14 =	sand.u32 $0x70, s8;
	v6 =	vadd.f32 v63, v6  }
.LBB2_28:
0x621: {  	p0 =	sne.s32 s13, $0x200;
	s14 =	sor.u32 s14, s15  }
0x622: {  	s15 =	sadd.s32 $0x15680, s14;
	v7 =	vld [tilespmem:s14+$0x15680];
	[tilespmem:s12+$0x1D080] =	vst v6;
	s12 =	smov.u32 s14  }
0x623: {  	v6 =	vld [tilespmem:s15+$0x80];
	_ =	sdelay $0x1  }
0x624: {  	v8 =	vld [tilespmem:s15+$0x100];
	_ =	sdelay $0x1  }
0x625: {  	v9 =	vld [tilespmem:s15+$0x180]  }
0x626: {  	v6 =	vadd.f32 v6, v7  }
0x627: {  	v7 =	vld [tilespmem:s12+$0x15880]  }
0x628: {  	v6 =	vadd.f32 v8, v6  }
0x629: {  	v8 =	vld [tilespmem:s15+$0x280]  }
0x62a: {  	v6 =	vadd.f32 v9, v6  }
0x62b: {  	s14 =	sor.u32 s10, s11;
	s11 =	smov.u32 s13;
	v9 =	vld [tilespmem:s15+$0x300]  }
0x62c: {  	s14 =	sor.u32 $0x380, s14;
	v6 =	vadd.f32 v7, v6  }
0x62d: {  	v7 =	vld [tilespmem:s14+$0x15680]  }
0x62e: {  	v6 =	vadd.f32 v8, v6  }
0x62f: {  	v8 =	vld [tilespmem:s12+$0x16A80]  }
0x630: {  	v6 =	vadd.f32 v9, v6  }
0x631: {  	v9 =	vld [tilespmem:s12+$0x16B00]  }
0x632: {  	v6 =	vadd.f32 v7, v6  }
0x633: {  	v7 =	vld [tilespmem:s12+$0x16B80]  }
0x634: {  	v6 =	vadd.f32 v8, v6  }
0x635: {  	v8 =	vld [tilespmem:s12+$0x16C00]  }
0x636: {  	v6 =	vadd.f32 v9, v6  }
0x637: {  	v9 =	vld [tilespmem:s12+$0x16C80]  }
0x638: {  	v6 =	vadd.f32 v7, v6  }
0x639: {  	v7 =	vld [tilespmem:s12+$0x16D00]  }
0x63a: {  	v6 =	vadd.f32 v8, v6  }
0x63b: {  	v8 =	vld [tilespmem:s12+$0x16D80]  }
0x63c: {  	v6 =	vadd.f32 v9, v6  }
0x63d: {  	v9 =	vld [tilespmem:s12+$0x16E00]  }
.Ltmp19:
0x63e: {  	v6 =	vadd.f32 v7, v6;
	(pc) =	sbr.rel @p0 .LBB2_28-.Ltmp19, $4  }
0x63f: {  	_ = 	snop  }
0x640: {  	v6 =	vadd.f32 v8, v6  }
0x641: {  	s10 =	sadd.s32 $0x80, s10  }
0x642: {  	s13 =	sadd.s32 $0x10, s13;
	s15 =	sand.u32 $0x1C00, s10;
	s14 =	sand.u32 $0x70, s11;
	v6 =	vadd.f32 v9, v6  }
0x643: {  	s13 =	sor.u32 s14, s15  }
0x644: {  	v7 =	vld [tilespmem:s13+$0x15680];
	s14 =	sadd.s32 $0x15680, s13;
	[tilespmem:s12+$0x1D080] =	vst v6  }
0x645: {  	v6 =	vld [tilespmem:s14+$0x80];
	_ =	sdelay $0x1  }
0x646: {  	v8 =	vld [tilespmem:s14+$0x100];
	_ =	sdelay $0x1  }
0x647: {  	v9 =	vld [tilespmem:s14+$0x180]  }
0x648: {  	v6 =	vadd.f32 v6, v7  }
0x649: {  	v7 =	vld [tilespmem:s13+$0x15880]  }
0x64a: {  	v6 =	vadd.f32 v8, v6  }
0x64b: {  	v8 =	vld [tilespmem:s14+$0x280]  }
0x64c: {  	v6 =	vadd.f32 v9, v6  }
0x64d: {  	s10 =	sor.u32 s10, s11;
	v55 =	vld [tilespmem:s14+$0x300]  }
0x64e: {  	s10 =	sor.u32 $0x380, s10;
	v6 =	vadd.f32 v7, v6  }
0x64f: {  	v7 =	vld [tilespmem:s10+$0x15680]  }
0x650: {  	v6 =	vadd.f32 v8, v6  }
0x651: {  	v8 =	vld [tilespmem:s13+$0x16A80]  }
0x652: {  	v6 =	vadd.f32 v55, v6  }
0x653: {  	v56 =	vld [tilespmem:s13+$0x16B00]  }
0x654: {  	v6 =	vadd.f32 v7, v6  }
0x655: {  	v7 =	vld [tilespmem:s13+$0x16B80]  }
0x656: {  	v6 =	vadd.f32 v8, v6  }
0x657: {  	v8 =	vld [tilespmem:s13+$0x16C00]  }
0x658: {  	v6 =	vadd.f32 v56, v6  }
0x659: {  	v57 =	vld [tilespmem:s13+$0x16C80]  }
0x65a: {  	v6 =	vadd.f32 v7, v6  }
0x65b: {  	v7 =	vld [tilespmem:s13+$0x16D00]  }
0x65c: {  	v6 =	vadd.f32 v8, v6  }
0x65d: {  	v8 =	vld [tilespmem:s13+$0x16D80]  }
0x65e: {  	v6 =	vadd.f32 v57, v6  }
0x65f: {  	v58 =	vld [tilespmem:s13+$0x16E00]  }
0x660: {  	v6 =	vadd.f32 v7, v6;
	_ =	sdelay $0x1  }
0x661: {  	v6 =	vadd.f32 v8, v6;
	_ =	sdelay $0x1  }
0x662: {  	v6 =	vadd.f32 v58, v6;
	_ =	sdelay $0x1  }
0x663: {  	[tilespmem:s13+$0x1D080] =	vst v6  }
0x664: {  	s16 =	sadd.s32 $0x17E80, s7;
	v6 =	vld [tilespmem:s7+$0x17E80]  }
0x665: {  	v7 =	vld [tilespmem:s16+$0x80];
	_ =	sdelay $0x1  }
0x666: {  	v8 =	vld [tilespmem:s16+$0x100];
	_ =	sdelay $0x1  }
0x667: {  	v59 =	vld [tilespmem:s16+$0x180]  }
0x668: {  	v6 =	vadd.f32 v7, v6  }
0x669: {  	v7 =	vld [tilespmem:s16+$0x200]  }
0x66a: {  	v6 =	vadd.f32 v8, v6  }
0x66b: {  	v8 =	vld [tilespmem:s7+$0x18100]  }
0x66c: {  	v6 =	vadd.f32 v59, v6  }
0x66d: {  	v60 =	vld [tilespmem:s16+$0x300]  }
0x66e: {  	v6 =	vadd.f32 v7, v6  }
0x66f: {  	v7 =	vld [tilespmem:s9+$0x17E80]  }
0x670: {  	v6 =	vadd.f32 v8, v6  }
0x671: {  	v8 =	vld [tilespmem:s7+$0x19280]  }
0x672: {  	v6 =	vadd.f32 v60, v6  }
0x673: {  	v61 =	vld [tilespmem:s7+$0x19300]  }
0x674: {  	v6 =	vadd.f32 v7, v6  }
0x675: {  	v7 =	vld [tilespmem:s7+$0x19380]  }
0x676: {  	v6 =	vadd.f32 v8, v6  }
0x677: {  	v8 =	vld [tilespmem:s7+$0x19400]  }
0x678: {  	v6 =	vadd.f32 v61, v6  }
0x679: {  	v62 =	vld [tilespmem:s7+$0x19480]  }
0x67a: {  	v6 =	vadd.f32 v7, v6  }
0x67b: {  	v7 =	vld [tilespmem:s7+$0x19500]  }
0x67c: {  	v6 =	vadd.f32 v8, v6  }
0x67d: {  	v8 =	vld [tilespmem:s7+$0x19580]  }
0x67e: {  	v6 =	vadd.f32 v62, v6  }
0x67f: {  	v63 =	vld [tilespmem:s7+$0x19600]  }
0x680: {  	v6 =	vadd.f32 v7, v6;
	_ =	sdelay $0x1  }
0x681: {  	v6 =	vadd.f32 v8, v6  }
0x682: {  	s9 =	simm.s32 $0x80  }
0x683: {  	s11 =	sand.u32 $0x70, s8;
	s10 =	simm.s32 $0x20;
	s12 =	sand.u32 $0x1C00, s9;
	v6 =	vadd.f32 v63, v6  }
.LBB2_30:
0x684: {  	p0 =	sne.s32 s10, $0x200;
	s11 =	sor.u32 s11, s12  }
0x685: {  	s12 =	sadd.s32 $0x17E80, s11;
	v7 =	vld [tilespmem:s11+$0x17E80];
	[tilespmem:s7+$0x1D100] =	vst v6;
	s7 =	smov.u32 s11  }
0x686: {  	v6 =	vld [tilespmem:s12+$0x80];
	_ =	sdelay $0x1  }
0x687: {  	v8 =	vld [tilespmem:s12+$0x100];
	_ =	sdelay $0x1  }
0x688: {  	v9 =	vld [tilespmem:s12+$0x180]  }
0x689: {  	v6 =	vadd.f32 v6, v7  }
0x68a: {  	v7 =	vld [tilespmem:s12+$0x200]  }
0x68b: {  	v6 =	vadd.f32 v8, v6  }
0x68c: {  	v8 =	vld [tilespmem:s7+$0x18100]  }
0x68d: {  	v6 =	vadd.f32 v9, v6  }
0x68e: {  	s11 =	sor.u32 s9, s8;
	s8 =	smov.u32 s10;
	v9 =	vld [tilespmem:s12+$0x300]  }
0x68f: {  	s11 =	sor.u32 $0x380, s11;
	v6 =	vadd.f32 v7, v6  }
0x690: {  	v7 =	vld [tilespmem:s11+$0x17E80]  }
0x691: {  	v6 =	vadd.f32 v8, v6  }
0x692: {  	v8 =	vld [tilespmem:s7+$0x19280]  }
0x693: {  	v6 =	vadd.f32 v9, v6  }
0x694: {  	v9 =	vld [tilespmem:s7+$0x19300]  }
0x695: {  	v6 =	vadd.f32 v7, v6  }
0x696: {  	v7 =	vld [tilespmem:s7+$0x19380]  }
0x697: {  	v6 =	vadd.f32 v8, v6  }
0x698: {  	v8 =	vld [tilespmem:s7+$0x19400]  }
0x699: {  	v6 =	vadd.f32 v9, v6  }
0x69a: {  	v9 =	vld [tilespmem:s7+$0x19480]  }
0x69b: {  	v6 =	vadd.f32 v7, v6  }
0x69c: {  	v7 =	vld [tilespmem:s7+$0x19500]  }
0x69d: {  	v6 =	vadd.f32 v8, v6  }
0x69e: {  	v8 =	vld [tilespmem:s7+$0x19580]  }
0x69f: {  	v6 =	vadd.f32 v9, v6  }
0x6a0: {  	v9 =	vld [tilespmem:s7+$0x19600]  }
.Ltmp20:
0x6a1: {  	v6 =	vadd.f32 v7, v6;
	(pc) =	sbr.rel @p0 .LBB2_30-.Ltmp20, $4  }
0x6a2: {  	_ = 	snop  }
0x6a3: {  	v6 =	vadd.f32 v8, v6  }
0x6a4: {  	s9 =	sadd.s32 $0x80, s9  }
0x6a5: {  	s10 =	sadd.s32 $0x10, s10;
	s12 =	sand.u32 $0x1C00, s9;
	s11 =	sand.u32 $0x70, s8;
	v6 =	vadd.f32 v9, v6  }
0x6a6: {  	s10 =	sor.u32 s11, s12  }
0x6a7: {  	v7 =	vld [tilespmem:s10+$0x17E80];
	s11 =	sadd.s32 $0x17E80, s10;
	[tilespmem:s7+$0x1D100] =	vst v6  }
0x6a8: {  	v6 =	vld [tilespmem:s11+$0x80];
	_ =	sdelay $0x1  }
0x6a9: {  	v8 =	vld [tilespmem:s11+$0x100];
	_ =	sdelay $0x1  }
0x6aa: {  	v9 =	vld [tilespmem:s11+$0x180]  }
0x6ab: {  	v6 =	vadd.f32 v6, v7  }
0x6ac: {  	v7 =	vld [tilespmem:s11+$0x200]  }
0x6ad: {  	v6 =	vadd.f32 v8, v6  }
0x6ae: {  	v8 =	vld [tilespmem:s10+$0x18100]  }
0x6af: {  	v6 =	vadd.f32 v9, v6  }
0x6b0: {  	s13 =	sor.u32 s9, s8;
	v55 =	vld [tilespmem:s11+$0x300]  }
0x6b1: {  	s7 =	sor.u32 $0x380, s13;
	v6 =	vadd.f32 v7, v6  }
0x6b2: {  	v7 =	vld [tilespmem:s7+$0x17E80]  }
0x6b3: {  	v6 =	vadd.f32 v8, v6  }
0x6b4: {  	v8 =	vld [tilespmem:s10+$0x19280]  }
0x6b5: {  	v6 =	vadd.f32 v55, v6  }
0x6b6: {  	v56 =	vld [tilespmem:s10+$0x19300]  }
0x6b7: {  	v6 =	vadd.f32 v7, v6  }
0x6b8: {  	v7 =	vld [tilespmem:s10+$0x19380]  }
0x6b9: {  	v6 =	vadd.f32 v8, v6  }
0x6ba: {  	v8 =	vld [tilespmem:s10+$0x19400]  }
0x6bb: {  	v6 =	vadd.f32 v56, v6  }
0x6bc: {  	v57 =	vld [tilespmem:s10+$0x19480]  }
0x6bd: {  	v6 =	vadd.f32 v7, v6  }
0x6be: {  	v7 =	vld [tilespmem:s10+$0x19500]  }
0x6bf: {  	v6 =	vadd.f32 v8, v6  }
0x6c0: {  	v8 =	vld [tilespmem:s10+$0x19580]  }
0x6c1: {  	v6 =	vadd.f32 v57, v6  }
0x6c2: {  	v58 =	vld [tilespmem:s10+$0x19600]  }
0x6c3: {  	v6 =	vadd.f32 v7, v6;
	_ =	sdelay $0x1  }
0x6c4: {  	v6 =	vadd.f32 v8, v6;
	_ =	sdelay $0x1  }
0x6c5: {  	s14 =	simm.s32 $0x0;
	v6 =	vadd.f32 v58, v6  }
0x6c6: {  	s15 =	sand.u32 $0x70, s14;
	s16 =	sand.u32 $0x1C00, s14  }
0x6c7: {  	s7 =	sor.u32 s15, s16;
	[tilespmem:s10+$0x1D100] =	vst v6  }
0x6c8: {  	s9 =	sadd.s32 $0x1A680, s7;
	v6 =	vld [tilespmem:s7+$0x1A680]  }
0x6c9: {  	v7 =	vld [tilespmem:s9+$0x80];
	_ =	sdelay $0x1  }
0x6ca: {  	v8 =	vld [tilespmem:s9+$0x100];
	_ =	sdelay $0x1  }
0x6cb: {  	v59 =	vld [tilespmem:s9+$0x180]  }
0x6cc: {  	v6 =	vadd.f32 v7, v6  }
0x6cd: {  	v7 =	vld [tilespmem:s9+$0x200]  }
0x6ce: {  	v6 =	vadd.f32 v8, v6  }
0x6cf: {  	v8 =	vld [tilespmem:s9+$0x280]  }
0x6d0: {  	v6 =	vadd.f32 v59, v6  }
0x6d1: {  	s8 =	sor.u32 s14, s14;
	v60 =	vld [tilespmem:s7+$0x1A980]  }
0x6d2: {  	s8 =	sor.u32 $0x380, s8;
	v6 =	vadd.f32 v7, v6  }
0x6d3: {  	v7 =	vld [tilespmem:s8+$0x1A680]  }
0x6d4: {  	v6 =	vadd.f32 v8, v6  }
0x6d5: {  	v8 =	vld [tilespmem:s7+$0x1BA80]  }
0x6d6: {  	v6 =	vadd.f32 v60, v6  }
0x6d7: {  	v61 =	vld [tilespmem:s7+$0x1BB00]  }
0x6d8: {  	v6 =	vadd.f32 v7, v6  }
0x6d9: {  	v7 =	vld [tilespmem:s7+$0x1BB80]  }
0x6da: {  	v6 =	vadd.f32 v8, v6  }
0x6db: {  	v8 =	vld [tilespmem:s7+$0x1BC00]  }
0x6dc: {  	v6 =	vadd.f32 v61, v6  }
0x6dd: {  	v62 =	vld [tilespmem:s7+$0x1BC80]  }
0x6de: {  	v6 =	vadd.f32 v7, v6  }
0x6df: {  	v7 =	vld [tilespmem:s7+$0x1BD00]  }
0x6e0: {  	v6 =	vadd.f32 v8, v6  }
0x6e1: {  	v8 =	vld [tilespmem:s7+$0x1BD80]  }
0x6e2: {  	v6 =	vadd.f32 v62, v6  }
0x6e3: {  	v63 =	vld [tilespmem:s7+$0x1BE00]  }
0x6e4: {  	v6 =	vadd.f32 v7, v6;
	_ =	sdelay $0x1  }
0x6e5: {  	v6 =	vadd.f32 v8, v6  }
0x6e6: {  	s9 =	simm.s32 $0x80;
	s8 =	simm.s32 $0x10  }
0x6e7: {  	s10 =	simm.s32 $0x20;
	s12 =	sand.u32 $0x1C00, s9;
	s11 =	sand.u32 $0x70, s8;
	v6 =	vadd.f32 v63, v6  }
.LBB2_32:
0x6e8: {  	p0 =	sne.s32 s10, $0x200;
	s11 =	sor.u32 s11, s12  }
0x6e9: {  	s12 =	sadd.s32 $0x1A680, s11;
	v7 =	vld [tilespmem:s11+$0x1A680];
	[tilespmem:s7+$0x1D180] =	vst v6;
	s7 =	smov.u32 s11  }
0x6ea: {  	v6 =	vld [tilespmem:s12+$0x80];
	_ =	sdelay $0x1  }
0x6eb: {  	v8 =	vld [tilespmem:s12+$0x100];
	_ =	sdelay $0x1  }
0x6ec: {  	v9 =	vld [tilespmem:s12+$0x180]  }
0x6ed: {  	v6 =	vadd.f32 v6, v7  }
0x6ee: {  	v7 =	vld [tilespmem:s12+$0x200]  }
0x6ef: {  	v6 =	vadd.f32 v8, v6  }
0x6f0: {  	v8 =	vld [tilespmem:s12+$0x280]  }
0x6f1: {  	v6 =	vadd.f32 v9, v6  }
0x6f2: {  	s11 =	sor.u32 s9, s8;
	s8 =	smov.u32 s10;
	v9 =	vld [tilespmem:s7+$0x1A980]  }
0x6f3: {  	s11 =	sor.u32 $0x380, s11;
	v6 =	vadd.f32 v7, v6  }
0x6f4: {  	v7 =	vld [tilespmem:s11+$0x1A680]  }
0x6f5: {  	v6 =	vadd.f32 v8, v6  }
0x6f6: {  	v8 =	vld [tilespmem:s7+$0x1BA80]  }
0x6f7: {  	v6 =	vadd.f32 v9, v6  }
0x6f8: {  	v9 =	vld [tilespmem:s7+$0x1BB00]  }
0x6f9: {  	v6 =	vadd.f32 v7, v6  }
0x6fa: {  	v7 =	vld [tilespmem:s7+$0x1BB80]  }
0x6fb: {  	v6 =	vadd.f32 v8, v6  }
0x6fc: {  	v8 =	vld [tilespmem:s7+$0x1BC00]  }
0x6fd: {  	v6 =	vadd.f32 v9, v6  }
0x6fe: {  	v9 =	vld [tilespmem:s7+$0x1BC80]  }
0x6ff: {  	v6 =	vadd.f32 v7, v6  }
0x700: {  	v7 =	vld [tilespmem:s7+$0x1BD00]  }
0x701: {  	v6 =	vadd.f32 v8, v6  }
0x702: {  	v8 =	vld [tilespmem:s7+$0x1BD80]  }
0x703: {  	v6 =	vadd.f32 v9, v6  }
0x704: {  	v9 =	vld [tilespmem:s7+$0x1BE00]  }
.Ltmp21:
0x705: {  	v6 =	vadd.f32 v7, v6;
	(pc) =	sbr.rel @p0 .LBB2_32-.Ltmp21, $4  }
0x706: {  	_ = 	snop  }
0x707: {  	v6 =	vadd.f32 v8, v6  }
0x708: {  	s9 =	sadd.s32 $0x80, s9  }
0x709: {  	s10 =	sadd.s32 $0x10, s10;
	s12 =	sand.u32 $0x1C00, s9;
	s11 =	sand.u32 $0x70, s8;
	v6 =	vadd.f32 v9, v6  }
0x70a: {  	s10 =	sor.u32 s11, s12  }
0x70b: {  	v7 =	vld [tilespmem:s10+$0x1A680];
	s11 =	sadd.s32 $0x1A680, s10;
	[tilespmem:s7+$0x1D180] =	vst v6  }
0x70c: {  	v6 =	vld [tilespmem:s11+$0x80];
	_ =	sdelay $0x1  }
0x70d: {  	v8 =	vld [tilespmem:s11+$0x100];
	_ =	sdelay $0x1  }
0x70e: {  	v9 =	vld [tilespmem:s11+$0x180]  }
0x70f: {  	v6 =	vadd.f32 v6, v7  }
0x710: {  	v7 =	vld [tilespmem:s11+$0x200]  }
0x711: {  	v6 =	vadd.f32 v8, v6  }
0x712: {  	v56 =	vld [tilespmem:s11+$0x280]  }
0x713: {  	v6 =	vadd.f32 v9, v6  }
0x714: {  	s15 =	sor.u32 s9, s8;
	v57 =	vld [tilespmem:s10+$0x1A980]  }
0x715: {  	s7 =	sor.u32 $0x380, s15;
	v6 =	vadd.f32 v7, v6  }
0x716: {  	v7 =	vld [tilespmem:s7+$0x1A680]  }
0x717: {  	v6 =	vadd.f32 v56, v6  }
0x718: {  	v58 =	vld [tilespmem:s10+$0x1BA80]  }
0x719: {  	v6 =	vadd.f32 v57, v6  }
0x71a: {  	v59 =	vld [tilespmem:s10+$0x1BB00]  }
0x71b: {  	v6 =	vadd.f32 v7, v6  }
0x71c: {  	v7 =	vld [tilespmem:s10+$0x1BB80]  }
0x71d: {  	v6 =	vadd.f32 v58, v6  }
0x71e: {  	v60 =	vld [tilespmem:s10+$0x1BC00]  }
0x71f: {  	v6 =	vadd.f32 v59, v6  }
0x720: {  	v61 =	vld [tilespmem:s10+$0x1BC80]  }
0x721: {  	v6 =	vadd.f32 v7, v6  }
0x722: {  	v7 =	vld [tilespmem:s10+$0x1BD00]  }
0x723: {  	v6 =	vadd.f32 v60, v6  }
0x724: {  	v62 =	vld [tilespmem:s10+$0x1BD80]  }
0x725: {  	v6 =	vadd.f32 v61, v6  }
0x726: {  	v63 =	vld [tilespmem:s10+$0x1BE00]  }
0x727: {  	v6 =	vadd.f32 v7, v6;
	_ =	sdelay $0x1  }
0x728: {  	v6 =	vadd.f32 v62, v6;
	_ =	sdelay $0x1  }
0x729: {  	v6 =	vadd.f32 v63, v6  }
0x72a: {  	s6 =	sadd.s32 $0x1, s6  }
0x72b: {  	s16 =	simm.s32 $0x1CE80;
	p0 =	sne.s32 s6, s21;
	[tilespmem:s10+$0x1D180] =	vst v6  }
0x72c: {  	[hbm4b:s20+s1] =	stream.linear.scatter [tilespmem:s16], [sflag:$0x3], $0x1400, $0x38;
	[tilespmem:$0x1E280] =	vst v63  }
.Ltmp22:
0x72d: {  	_ = 	snop;
	(pc) =	sbr.rel @p0 .LBB2_1-.Ltmp22, $4  }
.Ltmp23:
0x72e: {  	_ = 	snop;
	(pc) =	sbr.rel @!p0 .LBB2_34-.Ltmp23, $4  }
0x72f: {  	_ =	swait.ge [sflag:s25], $0x1400  }
0x730: {  	[sflag:s25] =	ssyncset.done $0x0  }
0x731: {  	[sflag:s25] =	ssyncadd.s32 $0xFFFFEC00  }
0x732: {  	_ = 	snop  }
.LBB2_5:
.Ltmp24:
0x733: {  	(pc) =	sbr.rel .LBB2_7-.Ltmp24, $2  }
0x734: {  	_ =	sdelay $0x2  }
0x735: {  	s12 =	simm.s32 $0x0  }
.LBB2_34:
0x736: {  	_ =	sfence.sel $0x180000  }
0x737: {  	[bflag:$0x0] =	sbarrier.arrive $0xFFFF  }
0x738: {  	_ =	strace $0x90000047  }
0x739: {  	s0 =	stileid.u32;
	[bflag:$0x2] =	sbarrier.arrive $0xFFFF  }
0x73a: {  	p0 =	sne.s32 s0, $0x0;
	s0 =	rddreg [dreg:$0x4]  }
0x73b: {  	s0 =	sadd.s32 @!p0 $0x100000, s0  }
0x73c: {  	[sflag:s0] =	ssyncadd.tile.s32 @!p0 $0x1;
	_ =	shalt  }
.Lfunc_end2:
_tile_overlayer_lowered:
.L_overlay_start_2:
0x73d: {  	(tag) =	ssettag $0x2  }
0x73e: {  	s0 =	rddreg [dreg:$0x0];
	s2 =	stileid.u32  }
0x73f: {  	s1 =	rddreg [dreg:$0x1];
	p0 =	sne.s32 s2, $0x0  }
0x740: {  	s3 =	rddreg [dreg:$0x2];
	[bflag:$0x3] =	sbarrier.arrive $0xFFFF;
	s2 =	simm.s32 @!p0 $0x1C03  }
0x741: {  	[timem:s3], [sflag:s2] =	dma.local @!p0 [hbm:s0], s1  }
0x742: {  	s0 =	simm.s32 @!p0 $0x3  }
0x743: {  	_ =	swait.ge @!p0 [sflag:s0], s1  }
0x744: {  	s1 =	ssub.s32 @!p0 $0x0, s1;
	[sflag:s0] =	ssyncset.done @!p0 $0x0  }
0x745: {  	[sflag:s0] =	ssyncadd.s32 @!p0 s1  }
0x746: {  	[bflag:$0x3] =	sbarrier.arrive $0xFFFF  }
0x747: {  	_ =	shalt  }

</sc_bundles>
